<compile_context>
chip_gen: v7x
topology: tpu7x:2x2x1
jax: 0.10.2.dev20260603
libtpu: 0.0.44.dev20260713+nightly
codegen_flags: <defaults>
</compile_context>

<pallas_src>
import functools

import jax
import jax.numpy as jnp
from jax import lax
from jax.experimental import pallas as pl
from jax.experimental.pallas import tpu as pltpu
from jax.experimental.pallas import tpu_sc as plsc

K = 1024
P = 1024


def _tree(fn, xs):
    while len(xs) > 1:
        ys = [fn(xs[i], xs[i + 1]) for i in range(0, len(xs) - 1, 2)]
        if len(xs) % 2:
            ys.append(xs[-1])
        xs = ys
    return xs[0]


def _sc_hist(lg, lb, n_classes):
    B, C, HW = lg.shape
    info = plsc.get_sparse_core_info()
    NC, NS, L = info.num_cores, info.num_subcores, info.num_lanes
    NW = NC * NS
    npix = B * HW
    per_w = npix // NW
    n_chunks = per_w // P
    mesh = plsc.VectorSubcoreMesh(core_axis_name="c", subcore_axis_name="s")

    @functools.partial(
        pl.kernel,
        out_type=(
            jax.ShapeDtypeStruct((NW, C * K), jnp.float32),
            jax.ShapeDtypeStruct((NW, C * K), jnp.float32),
        ),
        mesh=mesh,
        compiler_params=pltpu.CompilerParams(needs_layout_passes=False),
        scratch_types=[
            pltpu.VMEM((C, P), jnp.float32),
            pltpu.VMEM((C, P), jnp.float32),
            pltpu.VMEM((P,), jnp.int32),
            pltpu.VMEM((P,), jnp.int32),
            pltpu.VMEM((C * K,), jnp.float32),
            pltpu.VMEM((C * K,), jnp.float32),
            pltpu.SemaphoreType.DMA,
            pltpu.SemaphoreType.DMA,
        ],
    )
    def hist_kernel(lg_hbm, lb_hbm, out_a, out_f, lbuf0, lbuf1, lab0, lab1,
                    ha, hf, sem0, sem1):
        wid = lax.axis_index("s") * NC + lax.axis_index("c")

        @pl.loop(0, C * K // L)
        def zinit(i):
            sl = pl.ds(i * L, L)
            zeros = jnp.zeros((L,), jnp.float32)
            ha[sl] = zeros
            hf[sl] = zeros

        def start(ci, lbuf, lab, sem):
            g = wid * per_w + ci * P
            b = g // HW
            off = g % HW
            pltpu.async_copy(lg_hbm.at[b, :, pl.ds(off, P)], lbuf, sem)
            pltpu.async_copy(lb_hbm.at[b, pl.ds(off, P)], lab, sem)

        def drain(lbuf, lab, sem):
            pltpu.make_async_copy(lg_hbm.at[0, :, pl.ds(0, P)], lbuf, sem).wait()
            pltpu.make_async_copy(lb_hbm.at[0, pl.ds(0, P)], lab, sem).wait()

        def compute(lbuf, lab):
            @plsc.parallel_loop(0, P // L, unroll=2)
            def group(j):
                sl = pl.ds(j * L, L)
                ls = [lbuf[c, sl] for c in range(C)]
                m = _tree(jnp.maximum, ls)
                es = [jnp.exp(l - m) for l in ls]
                s = _tree(lambda a, b: a + b, es)
                rk = jnp.float32(K) / s
                lbl = lab[sl]
                ones = jnp.ones((L,), jnp.float32)
                kcap = jnp.full((L,), float(K - 1), jnp.float32)
                for c in range(C):
                    pk = es[c] * rk
                    bi = jnp.minimum(pk, kcap).astype(jnp.int32) + (c * K)
                    fgm = lbl == c
                    plsc.addupdate_scatter(ha, [bi], ones)
                    plsc.addupdate_scatter(hf, [bi], ones, mask=fgm)

        start(0, lbuf0, lab0, sem0)

        @pl.loop(0, n_chunks, step=2)
        def chunk(i):
            start(i + 1, lbuf1, lab1, sem1)
            drain(lbuf0, lab0, sem0)
            compute(lbuf0, lab0)

            @pl.when(i + 2 < n_chunks)
            def _():
                start(i + 2, lbuf0, lab0, sem0)

            drain(lbuf1, lab1, sem1)
            compute(lbuf1, lab1)

        pltpu.sync_copy(ha, out_a.at[wid])
        pltpu.sync_copy(hf, out_f.at[wid])

    return hist_kernel(lg, lb)


def _finalize(parts_a, parts_f):
    NW, C, _ = parts_a.shape

    def body(pa_ref, pf_ref, o_ref):
        a = jnp.sum(pa_ref[...], axis=0)
        hfr = jnp.sum(pf_ref[...], axis=0)
        G = jnp.sum(hfr, axis=1, keepdims=True)
        r = lax.broadcasted_iota(jnp.int32, (K, K), 0)
        q = lax.broadcasted_iota(jnp.int32, (K, K), 1)
        M = (r >= q).astype(jnp.float32)
        A = (r + q <= K - 1).astype(jnp.float32)
        S = (jax.lax.dot(a - hfr, M, precision=lax.Precision.HIGHEST)
             + jax.lax.dot(hfr, A, precision=lax.Precision.HIGHEST))
        SF = jax.lax.dot(hfr, A, precision=lax.Precision.HIGHEST)
        J = S / jnp.maximum(G + S - SF, 1.0)
        sumJ = jnp.sum(J, axis=1) - J[:, 0]
        lossc = (sumJ + 0.5) / K
        present = (G[:, 0] > 0.0).astype(jnp.float32)
        cnt = jnp.sum(present)
        total = jnp.sum(lossc * present)
        res = jnp.where(cnt > 0.0, total / jnp.maximum(cnt, 1.0), 0.0)
        o_ref[...] = jnp.full((1, 1), res, jnp.float32)

    out = pl.pallas_call(
        body,
        out_shape=jax.ShapeDtypeStruct((1, 1), jnp.float32),
    )(parts_a, parts_f)
    return out[0, 0]


def kernel(logits, labels):
    B, C, H, W = logits.shape
    HW = H * W
    lg = logits.reshape(B, C, HW)
    lb = labels.astype(jnp.int32).reshape(B, HW)
    ha, hf = _sc_hist(lg, lb, C)
    NW = ha.shape[0]
    return _finalize(ha.reshape(NW, C, K), hf.reshape(NW, C, K))

# --- scband reference (transcript-rebuilt; emitter-appended) ---
"""Pipeline reference for scband-lovasz-softmax-loss-10694468567671 (READ-ONLY COPY).

The authoritative reference and input builder live on the scoring server;
editing this copy changes nothing except your own understanding.
"""

import jax, jax.numpy as jnp
import numpy as np


def setup_inputs(seed: int = 0) -> dict:
    key = jax.random.key(seed)
    k1, k2 = jax.random.split(key)
    logits = jax.random.normal(k1, (4, 21, 512, 512), dtype=jnp.float32)
    labels = jax.random.randint(k2, (4, 512, 512), 0, 21, dtype=jnp.int64)
    return {"logits": logits, "labels": labels}


def _lovasz_grad(fg_sorted):
    gts = fg_sorted.sum()
    intersection = gts - jnp.cumsum(fg_sorted)
    union = gts + jnp.cumsum(1.0 - fg_sorted)
    jaccard = 1.0 - intersection / union
    if fg_sorted.shape[0] > 1:
        jaccard = jnp.concatenate([jaccard[:1], jaccard[1:] - jaccard[:-1]])
    return jaccard


def reference(logits, labels):
    # softmax over class dim
    probs = jax.nn.softmax(logits, axis=1)
    cls_num = probs.shape[1]
    # flatten_probs: [B,C,H,W] -> [B*H*W, C], labels -> [B*H*W]
    probs_flat = jnp.transpose(probs, (0, 2, 3, 1)).reshape(-1, cls_num)
    labels_flat = labels.reshape(-1)
    losses = []
    present = []
    for c in range(cls_num):
        fg = (labels_flat == c).astype(jnp.float32)
        # classes == 'present': mask absent classes via traced flag
        present.append(fg.sum() > 0.0)
        predict_c = probs_flat[:, c]
        errors = jnp.abs(fg - predict_c)
        perm = jnp.argsort(-errors)  # descending sort permutation
        errors_sorted = errors[perm]
        fg_sorted = fg[perm]
        grad = _lovasz_grad(fg_sorted)
        losses.append(jnp.dot(errors_sorted, grad))
    losses_arr = jnp.stack(losses)
    present_arr = jnp.stack(present).astype(jnp.float32)
    count = present_arr.sum()
    total = jnp.sum(losses_arr * present_arr)
    return jnp.where(
        count > 0.0,
        total / jnp.maximum(count, 1.0),
        jnp.asarray(0.0, dtype=jnp.float32),
    )

if __name__ == "__main__":
    import jax
    _d = setup_inputs()
    print(jax.jit(kernel)(*tuple(_d.values())))

</pallas_src>

<mosaic_0001>
#map = affine_map<(d0, d1) -> (0, 0, 0)>
#map1 = affine_map<(d0, d1) -> (0, 0)>
module attributes {stable_mosaic.version = 14 : i64} {
  func.func @hist_kernel(%arg0: i32, %arg1: i32, %arg2: memref<4x21x262144xf32, #tpu.memory_space<hbm>>, %arg3: memref<4x262144xi32, #tpu.memory_space<hbm>>, %arg4: memref<32x21504xf32, #tpu.memory_space<hbm>>, %arg5: memref<32x21504xf32, #tpu.memory_space<hbm>>, %arg6: memref<21x1024xf32, #tpu.memory_space<vmem>>, %arg7: memref<21x1024xf32, #tpu.memory_space<vmem>>, %arg8: memref<1024xi32, #tpu.memory_space<vmem>>, %arg9: memref<1024xi32, #tpu.memory_space<vmem>>, %arg10: memref<21504xf32, #tpu.memory_space<vmem>>, %arg11: memref<21504xf32, #tpu.memory_space<vmem>>, %arg12: memref<!tpu.dma_semaphore, #tpu.memory_space<semaphore_mem>>, %arg13: memref<!tpu.dma_semaphore, #tpu.memory_space<semaphore_mem>>) attributes {dimension_semantics = [#tpu.dimension_semantics<core_parallel>, #tpu.dimension_semantics<subcore_parallel>], iteration_bounds = array<i64: 2, 16>, scalar_prefetch = 0 : i64, scratch_operands = 8 : i64, tpu.core_type = #tpu.core_type<sc_vector_subcore>, window_params = [{transform_indices = #map}, {transform_indices = #map1}, {transform_indices = #map1}, {transform_indices = #map1}]} {
    %mul3A = arith.constant 2 : i32
    %mul3A_0 = arith.muli %arg1, %mul3A : i32
    %add3A = arith.addi %mul3A_0, %arg0 : i32
    %scan3A = arith.constant 0 : i32
    %scan3A_1 = arith.constant 1344 : i32
    %scan3A_2 = arith.addi %scan3A, %scan3A_1 : i32
    %scan3A_3 = arith.constant 1 : i32
    scf.for %scan3A_53 = %scan3A to %scan3A_2 step %scan3A_3  : i32 {
      %mul3A_54 = arith.constant 1 : i32
      %mul3A_55 = arith.muli %scan3A_53, %mul3A_54 : i32
      %add3A_56 = arith.constant 0 : i32
      %add3A_57 = arith.addi %add3A_56, %mul3A_55 : i32
      %mul3A_58 = arith.constant 16 : i32
      %mul3A_59 = arith.muli %add3A_57, %mul3A_58 : i32
      %broadcast_in_dim3A = arith.constant 0.000000e+00 : f32
      %broadcast_in_dim3A_60 = vector.broadcast %broadcast_in_dim3A : f32 to vector<16xf32>
      %swap3A = arith.index_cast %mul3A_59 : i32 to index
      %swap3A_61 = tpu.vector_load %arg10[%swap3A] {strides = array<i32>} : memref<21504xf32, #tpu.memory_space<vmem>>, vector<16xf32>,
      tpu.vector_store %arg10[%swap3A], %broadcast_in_dim3A_60 {strides = array<i32>} : memref<21504xf32, #tpu.memory_space<vmem>>, vector<16xf32>,
      %swap3A_62 = arith.index_cast %mul3A_59 : i32 to index
      %swap3A_63 = tpu.vector_load %arg11[%swap3A_62] {strides = array<i32>} : memref<21504xf32, #tpu.memory_space<vmem>>, vector<16xf32>,
      tpu.vector_store %arg11[%swap3A_62], %broadcast_in_dim3A_60 {strides = array<i32>} : memref<21504xf32, #tpu.memory_space<vmem>>, vector<16xf32>,
    }
    %scan3A_4 = arith.constant 1344 : i32
    %mul3A_5 = arith.constant 32768 : i32
    %mul3A_6 = arith.muli %add3A, %mul3A_5 : i32
    %add3A_7 = arith.constant 0 : i32
    %add3A_8 = arith.addi %mul3A_6, %add3A_7 : i32
    %jit3A = arith.constant 262144 : i32
    %div3A = arith.divsi %add3A_8, %jit3A : i32
    %sign3A = arith.constant 0 : i32
    %sign3A_9 = arith.cmpi sgt, %add3A_8, %sign3A : i32
    %sign3A_10 = arith.extui %sign3A_9 : i1 to i32
    %sign3A_11 = arith.constant 0 : i32
    %sign3A_12 = arith.cmpi slt, %add3A_8, %sign3A_11 : i32
    %sign3A_13 = arith.extui %sign3A_12 : i1 to i32
    %sign3A_14 = arith.subi %sign3A_10, %sign3A_13 : i32
    %sign3A_15 = arith.constant 0 : i32
    %sign3A_16 = arith.cmpi sgt, %jit3A, %sign3A_15 : i32
    %sign3A_17 = arith.extui %sign3A_16 : i1 to i32
    %sign3A_18 = arith.constant 0 : i32
    %sign3A_19 = arith.cmpi slt, %jit3A, %sign3A_18 : i32
    %sign3A_20 = arith.extui %sign3A_19 : i1 to i32
    %sign3A_21 = arith.subi %sign3A_17, %sign3A_20 : i32
    %ne3A = arith.cmpi ne, %sign3A_14, %sign3A_21 : i32
    %rem3A = arith.remsi %add3A_8, %jit3A : i32
    %ne3A_22 = arith.constant 0 : i32
    %ne3A_23 = arith.cmpi ne, %rem3A, %ne3A_22 : i32
    %and3A = arith.andi %ne3A, %ne3A_23 : i1
    %sub3A = arith.constant 1 : i32
    %sub3A_24 = arith.subi %div3A, %sub3A : i32
    %select_n3A = arith.select %and3A, %sub3A_24, %div3A : i32
    %jit3A_25 = arith.constant 262144 : i32
    %eq3A = arith.constant 0 : i32
    %eq3A_26 = arith.cmpi eq, %jit3A_25, %eq3A : i32
    %jit3A_27 = arith.constant 1 : i32
    %select_n3A_28 = arith.select %eq3A_26, %jit3A_27, %jit3A_25 : i32
    %rem3A_29 = arith.remsi %add3A_8, %select_n3A_28 : i32
    %ne3A_30 = arith.constant 0 : i32
    %ne3A_31 = arith.cmpi ne, %rem3A_29, %ne3A_30 : i32
    %lt3A = arith.constant 0 : i32
    %lt3A_32 = arith.cmpi slt, %rem3A_29, %lt3A : i32
    %lt3A_33 = arith.constant 0 : i32
    %lt3A_34 = arith.cmpi slt, %select_n3A_28, %lt3A_33 : i32
    %ne3A_35 = arith.xori %lt3A_32, %lt3A_34 : i1
    %and3A_36 = arith.andi %ne3A_35, %ne3A_31 : i1
    %add3A_37 = arith.addi %rem3A_29, %select_n3A_28 : i32
    %select_n3A_38 = arith.select %and3A_36, %add3A_37, %rem3A_29 : i32
    %dma_start3A = arith.constant 0 : i32
    %dma_start3A_39 = tpu.memref_slice %arg2[%select_n3A, %dma_start3A, %select_n3A_38] : memref<4x21x262144xf32, #tpu.memory_space<hbm>> -> memref<1x21x1024xf32, #tpu.memory_space<hbm>>
    %dma_start3A_40 = tpu.memref_squeeze %dma_start3A_39 : memref<1x21x1024xf32, #tpu.memory_space<hbm>> -> memref<21x1024xf32, #tpu.memory_space<hbm>>
    %dma_start3A_41 = arith.constant 0 : i32
    %dma_start3A_42 = tpu.memref_slice %arg2[%select_n3A, %dma_start3A_41, %select_n3A_38] : memref<4x21x262144xf32, #tpu.memory_space<hbm>> -> memref<1x21x1024xf32, #tpu.memory_space<hbm>>
    %dma_start3A_43 = tpu.memref_squeeze %dma_start3A_42 : memref<1x21x1024xf32, #tpu.memory_space<hbm>> -> memref<21x1024xf32, #tpu.memory_space<hbm>>
    tpu.enqueue_dma source(%dma_start3A_43 : memref<21x1024xf32, #tpu.memory_space<hbm>>) target(%arg6 : memref<21x1024xf32, #tpu.memory_space<vmem>>) target_semaphore(%arg12 : memref<!tpu.dma_semaphore, #tpu.memory_space<semaphore_mem>>)
    %dma_start3A_44 = tpu.memref_slice %arg3[%select_n3A, %select_n3A_38] : memref<4x262144xi32, #tpu.memory_space<hbm>> -> memref<1x1024xi32, #tpu.memory_space<hbm>>
    %dma_start3A_45 = tpu.memref_squeeze %dma_start3A_44 : memref<1x1024xi32, #tpu.memory_space<hbm>> -> memref<1024xi32, #tpu.memory_space<hbm>>
    %dma_start3A_46 = tpu.memref_slice %arg3[%select_n3A, %select_n3A_38] : memref<4x262144xi32, #tpu.memory_space<hbm>> -> memref<1x1024xi32, #tpu.memory_space<hbm>>
    %dma_start3A_47 = tpu.memref_squeeze %dma_start3A_46 : memref<1x1024xi32, #tpu.memory_space<hbm>> -> memref<1024xi32, #tpu.memory_space<hbm>>
    tpu.enqueue_dma source(%dma_start3A_47 : memref<1024xi32, #tpu.memory_space<hbm>>) target(%arg8 : memref<1024xi32, #tpu.memory_space<vmem>>) target_semaphore(%arg12 : memref<!tpu.dma_semaphore, #tpu.memory_space<semaphore_mem>>)
    %scan3A_48 = arith.constant 0 : i32
    %scan3A_49 = arith.constant 16 : i32
    %scan3A_50 = arith.addi %scan3A_48, %scan3A_49 : i32
    %scan3A_51 = arith.constant 1 : i32
    scf.for %scan3A_53 = %scan3A_48 to %scan3A_50 step %scan3A_51  : i32 {
      %mul3A_54 = arith.constant 2 : i32
      %mul3A_55 = arith.muli %scan3A_53, %mul3A_54 : i32
      %add3A_56 = arith.constant 0 : i32
      %add3A_57 = arith.addi %add3A_56, %mul3A_55 : i32
      %add3A_58 = arith.constant 1 : i32
      %add3A_59 = arith.addi %add3A_57, %add3A_58 : i32
      %mul3A_60 = arith.constant 32768 : i32
      %mul3A_61 = arith.muli %add3A, %mul3A_60 : i32
      %mul3A_62 = arith.constant 1024 : i32
      %mul3A_63 = arith.muli %add3A_59, %mul3A_62 : i32
      %add3A_64 = arith.addi %mul3A_61, %mul3A_63 : i32
      %jit3A_65 = arith.constant 262144 : i32
      %div3A_66 = arith.divsi %add3A_64, %jit3A_65 : i32
      %sign3A_67 = arith.constant 0 : i32
      %sign3A_68 = arith.cmpi sgt, %add3A_64, %sign3A_67 : i32
      %sign3A_69 = arith.extui %sign3A_68 : i1 to i32
      %sign3A_70 = arith.constant 0 : i32
      %sign3A_71 = arith.cmpi slt, %add3A_64, %sign3A_70 : i32
      %sign3A_72 = arith.extui %sign3A_71 : i1 to i32
      %sign3A_73 = arith.subi %sign3A_69, %sign3A_72 : i32
      %sign3A_74 = arith.constant 0 : i32
      %sign3A_75 = arith.cmpi sgt, %jit3A_65, %sign3A_74 : i32
      %sign3A_76 = arith.extui %sign3A_75 : i1 to i32
      %sign3A_77 = arith.constant 0 : i32
      %sign3A_78 = arith.cmpi slt, %jit3A_65, %sign3A_77 : i32
      %sign3A_79 = arith.extui %sign3A_78 : i1 to i32
      %sign3A_80 = arith.subi %sign3A_76, %sign3A_79 : i32
      %ne3A_81 = arith.cmpi ne, %sign3A_73, %sign3A_80 : i32
      %rem3A_82 = arith.remsi %add3A_64, %jit3A_65 : i32
      %ne3A_83 = arith.constant 0 : i32
      %ne3A_84 = arith.cmpi ne, %rem3A_82, %ne3A_83 : i32
      %and3A_85 = arith.andi %ne3A_81, %ne3A_84 : i1
      %sub3A_86 = arith.constant 1 : i32
      %sub3A_87 = arith.subi %div3A_66, %sub3A_86 : i32
      %select_n3A_88 = arith.select %and3A_85, %sub3A_87, %div3A_66 : i32
      %jit3A_89 = arith.constant 262144 : i32
      %eq3A_90 = arith.constant 0 : i32
      %eq3A_91 = arith.cmpi eq, %jit3A_89, %eq3A_90 : i32
      %jit3A_92 = arith.constant 1 : i32
      %select_n3A_93 = arith.select %eq3A_91, %jit3A_92, %jit3A_89 : i32
      %rem3A_94 = arith.remsi %add3A_64, %select_n3A_93 : i32
      %ne3A_95 = arith.constant 0 : i32
      %ne3A_96 = arith.cmpi ne, %rem3A_94, %ne3A_95 : i32
      %lt3A_97 = arith.constant 0 : i32
      %lt3A_98 = arith.cmpi slt, %rem3A_94, %lt3A_97 : i32
      %lt3A_99 = arith.constant 0 : i32
      %lt3A_100 = arith.cmpi slt, %select_n3A_93, %lt3A_99 : i32
      %ne3A_101 = arith.xori %lt3A_98, %lt3A_100 : i1
      %and3A_102 = arith.andi %ne3A_101, %ne3A_96 : i1
      %add3A_103 = arith.addi %rem3A_94, %select_n3A_93 : i32
      %select_n3A_104 = arith.select %and3A_102, %add3A_103, %rem3A_94 : i32
      %dma_start3A_105 = arith.constant 0 : i32
      %dma_start3A_106 = tpu.memref_slice %arg2[%select_n3A_88, %dma_start3A_105, %select_n3A_104] : memref<4x21x262144xf32, #tpu.memory_space<hbm>> -> memref<1x21x1024xf32, #tpu.memory_space<hbm>>
      %dma_start3A_107 = tpu.memref_squeeze %dma_start3A_106 : memref<1x21x1024xf32, #tpu.memory_space<hbm>> -> memref<21x1024xf32, #tpu.memory_space<hbm>>
      %dma_start3A_108 = arith.constant 0 : i32
      %dma_start3A_109 = tpu.memref_slice %arg2[%select_n3A_88, %dma_start3A_108, %select_n3A_104] : memref<4x21x262144xf32, #tpu.memory_space<hbm>> -> memref<1x21x1024xf32, #tpu.memory_space<hbm>>
      %dma_start3A_110 = tpu.memref_squeeze %dma_start3A_109 : memref<1x21x1024xf32, #tpu.memory_space<hbm>> -> memref<21x1024xf32, #tpu.memory_space<hbm>>
      tpu.enqueue_dma source(%dma_start3A_110 : memref<21x1024xf32, #tpu.memory_space<hbm>>) target(%arg7 : memref<21x1024xf32, #tpu.memory_space<vmem>>) target_semaphore(%arg13 : memref<!tpu.dma_semaphore, #tpu.memory_space<semaphore_mem>>)
      %dma_start3A_111 = tpu.memref_slice %arg3[%select_n3A_88, %select_n3A_104] : memref<4x262144xi32, #tpu.memory_space<hbm>> -> memref<1x1024xi32, #tpu.memory_space<hbm>>
      %dma_start3A_112 = tpu.memref_squeeze %dma_start3A_111 : memref<1x1024xi32, #tpu.memory_space<hbm>> -> memref<1024xi32, #tpu.memory_space<hbm>>
      %dma_start3A_113 = tpu.memref_slice %arg3[%select_n3A_88, %select_n3A_104] : memref<4x262144xi32, #tpu.memory_space<hbm>> -> memref<1x1024xi32, #tpu.memory_space<hbm>>
      %dma_start3A_114 = tpu.memref_squeeze %dma_start3A_113 : memref<1x1024xi32, #tpu.memory_space<hbm>> -> memref<1024xi32, #tpu.memory_space<hbm>>
      tpu.enqueue_dma source(%dma_start3A_114 : memref<1024xi32, #tpu.memory_space<hbm>>) target(%arg9 : memref<1024xi32, #tpu.memory_space<vmem>>) target_semaphore(%arg13 : memref<!tpu.dma_semaphore, #tpu.memory_space<semaphore_mem>>)
      %dma_wait3A = arith.constant 0 : i32
      %dma_wait3A_115 = arith.constant 0 : i32
      %dma_wait3A_116 = arith.constant 0 : i32
      %dma_wait3A_117 = tpu.memref_slice %arg2[%dma_wait3A, %dma_wait3A_115, %dma_wait3A_116] : memref<4x21x262144xf32, #tpu.memory_space<hbm>> -> memref<1x21x1024xf32, #tpu.memory_space<hbm>>
      %dma_wait3A_118 = tpu.memref_squeeze %dma_wait3A_117 : memref<1x21x1024xf32, #tpu.memory_space<hbm>> -> memref<21x1024xf32, #tpu.memory_space<hbm>>
      %dma_wait3A_119 = arith.constant 0 : i32
      %dma_wait3A_120 = arith.constant 0 : i32
      %dma_wait3A_121 = tpu.memref_slice %arg2[%dma_wait3A, %dma_wait3A_119, %dma_wait3A_120] : memref<4x21x262144xf32, #tpu.memory_space<hbm>> -> memref<1x21x1024xf32, #tpu.memory_space<hbm>>
      %dma_wait3A_122 = tpu.memref_squeeze %dma_wait3A_121 : memref<1x21x1024xf32, #tpu.memory_space<hbm>> -> memref<21x1024xf32, #tpu.memory_space<hbm>>
      tpu.wait_dma2 semaphore(%arg12 : memref<!tpu.dma_semaphore, #tpu.memory_space<semaphore_mem>>) src(%dma_wait3A_122 : memref<21x1024xf32, #tpu.memory_space<hbm>>) dst(%arg6 : memref<21x1024xf32, #tpu.memory_space<vmem>>)
      %dma_wait3A_123 = arith.constant 0 : i32
      %dma_wait3A_124 = arith.constant 0 : i32
      %dma_wait3A_125 = tpu.memref_slice %arg3[%dma_wait3A_123, %dma_wait3A_124] : memref<4x262144xi32, #tpu.memory_space<hbm>> -> memref<1x1024xi32, #tpu.memory_space<hbm>>
      %dma_wait3A_126 = tpu.memref_squeeze %dma_wait3A_125 : memref<1x1024xi32, #tpu.memory_space<hbm>> -> memref<1024xi32, #tpu.memory_space<hbm>>
      %dma_wait3A_127 = arith.constant 0 : i32
      %dma_wait3A_128 = tpu.memref_slice %arg3[%dma_wait3A_123, %dma_wait3A_127] : memref<4x262144xi32, #tpu.memory_space<hbm>> -> memref<1x1024xi32, #tpu.memory_space<hbm>>
      %dma_wait3A_129 = tpu.memref_squeeze %dma_wait3A_128 : memref<1x1024xi32, #tpu.memory_space<hbm>> -> memref<1024xi32, #tpu.memory_space<hbm>>
      tpu.wait_dma2 semaphore(%arg12 : memref<!tpu.dma_semaphore, #tpu.memory_space<semaphore_mem>>) src(%dma_wait3A_129 : memref<1024xi32, #tpu.memory_space<hbm>>) dst(%arg8 : memref<1024xi32, #tpu.memory_space<vmem>>)
      %parallel_loop3A = arith.constant 0 : i32
      %parallel_loop3A_130 = arith.constant 64 : i32
      %parallel_loop3A_131 = arith.constant 1 : i32
      scf.for %parallel_loop3A_156 = %parallel_loop3A to %parallel_loop3A_130 step %parallel_loop3A_131  : i32 {
        %parallel_loop3A_157 = arith.constant 16 : i32
        %parallel_loop3A_158 = arith.muli %parallel_loop3A_156, %parallel_loop3A_157 : i32
        %parallel_loop3A_159 = arith.constant 0 : i32
        %parallel_loop3A_160 = arith.index_cast %parallel_loop3A_159 : i32 to index
        %parallel_loop3A_161 = arith.index_cast %parallel_loop3A_158 : i32 to index
        %parallel_loop3A_162 = tpu.vector_load %arg6[%parallel_loop3A_160, %parallel_loop3A_161] {strides = array<i32>} : memref<21x1024xf32, #tpu.memory_space<vmem>>, vector<16xf32>,
        %parallel_loop3A_163 = arith.constant 1 : i32
        %parallel_loop3A_164 = arith.index_cast %parallel_loop3A_163 : i32 to index
        %parallel_loop3A_165 = arith.index_cast %parallel_loop3A_158 : i32 to index
        %parallel_loop3A_166 = tpu.vector_load %arg6[%parallel_loop3A_164, %parallel_loop3A_165] {strides = array<i32>} : memref<21x1024xf32, #tpu.memory_space<vmem>>, vector<16xf32>,
        %parallel_loop3A_167 = arith.constant 2 : i32
        %parallel_loop3A_168 = arith.index_cast %parallel_loop3A_167 : i32 to index
        %parallel_loop3A_169 = arith.index_cast %parallel_loop3A_158 : i32 to index
        %parallel_loop3A_170 = tpu.vector_load %arg6[%parallel_loop3A_168, %parallel_loop3A_169] {strides = array<i32>} : memref<21x1024xf32, #tpu.memory_space<vmem>>, vector<16xf32>,
        %parallel_loop3A_171 = arith.constant 3 : i32
        %parallel_loop3A_172 = arith.index_cast %parallel_loop3A_171 : i32 to index
        %parallel_loop3A_173 = arith.index_cast %parallel_loop3A_158 : i32 to index
        %parallel_loop3A_174 = tpu.vector_load %arg6[%parallel_loop3A_172, %parallel_loop3A_173] {strides = array<i32>} : memref<21x1024xf32, #tpu.memory_space<vmem>>, vector<16xf32>,
        %parallel_loop3A_175 = arith.constant 4 : i32
        %parallel_loop3A_176 = arith.index_cast %parallel_loop3A_175 : i32 to index
        %parallel_loop3A_177 = arith.index_cast %parallel_loop3A_158 : i32 to index
        %parallel_loop3A_178 = tpu.vector_load %arg6[%parallel_loop3A_176, %parallel_loop3A_177] {strides = array<i32>} : memref<21x1024xf32, #tpu.memory_space<vmem>>, vector<16xf32>,
        %parallel_loop3A_179 = arith.constant 5 : i32
        %parallel_loop3A_180 = arith.index_cast %parallel_loop3A_179 : i32 to index
        %parallel_loop3A_181 = arith.index_cast %parallel_loop3A_158 : i32 to index
        %parallel_loop3A_182 = tpu.vector_load %arg6[%parallel_loop3A_180, %parallel_loop3A_181] {strides = array<i32>} : memref<21x1024xf32, #tpu.memory_space<vmem>>, vector<16xf32>,
        %parallel_loop3A_183 = arith.constant 6 : i32
        %parallel_loop3A_184 = arith.index_cast %parallel_loop3A_183 : i32 to index
        %parallel_loop3A_185 = arith.index_cast %parallel_loop3A_158 : i32 to index
        %parallel_loop3A_186 = tpu.vector_load %arg6[%parallel_loop3A_184, %parallel_loop3A_185] {strides = array<i32>} : memref<21x1024xf32, #tpu.memory_space<vmem>>, vector<16xf32>,
        %parallel_loop3A_187 = arith.constant 7 : i32
        %parallel_loop3A_188 = arith.index_cast %parallel_loop3A_187 : i32 to index
        %parallel_loop3A_189 = arith.index_cast %parallel_loop3A_158 : i32 to index
        %parallel_loop3A_190 = tpu.vector_load %arg6[%parallel_loop3A_188, %parallel_loop3A_189] {strides = array<i32>} : memref<21x1024xf32, #tpu.memory_space<vmem>>, vector<16xf32>,
        %parallel_loop3A_191 = arith.constant 8 : i32
        %parallel_loop3A_192 = arith.index_cast %parallel_loop3A_191 : i32 to index
        %parallel_loop3A_193 = arith.index_cast %parallel_loop3A_158 : i32 to index
        %parallel_loop3A_194 = tpu.vector_load %arg6[%parallel_loop3A_192, %parallel_loop3A_193] {strides = array<i32>} : memref<21x1024xf32, #tpu.memory_space<vmem>>, vector<16xf32>,
        %parallel_loop3A_195 = arith.constant 9 : i32
        %parallel_loop3A_196 = arith.index_cast %parallel_loop3A_195 : i32 to index
        %parallel_loop3A_197 = arith.index_cast %parallel_loop3A_158 : i32 to index
        %parallel_loop3A_198 = tpu.vector_load %arg6[%parallel_loop3A_196, %parallel_loop3A_197] {strides = array<i32>} : memref<21x1024xf32, #tpu.memory_space<vmem>>, vector<16xf32>,
        %parallel_loop3A_199 = arith.constant 10 : i32
        %parallel_loop3A_200 = arith.index_cast %parallel_loop3A_199 : i32 to index
        %parallel_loop3A_201 = arith.index_cast %parallel_loop3A_158 : i32 to index
        %parallel_loop3A_202 = tpu.vector_load %arg6[%parallel_loop3A_200, %parallel_loop3A_201] {strides = array<i32>} : memref<21x1024xf32, #tpu.memory_space<vmem>>, vector<16xf32>,
        %parallel_loop3A_203 = arith.constant 11 : i32
        %parallel_loop3A_204 = arith.index_cast %parallel_loop3A_203 : i32 to index
        %parallel_loop3A_205 = arith.index_cast %parallel_loop3A_158 : i32 to index
        %parallel_loop3A_206 = tpu.vector_load %arg6[%parallel_loop3A_204, %parallel_loop3A_205] {strides = array<i32>} : memref<21x1024xf32, #tpu.memory_space<vmem>>, vector<16xf32>,
        %parallel_loop3A_207 = arith.constant 12 : i32
        %parallel_loop3A_208 = arith.index_cast %parallel_loop3A_207 : i32 to index
        %parallel_loop3A_209 = arith.index_cast %parallel_loop3A_158 : i32 to index
        %parallel_loop3A_210 = tpu.vector_load %arg6[%parallel_loop3A_208, %parallel_loop3A_209] {strides = array<i32>} : memref<21x1024xf32, #tpu.memory_space<vmem>>, vector<16xf32>,
        %parallel_loop3A_211 = arith.constant 13 : i32
        %parallel_loop3A_212 = arith.index_cast %parallel_loop3A_211 : i32 to index
        %parallel_loop3A_213 = arith.index_cast %parallel_loop3A_158 : i32 to index
        %parallel_loop3A_214 = tpu.vector_load %arg6[%parallel_loop3A_212, %parallel_loop3A_213] {strides = array<i32>} : memref<21x1024xf32, #tpu.memory_space<vmem>>, vector<16xf32>,
        %parallel_loop3A_215 = arith.constant 14 : i32
        %parallel_loop3A_216 = arith.index_cast %parallel_loop3A_215 : i32 to index
        %parallel_loop3A_217 = arith.index_cast %parallel_loop3A_158 : i32 to index
        %parallel_loop3A_218 = tpu.vector_load %arg6[%parallel_loop3A_216, %parallel_loop3A_217] {strides = array<i32>} : memref<21x1024xf32, #tpu.memory_space<vmem>>, vector<16xf32>,
        %parallel_loop3A_219 = arith.constant 15 : i32
        %parallel_loop3A_220 = arith.index_cast %parallel_loop3A_219 : i32 to index
        %parallel_loop3A_221 = arith.index_cast %parallel_loop3A_158 : i32 to index
        %parallel_loop3A_222 = tpu.vector_load %arg6[%parallel_loop3A_220, %parallel_loop3A_221] {strides = array<i32>} : memref<21x1024xf32, #tpu.memory_space<vmem>>, vector<16xf32>,
        %parallel_loop3A_223 = arith.constant 16 : i32
        %parallel_loop3A_224 = arith.index_cast %parallel_loop3A_223 : i32 to index
        %parallel_loop3A_225 = arith.index_cast %parallel_loop3A_158 : i32 to index
        %parallel_loop3A_226 = tpu.vector_load %arg6[%parallel_loop3A_224, %parallel_loop3A_225] {strides = array<i32>} : memref<21x1024xf32, #tpu.memory_space<vmem>>, vector<16xf32>,
        %parallel_loop3A_227 = arith.constant 17 : i32
        %parallel_loop3A_228 = arith.index_cast %parallel_loop3A_227 : i32 to index
        %parallel_loop3A_229 = arith.index_cast %parallel_loop3A_158 : i32 to index
        %parallel_loop3A_230 = tpu.vector_load %arg6[%parallel_loop3A_228, %parallel_loop3A_229] {strides = array<i32>} : memref<21x1024xf32, #tpu.memory_space<vmem>>, vector<16xf32>,
        %parallel_loop3A_231 = arith.constant 18 : i32
        %parallel_loop3A_232 = arith.index_cast %parallel_loop3A_231 : i32 to index
        %parallel_loop3A_233 = arith.index_cast %parallel_loop3A_158 : i32 to index
        %parallel_loop3A_234 = tpu.vector_load %arg6[%parallel_loop3A_232, %parallel_loop3A_233] {strides = array<i32>} : memref<21x1024xf32, #tpu.memory_space<vmem>>, vector<16xf32>,
        %parallel_loop3A_235 = arith.constant 19 : i32
        %parallel_loop3A_236 = arith.index_cast %parallel_loop3A_235 : i32 to index
        %parallel_loop3A_237 = arith.index_cast %parallel_loop3A_158 : i32 to index
        %parallel_loop3A_238 = tpu.vector_load %arg6[%parallel_loop3A_236, %parallel_loop3A_237] {strides = array<i32>} : memref<21x1024xf32, #tpu.memory_space<vmem>>, vector<16xf32>,
        %parallel_loop3A_239 = arith.constant 20 : i32
        %parallel_loop3A_240 = arith.index_cast %parallel_loop3A_239 : i32 to index
        %parallel_loop3A_241 = arith.index_cast %parallel_loop3A_158 : i32 to index
        %parallel_loop3A_242 = tpu.vector_load %arg6[%parallel_loop3A_240, %parallel_loop3A_241] {strides = array<i32>} : memref<21x1024xf32, #tpu.memory_space<vmem>>, vector<16xf32>,
        %parallel_loop3A_243 = arith.maximumf %parallel_loop3A_162, %parallel_loop3A_166 : vector<16xf32>
        %parallel_loop3A_244 = arith.maximumf %parallel_loop3A_170, %parallel_loop3A_174 : vector<16xf32>
        %parallel_loop3A_245 = arith.maximumf %parallel_loop3A_178, %parallel_loop3A_182 : vector<16xf32>
        %parallel_loop3A_246 = arith.maximumf %parallel_loop3A_186, %parallel_loop3A_190 : vector<16xf32>
        %parallel_loop3A_247 = arith.maximumf %parallel_loop3A_194, %parallel_loop3A_198 : vector<16xf32>
        %parallel_loop3A_248 = arith.maximumf %parallel_loop3A_202, %parallel_loop3A_206 : vector<16xf32>
        %parallel_loop3A_249 = arith.maximumf %parallel_loop3A_210, %parallel_loop3A_214 : vector<16xf32>
        %parallel_loop3A_250 = arith.maximumf %parallel_loop3A_218, %parallel_loop3A_222 : vector<16xf32>
        %parallel_loop3A_251 = arith.maximumf %parallel_loop3A_226, %parallel_loop3A_230 : vector<16xf32>
        %parallel_loop3A_252 = arith.maximumf %parallel_loop3A_234, %parallel_loop3A_238 : vector<16xf32>
        %parallel_loop3A_253 = arith.maximumf %parallel_loop3A_243, %parallel_loop3A_244 : vector<16xf32>
        %parallel_loop3A_254 = arith.maximumf %parallel_loop3A_245, %parallel_loop3A_246 : vector<16xf32>
        %parallel_loop3A_255 = arith.maximumf %parallel_loop3A_247, %parallel_loop3A_248 : vector<16xf32>
        %parallel_loop3A_256 = arith.maximumf %parallel_loop3A_249, %parallel_loop3A_250 : vector<16xf32>
        %parallel_loop3A_257 = arith.maximumf %parallel_loop3A_251, %parallel_loop3A_252 : vector<16xf32>
        %parallel_loop3A_258 = arith.maximumf %parallel_loop3A_253, %parallel_loop3A_254 : vector<16xf32>
        %parallel_loop3A_259 = arith.maximumf %parallel_loop3A_255, %parallel_loop3A_256 : vector<16xf32>
        %parallel_loop3A_260 = arith.maximumf %parallel_loop3A_257, %parallel_loop3A_242 : vector<16xf32>
        %parallel_loop3A_261 = arith.maximumf %parallel_loop3A_258, %parallel_loop3A_259 : vector<16xf32>
        %parallel_loop3A_262 = arith.maximumf %parallel_loop3A_261, %parallel_loop3A_260 : vector<16xf32>
        %parallel_loop3A_263 = arith.subf %parallel_loop3A_162, %parallel_loop3A_262 : vector<16xf32>
        %parallel_loop3A_264 = math.exp %parallel_loop3A_263 : vector<16xf32>
        %parallel_loop3A_265 = arith.subf %parallel_loop3A_166, %parallel_loop3A_262 : vector<16xf32>
        %parallel_loop3A_266 = math.exp %parallel_loop3A_265 : vector<16xf32>
        %parallel_loop3A_267 = arith.subf %parallel_loop3A_170, %parallel_loop3A_262 : vector<16xf32>
        %parallel_loop3A_268 = math.exp %parallel_loop3A_267 : vector<16xf32>
        %parallel_loop3A_269 = arith.subf %parallel_loop3A_174, %parallel_loop3A_262 : vector<16xf32>
        %parallel_loop3A_270 = math.exp %parallel_loop3A_269 : vector<16xf32>
        %parallel_loop3A_271 = arith.subf %parallel_loop3A_178, %parallel_loop3A_262 : vector<16xf32>
        %parallel_loop3A_272 = math.exp %parallel_loop3A_271 : vector<16xf32>
        %parallel_loop3A_273 = arith.subf %parallel_loop3A_182, %parallel_loop3A_262 : vector<16xf32>
        %parallel_loop3A_274 = math.exp %parallel_loop3A_273 : vector<16xf32>
        %parallel_loop3A_275 = arith.subf %parallel_loop3A_186, %parallel_loop3A_262 : vector<16xf32>
        %parallel_loop3A_276 = math.exp %parallel_loop3A_275 : vector<16xf32>
        %parallel_loop3A_277 = arith.subf %parallel_loop3A_190, %parallel_loop3A_262 : vector<16xf32>
        %parallel_loop3A_278 = math.exp %parallel_loop3A_277 : vector<16xf32>
        %parallel_loop3A_279 = arith.subf %parallel_loop3A_194, %parallel_loop3A_262 : vector<16xf32>
        %parallel_loop3A_280 = math.exp %parallel_loop3A_279 : vector<16xf32>
        %parallel_loop3A_281 = arith.subf %parallel_loop3A_198, %parallel_loop3A_262 : vector<16xf32>
        %parallel_loop3A_282 = math.exp %parallel_loop3A_281 : vector<16xf32>
        %parallel_loop3A_283 = arith.subf %parallel_loop3A_202, %parallel_loop3A_262 : vector<16xf32>
        %parallel_loop3A_284 = math.exp %parallel_loop3A_283 : vector<16xf32>
        %parallel_loop3A_285 = arith.subf %parallel_loop3A_206, %parallel_loop3A_262 : vector<16xf32>
        %parallel_loop3A_286 = math.exp %parallel_loop3A_285 : vector<16xf32>
        %parallel_loop3A_287 = arith.subf %parallel_loop3A_210, %parallel_loop3A_262 : vector<16xf32>
        %parallel_loop3A_288 = math.exp %parallel_loop3A_287 : vector<16xf32>
        %parallel_loop3A_289 = arith.subf %parallel_loop3A_214, %parallel_loop3A_262 : vector<16xf32>
        %parallel_loop3A_290 = math.exp %parallel_loop3A_289 : vector<16xf32>
        %parallel_loop3A_291 = arith.subf %parallel_loop3A_218, %parallel_loop3A_262 : vector<16xf32>
        %parallel_loop3A_292 = math.exp %parallel_loop3A_291 : vector<16xf32>
        %parallel_loop3A_293 = arith.subf %parallel_loop3A_222, %parallel_loop3A_262 : vector<16xf32>
        %parallel_loop3A_294 = math.exp %parallel_loop3A_293 : vector<16xf32>
        %parallel_loop3A_295 = arith.subf %parallel_loop3A_226, %parallel_loop3A_262 : vector<16xf32>
        %parallel_loop3A_296 = math.exp %parallel_loop3A_295 : vector<16xf32>
        %parallel_loop3A_297 = arith.subf %parallel_loop3A_230, %parallel_loop3A_262 : vector<16xf32>
        %parallel_loop3A_298 = math.exp %parallel_loop3A_297 : vector<16xf32>
        %parallel_loop3A_299 = arith.subf %parallel_loop3A_234, %parallel_loop3A_262 : vector<16xf32>
        %parallel_loop3A_300 = math.exp %parallel_loop3A_299 : vector<16xf32>
        %parallel_loop3A_301 = arith.subf %parallel_loop3A_238, %parallel_loop3A_262 : vector<16xf32>
        %parallel_loop3A_302 = math.exp %parallel_loop3A_301 : vector<16xf32>
        %parallel_loop3A_303 = arith.subf %parallel_loop3A_242, %parallel_loop3A_262 : vector<16xf32>
        %parallel_loop3A_304 = math.exp %parallel_loop3A_303 : vector<16xf32>
        %parallel_loop3A_305 = arith.addf %parallel_loop3A_264, %parallel_loop3A_266 : vector<16xf32>
        %parallel_loop3A_306 = arith.addf %parallel_loop3A_268, %parallel_loop3A_270 : vector<16xf32>
        %parallel_loop3A_307 = arith.addf %parallel_loop3A_272, %parallel_loop3A_274 : vector<16xf32>
        %parallel_loop3A_308 = arith.addf %parallel_loop3A_276, %parallel_loop3A_278 : vector<16xf32>
        %parallel_loop3A_309 = arith.addf %parallel_loop3A_280, %parallel_loop3A_282 : vector<16xf32>
        %parallel_loop3A_310 = arith.addf %parallel_loop3A_284, %parallel_loop3A_286 : vector<16xf32>
        %parallel_loop3A_311 = arith.addf %parallel_loop3A_288, %parallel_loop3A_290 : vector<16xf32>
        %parallel_loop3A_312 = arith.addf %parallel_loop3A_292, %parallel_loop3A_294 : vector<16xf32>
        %parallel_loop3A_313 = arith.addf %parallel_loop3A_296, %parallel_loop3A_298 : vector<16xf32>
        %parallel_loop3A_314 = arith.addf %parallel_loop3A_300, %parallel_loop3A_302 : vector<16xf32>
        %parallel_loop3A_315 = arith.addf %parallel_loop3A_305, %parallel_loop3A_306 : vector<16xf32>
        %parallel_loop3A_316 = arith.addf %parallel_loop3A_307, %parallel_loop3A_308 : vector<16xf32>
        %parallel_loop3A_317 = arith.addf %parallel_loop3A_309, %parallel_loop3A_310 : vector<16xf32>
        %parallel_loop3A_318 = arith.addf %parallel_loop3A_311, %parallel_loop3A_312 : vector<16xf32>
        %parallel_loop3A_319 = arith.addf %parallel_loop3A_313, %parallel_loop3A_314 : vector<16xf32>
        %parallel_loop3A_320 = arith.addf %parallel_loop3A_315, %parallel_loop3A_316 : vector<16xf32>
        %parallel_loop3A_321 = arith.addf %parallel_loop3A_317, %parallel_loop3A_318 : vector<16xf32>
        %parallel_loop3A_322 = arith.addf %parallel_loop3A_319, %parallel_loop3A_304 : vector<16xf32>
        %parallel_loop3A_323 = arith.addf %parallel_loop3A_320, %parallel_loop3A_321 : vector<16xf32>
        %parallel_loop3A_324 = arith.addf %parallel_loop3A_323, %parallel_loop3A_322 : vector<16xf32>
        %parallel_loop3A_325 = arith.constant 1.024000e+03 : f32
        %parallel_loop3A_326 = vector.broadcast %parallel_loop3A_325 : f32 to vector<16xf32>
        %parallel_loop3A_327 = arith.divf %parallel_loop3A_326, %parallel_loop3A_324 : vector<16xf32>
        %parallel_loop3A_328 = arith.index_cast %parallel_loop3A_158 : i32 to index
        %parallel_loop3A_329 = tpu.vector_load %arg8[%parallel_loop3A_328] {strides = array<i32>} : memref<1024xi32, #tpu.memory_space<vmem>>, vector<16xi32>,
        %parallel_loop3A_330 = arith.constant 1.000000e+00 : f32
        %parallel_loop3A_331 = vector.broadcast %parallel_loop3A_330 : f32 to vector<16xf32>
        %parallel_loop3A_332 = arith.constant 1.023000e+03 : f32
        %parallel_loop3A_333 = vector.broadcast %parallel_loop3A_332 : f32 to vector<16xf32>
        %parallel_loop3A_334 = arith.mulf %parallel_loop3A_264, %parallel_loop3A_327 : vector<16xf32>
        %parallel_loop3A_335 = arith.minimumf %parallel_loop3A_334, %parallel_loop3A_333 : vector<16xf32>
        %parallel_loop3A_336 = arith.fptosi %parallel_loop3A_335 : vector<16xf32> to vector<16xi32>
        %parallel_loop3A_337 = arith.constant 0 : i32
        %parallel_loop3A_338 = vector.broadcast %parallel_loop3A_337 : i32 to vector<16xi32>
        %parallel_loop3A_339 = arith.addi %parallel_loop3A_336, %parallel_loop3A_338 : vector<16xi32>
        %parallel_loop3A_340 = arith.constant 0 : i32
        %parallel_loop3A_341 = vector.broadcast %parallel_loop3A_340 : i32 to vector<16xi32>
        %parallel_loop3A_342 = arith.cmpi eq, %parallel_loop3A_329, %parallel_loop3A_341 : vector<16xi32>
        tpu.vector_store_idx %arg10[%parallel_loop3A_339], %parallel_loop3A_331 {add = true} : memref<21504xf32, #tpu.memory_space<vmem>>[vector<16xi32>], vector<16xf32>,
        tpu.vector_store_idx %arg11[%parallel_loop3A_339], %parallel_loop3A_331 masked %parallel_loop3A_342 {add = true} : memref<21504xf32, #tpu.memory_space<vmem>>[vector<16xi32>], vector<16xf32>, vector<16xi1>
        %parallel_loop3A_343 = arith.mulf %parallel_loop3A_266, %parallel_loop3A_327 : vector<16xf32>
        %parallel_loop3A_344 = arith.minimumf %parallel_loop3A_343, %parallel_loop3A_333 : vector<16xf32>
        %parallel_loop3A_345 = arith.fptosi %parallel_loop3A_344 : vector<16xf32> to vector<16xi32>
        %parallel_loop3A_346 = arith.constant 1024 : i32
        %parallel_loop3A_347 = vector.broadcast %parallel_loop3A_346 : i32 to vector<16xi32>
        %parallel_loop3A_348 = arith.addi %parallel_loop3A_345, %parallel_loop3A_347 : vector<16xi32>
        %parallel_loop3A_349 = arith.constant 1 : i32
        %parallel_loop3A_350 = vector.broadcast %parallel_loop3A_349 : i32 to vector<16xi32>
        %parallel_loop3A_351 = arith.cmpi eq, %parallel_loop3A_329, %parallel_loop3A_350 : vector<16xi32>
        tpu.vector_store_idx %arg10[%parallel_loop3A_348], %parallel_loop3A_331 {add = true} : memref<21504xf32, #tpu.memory_space<vmem>>[vector<16xi32>], vector<16xf32>,
        tpu.vector_store_idx %arg11[%parallel_loop3A_348], %parallel_loop3A_331 masked %parallel_loop3A_351 {add = true} : memref<21504xf32, #tpu.memory_space<vmem>>[vector<16xi32>], vector<16xf32>, vector<16xi1>
        %parallel_loop3A_352 = arith.mulf %parallel_loop3A_268, %parallel_loop3A_327 : vector<16xf32>
        %parallel_loop3A_353 = arith.minimumf %parallel_loop3A_352, %parallel_loop3A_333 : vector<16xf32>
        %parallel_loop3A_354 = arith.fptosi %parallel_loop3A_353 : vector<16xf32> to vector<16xi32>
        %parallel_loop3A_355 = arith.constant 2048 : i32
        %parallel_loop3A_356 = vector.broadcast %parallel_loop3A_355 : i32 to vector<16xi32>
        %parallel_loop3A_357 = arith.addi %parallel_loop3A_354, %parallel_loop3A_356 : vector<16xi32>
        %parallel_loop3A_358 = arith.constant 2 : i32
        %parallel_loop3A_359 = vector.broadcast %parallel_loop3A_358 : i32 to vector<16xi32>
        %parallel_loop3A_360 = arith.cmpi eq, %parallel_loop3A_329, %parallel_loop3A_359 : vector<16xi32>
        tpu.vector_store_idx %arg10[%parallel_loop3A_357], %parallel_loop3A_331 {add = true} : memref<21504xf32, #tpu.memory_space<vmem>>[vector<16xi32>], vector<16xf32>,
        tpu.vector_store_idx %arg11[%parallel_loop3A_357], %parallel_loop3A_331 masked %parallel_loop3A_360 {add = true} : memref<21504xf32, #tpu.memory_space<vmem>>[vector<16xi32>], vector<16xf32>, vector<16xi1>
        %parallel_loop3A_361 = arith.mulf %parallel_loop3A_270, %parallel_loop3A_327 : vector<16xf32>
        %parallel_loop3A_362 = arith.minimumf %parallel_loop3A_361, %parallel_loop3A_333 : vector<16xf32>
        %parallel_loop3A_363 = arith.fptosi %parallel_loop3A_362 : vector<16xf32> to vector<16xi32>
        %parallel_loop3A_364 = arith.constant 3072 : i32
        %parallel_loop3A_365 = vector.broadcast %parallel_loop3A_364 : i32 to vector<16xi32>
        %parallel_loop3A_366 = arith.addi %parallel_loop3A_363, %parallel_loop3A_365 : vector<16xi32>
        %parallel_loop3A_367 = arith.constant 3 : i32
        %parallel_loop3A_368 = vector.broadcast %parallel_loop3A_367 : i32 to vector<16xi32>
        %parallel_loop3A_369 = arith.cmpi eq, %parallel_loop3A_329, %parallel_loop3A_368 : vector<16xi32>
        tpu.vector_store_idx %arg10[%parallel_loop3A_366], %parallel_loop3A_331 {add = true} : memref<21504xf32, #tpu.memory_space<vmem>>[vector<16xi32>], vector<16xf32>,
        tpu.vector_store_idx %arg11[%parallel_loop3A_366], %parallel_loop3A_331 masked %parallel_loop3A_369 {add = true} : memref<21504xf32, #tpu.memory_space<vmem>>[vector<16xi32>], vector<16xf32>, vector<16xi1>
        %parallel_loop3A_370 = arith.mulf %parallel_loop3A_272, %parallel_loop3A_327 : vector<16xf32>
        %parallel_loop3A_371 = arith.minimumf %parallel_loop3A_370, %parallel_loop3A_333 : vector<16xf32>
        %parallel_loop3A_372 = arith.fptosi %parallel_loop3A_371 : vector<16xf32> to vector<16xi32>
        %parallel_loop3A_373 = arith.constant 4096 : i32
        %parallel_loop3A_374 = vector.broadcast %parallel_loop3A_373 : i32 to vector<16xi32>
        %parallel_loop3A_375 = arith.addi %parallel_loop3A_372, %parallel_loop3A_374 : vector<16xi32>
        %parallel_loop3A_376 = arith.constant 4 : i32
        %parallel_loop3A_377 = vector.broadcast %parallel_loop3A_376 : i32 to vector<16xi32>
        %parallel_loop3A_378 = arith.cmpi eq, %parallel_loop3A_329, %parallel_loop3A_377 : vector<16xi32>
        tpu.vector_store_idx %arg10[%parallel_loop3A_375], %parallel_loop3A_331 {add = true} : memref<21504xf32, #tpu.memory_space<vmem>>[vector<16xi32>], vector<16xf32>,
        tpu.vector_store_idx %arg11[%parallel_loop3A_375], %parallel_loop3A_331 masked %parallel_loop3A_378 {add = true} : memref<21504xf32, #tpu.memory_space<vmem>>[vector<16xi32>], vector<16xf32>, vector<16xi1>
        %parallel_loop3A_379 = arith.mulf %parallel_loop3A_274, %parallel_loop3A_327 : vector<16xf32>
        %parallel_loop3A_380 = arith.minimumf %parallel_loop3A_379, %parallel_loop3A_333 : vector<16xf32>
        %parallel_loop3A_381 = arith.fptosi %parallel_loop3A_380 : vector<16xf32> to vector<16xi32>
        %parallel_loop3A_382 = arith.constant 5120 : i32
        %parallel_loop3A_383 = vector.broadcast %parallel_loop3A_382 : i32 to vector<16xi32>
        %parallel_loop3A_384 = arith.addi %parallel_loop3A_381, %parallel_loop3A_383 : vector<16xi32>
        %parallel_loop3A_385 = arith.constant 5 : i32
        %parallel_loop3A_386 = vector.broadcast %parallel_loop3A_385 : i32 to vector<16xi32>
        %parallel_loop3A_387 = arith.cmpi eq, %parallel_loop3A_329, %parallel_loop3A_386 : vector<16xi32>
        tpu.vector_store_idx %arg10[%parallel_loop3A_384], %parallel_loop3A_331 {add = true} : memref<21504xf32, #tpu.memory_space<vmem>>[vector<16xi32>], vector<16xf32>,
        tpu.vector_store_idx %arg11[%parallel_loop3A_384], %parallel_loop3A_331 masked %parallel_loop3A_387 {add = true} : memref<21504xf32, #tpu.memory_space<vmem>>[vector<16xi32>], vector<16xf32>, vector<16xi1>
        %parallel_loop3A_388 = arith.mulf %parallel_loop3A_276, %parallel_loop3A_327 : vector<16xf32>
        %parallel_loop3A_389 = arith.minimumf %parallel_loop3A_388, %parallel_loop3A_333 : vector<16xf32>
        %parallel_loop3A_390 = arith.fptosi %parallel_loop3A_389 : vector<16xf32> to vector<16xi32>
        %parallel_loop3A_391 = arith.constant 6144 : i32
        %parallel_loop3A_392 = vector.broadcast %parallel_loop3A_391 : i32 to vector<16xi32>
        %parallel_loop3A_393 = arith.addi %parallel_loop3A_390, %parallel_loop3A_392 : vector<16xi32>
        %parallel_loop3A_394 = arith.constant 6 : i32
        %parallel_loop3A_395 = vector.broadcast %parallel_loop3A_394 : i32 to vector<16xi32>
        %parallel_loop3A_396 = arith.cmpi eq, %parallel_loop3A_329, %parallel_loop3A_395 : vector<16xi32>
        tpu.vector_store_idx %arg10[%parallel_loop3A_393], %parallel_loop3A_331 {add = true} : memref<21504xf32, #tpu.memory_space<vmem>>[vector<16xi32>], vector<16xf32>,
        tpu.vector_store_idx %arg11[%parallel_loop3A_393], %parallel_loop3A_331 masked %parallel_loop3A_396 {add = true} : memref<21504xf32, #tpu.memory_space<vmem>>[vector<16xi32>], vector<16xf32>, vector<16xi1>
        %parallel_loop3A_397 = arith.mulf %parallel_loop3A_278, %parallel_loop3A_327 : vector<16xf32>
        %parallel_loop3A_398 = arith.minimumf %parallel_loop3A_397, %parallel_loop3A_333 : vector<16xf32>
        %parallel_loop3A_399 = arith.fptosi %parallel_loop3A_398 : vector<16xf32> to vector<16xi32>
        %parallel_loop3A_400 = arith.constant 7168 : i32
        %parallel_loop3A_401 = vector.broadcast %parallel_loop3A_400 : i32 to vector<16xi32>
        %parallel_loop3A_402 = arith.addi %parallel_loop3A_399, %parallel_loop3A_401 : vector<16xi32>
        %parallel_loop3A_403 = arith.constant 7 : i32
        %parallel_loop3A_404 = vector.broadcast %parallel_loop3A_403 : i32 to vector<16xi32>
        %parallel_loop3A_405 = arith.cmpi eq, %parallel_loop3A_329, %parallel_loop3A_404 : vector<16xi32>
        tpu.vector_store_idx %arg10[%parallel_loop3A_402], %parallel_loop3A_331 {add = true} : memref<21504xf32, #tpu.memory_space<vmem>>[vector<16xi32>], vector<16xf32>,
        tpu.vector_store_idx %arg11[%parallel_loop3A_402], %parallel_loop3A_331 masked %parallel_loop3A_405 {add = true} : memref<21504xf32, #tpu.memory_space<vmem>>[vector<16xi32>], vector<16xf32>, vector<16xi1>
        %parallel_loop3A_406 = arith.mulf %parallel_loop3A_280, %parallel_loop3A_327 : vector<16xf32>
        %parallel_loop3A_407 = arith.minimumf %parallel_loop3A_406, %parallel_loop3A_333 : vector<16xf32>
        %parallel_loop3A_408 = arith.fptosi %parallel_loop3A_407 : vector<16xf32> to vector<16xi32>
        %parallel_loop3A_409 = arith.constant 8192 : i32
        %parallel_loop3A_410 = vector.broadcast %parallel_loop3A_409 : i32 to vector<16xi32>
        %parallel_loop3A_411 = arith.addi %parallel_loop3A_408, %parallel_loop3A_410 : vector<16xi32>
        %parallel_loop3A_412 = arith.constant 8 : i32
        %parallel_loop3A_413 = vector.broadcast %parallel_loop3A_412 : i32 to vector<16xi32>
        %parallel_loop3A_414 = arith.cmpi eq, %parallel_loop3A_329, %parallel_loop3A_413 : vector<16xi32>
        tpu.vector_store_idx %arg10[%parallel_loop3A_411], %parallel_loop3A_331 {add = true} : memref<21504xf32, #tpu.memory_space<vmem>>[vector<16xi32>], vector<16xf32>,
        tpu.vector_store_idx %arg11[%parallel_loop3A_411], %parallel_loop3A_331 masked %parallel_loop3A_414 {add = true} : memref<21504xf32, #tpu.memory_space<vmem>>[vector<16xi32>], vector<16xf32>, vector<16xi1>
        %parallel_loop3A_415 = arith.mulf %parallel_loop3A_282, %parallel_loop3A_327 : vector<16xf32>
        %parallel_loop3A_416 = arith.minimumf %parallel_loop3A_415, %parallel_loop3A_333 : vector<16xf32>
        %parallel_loop3A_417 = arith.fptosi %parallel_loop3A_416 : vector<16xf32> to vector<16xi32>
        %parallel_loop3A_418 = arith.constant 9216 : i32
        %parallel_loop3A_419 = vector.broadcast %parallel_loop3A_418 : i32 to vector<16xi32>
        %parallel_loop3A_420 = arith.addi %parallel_loop3A_417, %parallel_loop3A_419 : vector<16xi32>
        %parallel_loop3A_421 = arith.constant 9 : i32
        %parallel_loop3A_422 = vector.broadcast %parallel_loop3A_421 : i32 to vector<16xi32>
        %parallel_loop3A_423 = arith.cmpi eq, %parallel_loop3A_329, %parallel_loop3A_422 : vector<16xi32>
        tpu.vector_store_idx %arg10[%parallel_loop3A_420], %parallel_loop3A_331 {add = true} : memref<21504xf32, #tpu.memory_space<vmem>>[vector<16xi32>], vector<16xf32>,
        tpu.vector_store_idx %arg11[%parallel_loop3A_420], %parallel_loop3A_331 masked %parallel_loop3A_423 {add = true} : memref<21504xf32, #tpu.memory_space<vmem>>[vector<16xi32>], vector<16xf32>, vector<16xi1>
        %parallel_loop3A_424 = arith.mulf %parallel_loop3A_284, %parallel_loop3A_327 : vector<16xf32>
        %parallel_loop3A_425 = arith.minimumf %parallel_loop3A_424, %parallel_loop3A_333 : vector<16xf32>
        %parallel_loop3A_426 = arith.fptosi %parallel_loop3A_425 : vector<16xf32> to vector<16xi32>
        %parallel_loop3A_427 = arith.constant 10240 : i32
        %parallel_loop3A_428 = vector.broadcast %parallel_loop3A_427 : i32 to vector<16xi32>
        %parallel_loop3A_429 = arith.addi %parallel_loop3A_426, %parallel_loop3A_428 : vector<16xi32>
        %parallel_loop3A_430 = arith.constant 10 : i32
        %parallel_loop3A_431 = vector.broadcast %parallel_loop3A_430 : i32 to vector<16xi32>
        %parallel_loop3A_432 = arith.cmpi eq, %parallel_loop3A_329, %parallel_loop3A_431 : vector<16xi32>
        tpu.vector_store_idx %arg10[%parallel_loop3A_429], %parallel_loop3A_331 {add = true} : memref<21504xf32, #tpu.memory_space<vmem>>[vector<16xi32>], vector<16xf32>,
        tpu.vector_store_idx %arg11[%parallel_loop3A_429], %parallel_loop3A_331 masked %parallel_loop3A_432 {add = true} : memref<21504xf32, #tpu.memory_space<vmem>>[vector<16xi32>], vector<16xf32>, vector<16xi1>
        %parallel_loop3A_433 = arith.mulf %parallel_loop3A_286, %parallel_loop3A_327 : vector<16xf32>
        %parallel_loop3A_434 = arith.minimumf %parallel_loop3A_433, %parallel_loop3A_333 : vector<16xf32>
        %parallel_loop3A_435 = arith.fptosi %parallel_loop3A_434 : vector<16xf32> to vector<16xi32>
        %parallel_loop3A_436 = arith.constant 11264 : i32
        %parallel_loop3A_437 = vector.broadcast %parallel_loop3A_436 : i32 to vector<16xi32>
        %parallel_loop3A_438 = arith.addi %parallel_loop3A_435, %parallel_loop3A_437 : vector<16xi32>
        %parallel_loop3A_439 = arith.constant 11 : i32
        %parallel_loop3A_440 = vector.broadcast %parallel_loop3A_439 : i32 to vector<16xi32>
        %parallel_loop3A_441 = arith.cmpi eq, %parallel_loop3A_329, %parallel_loop3A_440 : vector<16xi32>
        tpu.vector_store_idx %arg10[%parallel_loop3A_438], %parallel_loop3A_331 {add = true} : memref<21504xf32, #tpu.memory_space<vmem>>[vector<16xi32>], vector<16xf32>,
        tpu.vector_store_idx %arg11[%parallel_loop3A_438], %parallel_loop3A_331 masked %parallel_loop3A_441 {add = true} : memref<21504xf32, #tpu.memory_space<vmem>>[vector<16xi32>], vector<16xf32>, vector<16xi1>
        %parallel_loop3A_442 = arith.mulf %parallel_loop3A_288, %parallel_loop3A_327 : vector<16xf32>
        %parallel_loop3A_443 = arith.minimumf %parallel_loop3A_442, %parallel_loop3A_333 : vector<16xf32>
        %parallel_loop3A_444 = arith.fptosi %parallel_loop3A_443 : vector<16xf32> to vector<16xi32>
        %parallel_loop3A_445 = arith.constant 12288 : i32
        %parallel_loop3A_446 = vector.broadcast %parallel_loop3A_445 : i32 to vector<16xi32>
        %parallel_loop3A_447 = arith.addi %parallel_loop3A_444, %parallel_loop3A_446 : vector<16xi32>
        %parallel_loop3A_448 = arith.constant 12 : i32
        %parallel_loop3A_449 = vector.broadcast %parallel_loop3A_448 : i32 to vector<16xi32>
        %parallel_loop3A_450 = arith.cmpi eq, %parallel_loop3A_329, %parallel_loop3A_449 : vector<16xi32>
        tpu.vector_store_idx %arg10[%parallel_loop3A_447], %parallel_loop3A_331 {add = true} : memref<21504xf32, #tpu.memory_space<vmem>>[vector<16xi32>], vector<16xf32>,
        tpu.vector_store_idx %arg11[%parallel_loop3A_447], %parallel_loop3A_331 masked %parallel_loop3A_450 {add = true} : memref<21504xf32, #tpu.memory_space<vmem>>[vector<16xi32>], vector<16xf32>, vector<16xi1>
        %parallel_loop3A_451 = arith.mulf %parallel_loop3A_290, %parallel_loop3A_327 : vector<16xf32>
        %parallel_loop3A_452 = arith.minimumf %parallel_loop3A_451, %parallel_loop3A_333 : vector<16xf32>
        %parallel_loop3A_453 = arith.fptosi %parallel_loop3A_452 : vector<16xf32> to vector<16xi32>
        %parallel_loop3A_454 = arith.constant 13312 : i32
        %parallel_loop3A_455 = vector.broadcast %parallel_loop3A_454 : i32 to vector<16xi32>
        %parallel_loop3A_456 = arith.addi %parallel_loop3A_453, %parallel_loop3A_455 : vector<16xi32>
        %parallel_loop3A_457 = arith.constant 13 : i32
        %parallel_loop3A_458 = vector.broadcast %parallel_loop3A_457 : i32 to vector<16xi32>
        %parallel_loop3A_459 = arith.cmpi eq, %parallel_loop3A_329, %parallel_loop3A_458 : vector<16xi32>
        tpu.vector_store_idx %arg10[%parallel_loop3A_456], %parallel_loop3A_331 {add = true} : memref<21504xf32, #tpu.memory_space<vmem>>[vector<16xi32>], vector<16xf32>,
        tpu.vector_store_idx %arg11[%parallel_loop3A_456], %parallel_loop3A_331 masked %parallel_loop3A_459 {add = true} : memref<21504xf32, #tpu.memory_space<vmem>>[vector<16xi32>], vector<16xf32>, vector<16xi1>
        %parallel_loop3A_460 = arith.mulf %parallel_loop3A_292, %parallel_loop3A_327 : vector<16xf32>
        %parallel_loop3A_461 = arith.minimumf %parallel_loop3A_460, %parallel_loop3A_333 : vector<16xf32>
        %parallel_loop3A_462 = arith.fptosi %parallel_loop3A_461 : vector<16xf32> to vector<16xi32>
        %parallel_loop3A_463 = arith.constant 14336 : i32
        %parallel_loop3A_464 = vector.broadcast %parallel_loop3A_463 : i32 to vector<16xi32>
        %parallel_loop3A_465 = arith.addi %parallel_loop3A_462, %parallel_loop3A_464 : vector<16xi32>
        %parallel_loop3A_466 = arith.constant 14 : i32
        %parallel_loop3A_467 = vector.broadcast %parallel_loop3A_466 : i32 to vector<16xi32>
        %parallel_loop3A_468 = arith.cmpi eq, %parallel_loop3A_329, %parallel_loop3A_467 : vector<16xi32>
        tpu.vector_store_idx %arg10[%parallel_loop3A_465], %parallel_loop3A_331 {add = true} : memref<21504xf32, #tpu.memory_space<vmem>>[vector<16xi32>], vector<16xf32>,
        tpu.vector_store_idx %arg11[%parallel_loop3A_465], %parallel_loop3A_331 masked %parallel_loop3A_468 {add = true} : memref<21504xf32, #tpu.memory_space<vmem>>[vector<16xi32>], vector<16xf32>, vector<16xi1>
        %parallel_loop3A_469 = arith.mulf %parallel_loop3A_294, %parallel_loop3A_327 : vector<16xf32>
        %parallel_loop3A_470 = arith.minimumf %parallel_loop3A_469, %parallel_loop3A_333 : vector<16xf32>
        %parallel_loop3A_471 = arith.fptosi %parallel_loop3A_470 : vector<16xf32> to vector<16xi32>
        %parallel_loop3A_472 = arith.constant 15360 : i32
        %parallel_loop3A_473 = vector.broadcast %parallel_loop3A_472 : i32 to vector<16xi32>
        %parallel_loop3A_474 = arith.addi %parallel_loop3A_471, %parallel_loop3A_473 : vector<16xi32>
        %parallel_loop3A_475 = arith.constant 15 : i32
        %parallel_loop3A_476 = vector.broadcast %parallel_loop3A_475 : i32 to vector<16xi32>
        %parallel_loop3A_477 = arith.cmpi eq, %parallel_loop3A_329, %parallel_loop3A_476 : vector<16xi32>
        tpu.vector_store_idx %arg10[%parallel_loop3A_474], %parallel_loop3A_331 {add = true} : memref<21504xf32, #tpu.memory_space<vmem>>[vector<16xi32>], vector<16xf32>,
        tpu.vector_store_idx %arg11[%parallel_loop3A_474], %parallel_loop3A_331 masked %parallel_loop3A_477 {add = true} : memref<21504xf32, #tpu.memory_space<vmem>>[vector<16xi32>], vector<16xf32>, vector<16xi1>
        %parallel_loop3A_478 = arith.mulf %parallel_loop3A_296, %parallel_loop3A_327 : vector<16xf32>
        %parallel_loop3A_479 = arith.minimumf %parallel_loop3A_478, %parallel_loop3A_333 : vector<16xf32>
        %parallel_loop3A_480 = arith.fptosi %parallel_loop3A_479 : vector<16xf32> to vector<16xi32>
        %parallel_loop3A_481 = arith.constant 16384 : i32
        %parallel_loop3A_482 = vector.broadcast %parallel_loop3A_481 : i32 to vector<16xi32>
        %parallel_loop3A_483 = arith.addi %parallel_loop3A_480, %parallel_loop3A_482 : vector<16xi32>
        %parallel_loop3A_484 = arith.constant 16 : i32
        %parallel_loop3A_485 = vector.broadcast %parallel_loop3A_484 : i32 to vector<16xi32>
        %parallel_loop3A_486 = arith.cmpi eq, %parallel_loop3A_329, %parallel_loop3A_485 : vector<16xi32>
        tpu.vector_store_idx %arg10[%parallel_loop3A_483], %parallel_loop3A_331 {add = true} : memref<21504xf32, #tpu.memory_space<vmem>>[vector<16xi32>], vector<16xf32>,
        tpu.vector_store_idx %arg11[%parallel_loop3A_483], %parallel_loop3A_331 masked %parallel_loop3A_486 {add = true} : memref<21504xf32, #tpu.memory_space<vmem>>[vector<16xi32>], vector<16xf32>, vector<16xi1>
        %parallel_loop3A_487 = arith.mulf %parallel_loop3A_298, %parallel_loop3A_327 : vector<16xf32>
        %parallel_loop3A_488 = arith.minimumf %parallel_loop3A_487, %parallel_loop3A_333 : vector<16xf32>
        %parallel_loop3A_489 = arith.fptosi %parallel_loop3A_488 : vector<16xf32> to vector<16xi32>
        %parallel_loop3A_490 = arith.constant 17408 : i32
        %parallel_loop3A_491 = vector.broadcast %parallel_loop3A_490 : i32 to vector<16xi32>
        %parallel_loop3A_492 = arith.addi %parallel_loop3A_489, %parallel_loop3A_491 : vector<16xi32>
        %parallel_loop3A_493 = arith.constant 17 : i32
        %parallel_loop3A_494 = vector.broadcast %parallel_loop3A_493 : i32 to vector<16xi32>
        %parallel_loop3A_495 = arith.cmpi eq, %parallel_loop3A_329, %parallel_loop3A_494 : vector<16xi32>
        tpu.vector_store_idx %arg10[%parallel_loop3A_492], %parallel_loop3A_331 {add = true} : memref<21504xf32, #tpu.memory_space<vmem>>[vector<16xi32>], vector<16xf32>,
        tpu.vector_store_idx %arg11[%parallel_loop3A_492], %parallel_loop3A_331 masked %parallel_loop3A_495 {add = true} : memref<21504xf32, #tpu.memory_space<vmem>>[vector<16xi32>], vector<16xf32>, vector<16xi1>
        %parallel_loop3A_496 = arith.mulf %parallel_loop3A_300, %parallel_loop3A_327 : vector<16xf32>
        %parallel_loop3A_497 = arith.minimumf %parallel_loop3A_496, %parallel_loop3A_333 : vector<16xf32>
        %parallel_loop3A_498 = arith.fptosi %parallel_loop3A_497 : vector<16xf32> to vector<16xi32>
        %parallel_loop3A_499 = arith.constant 18432 : i32
        %parallel_loop3A_500 = vector.broadcast %parallel_loop3A_499 : i32 to vector<16xi32>
        %parallel_loop3A_501 = arith.addi %parallel_loop3A_498, %parallel_loop3A_500 : vector<16xi32>
        %parallel_loop3A_502 = arith.constant 18 : i32
        %parallel_loop3A_503 = vector.broadcast %parallel_loop3A_502 : i32 to vector<16xi32>
        %parallel_loop3A_504 = arith.cmpi eq, %parallel_loop3A_329, %parallel_loop3A_503 : vector<16xi32>
        tpu.vector_store_idx %arg10[%parallel_loop3A_501], %parallel_loop3A_331 {add = true} : memref<21504xf32, #tpu.memory_space<vmem>>[vector<16xi32>], vector<16xf32>,
        tpu.vector_store_idx %arg11[%parallel_loop3A_501], %parallel_loop3A_331 masked %parallel_loop3A_504 {add = true} : memref<21504xf32, #tpu.memory_space<vmem>>[vector<16xi32>], vector<16xf32>, vector<16xi1>
        %parallel_loop3A_505 = arith.mulf %parallel_loop3A_302, %parallel_loop3A_327 : vector<16xf32>
        %parallel_loop3A_506 = arith.minimumf %parallel_loop3A_505, %parallel_loop3A_333 : vector<16xf32>
        %parallel_loop3A_507 = arith.fptosi %parallel_loop3A_506 : vector<16xf32> to vector<16xi32>
        %parallel_loop3A_508 = arith.constant 19456 : i32
        %parallel_loop3A_509 = vector.broadcast %parallel_loop3A_508 : i32 to vector<16xi32>
        %parallel_loop3A_510 = arith.addi %parallel_loop3A_507, %parallel_loop3A_509 : vector<16xi32>
        %parallel_loop3A_511 = arith.constant 19 : i32
        %parallel_loop3A_512 = vector.broadcast %parallel_loop3A_511 : i32 to vector<16xi32>
        %parallel_loop3A_513 = arith.cmpi eq, %parallel_loop3A_329, %parallel_loop3A_512 : vector<16xi32>
        tpu.vector_store_idx %arg10[%parallel_loop3A_510], %parallel_loop3A_331 {add = true} : memref<21504xf32, #tpu.memory_space<vmem>>[vector<16xi32>], vector<16xf32>,
        tpu.vector_store_idx %arg11[%parallel_loop3A_510], %parallel_loop3A_331 masked %parallel_loop3A_513 {add = true} : memref<21504xf32, #tpu.memory_space<vmem>>[vector<16xi32>], vector<16xf32>, vector<16xi1>
        %parallel_loop3A_514 = arith.mulf %parallel_loop3A_304, %parallel_loop3A_327 : vector<16xf32>
        %parallel_loop3A_515 = arith.minimumf %parallel_loop3A_514, %parallel_loop3A_333 : vector<16xf32>
        %parallel_loop3A_516 = arith.fptosi %parallel_loop3A_515 : vector<16xf32> to vector<16xi32>
        %parallel_loop3A_517 = arith.constant 20480 : i32
        %parallel_loop3A_518 = vector.broadcast %parallel_loop3A_517 : i32 to vector<16xi32>
        %parallel_loop3A_519 = arith.addi %parallel_loop3A_516, %parallel_loop3A_518 : vector<16xi32>
        %parallel_loop3A_520 = arith.constant 20 : i32
        %parallel_loop3A_521 = vector.broadcast %parallel_loop3A_520 : i32 to vector<16xi32>
        %parallel_loop3A_522 = arith.cmpi eq, %parallel_loop3A_329, %parallel_loop3A_521 : vector<16xi32>
        tpu.vector_store_idx %arg10[%parallel_loop3A_519], %parallel_loop3A_331 {add = true} : memref<21504xf32, #tpu.memory_space<vmem>>[vector<16xi32>], vector<16xf32>,
        tpu.vector_store_idx %arg11[%parallel_loop3A_519], %parallel_loop3A_331 masked %parallel_loop3A_522 {add = true} : memref<21504xf32, #tpu.memory_space<vmem>>[vector<16xi32>], vector<16xf32>, vector<16xi1>
      } {sc.loop_unroll_factor = 2 : i64, sc.parallel_access}
      %add3A_132 = arith.constant 2 : i32
      %add3A_133 = arith.addi %add3A_57, %add3A_132 : i32
      %lt3A_134 = arith.constant 32 : i32
      %lt3A_135 = arith.cmpi slt, %add3A_133, %lt3A_134 : i32
      %convert_element_type3A = arith.extui %lt3A_135 : i1 to i32
      %cond3A = arith.constant 0 : i32
      %cond3A_136 = arith.cmpi ne, %convert_element_type3A, %cond3A : i32
      scf.if %cond3A_136 {
        %add3A_156 = arith.constant 2 : i32
        %add3A_157 = arith.addi %add3A_57, %add3A_156 : i32
        %mul3A_158 = arith.constant 32768 : i32
        %mul3A_159 = arith.muli %add3A, %mul3A_158 : i32
        %mul3A_160 = arith.constant 1024 : i32
        %mul3A_161 = arith.muli %add3A_157, %mul3A_160 : i32
        %add3A_162 = arith.addi %mul3A_159, %mul3A_161 : i32
        %jit3A_163 = arith.constant 262144 : i32
        %div3A_164 = arith.divsi %add3A_162, %jit3A_163 : i32
        %sign3A_165 = arith.constant 0 : i32
        %sign3A_166 = arith.cmpi sgt, %add3A_162, %sign3A_165 : i32
        %sign3A_167 = arith.extui %sign3A_166 : i1 to i32
        %sign3A_168 = arith.constant 0 : i32
        %sign3A_169 = arith.cmpi slt, %add3A_162, %sign3A_168 : i32
        %sign3A_170 = arith.extui %sign3A_169 : i1 to i32
        %sign3A_171 = arith.subi %sign3A_167, %sign3A_170 : i32
        %sign3A_172 = arith.constant 0 : i32
        %sign3A_173 = arith.cmpi sgt, %jit3A_163, %sign3A_172 : i32
        %sign3A_174 = arith.extui %sign3A_173 : i1 to i32
        %sign3A_175 = arith.constant 0 : i32
        %sign3A_176 = arith.cmpi slt, %jit3A_163, %sign3A_175 : i32
        %sign3A_177 = arith.extui %sign3A_176 : i1 to i32
        %sign3A_178 = arith.subi %sign3A_174, %sign3A_177 : i32
        %ne3A_179 = arith.cmpi ne, %sign3A_171, %sign3A_178 : i32
        %rem3A_180 = arith.remsi %add3A_162, %jit3A_163 : i32
        %ne3A_181 = arith.constant 0 : i32
        %ne3A_182 = arith.cmpi ne, %rem3A_180, %ne3A_181 : i32
        %and3A_183 = arith.andi %ne3A_179, %ne3A_182 : i1
        %sub3A_184 = arith.constant 1 : i32
        %sub3A_185 = arith.subi %div3A_164, %sub3A_184 : i32
        %select_n3A_186 = arith.select %and3A_183, %sub3A_185, %div3A_164 : i32
        %jit3A_187 = arith.constant 262144 : i32
        %eq3A_188 = arith.constant 0 : i32
        %eq3A_189 = arith.cmpi eq, %jit3A_187, %eq3A_188 : i32
        %jit3A_190 = arith.constant 1 : i32
        %select_n3A_191 = arith.select %eq3A_189, %jit3A_190, %jit3A_187 : i32
        %rem3A_192 = arith.remsi %add3A_162, %select_n3A_191 : i32
        %ne3A_193 = arith.constant 0 : i32
        %ne3A_194 = arith.cmpi ne, %rem3A_192, %ne3A_193 : i32
        %lt3A_195 = arith.constant 0 : i32
        %lt3A_196 = arith.cmpi slt, %rem3A_192, %lt3A_195 : i32
        %lt3A_197 = arith.constant 0 : i32
        %lt3A_198 = arith.cmpi slt, %select_n3A_191, %lt3A_197 : i32
        %ne3A_199 = arith.xori %lt3A_196, %lt3A_198 : i1
        %and3A_200 = arith.andi %ne3A_199, %ne3A_194 : i1
        %add3A_201 = arith.addi %rem3A_192, %select_n3A_191 : i32
        %select_n3A_202 = arith.select %and3A_200, %add3A_201, %rem3A_192 : i32
        %dma_start3A_203 = arith.constant 0 : i32
        %dma_start3A_204 = tpu.memref_slice %arg2[%select_n3A_186, %dma_start3A_203, %select_n3A_202] : memref<4x21x262144xf32, #tpu.memory_space<hbm>> -> memref<1x21x1024xf32, #tpu.memory_space<hbm>>
        %dma_start3A_205 = tpu.memref_squeeze %dma_start3A_204 : memref<1x21x1024xf32, #tpu.memory_space<hbm>> -> memref<21x1024xf32, #tpu.memory_space<hbm>>
        %dma_start3A_206 = arith.constant 0 : i32
        %dma_start3A_207 = tpu.memref_slice %arg2[%select_n3A_186, %dma_start3A_206, %select_n3A_202] : memref<4x21x262144xf32, #tpu.memory_space<hbm>> -> memref<1x21x1024xf32, #tpu.memory_space<hbm>>
        %dma_start3A_208 = tpu.memref_squeeze %dma_start3A_207 : memref<1x21x1024xf32, #tpu.memory_space<hbm>> -> memref<21x1024xf32, #tpu.memory_space<hbm>>
        tpu.enqueue_dma source(%dma_start3A_208 : memref<21x1024xf32, #tpu.memory_space<hbm>>) target(%arg6 : memref<21x1024xf32, #tpu.memory_space<vmem>>) target_semaphore(%arg12 : memref<!tpu.dma_semaphore, #tpu.memory_space<semaphore_mem>>)
        %dma_start3A_209 = tpu.memref_slice %arg3[%select_n3A_186, %select_n3A_202] : memref<4x262144xi32, #tpu.memory_space<hbm>> -> memref<1x1024xi32, #tpu.memory_space<hbm>>
        %dma_start3A_210 = tpu.memref_squeeze %dma_start3A_209 : memref<1x1024xi32, #tpu.memory_space<hbm>> -> memref<1024xi32, #tpu.memory_space<hbm>>
        %dma_start3A_211 = tpu.memref_slice %arg3[%select_n3A_186, %select_n3A_202] : memref<4x262144xi32, #tpu.memory_space<hbm>> -> memref<1x1024xi32, #tpu.memory_space<hbm>>
        %dma_start3A_212 = tpu.memref_squeeze %dma_start3A_211 : memref<1x1024xi32, #tpu.memory_space<hbm>> -> memref<1024xi32, #tpu.memory_space<hbm>>
        tpu.enqueue_dma source(%dma_start3A_212 : memref<1024xi32, #tpu.memory_space<hbm>>) target(%arg8 : memref<1024xi32, #tpu.memory_space<vmem>>) target_semaphore(%arg12 : memref<!tpu.dma_semaphore, #tpu.memory_space<semaphore_mem>>)
      } else {
      }
      %dma_wait3A_137 = arith.constant 0 : i32
      %dma_wait3A_138 = arith.constant 0 : i32
      %dma_wait3A_139 = arith.constant 0 : i32
      %dma_wait3A_140 = tpu.memref_slice %arg2[%dma_wait3A_137, %dma_wait3A_138, %dma_wait3A_139] : memref<4x21x262144xf32, #tpu.memory_space<hbm>> -> memref<1x21x1024xf32, #tpu.memory_space<hbm>>
      %dma_wait3A_141 = tpu.memref_squeeze %dma_wait3A_140 : memref<1x21x1024xf32, #tpu.memory_space<hbm>> -> memref<21x1024xf32, #tpu.memory_space<hbm>>
      %dma_wait3A_142 = arith.constant 0 : i32
      %dma_wait3A_143 = arith.constant 0 : i32
      %dma_wait3A_144 = tpu.memref_slice %arg2[%dma_wait3A_137, %dma_wait3A_142, %dma_wait3A_143] : memref<4x21x262144xf32, #tpu.memory_space<hbm>> -> memref<1x21x1024xf32, #tpu.memory_space<hbm>>
      %dma_wait3A_145 = tpu.memref_squeeze %dma_wait3A_144 : memref<1x21x1024xf32, #tpu.memory_space<hbm>> -> memref<21x1024xf32, #tpu.memory_space<hbm>>
      tpu.wait_dma2 semaphore(%arg13 : memref<!tpu.dma_semaphore, #tpu.memory_space<semaphore_mem>>) src(%dma_wait3A_145 : memref<21x1024xf32, #tpu.memory_space<hbm>>) dst(%arg7 : memref<21x1024xf32, #tpu.memory_space<vmem>>)
      %dma_wait3A_146 = arith.constant 0 : i32
      %dma_wait3A_147 = arith.constant 0 : i32
      %dma_wait3A_148 = tpu.memref_slice %arg3[%dma_wait3A_146, %dma_wait3A_147] : memref<4x262144xi32, #tpu.memory_space<hbm>> -> memref<1x1024xi32, #tpu.memory_space<hbm>>
      %dma_wait3A_149 = tpu.memref_squeeze %dma_wait3A_148 : memref<1x1024xi32, #tpu.memory_space<hbm>> -> memref<1024xi32, #tpu.memory_space<hbm>>
      %dma_wait3A_150 = arith.constant 0 : i32
      %dma_wait3A_151 = tpu.memref_slice %arg3[%dma_wait3A_146, %dma_wait3A_150] : memref<4x262144xi32, #tpu.memory_space<hbm>> -> memref<1x1024xi32, #tpu.memory_space<hbm>>
      %dma_wait3A_152 = tpu.memref_squeeze %dma_wait3A_151 : memref<1x1024xi32, #tpu.memory_space<hbm>> -> memref<1024xi32, #tpu.memory_space<hbm>>
      tpu.wait_dma2 semaphore(%arg13 : memref<!tpu.dma_semaphore, #tpu.memory_space<semaphore_mem>>) src(%dma_wait3A_152 : memref<1024xi32, #tpu.memory_space<hbm>>) dst(%arg9 : memref<1024xi32, #tpu.memory_space<vmem>>)
      %parallel_loop3A_153 = arith.constant 0 : i32
      %parallel_loop3A_154 = arith.constant 64 : i32
      %parallel_loop3A_155 = arith.constant 1 : i32
      scf.for %parallel_loop3A_156 = %parallel_loop3A_153 to %parallel_loop3A_154 step %parallel_loop3A_155  : i32 {
        %parallel_loop3A_157 = arith.constant 16 : i32
        %parallel_loop3A_158 = arith.muli %parallel_loop3A_156, %parallel_loop3A_157 : i32
        %parallel_loop3A_159 = arith.constant 0 : i32
        %parallel_loop3A_160 = arith.index_cast %parallel_loop3A_159 : i32 to index
        %parallel_loop3A_161 = arith.index_cast %parallel_loop3A_158 : i32 to index
        %parallel_loop3A_162 = tpu.vector_load %arg7[%parallel_loop3A_160, %parallel_loop3A_161] {strides = array<i32>} : memref<21x1024xf32, #tpu.memory_space<vmem>>, vector<16xf32>,
        %parallel_loop3A_163 = arith.constant 1 : i32
        %parallel_loop3A_164 = arith.index_cast %parallel_loop3A_163 : i32 to index
        %parallel_loop3A_165 = arith.index_cast %parallel_loop3A_158 : i32 to index
        %parallel_loop3A_166 = tpu.vector_load %arg7[%parallel_loop3A_164, %parallel_loop3A_165] {strides = array<i32>} : memref<21x1024xf32, #tpu.memory_space<vmem>>, vector<16xf32>,
        %parallel_loop3A_167 = arith.constant 2 : i32
        %parallel_loop3A_168 = arith.index_cast %parallel_loop3A_167 : i32 to index
        %parallel_loop3A_169 = arith.index_cast %parallel_loop3A_158 : i32 to index
        %parallel_loop3A_170 = tpu.vector_load %arg7[%parallel_loop3A_168, %parallel_loop3A_169] {strides = array<i32>} : memref<21x1024xf32, #tpu.memory_space<vmem>>, vector<16xf32>,
        %parallel_loop3A_171 = arith.constant 3 : i32
        %parallel_loop3A_172 = arith.index_cast %parallel_loop3A_171 : i32 to index
        %parallel_loop3A_173 = arith.index_cast %parallel_loop3A_158 : i32 to index
        %parallel_loop3A_174 = tpu.vector_load %arg7[%parallel_loop3A_172, %parallel_loop3A_173] {strides = array<i32>} : memref<21x1024xf32, #tpu.memory_space<vmem>>, vector<16xf32>,
        %parallel_loop3A_175 = arith.constant 4 : i32
        %parallel_loop3A_176 = arith.index_cast %parallel_loop3A_175 : i32 to index
        %parallel_loop3A_177 = arith.index_cast %parallel_loop3A_158 : i32 to index
        %parallel_loop3A_178 = tpu.vector_load %arg7[%parallel_loop3A_176, %parallel_loop3A_177] {strides = array<i32>} : memref<21x1024xf32, #tpu.memory_space<vmem>>, vector<16xf32>,
        %parallel_loop3A_179 = arith.constant 5 : i32
        %parallel_loop3A_180 = arith.index_cast %parallel_loop3A_179 : i32 to index
        %parallel_loop3A_181 = arith.index_cast %parallel_loop3A_158 : i32 to index
        %parallel_loop3A_182 = tpu.vector_load %arg7[%parallel_loop3A_180, %parallel_loop3A_181] {strides = array<i32>} : memref<21x1024xf32, #tpu.memory_space<vmem>>, vector<16xf32>,
        %parallel_loop3A_183 = arith.constant 6 : i32
        %parallel_loop3A_184 = arith.index_cast %parallel_loop3A_183 : i32 to index
        %parallel_loop3A_185 = arith.index_cast %parallel_loop3A_158 : i32 to index
        %parallel_loop3A_186 = tpu.vector_load %arg7[%parallel_loop3A_184, %parallel_loop3A_185] {strides = array<i32>} : memref<21x1024xf32, #tpu.memory_space<vmem>>, vector<16xf32>,
        %parallel_loop3A_187 = arith.constant 7 : i32
        %parallel_loop3A_188 = arith.index_cast %parallel_loop3A_187 : i32 to index
        %parallel_loop3A_189 = arith.index_cast %parallel_loop3A_158 : i32 to index
        %parallel_loop3A_190 = tpu.vector_load %arg7[%parallel_loop3A_188, %parallel_loop3A_189] {strides = array<i32>} : memref<21x1024xf32, #tpu.memory_space<vmem>>, vector<16xf32>,
        %parallel_loop3A_191 = arith.constant 8 : i32
        %parallel_loop3A_192 = arith.index_cast %parallel_loop3A_191 : i32 to index
        %parallel_loop3A_193 = arith.index_cast %parallel_loop3A_158 : i32 to index
        %parallel_loop3A_194 = tpu.vector_load %arg7[%parallel_loop3A_192, %parallel_loop3A_193] {strides = array<i32>} : memref<21x1024xf32, #tpu.memory_space<vmem>>, vector<16xf32>,
        %parallel_loop3A_195 = arith.constant 9 : i32
        %parallel_loop3A_196 = arith.index_cast %parallel_loop3A_195 : i32 to index
        %parallel_loop3A_197 = arith.index_cast %parallel_loop3A_158 : i32 to index
        %parallel_loop3A_198 = tpu.vector_load %arg7[%parallel_loop3A_196, %parallel_loop3A_197] {strides = array<i32>} : memref<21x1024xf32, #tpu.memory_space<vmem>>, vector<16xf32>,
        %parallel_loop3A_199 = arith.constant 10 : i32
        %parallel_loop3A_200 = arith.index_cast %parallel_loop3A_199 : i32 to index
        %parallel_loop3A_201 = arith.index_cast %parallel_loop3A_158 : i32 to index
        %parallel_loop3A_202 = tpu.vector_load %arg7[%parallel_loop3A_200, %parallel_loop3A_201] {strides = array<i32>} : memref<21x1024xf32, #tpu.memory_space<vmem>>, vector<16xf32>,
        %parallel_loop3A_203 = arith.constant 11 : i32
        %parallel_loop3A_204 = arith.index_cast %parallel_loop3A_203 : i32 to index
        %parallel_loop3A_205 = arith.index_cast %parallel_loop3A_158 : i32 to index
        %parallel_loop3A_206 = tpu.vector_load %arg7[%parallel_loop3A_204, %parallel_loop3A_205] {strides = array<i32>} : memref<21x1024xf32, #tpu.memory_space<vmem>>, vector<16xf32>,
        %parallel_loop3A_207 = arith.constant 12 : i32
        %parallel_loop3A_208 = arith.index_cast %parallel_loop3A_207 : i32 to index
        %parallel_loop3A_209 = arith.index_cast %parallel_loop3A_158 : i32 to index
        %parallel_loop3A_210 = tpu.vector_load %arg7[%parallel_loop3A_208, %parallel_loop3A_209] {strides = array<i32>} : memref<21x1024xf32, #tpu.memory_space<vmem>>, vector<16xf32>,
        %parallel_loop3A_211 = arith.constant 13 : i32
        %parallel_loop3A_212 = arith.index_cast %parallel_loop3A_211 : i32 to index
        %parallel_loop3A_213 = arith.index_cast %parallel_loop3A_158 : i32 to index
        %parallel_loop3A_214 = tpu.vector_load %arg7[%parallel_loop3A_212, %parallel_loop3A_213] {strides = array<i32>} : memref<21x1024xf32, #tpu.memory_space<vmem>>, vector<16xf32>,
        %parallel_loop3A_215 = arith.constant 14 : i32
        %parallel_loop3A_216 = arith.index_cast %parallel_loop3A_215 : i32 to index
        %parallel_loop3A_217 = arith.index_cast %parallel_loop3A_158 : i32 to index
        %parallel_loop3A_218 = tpu.vector_load %arg7[%parallel_loop3A_216, %parallel_loop3A_217] {strides = array<i32>} : memref<21x1024xf32, #tpu.memory_space<vmem>>, vector<16xf32>,
        %parallel_loop3A_219 = arith.constant 15 : i32
        %parallel_loop3A_220 = arith.index_cast %parallel_loop3A_219 : i32 to index
        %parallel_loop3A_221 = arith.index_cast %parallel_loop3A_158 : i32 to index
        %parallel_loop3A_222 = tpu.vector_load %arg7[%parallel_loop3A_220, %parallel_loop3A_221] {strides = array<i32>} : memref<21x1024xf32, #tpu.memory_space<vmem>>, vector<16xf32>,
        %parallel_loop3A_223 = arith.constant 16 : i32
        %parallel_loop3A_224 = arith.index_cast %parallel_loop3A_223 : i32 to index
        %parallel_loop3A_225 = arith.index_cast %parallel_loop3A_158 : i32 to index
        %parallel_loop3A_226 = tpu.vector_load %arg7[%parallel_loop3A_224, %parallel_loop3A_225] {strides = array<i32>} : memref<21x1024xf32, #tpu.memory_space<vmem>>, vector<16xf32>,
        %parallel_loop3A_227 = arith.constant 17 : i32
        %parallel_loop3A_228 = arith.index_cast %parallel_loop3A_227 : i32 to index
        %parallel_loop3A_229 = arith.index_cast %parallel_loop3A_158 : i32 to index
        %parallel_loop3A_230 = tpu.vector_load %arg7[%parallel_loop3A_228, %parallel_loop3A_229] {strides = array<i32>} : memref<21x1024xf32, #tpu.memory_space<vmem>>, vector<16xf32>,
        %parallel_loop3A_231 = arith.constant 18 : i32
        %parallel_loop3A_232 = arith.index_cast %parallel_loop3A_231 : i32 to index
        %parallel_loop3A_233 = arith.index_cast %parallel_loop3A_158 : i32 to index
        %parallel_loop3A_234 = tpu.vector_load %arg7[%parallel_loop3A_232, %parallel_loop3A_233] {strides = array<i32>} : memref<21x1024xf32, #tpu.memory_space<vmem>>, vector<16xf32>,
        %parallel_loop3A_235 = arith.constant 19 : i32
        %parallel_loop3A_236 = arith.index_cast %parallel_loop3A_235 : i32 to index
        %parallel_loop3A_237 = arith.index_cast %parallel_loop3A_158 : i32 to index
        %parallel_loop3A_238 = tpu.vector_load %arg7[%parallel_loop3A_236, %parallel_loop3A_237] {strides = array<i32>} : memref<21x1024xf32, #tpu.memory_space<vmem>>, vector<16xf32>,
        %parallel_loop3A_239 = arith.constant 20 : i32
        %parallel_loop3A_240 = arith.index_cast %parallel_loop3A_239 : i32 to index
        %parallel_loop3A_241 = arith.index_cast %parallel_loop3A_158 : i32 to index
        %parallel_loop3A_242 = tpu.vector_load %arg7[%parallel_loop3A_240, %parallel_loop3A_241] {strides = array<i32>} : memref<21x1024xf32, #tpu.memory_space<vmem>>, vector<16xf32>,
        %parallel_loop3A_243 = arith.maximumf %parallel_loop3A_162, %parallel_loop3A_166 : vector<16xf32>
        %parallel_loop3A_244 = arith.maximumf %parallel_loop3A_170, %parallel_loop3A_174 : vector<16xf32>
        %parallel_loop3A_245 = arith.maximumf %parallel_loop3A_178, %parallel_loop3A_182 : vector<16xf32>
        %parallel_loop3A_246 = arith.maximumf %parallel_loop3A_186, %parallel_loop3A_190 : vector<16xf32>
        %parallel_loop3A_247 = arith.maximumf %parallel_loop3A_194, %parallel_loop3A_198 : vector<16xf32>
        %parallel_loop3A_248 = arith.maximumf %parallel_loop3A_202, %parallel_loop3A_206 : vector<16xf32>
        %parallel_loop3A_249 = arith.maximumf %parallel_loop3A_210, %parallel_loop3A_214 : vector<16xf32>
        %parallel_loop3A_250 = arith.maximumf %parallel_loop3A_218, %parallel_loop3A_222 : vector<16xf32>
        %parallel_loop3A_251 = arith.maximumf %parallel_loop3A_226, %parallel_loop3A_230 : vector<16xf32>
        %parallel_loop3A_252 = arith.maximumf %parallel_loop3A_234, %parallel_loop3A_238 : vector<16xf32>
        %parallel_loop3A_253 = arith.maximumf %parallel_loop3A_243, %parallel_loop3A_244 : vector<16xf32>
        %parallel_loop3A_254 = arith.maximumf %parallel_loop3A_245, %parallel_loop3A_246 : vector<16xf32>
        %parallel_loop3A_255 = arith.maximumf %parallel_loop3A_247, %parallel_loop3A_248 : vector<16xf32>
        %parallel_loop3A_256 = arith.maximumf %parallel_loop3A_249, %parallel_loop3A_250 : vector<16xf32>
        %parallel_loop3A_257 = arith.maximumf %parallel_loop3A_251, %parallel_loop3A_252 : vector<16xf32>
        %parallel_loop3A_258 = arith.maximumf %parallel_loop3A_253, %parallel_loop3A_254 : vector<16xf32>
        %parallel_loop3A_259 = arith.maximumf %parallel_loop3A_255, %parallel_loop3A_256 : vector<16xf32>
        %parallel_loop3A_260 = arith.maximumf %parallel_loop3A_257, %parallel_loop3A_242 : vector<16xf32>
        %parallel_loop3A_261 = arith.maximumf %parallel_loop3A_258, %parallel_loop3A_259 : vector<16xf32>
        %parallel_loop3A_262 = arith.maximumf %parallel_loop3A_261, %parallel_loop3A_260 : vector<16xf32>
        %parallel_loop3A_263 = arith.subf %parallel_loop3A_162, %parallel_loop3A_262 : vector<16xf32>
        %parallel_loop3A_264 = math.exp %parallel_loop3A_263 : vector<16xf32>
        %parallel_loop3A_265 = arith.subf %parallel_loop3A_166, %parallel_loop3A_262 : vector<16xf32>
        %parallel_loop3A_266 = math.exp %parallel_loop3A_265 : vector<16xf32>
        %parallel_loop3A_267 = arith.subf %parallel_loop3A_170, %parallel_loop3A_262 : vector<16xf32>
        %parallel_loop3A_268 = math.exp %parallel_loop3A_267 : vector<16xf32>
        %parallel_loop3A_269 = arith.subf %parallel_loop3A_174, %parallel_loop3A_262 : vector<16xf32>
        %parallel_loop3A_270 = math.exp %parallel_loop3A_269 : vector<16xf32>
        %parallel_loop3A_271 = arith.subf %parallel_loop3A_178, %parallel_loop3A_262 : vector<16xf32>
        %parallel_loop3A_272 = math.exp %parallel_loop3A_271 : vector<16xf32>
        %parallel_loop3A_273 = arith.subf %parallel_loop3A_182, %parallel_loop3A_262 : vector<16xf32>
        %parallel_loop3A_274 = math.exp %parallel_loop3A_273 : vector<16xf32>
        %parallel_loop3A_275 = arith.subf %parallel_loop3A_186, %parallel_loop3A_262 : vector<16xf32>
        %parallel_loop3A_276 = math.exp %parallel_loop3A_275 : vector<16xf32>
        %parallel_loop3A_277 = arith.subf %parallel_loop3A_190, %parallel_loop3A_262 : vector<16xf32>
        %parallel_loop3A_278 = math.exp %parallel_loop3A_277 : vector<16xf32>
        %parallel_loop3A_279 = arith.subf %parallel_loop3A_194, %parallel_loop3A_262 : vector<16xf32>
        %parallel_loop3A_280 = math.exp %parallel_loop3A_279 : vector<16xf32>
        %parallel_loop3A_281 = arith.subf %parallel_loop3A_198, %parallel_loop3A_262 : vector<16xf32>
        %parallel_loop3A_282 = math.exp %parallel_loop3A_281 : vector<16xf32>
        %parallel_loop3A_283 = arith.subf %parallel_loop3A_202, %parallel_loop3A_262 : vector<16xf32>
        %parallel_loop3A_284 = math.exp %parallel_loop3A_283 : vector<16xf32>
        %parallel_loop3A_285 = arith.subf %parallel_loop3A_206, %parallel_loop3A_262 : vector<16xf32>
        %parallel_loop3A_286 = math.exp %parallel_loop3A_285 : vector<16xf32>
        %parallel_loop3A_287 = arith.subf %parallel_loop3A_210, %parallel_loop3A_262 : vector<16xf32>
        %parallel_loop3A_288 = math.exp %parallel_loop3A_287 : vector<16xf32>
        %parallel_loop3A_289 = arith.subf %parallel_loop3A_214, %parallel_loop3A_262 : vector<16xf32>
        %parallel_loop3A_290 = math.exp %parallel_loop3A_289 : vector<16xf32>
        %parallel_loop3A_291 = arith.subf %parallel_loop3A_218, %parallel_loop3A_262 : vector<16xf32>
        %parallel_loop3A_292 = math.exp %parallel_loop3A_291 : vector<16xf32>
        %parallel_loop3A_293 = arith.subf %parallel_loop3A_222, %parallel_loop3A_262 : vector<16xf32>
        %parallel_loop3A_294 = math.exp %parallel_loop3A_293 : vector<16xf32>
        %parallel_loop3A_295 = arith.subf %parallel_loop3A_226, %parallel_loop3A_262 : vector<16xf32>
        %parallel_loop3A_296 = math.exp %parallel_loop3A_295 : vector<16xf32>
        %parallel_loop3A_297 = arith.subf %parallel_loop3A_230, %parallel_loop3A_262 : vector<16xf32>
        %parallel_loop3A_298 = math.exp %parallel_loop3A_297 : vector<16xf32>
        %parallel_loop3A_299 = arith.subf %parallel_loop3A_234, %parallel_loop3A_262 : vector<16xf32>
        %parallel_loop3A_300 = math.exp %parallel_loop3A_299 : vector<16xf32>
        %parallel_loop3A_301 = arith.subf %parallel_loop3A_238, %parallel_loop3A_262 : vector<16xf32>
        %parallel_loop3A_302 = math.exp %parallel_loop3A_301 : vector<16xf32>
        %parallel_loop3A_303 = arith.subf %parallel_loop3A_242, %parallel_loop3A_262 : vector<16xf32>
        %parallel_loop3A_304 = math.exp %parallel_loop3A_303 : vector<16xf32>
        %parallel_loop3A_305 = arith.addf %parallel_loop3A_264, %parallel_loop3A_266 : vector<16xf32>
        %parallel_loop3A_306 = arith.addf %parallel_loop3A_268, %parallel_loop3A_270 : vector<16xf32>
        %parallel_loop3A_307 = arith.addf %parallel_loop3A_272, %parallel_loop3A_274 : vector<16xf32>
        %parallel_loop3A_308 = arith.addf %parallel_loop3A_276, %parallel_loop3A_278 : vector<16xf32>
        %parallel_loop3A_309 = arith.addf %parallel_loop3A_280, %parallel_loop3A_282 : vector<16xf32>
        %parallel_loop3A_310 = arith.addf %parallel_loop3A_284, %parallel_loop3A_286 : vector<16xf32>
        %parallel_loop3A_311 = arith.addf %parallel_loop3A_288, %parallel_loop3A_290 : vector<16xf32>
        %parallel_loop3A_312 = arith.addf %parallel_loop3A_292, %parallel_loop3A_294 : vector<16xf32>
        %parallel_loop3A_313 = arith.addf %parallel_loop3A_296, %parallel_loop3A_298 : vector<16xf32>
        %parallel_loop3A_314 = arith.addf %parallel_loop3A_300, %parallel_loop3A_302 : vector<16xf32>
        %parallel_loop3A_315 = arith.addf %parallel_loop3A_305, %parallel_loop3A_306 : vector<16xf32>
        %parallel_loop3A_316 = arith.addf %parallel_loop3A_307, %parallel_loop3A_308 : vector<16xf32>
        %parallel_loop3A_317 = arith.addf %parallel_loop3A_309, %parallel_loop3A_310 : vector<16xf32>
        %parallel_loop3A_318 = arith.addf %parallel_loop3A_311, %parallel_loop3A_312 : vector<16xf32>
        %parallel_loop3A_319 = arith.addf %parallel_loop3A_313, %parallel_loop3A_314 : vector<16xf32>
        %parallel_loop3A_320 = arith.addf %parallel_loop3A_315, %parallel_loop3A_316 : vector<16xf32>
        %parallel_loop3A_321 = arith.addf %parallel_loop3A_317, %parallel_loop3A_318 : vector<16xf32>
        %parallel_loop3A_322 = arith.addf %parallel_loop3A_319, %parallel_loop3A_304 : vector<16xf32>
        %parallel_loop3A_323 = arith.addf %parallel_loop3A_320, %parallel_loop3A_321 : vector<16xf32>
        %parallel_loop3A_324 = arith.addf %parallel_loop3A_323, %parallel_loop3A_322 : vector<16xf32>
        %parallel_loop3A_325 = arith.constant 1.024000e+03 : f32
        %parallel_loop3A_326 = vector.broadcast %parallel_loop3A_325 : f32 to vector<16xf32>
        %parallel_loop3A_327 = arith.divf %parallel_loop3A_326, %parallel_loop3A_324 : vector<16xf32>
        %parallel_loop3A_328 = arith.index_cast %parallel_loop3A_158 : i32 to index
        %parallel_loop3A_329 = tpu.vector_load %arg9[%parallel_loop3A_328] {strides = array<i32>} : memref<1024xi32, #tpu.memory_space<vmem>>, vector<16xi32>,
        %parallel_loop3A_330 = arith.constant 1.000000e+00 : f32
        %parallel_loop3A_331 = vector.broadcast %parallel_loop3A_330 : f32 to vector<16xf32>
        %parallel_loop3A_332 = arith.constant 1.023000e+03 : f32
        %parallel_loop3A_333 = vector.broadcast %parallel_loop3A_332 : f32 to vector<16xf32>
        %parallel_loop3A_334 = arith.mulf %parallel_loop3A_264, %parallel_loop3A_327 : vector<16xf32>
        %parallel_loop3A_335 = arith.minimumf %parallel_loop3A_334, %parallel_loop3A_333 : vector<16xf32>
        %parallel_loop3A_336 = arith.fptosi %parallel_loop3A_335 : vector<16xf32> to vector<16xi32>
        %parallel_loop3A_337 = arith.constant 0 : i32
        %parallel_loop3A_338 = vector.broadcast %parallel_loop3A_337 : i32 to vector<16xi32>
        %parallel_loop3A_339 = arith.addi %parallel_loop3A_336, %parallel_loop3A_338 : vector<16xi32>
        %parallel_loop3A_340 = arith.constant 0 : i32
        %parallel_loop3A_341 = vector.broadcast %parallel_loop3A_340 : i32 to vector<16xi32>
        %parallel_loop3A_342 = arith.cmpi eq, %parallel_loop3A_329, %parallel_loop3A_341 : vector<16xi32>
        tpu.vector_store_idx %arg10[%parallel_loop3A_339], %parallel_loop3A_331 {add = true} : memref<21504xf32, #tpu.memory_space<vmem>>[vector<16xi32>], vector<16xf32>,
        tpu.vector_store_idx %arg11[%parallel_loop3A_339], %parallel_loop3A_331 masked %parallel_loop3A_342 {add = true} : memref<21504xf32, #tpu.memory_space<vmem>>[vector<16xi32>], vector<16xf32>, vector<16xi1>
        %parallel_loop3A_343 = arith.mulf %parallel_loop3A_266, %parallel_loop3A_327 : vector<16xf32>
        %parallel_loop3A_344 = arith.minimumf %parallel_loop3A_343, %parallel_loop3A_333 : vector<16xf32>
        %parallel_loop3A_345 = arith.fptosi %parallel_loop3A_344 : vector<16xf32> to vector<16xi32>
        %parallel_loop3A_346 = arith.constant 1024 : i32
        %parallel_loop3A_347 = vector.broadcast %parallel_loop3A_346 : i32 to vector<16xi32>
        %parallel_loop3A_348 = arith.addi %parallel_loop3A_345, %parallel_loop3A_347 : vector<16xi32>
        %parallel_loop3A_349 = arith.constant 1 : i32
        %parallel_loop3A_350 = vector.broadcast %parallel_loop3A_349 : i32 to vector<16xi32>
        %parallel_loop3A_351 = arith.cmpi eq, %parallel_loop3A_329, %parallel_loop3A_350 : vector<16xi32>
        tpu.vector_store_idx %arg10[%parallel_loop3A_348], %parallel_loop3A_331 {add = true} : memref<21504xf32, #tpu.memory_space<vmem>>[vector<16xi32>], vector<16xf32>,
        tpu.vector_store_idx %arg11[%parallel_loop3A_348], %parallel_loop3A_331 masked %parallel_loop3A_351 {add = true} : memref<21504xf32, #tpu.memory_space<vmem>>[vector<16xi32>], vector<16xf32>, vector<16xi1>
        %parallel_loop3A_352 = arith.mulf %parallel_loop3A_268, %parallel_loop3A_327 : vector<16xf32>
        %parallel_loop3A_353 = arith.minimumf %parallel_loop3A_352, %parallel_loop3A_333 : vector<16xf32>
        %parallel_loop3A_354 = arith.fptosi %parallel_loop3A_353 : vector<16xf32> to vector<16xi32>
        %parallel_loop3A_355 = arith.constant 2048 : i32
        %parallel_loop3A_356 = vector.broadcast %parallel_loop3A_355 : i32 to vector<16xi32>
        %parallel_loop3A_357 = arith.addi %parallel_loop3A_354, %parallel_loop3A_356 : vector<16xi32>
        %parallel_loop3A_358 = arith.constant 2 : i32
        %parallel_loop3A_359 = vector.broadcast %parallel_loop3A_358 : i32 to vector<16xi32>
        %parallel_loop3A_360 = arith.cmpi eq, %parallel_loop3A_329, %parallel_loop3A_359 : vector<16xi32>
        tpu.vector_store_idx %arg10[%parallel_loop3A_357], %parallel_loop3A_331 {add = true} : memref<21504xf32, #tpu.memory_space<vmem>>[vector<16xi32>], vector<16xf32>,
        tpu.vector_store_idx %arg11[%parallel_loop3A_357], %parallel_loop3A_331 masked %parallel_loop3A_360 {add = true} : memref<21504xf32, #tpu.memory_space<vmem>>[vector<16xi32>], vector<16xf32>, vector<16xi1>
        %parallel_loop3A_361 = arith.mulf %parallel_loop3A_270, %parallel_loop3A_327 : vector<16xf32>
        %parallel_loop3A_362 = arith.minimumf %parallel_loop3A_361, %parallel_loop3A_333 : vector<16xf32>
        %parallel_loop3A_363 = arith.fptosi %parallel_loop3A_362 : vector<16xf32> to vector<16xi32>
        %parallel_loop3A_364 = arith.constant 3072 : i32
        %parallel_loop3A_365 = vector.broadcast %parallel_loop3A_364 : i32 to vector<16xi32>
        %parallel_loop3A_366 = arith.addi %parallel_loop3A_363, %parallel_loop3A_365 : vector<16xi32>
        %parallel_loop3A_367 = arith.constant 3 : i32
        %parallel_loop3A_368 = vector.broadcast %parallel_loop3A_367 : i32 to vector<16xi32>
        %parallel_loop3A_369 = arith.cmpi eq, %parallel_loop3A_329, %parallel_loop3A_368 : vector<16xi32>
        tpu.vector_store_idx %arg10[%parallel_loop3A_366], %parallel_loop3A_331 {add = true} : memref<21504xf32, #tpu.memory_space<vmem>>[vector<16xi32>], vector<16xf32>,
        tpu.vector_store_idx %arg11[%parallel_loop3A_366], %parallel_loop3A_331 masked %parallel_loop3A_369 {add = true} : memref<21504xf32, #tpu.memory_space<vmem>>[vector<16xi32>], vector<16xf32>, vector<16xi1>
        %parallel_loop3A_370 = arith.mulf %parallel_loop3A_272, %parallel_loop3A_327 : vector<16xf32>
        %parallel_loop3A_371 = arith.minimumf %parallel_loop3A_370, %parallel_loop3A_333 : vector<16xf32>
        %parallel_loop3A_372 = arith.fptosi %parallel_loop3A_371 : vector<16xf32> to vector<16xi32>
        %parallel_loop3A_373 = arith.constant 4096 : i32
        %parallel_loop3A_374 = vector.broadcast %parallel_loop3A_373 : i32 to vector<16xi32>
        %parallel_loop3A_375 = arith.addi %parallel_loop3A_372, %parallel_loop3A_374 : vector<16xi32>
        %parallel_loop3A_376 = arith.constant 4 : i32
        %parallel_loop3A_377 = vector.broadcast %parallel_loop3A_376 : i32 to vector<16xi32>
        %parallel_loop3A_378 = arith.cmpi eq, %parallel_loop3A_329, %parallel_loop3A_377 : vector<16xi32>
        tpu.vector_store_idx %arg10[%parallel_loop3A_375], %parallel_loop3A_331 {add = true} : memref<21504xf32, #tpu.memory_space<vmem>>[vector<16xi32>], vector<16xf32>,
        tpu.vector_store_idx %arg11[%parallel_loop3A_375], %parallel_loop3A_331 masked %parallel_loop3A_378 {add = true} : memref<21504xf32, #tpu.memory_space<vmem>>[vector<16xi32>], vector<16xf32>, vector<16xi1>
        %parallel_loop3A_379 = arith.mulf %parallel_loop3A_274, %parallel_loop3A_327 : vector<16xf32>
        %parallel_loop3A_380 = arith.minimumf %parallel_loop3A_379, %parallel_loop3A_333 : vector<16xf32>
        %parallel_loop3A_381 = arith.fptosi %parallel_loop3A_380 : vector<16xf32> to vector<16xi32>
        %parallel_loop3A_382 = arith.constant 5120 : i32
        %parallel_loop3A_383 = vector.broadcast %parallel_loop3A_382 : i32 to vector<16xi32>
        %parallel_loop3A_384 = arith.addi %parallel_loop3A_381, %parallel_loop3A_383 : vector<16xi32>
        %parallel_loop3A_385 = arith.constant 5 : i32
        %parallel_loop3A_386 = vector.broadcast %parallel_loop3A_385 : i32 to vector<16xi32>
        %parallel_loop3A_387 = arith.cmpi eq, %parallel_loop3A_329, %parallel_loop3A_386 : vector<16xi32>
        tpu.vector_store_idx %arg10[%parallel_loop3A_384], %parallel_loop3A_331 {add = true} : memref<21504xf32, #tpu.memory_space<vmem>>[vector<16xi32>], vector<16xf32>,
        tpu.vector_store_idx %arg11[%parallel_loop3A_384], %parallel_loop3A_331 masked %parallel_loop3A_387 {add = true} : memref<21504xf32, #tpu.memory_space<vmem>>[vector<16xi32>], vector<16xf32>, vector<16xi1>
        %parallel_loop3A_388 = arith.mulf %parallel_loop3A_276, %parallel_loop3A_327 : vector<16xf32>
        %parallel_loop3A_389 = arith.minimumf %parallel_loop3A_388, %parallel_loop3A_333 : vector<16xf32>
        %parallel_loop3A_390 = arith.fptosi %parallel_loop3A_389 : vector<16xf32> to vector<16xi32>
        %parallel_loop3A_391 = arith.constant 6144 : i32
        %parallel_loop3A_392 = vector.broadcast %parallel_loop3A_391 : i32 to vector<16xi32>
        %parallel_loop3A_393 = arith.addi %parallel_loop3A_390, %parallel_loop3A_392 : vector<16xi32>
        %parallel_loop3A_394 = arith.constant 6 : i32
        %parallel_loop3A_395 = vector.broadcast %parallel_loop3A_394 : i32 to vector<16xi32>
        %parallel_loop3A_396 = arith.cmpi eq, %parallel_loop3A_329, %parallel_loop3A_395 : vector<16xi32>
        tpu.vector_store_idx %arg10[%parallel_loop3A_393], %parallel_loop3A_331 {add = true} : memref<21504xf32, #tpu.memory_space<vmem>>[vector<16xi32>], vector<16xf32>,
        tpu.vector_store_idx %arg11[%parallel_loop3A_393], %parallel_loop3A_331 masked %parallel_loop3A_396 {add = true} : memref<21504xf32, #tpu.memory_space<vmem>>[vector<16xi32>], vector<16xf32>, vector<16xi1>
        %parallel_loop3A_397 = arith.mulf %parallel_loop3A_278, %parallel_loop3A_327 : vector<16xf32>
        %parallel_loop3A_398 = arith.minimumf %parallel_loop3A_397, %parallel_loop3A_333 : vector<16xf32>
        %parallel_loop3A_399 = arith.fptosi %parallel_loop3A_398 : vector<16xf32> to vector<16xi32>
        %parallel_loop3A_400 = arith.constant 7168 : i32
        %parallel_loop3A_401 = vector.broadcast %parallel_loop3A_400 : i32 to vector<16xi32>
        %parallel_loop3A_402 = arith.addi %parallel_loop3A_399, %parallel_loop3A_401 : vector<16xi32>
        %parallel_loop3A_403 = arith.constant 7 : i32
        %parallel_loop3A_404 = vector.broadcast %parallel_loop3A_403 : i32 to vector<16xi32>
        %parallel_loop3A_405 = arith.cmpi eq, %parallel_loop3A_329, %parallel_loop3A_404 : vector<16xi32>
        tpu.vector_store_idx %arg10[%parallel_loop3A_402], %parallel_loop3A_331 {add = true} : memref<21504xf32, #tpu.memory_space<vmem>>[vector<16xi32>], vector<16xf32>,
        tpu.vector_store_idx %arg11[%parallel_loop3A_402], %parallel_loop3A_331 masked %parallel_loop3A_405 {add = true} : memref<21504xf32, #tpu.memory_space<vmem>>[vector<16xi32>], vector<16xf32>, vector<16xi1>
        %parallel_loop3A_406 = arith.mulf %parallel_loop3A_280, %parallel_loop3A_327 : vector<16xf32>
        %parallel_loop3A_407 = arith.minimumf %parallel_loop3A_406, %parallel_loop3A_333 : vector<16xf32>
        %parallel_loop3A_408 = arith.fptosi %parallel_loop3A_407 : vector<16xf32> to vector<16xi32>
        %parallel_loop3A_409 = arith.constant 8192 : i32
        %parallel_loop3A_410 = vector.broadcast %parallel_loop3A_409 : i32 to vector<16xi32>
        %parallel_loop3A_411 = arith.addi %parallel_loop3A_408, %parallel_loop3A_410 : vector<16xi32>
        %parallel_loop3A_412 = arith.constant 8 : i32
        %parallel_loop3A_413 = vector.broadcast %parallel_loop3A_412 : i32 to vector<16xi32>
        %parallel_loop3A_414 = arith.cmpi eq, %parallel_loop3A_329, %parallel_loop3A_413 : vector<16xi32>
        tpu.vector_store_idx %arg10[%parallel_loop3A_411], %parallel_loop3A_331 {add = true} : memref<21504xf32, #tpu.memory_space<vmem>>[vector<16xi32>], vector<16xf32>,
        tpu.vector_store_idx %arg11[%parallel_loop3A_411], %parallel_loop3A_331 masked %parallel_loop3A_414 {add = true} : memref<21504xf32, #tpu.memory_space<vmem>>[vector<16xi32>], vector<16xf32>, vector<16xi1>
        %parallel_loop3A_415 = arith.mulf %parallel_loop3A_282, %parallel_loop3A_327 : vector<16xf32>
        %parallel_loop3A_416 = arith.minimumf %parallel_loop3A_415, %parallel_loop3A_333 : vector<16xf32>
        %parallel_loop3A_417 = arith.fptosi %parallel_loop3A_416 : vector<16xf32> to vector<16xi32>
        %parallel_loop3A_418 = arith.constant 9216 : i32
        %parallel_loop3A_419 = vector.broadcast %parallel_loop3A_418 : i32 to vector<16xi32>
        %parallel_loop3A_420 = arith.addi %parallel_loop3A_417, %parallel_loop3A_419 : vector<16xi32>
        %parallel_loop3A_421 = arith.constant 9 : i32
        %parallel_loop3A_422 = vector.broadcast %parallel_loop3A_421 : i32 to vector<16xi32>
        %parallel_loop3A_423 = arith.cmpi eq, %parallel_loop3A_329, %parallel_loop3A_422 : vector<16xi32>
        tpu.vector_store_idx %arg10[%parallel_loop3A_420], %parallel_loop3A_331 {add = true} : memref<21504xf32, #tpu.memory_space<vmem>>[vector<16xi32>], vector<16xf32>,
        tpu.vector_store_idx %arg11[%parallel_loop3A_420], %parallel_loop3A_331 masked %parallel_loop3A_423 {add = true} : memref<21504xf32, #tpu.memory_space<vmem>>[vector<16xi32>], vector<16xf32>, vector<16xi1>
        %parallel_loop3A_424 = arith.mulf %parallel_loop3A_284, %parallel_loop3A_327 : vector<16xf32>
        %parallel_loop3A_425 = arith.minimumf %parallel_loop3A_424, %parallel_loop3A_333 : vector<16xf32>
        %parallel_loop3A_426 = arith.fptosi %parallel_loop3A_425 : vector<16xf32> to vector<16xi32>
        %parallel_loop3A_427 = arith.constant 10240 : i32
        %parallel_loop3A_428 = vector.broadcast %parallel_loop3A_427 : i32 to vector<16xi32>
        %parallel_loop3A_429 = arith.addi %parallel_loop3A_426, %parallel_loop3A_428 : vector<16xi32>
        %parallel_loop3A_430 = arith.constant 10 : i32
        %parallel_loop3A_431 = vector.broadcast %parallel_loop3A_430 : i32 to vector<16xi32>
        %parallel_loop3A_432 = arith.cmpi eq, %parallel_loop3A_329, %parallel_loop3A_431 : vector<16xi32>
        tpu.vector_store_idx %arg10[%parallel_loop3A_429], %parallel_loop3A_331 {add = true} : memref<21504xf32, #tpu.memory_space<vmem>>[vector<16xi32>], vector<16xf32>,
        tpu.vector_store_idx %arg11[%parallel_loop3A_429], %parallel_loop3A_331 masked %parallel_loop3A_432 {add = true} : memref<21504xf32, #tpu.memory_space<vmem>>[vector<16xi32>], vector<16xf32>, vector<16xi1>
        %parallel_loop3A_433 = arith.mulf %parallel_loop3A_286, %parallel_loop3A_327 : vector<16xf32>
        %parallel_loop3A_434 = arith.minimumf %parallel_loop3A_433, %parallel_loop3A_333 : vector<16xf32>
        %parallel_loop3A_435 = arith.fptosi %parallel_loop3A_434 : vector<16xf32> to vector<16xi32>
        %parallel_loop3A_436 = arith.constant 11264 : i32
        %parallel_loop3A_437 = vector.broadcast %parallel_loop3A_436 : i32 to vector<16xi32>
        %parallel_loop3A_438 = arith.addi %parallel_loop3A_435, %parallel_loop3A_437 : vector<16xi32>
        %parallel_loop3A_439 = arith.constant 11 : i32
        %parallel_loop3A_440 = vector.broadcast %parallel_loop3A_439 : i32 to vector<16xi32>
        %parallel_loop3A_441 = arith.cmpi eq, %parallel_loop3A_329, %parallel_loop3A_440 : vector<16xi32>
        tpu.vector_store_idx %arg10[%parallel_loop3A_438], %parallel_loop3A_331 {add = true} : memref<21504xf32, #tpu.memory_space<vmem>>[vector<16xi32>], vector<16xf32>,
        tpu.vector_store_idx %arg11[%parallel_loop3A_438], %parallel_loop3A_331 masked %parallel_loop3A_441 {add = true} : memref<21504xf32, #tpu.memory_space<vmem>>[vector<16xi32>], vector<16xf32>, vector<16xi1>
        %parallel_loop3A_442 = arith.mulf %parallel_loop3A_288, %parallel_loop3A_327 : vector<16xf32>
        %parallel_loop3A_443 = arith.minimumf %parallel_loop3A_442, %parallel_loop3A_333 : vector<16xf32>
        %parallel_loop3A_444 = arith.fptosi %parallel_loop3A_443 : vector<16xf32> to vector<16xi32>
        %parallel_loop3A_445 = arith.constant 12288 : i32
        %parallel_loop3A_446 = vector.broadcast %parallel_loop3A_445 : i32 to vector<16xi32>
        %parallel_loop3A_447 = arith.addi %parallel_loop3A_444, %parallel_loop3A_446 : vector<16xi32>
        %parallel_loop3A_448 = arith.constant 12 : i32
        %parallel_loop3A_449 = vector.broadcast %parallel_loop3A_448 : i32 to vector<16xi32>
        %parallel_loop3A_450 = arith.cmpi eq, %parallel_loop3A_329, %parallel_loop3A_449 : vector<16xi32>
        tpu.vector_store_idx %arg10[%parallel_loop3A_447], %parallel_loop3A_331 {add = true} : memref<21504xf32, #tpu.memory_space<vmem>>[vector<16xi32>], vector<16xf32>,
        tpu.vector_store_idx %arg11[%parallel_loop3A_447], %parallel_loop3A_331 masked %parallel_loop3A_450 {add = true} : memref<21504xf32, #tpu.memory_space<vmem>>[vector<16xi32>], vector<16xf32>, vector<16xi1>
        %parallel_loop3A_451 = arith.mulf %parallel_loop3A_290, %parallel_loop3A_327 : vector<16xf32>
        %parallel_loop3A_452 = arith.minimumf %parallel_loop3A_451, %parallel_loop3A_333 : vector<16xf32>
        %parallel_loop3A_453 = arith.fptosi %parallel_loop3A_452 : vector<16xf32> to vector<16xi32>
        %parallel_loop3A_454 = arith.constant 13312 : i32
        %parallel_loop3A_455 = vector.broadcast %parallel_loop3A_454 : i32 to vector<16xi32>
        %parallel_loop3A_456 = arith.addi %parallel_loop3A_453, %parallel_loop3A_455 : vector<16xi32>
        %parallel_loop3A_457 = arith.constant 13 : i32
        %parallel_loop3A_458 = vector.broadcast %parallel_loop3A_457 : i32 to vector<16xi32>
        %parallel_loop3A_459 = arith.cmpi eq, %parallel_loop3A_329, %parallel_loop3A_458 : vector<16xi32>
        tpu.vector_store_idx %arg10[%parallel_loop3A_456], %parallel_loop3A_331 {add = true} : memref<21504xf32, #tpu.memory_space<vmem>>[vector<16xi32>], vector<16xf32>,
        tpu.vector_store_idx %arg11[%parallel_loop3A_456], %parallel_loop3A_331 masked %parallel_loop3A_459 {add = true} : memref<21504xf32, #tpu.memory_space<vmem>>[vector<16xi32>], vector<16xf32>, vector<16xi1>
        %parallel_loop3A_460 = arith.mulf %parallel_loop3A_292, %parallel_loop3A_327 : vector<16xf32>
        %parallel_loop3A_461 = arith.minimumf %parallel_loop3A_460, %parallel_loop3A_333 : vector<16xf32>
        %parallel_loop3A_462 = arith.fptosi %parallel_loop3A_461 : vector<16xf32> to vector<16xi32>
        %parallel_loop3A_463 = arith.constant 14336 : i32
        %parallel_loop3A_464 = vector.broadcast %parallel_loop3A_463 : i32 to vector<16xi32>
        %parallel_loop3A_465 = arith.addi %parallel_loop3A_462, %parallel_loop3A_464 : vector<16xi32>
        %parallel_loop3A_466 = arith.constant 14 : i32
        %parallel_loop3A_467 = vector.broadcast %parallel_loop3A_466 : i32 to vector<16xi32>
        %parallel_loop3A_468 = arith.cmpi eq, %parallel_loop3A_329, %parallel_loop3A_467 : vector<16xi32>
        tpu.vector_store_idx %arg10[%parallel_loop3A_465], %parallel_loop3A_331 {add = true} : memref<21504xf32, #tpu.memory_space<vmem>>[vector<16xi32>], vector<16xf32>,
        tpu.vector_store_idx %arg11[%parallel_loop3A_465], %parallel_loop3A_331 masked %parallel_loop3A_468 {add = true} : memref<21504xf32, #tpu.memory_space<vmem>>[vector<16xi32>], vector<16xf32>, vector<16xi1>
        %parallel_loop3A_469 = arith.mulf %parallel_loop3A_294, %parallel_loop3A_327 : vector<16xf32>
        %parallel_loop3A_470 = arith.minimumf %parallel_loop3A_469, %parallel_loop3A_333 : vector<16xf32>
        %parallel_loop3A_471 = arith.fptosi %parallel_loop3A_470 : vector<16xf32> to vector<16xi32>
        %parallel_loop3A_472 = arith.constant 15360 : i32
        %parallel_loop3A_473 = vector.broadcast %parallel_loop3A_472 : i32 to vector<16xi32>
        %parallel_loop3A_474 = arith.addi %parallel_loop3A_471, %parallel_loop3A_473 : vector<16xi32>
        %parallel_loop3A_475 = arith.constant 15 : i32
        %parallel_loop3A_476 = vector.broadcast %parallel_loop3A_475 : i32 to vector<16xi32>
        %parallel_loop3A_477 = arith.cmpi eq, %parallel_loop3A_329, %parallel_loop3A_476 : vector<16xi32>
        tpu.vector_store_idx %arg10[%parallel_loop3A_474], %parallel_loop3A_331 {add = true} : memref<21504xf32, #tpu.memory_space<vmem>>[vector<16xi32>], vector<16xf32>,
        tpu.vector_store_idx %arg11[%parallel_loop3A_474], %parallel_loop3A_331 masked %parallel_loop3A_477 {add = true} : memref<21504xf32, #tpu.memory_space<vmem>>[vector<16xi32>], vector<16xf32>, vector<16xi1>
        %parallel_loop3A_478 = arith.mulf %parallel_loop3A_296, %parallel_loop3A_327 : vector<16xf32>
        %parallel_loop3A_479 = arith.minimumf %parallel_loop3A_478, %parallel_loop3A_333 : vector<16xf32>
        %parallel_loop3A_480 = arith.fptosi %parallel_loop3A_479 : vector<16xf32> to vector<16xi32>
        %parallel_loop3A_481 = arith.constant 16384 : i32
        %parallel_loop3A_482 = vector.broadcast %parallel_loop3A_481 : i32 to vector<16xi32>
        %parallel_loop3A_483 = arith.addi %parallel_loop3A_480, %parallel_loop3A_482 : vector<16xi32>
        %parallel_loop3A_484 = arith.constant 16 : i32
        %parallel_loop3A_485 = vector.broadcast %parallel_loop3A_484 : i32 to vector<16xi32>
        %parallel_loop3A_486 = arith.cmpi eq, %parallel_loop3A_329, %parallel_loop3A_485 : vector<16xi32>
        tpu.vector_store_idx %arg10[%parallel_loop3A_483], %parallel_loop3A_331 {add = true} : memref<21504xf32, #tpu.memory_space<vmem>>[vector<16xi32>], vector<16xf32>,
        tpu.vector_store_idx %arg11[%parallel_loop3A_483], %parallel_loop3A_331 masked %parallel_loop3A_486 {add = true} : memref<21504xf32, #tpu.memory_space<vmem>>[vector<16xi32>], vector<16xf32>, vector<16xi1>
        %parallel_loop3A_487 = arith.mulf %parallel_loop3A_298, %parallel_loop3A_327 : vector<16xf32>
        %parallel_loop3A_488 = arith.minimumf %parallel_loop3A_487, %parallel_loop3A_333 : vector<16xf32>
        %parallel_loop3A_489 = arith.fptosi %parallel_loop3A_488 : vector<16xf32> to vector<16xi32>
        %parallel_loop3A_490 = arith.constant 17408 : i32
        %parallel_loop3A_491 = vector.broadcast %parallel_loop3A_490 : i32 to vector<16xi32>
        %parallel_loop3A_492 = arith.addi %parallel_loop3A_489, %parallel_loop3A_491 : vector<16xi32>
        %parallel_loop3A_493 = arith.constant 17 : i32
        %parallel_loop3A_494 = vector.broadcast %parallel_loop3A_493 : i32 to vector<16xi32>
        %parallel_loop3A_495 = arith.cmpi eq, %parallel_loop3A_329, %parallel_loop3A_494 : vector<16xi32>
        tpu.vector_store_idx %arg10[%parallel_loop3A_492], %parallel_loop3A_331 {add = true} : memref<21504xf32, #tpu.memory_space<vmem>>[vector<16xi32>], vector<16xf32>,
        tpu.vector_store_idx %arg11[%parallel_loop3A_492], %parallel_loop3A_331 masked %parallel_loop3A_495 {add = true} : memref<21504xf32, #tpu.memory_space<vmem>>[vector<16xi32>], vector<16xf32>, vector<16xi1>
        %parallel_loop3A_496 = arith.mulf %parallel_loop3A_300, %parallel_loop3A_327 : vector<16xf32>
        %parallel_loop3A_497 = arith.minimumf %parallel_loop3A_496, %parallel_loop3A_333 : vector<16xf32>
        %parallel_loop3A_498 = arith.fptosi %parallel_loop3A_497 : vector<16xf32> to vector<16xi32>
        %parallel_loop3A_499 = arith.constant 18432 : i32
        %parallel_loop3A_500 = vector.broadcast %parallel_loop3A_499 : i32 to vector<16xi32>
        %parallel_loop3A_501 = arith.addi %parallel_loop3A_498, %parallel_loop3A_500 : vector<16xi32>
        %parallel_loop3A_502 = arith.constant 18 : i32
        %parallel_loop3A_503 = vector.broadcast %parallel_loop3A_502 : i32 to vector<16xi32>
        %parallel_loop3A_504 = arith.cmpi eq, %parallel_loop3A_329, %parallel_loop3A_503 : vector<16xi32>
        tpu.vector_store_idx %arg10[%parallel_loop3A_501], %parallel_loop3A_331 {add = true} : memref<21504xf32, #tpu.memory_space<vmem>>[vector<16xi32>], vector<16xf32>,
        tpu.vector_store_idx %arg11[%parallel_loop3A_501], %parallel_loop3A_331 masked %parallel_loop3A_504 {add = true} : memref<21504xf32, #tpu.memory_space<vmem>>[vector<16xi32>], vector<16xf32>, vector<16xi1>
        %parallel_loop3A_505 = arith.mulf %parallel_loop3A_302, %parallel_loop3A_327 : vector<16xf32>
        %parallel_loop3A_506 = arith.minimumf %parallel_loop3A_505, %parallel_loop3A_333 : vector<16xf32>
        %parallel_loop3A_507 = arith.fptosi %parallel_loop3A_506 : vector<16xf32> to vector<16xi32>
        %parallel_loop3A_508 = arith.constant 19456 : i32
        %parallel_loop3A_509 = vector.broadcast %parallel_loop3A_508 : i32 to vector<16xi32>
        %parallel_loop3A_510 = arith.addi %parallel_loop3A_507, %parallel_loop3A_509 : vector<16xi32>
        %parallel_loop3A_511 = arith.constant 19 : i32
        %parallel_loop3A_512 = vector.broadcast %parallel_loop3A_511 : i32 to vector<16xi32>
        %parallel_loop3A_513 = arith.cmpi eq, %parallel_loop3A_329, %parallel_loop3A_512 : vector<16xi32>
        tpu.vector_store_idx %arg10[%parallel_loop3A_510], %parallel_loop3A_331 {add = true} : memref<21504xf32, #tpu.memory_space<vmem>>[vector<16xi32>], vector<16xf32>,
        tpu.vector_store_idx %arg11[%parallel_loop3A_510], %parallel_loop3A_331 masked %parallel_loop3A_513 {add = true} : memref<21504xf32, #tpu.memory_space<vmem>>[vector<16xi32>], vector<16xf32>, vector<16xi1>
        %parallel_loop3A_514 = arith.mulf %parallel_loop3A_304, %parallel_loop3A_327 : vector<16xf32>
        %parallel_loop3A_515 = arith.minimumf %parallel_loop3A_514, %parallel_loop3A_333 : vector<16xf32>
        %parallel_loop3A_516 = arith.fptosi %parallel_loop3A_515 : vector<16xf32> to vector<16xi32>
        %parallel_loop3A_517 = arith.constant 20480 : i32
        %parallel_loop3A_518 = vector.broadcast %parallel_loop3A_517 : i32 to vector<16xi32>
        %parallel_loop3A_519 = arith.addi %parallel_loop3A_516, %parallel_loop3A_518 : vector<16xi32>
        %parallel_loop3A_520 = arith.constant 20 : i32
        %parallel_loop3A_521 = vector.broadcast %parallel_loop3A_520 : i32 to vector<16xi32>
        %parallel_loop3A_522 = arith.cmpi eq, %parallel_loop3A_329, %parallel_loop3A_521 : vector<16xi32>
        tpu.vector_store_idx %arg10[%parallel_loop3A_519], %parallel_loop3A_331 {add = true} : memref<21504xf32, #tpu.memory_space<vmem>>[vector<16xi32>], vector<16xf32>,
        tpu.vector_store_idx %arg11[%parallel_loop3A_519], %parallel_loop3A_331 masked %parallel_loop3A_522 {add = true} : memref<21504xf32, #tpu.memory_space<vmem>>[vector<16xi32>], vector<16xf32>, vector<16xi1>
      } {sc.loop_unroll_factor = 2 : i64, sc.parallel_access}
    }
    %scan3A_52 = arith.constant 16 : i32
    "tpu.region"() ({
      %run_scoped3A = tpu.sem_alloc : memref<!tpu.dma_semaphore, #tpu.memory_space<semaphore_mem>>
      %dma_start3A_53 = arith.constant 0 : i32
      %dma_start3A_54 = tpu.memref_slice %arg4[%add3A, %dma_start3A_53] : memref<32x21504xf32, #tpu.memory_space<hbm>> -> memref<1x21504xf32, #tpu.memory_space<hbm>>
      %dma_start3A_55 = tpu.memref_squeeze %dma_start3A_54 : memref<1x21504xf32, #tpu.memory_space<hbm>> -> memref<21504xf32, #tpu.memory_space<hbm>>
      %dma_start3A_56 = arith.constant 0 : i32
      %dma_start3A_57 = tpu.memref_slice %arg4[%add3A, %dma_start3A_56] : memref<32x21504xf32, #tpu.memory_space<hbm>> -> memref<1x21504xf32, #tpu.memory_space<hbm>>
      %dma_start3A_58 = tpu.memref_squeeze %dma_start3A_57 : memref<1x21504xf32, #tpu.memory_space<hbm>> -> memref<21504xf32, #tpu.memory_space<hbm>>
      tpu.enqueue_dma source(%arg10 : memref<21504xf32, #tpu.memory_space<vmem>>) target(%dma_start3A_58 : memref<21504xf32, #tpu.memory_space<hbm>>) target_semaphore(%run_scoped3A : memref<!tpu.dma_semaphore, #tpu.memory_space<semaphore_mem>>)
      %dma_wait3A = arith.constant 0 : i32
      %dma_wait3A_59 = tpu.memref_slice %arg4[%add3A, %dma_wait3A] : memref<32x21504xf32, #tpu.memory_space<hbm>> -> memref<1x21504xf32, #tpu.memory_space<hbm>>
      %dma_wait3A_60 = tpu.memref_squeeze %dma_wait3A_59 : memref<1x21504xf32, #tpu.memory_space<hbm>> -> memref<21504xf32, #tpu.memory_space<hbm>>
      %dma_wait3A_61 = arith.constant 0 : i32
      %dma_wait3A_62 = tpu.memref_slice %arg4[%add3A, %dma_wait3A_61] : memref<32x21504xf32, #tpu.memory_space<hbm>> -> memref<1x21504xf32, #tpu.memory_space<hbm>>
      %dma_wait3A_63 = tpu.memref_squeeze %dma_wait3A_62 : memref<1x21504xf32, #tpu.memory_space<hbm>> -> memref<21504xf32, #tpu.memory_space<hbm>>
      tpu.wait_dma2 semaphore(%run_scoped3A : memref<!tpu.dma_semaphore, #tpu.memory_space<semaphore_mem>>) src(%arg10 : memref<21504xf32, #tpu.memory_space<vmem>>) dst(%dma_wait3A_63 : memref<21504xf32, #tpu.memory_space<hbm>>)
      tpu.yield
    }) : () -> ()
    "tpu.region"() ({
      %run_scoped3A = tpu.sem_alloc : memref<!tpu.dma_semaphore, #tpu.memory_space<semaphore_mem>>
      %dma_start3A_53 = arith.constant 0 : i32
      %dma_start3A_54 = tpu.memref_slice %arg5[%add3A, %dma_start3A_53] : memref<32x21504xf32, #tpu.memory_space<hbm>> -> memref<1x21504xf32, #tpu.memory_space<hbm>>
      %dma_start3A_55 = tpu.memref_squeeze %dma_start3A_54 : memref<1x21504xf32, #tpu.memory_space<hbm>> -> memref<21504xf32, #tpu.memory_space<hbm>>
      %dma_start3A_56 = arith.constant 0 : i32
      %dma_start3A_57 = tpu.memref_slice %arg5[%add3A, %dma_start3A_56] : memref<32x21504xf32, #tpu.memory_space<hbm>> -> memref<1x21504xf32, #tpu.memory_space<hbm>>
      %dma_start3A_58 = tpu.memref_squeeze %dma_start3A_57 : memref<1x21504xf32, #tpu.memory_space<hbm>> -> memref<21504xf32, #tpu.memory_space<hbm>>
      tpu.enqueue_dma source(%arg11 : memref<21504xf32, #tpu.memory_space<vmem>>) target(%dma_start3A_58 : memref<21504xf32, #tpu.memory_space<hbm>>) target_semaphore(%run_scoped3A : memref<!tpu.dma_semaphore, #tpu.memory_space<semaphore_mem>>)
      %dma_wait3A = arith.constant 0 : i32
      %dma_wait3A_59 = tpu.memref_slice %arg5[%add3A, %dma_wait3A] : memref<32x21504xf32, #tpu.memory_space<hbm>> -> memref<1x21504xf32, #tpu.memory_space<hbm>>
      %dma_wait3A_60 = tpu.memref_squeeze %dma_wait3A_59 : memref<1x21504xf32, #tpu.memory_space<hbm>> -> memref<21504xf32, #tpu.memory_space<hbm>>
      %dma_wait3A_61 = arith.constant 0 : i32
      %dma_wait3A_62 = tpu.memref_slice %arg5[%add3A, %dma_wait3A_61] : memref<32x21504xf32, #tpu.memory_space<hbm>> -> memref<1x21504xf32, #tpu.memory_space<hbm>>
      %dma_wait3A_63 = tpu.memref_squeeze %dma_wait3A_62 : memref<1x21504xf32, #tpu.memory_space<hbm>> -> memref<21504xf32, #tpu.memory_space<hbm>>
      tpu.wait_dma2 semaphore(%run_scoped3A : memref<!tpu.dma_semaphore, #tpu.memory_space<semaphore_mem>>) src(%arg11 : memref<21504xf32, #tpu.memory_space<vmem>>) dst(%dma_wait3A_63 : memref<21504xf32, #tpu.memory_space<hbm>>)
      tpu.yield
    }) : () -> ()
    return
  }
}

module attributes {stable_mosaic.version = 14 : i64} {
  func.func @body(%arg0: memref<32x21x1024xf32, #tpu.memory_space<vmem>>, %arg1: memref<32x21x1024xf32, #tpu.memory_space<vmem>>, %arg2: memref<1x1xf32, #tpu.memory_space<vmem>>) attributes {dimension_semantics = [], scalar_prefetch = 0 : i64, scratch_operands = 0 : i64, tpu.core_type = #tpu.core_type<tc>} {
    %get3A = arith.constant 0 : index
    %get3A_0 = arith.constant 0 : index
    %get3A_1 = arith.constant 0 : index
    %get3A_2 = vector.load %arg0[%get3A, %get3A_0, %get3A_1] : memref<32x21x1024xf32, #tpu.memory_space<vmem>>, vector<32x21x1024xf32>
    %reduce_sum3A = arith.constant dense<0.000000e+00> : vector<21x1024xf32>
    %reduce_sum3A_3 = vector.multi_reduction <add>, %get3A_2, %reduce_sum3A [0] : vector<32x21x1024xf32> to vector<21x1024xf32>
    %get3A_4 = arith.constant 0 : index
    %get3A_5 = arith.constant 0 : index
    %get3A_6 = arith.constant 0 : index
    %get3A_7 = vector.load %arg1[%get3A_4, %get3A_5, %get3A_6] : memref<32x21x1024xf32, #tpu.memory_space<vmem>>, vector<32x21x1024xf32>
    %reduce_sum3A_8 = arith.constant dense<0.000000e+00> : vector<21x1024xf32>
    %reduce_sum3A_9 = vector.multi_reduction <add>, %get3A_7, %reduce_sum3A_8 [0] : vector<32x21x1024xf32> to vector<21x1024xf32>
    %reduce_sum3A_10 = arith.constant dense<0.000000e+00> : vector<21xf32>
    %reduce_sum3A_11 = vector.multi_reduction <add>, %reduce_sum3A_9, %reduce_sum3A_10 [1] : vector<21x1024xf32> to vector<21xf32>
    %broadcast_in_dim3A = vector.shape_cast %reduce_sum3A_11 : vector<21xf32> to vector<21x1xf32>
    %iota3A = tpu.iota {dimensions = array<i32: 0>} : vector<1024x1024xi32>
    %iota3A_12 = tpu.iota {dimensions = array<i32: 1>} : vector<1024x1024xi32>
    %ge3A = arith.cmpi sge, %iota3A, %iota3A_12 : vector<1024x1024xi32>
    %convert_element_type3A = arith.extui %ge3A : vector<1024x1024xi1> to vector<1024x1024xi32>
    %convert_element_type3A_13 = arith.sitofp %convert_element_type3A : vector<1024x1024xi32> to vector<1024x1024xf32>
    %add3A = arith.addi %iota3A, %iota3A_12 : vector<1024x1024xi32>
    %le3A = arith.constant 1023 : i32
    %le3A_14 = vector.broadcast %le3A : i32 to vector<1024x1024xi32>
    %le3A_15 = arith.cmpi sle, %add3A, %le3A_14 : vector<1024x1024xi32>
    %convert_element_type3A_16 = arith.extui %le3A_15 : vector<1024x1024xi1> to vector<1024x1024xi32>
    %convert_element_type3A_17 = arith.sitofp %convert_element_type3A_16 : vector<1024x1024xi32> to vector<1024x1024xf32>
    %sub3A = arith.subf %reduce_sum3A_3, %reduce_sum3A_9 : vector<21x1024xf32>
    %dot_general3A = arith.constant dense<0.000000e+00> : vector<21x1024xf32>
    %dot_general3A_18 = tpu.matmul %sub3A, %convert_element_type3A_13, %dot_general3A {dimension_numbers = #tpu.dot_dimension_numbers<[1], [0], [0], [1], [0, 0, 1, 1], [], []>, precision = #tpu.contract_precision<fp32>, transpose_lhs_hint = false} : vector<21x1024xf32>, vector<1024x1024xf32>, vector<21x1024xf32> -> vector<21x1024xf32>
    %dot_general3A_19 = arith.constant dense<0.000000e+00> : vector<21x1024xf32>
    %dot_general3A_20 = tpu.matmul %reduce_sum3A_9, %convert_element_type3A_17, %dot_general3A_19 {dimension_numbers = #tpu.dot_dimension_numbers<[1], [0], [0], [1], [0, 0, 1, 1], [], []>, precision = #tpu.contract_precision<fp32>, transpose_lhs_hint = false} : vector<21x1024xf32>, vector<1024x1024xf32>, vector<21x1024xf32> -> vector<21x1024xf32>
    %add3A_21 = arith.addf %dot_general3A_18, %dot_general3A_20 : vector<21x1024xf32>
    %dot_general3A_22 = arith.constant dense<0.000000e+00> : vector<21x1024xf32>
    %dot_general3A_23 = tpu.matmul %reduce_sum3A_9, %convert_element_type3A_17, %dot_general3A_22 {dimension_numbers = #tpu.dot_dimension_numbers<[1], [0], [0], [1], [0, 0, 1, 1], [], []>, precision = #tpu.contract_precision<fp32>, transpose_lhs_hint = false} : vector<21x1024xf32>, vector<1024x1024xf32>, vector<21x1024xf32> -> vector<21x1024xf32>
    %add3A_24 = vector.broadcast %broadcast_in_dim3A : vector<21x1xf32> to vector<21x1024xf32>
    %add3A_25 = arith.addf %add3A_24, %add3A_21 : vector<21x1024xf32>
    %sub3A_26 = arith.subf %add3A_25, %dot_general3A_23 : vector<21x1024xf32>
    %max3A = arith.constant 1.000000e+00 : f32
    %max3A_27 = vector.broadcast %max3A : f32 to vector<21x1024xf32>
    %max3A_28 = arith.maximumf %sub3A_26, %max3A_27 : vector<21x1024xf32>
    %div3A = arith.divf %add3A_21, %max3A_28 : vector<21x1024xf32>
    %reduce_sum3A_29 = arith.constant dense<0.000000e+00> : vector<21xf32>
    %reduce_sum3A_30 = vector.multi_reduction <add>, %div3A, %reduce_sum3A_29 [1] : vector<21x1024xf32> to vector<21xf32>
    %slice3A = vector.extract_strided_slice %div3A {offsets = [0, 0], sizes = [21, 1], strides = [1, 1]} : vector<21x1024xf32> to vector<21x1xf32>
    %squeeze3A = vector.shape_cast %slice3A : vector<21x1xf32> to vector<21xf32>
    %sub3A_31 = arith.subf %reduce_sum3A_30, %squeeze3A : vector<21xf32>
    %add3A_32 = arith.constant 5.000000e-01 : f32
    %add3A_33 = vector.broadcast %add3A_32 : f32 to vector<21xf32>
    %add3A_34 = arith.addf %sub3A_31, %add3A_33 : vector<21xf32>
    %div3A_35 = arith.constant 1.024000e+03 : f32
    %div3A_36 = vector.broadcast %div3A_35 : f32 to vector<21xf32>
    %div3A_37 = arith.divf %add3A_34, %div3A_36 : vector<21xf32>
    %squeeze3A_38 = vector.shape_cast %broadcast_in_dim3A : vector<21x1xf32> to vector<21xf32>
    %gt3A = arith.constant 0.000000e+00 : f32
    %gt3A_39 = vector.broadcast %gt3A : f32 to vector<21xf32>
    %gt3A_40 = arith.cmpf ogt, %squeeze3A_38, %gt3A_39 : vector<21xf32>
    %convert_element_type3A_41 = arith.extui %gt3A_40 : vector<21xi1> to vector<21xi32>
    %convert_element_type3A_42 = arith.sitofp %convert_element_type3A_41 : vector<21xi32> to vector<21xf32>
    %reduce_sum3A_43 = vector.shape_cast %convert_element_type3A_42 : vector<21xf32> to vector<1x21xf32>
    %reduce_sum3A_44 = arith.constant dense<0.000000e+00> : vector<1xf32>
    %reduce_sum3A_45 = vector.multi_reduction <add>, %reduce_sum3A_43, %reduce_sum3A_44 [1] : vector<1x21xf32> to vector<1xf32>
    %reduce_sum3A_46 = vector.shape_cast %reduce_sum3A_45 : vector<1xf32> to vector<1x1xf32>
    %reduce_sum3A_47 = vector.extract %reduce_sum3A_46[0, 0] : f32 from vector<1x1xf32>
    %mul3A = arith.mulf %div3A_37, %convert_element_type3A_42 : vector<21xf32>
    %reduce_sum3A_48 = vector.shape_cast %mul3A : vector<21xf32> to vector<1x21xf32>
    %reduce_sum3A_49 = arith.constant dense<0.000000e+00> : vector<1xf32>
    %reduce_sum3A_50 = vector.multi_reduction <add>, %reduce_sum3A_48, %reduce_sum3A_49 [1] : vector<1x21xf32> to vector<1xf32>
    %reduce_sum3A_51 = vector.shape_cast %reduce_sum3A_50 : vector<1xf32> to vector<1x1xf32>
    %reduce_sum3A_52 = vector.extract %reduce_sum3A_51[0, 0] : f32 from vector<1x1xf32>
    %gt3A_53 = arith.constant 0.000000e+00 : f32
    %gt3A_54 = arith.cmpf ogt, %reduce_sum3A_47, %gt3A_53 : f32
    %max3A_55 = arith.constant 1.000000e+00 : f32
    %max3A_56 = arith.maximumf %reduce_sum3A_47, %max3A_55 : f32
    %div3A_57 = arith.divf %reduce_sum3A_52, %max3A_56 : f32
    %jit3A = arith.constant 0.000000e+00 : f32
    %select_n3A = arith.select %gt3A_54, %div3A_57, %jit3A : f32
    %broadcast_in_dim3A_58 = vector.broadcast %select_n3A : f32 to vector<1x1xf32>
    %swap3A = arith.constant 0 : index
    %swap3A_59 = arith.constant 0 : index
    %swap3A_60 = vector.load %arg2[%swap3A, %swap3A_59] : memref<1x1xf32, #tpu.memory_space<vmem>>, vector<1x1xf32>
    tpu.vector_store %arg2[%swap3A, %swap3A_59], %broadcast_in_dim3A_58 {strides = array<i32>} : memref<1x1xf32, #tpu.memory_space<vmem>>, vector<1x1xf32>,
    return
  }
}

</mosaic_0001>

<sc_bundles>
// kernel: kernel.4.cloned.1.call-start
scs
__scs_entry_jumppad:
0x0: {  	(pc) =	sbr.rel $0x88, $3  }
0x1: {  	(tag) =	ssettag $0x0;
	lr =	simm.s32 $0x1  }
0x2: {  	[smem:$0x3F9F] =	sst lr;
	_ =	strace $0xD0000000  }
0x3: {  	_ = 	snop  }
0x4: {  	_ = 	snop  }
0x5: {  	_ = 	snop  }
0x6: {  	_ = 	snop  }
0x7: {  	_ = 	snop  }
__scs_overlays_trampoline_lowered:
0x8: {  	[smem:$0x3FAE] =	sst s0  }
0x9: {  	[smem:$0x3FAF] =	sst s1  }
0xa: {  	[smem:$0x3FB0] =	sst s2  }
0xb: {  	[smem:$0x3FB1] =	sst s3  }
0xc: {  	[smem:$0x3FB2] =	sst s4  }
0xd: {  	[smem:$0x3FB3] =	sst s5  }
0xe: {  	[smem:$0x3FB4] =	sst s6  }
0xf: {  	[smem:$0x3FB5] =	sst s7  }
0x10: {  	[smem:$0x3FB6] =	sst s8  }
0x11: {  	[smem:$0x3FB7] =	sst s9;
	s0 =	simm.s32 @!p0 $0x0  }
0x12: {  	s1 =	sld [smem:$0x3F9D];
	s0 =	simm.s32 @p0 $0x1  }
0x13: {  	[smem:$0x3FB8] =	sst s0;
	s0 =	simm.s32 @!p1 $0x0  }
0x14: {  	s2 =	sld [smem:$0x3F9C];
	s0 =	simm.s32 @p1 $0x1  }
0x15: {  	[smem:$0x3FB9] =	sst s0;
	s0 =	simm.s32 @!p2 $0x0  }
0x16: {  	s3 =	sld [smem:$0x3FDB];
	s0 =	simm.s32 @p2 $0x1  }
0x17: {  	s4 =	simm.s32 $0x1BF5;
	[smem:$0x3FBB] =	sst s0  }
0x18: {  	s0 =	sld [smem:$0x3F9E];
	_ =	swait.ge [sflag:s4], $0x0  }
0x19: {  	s7 =	sld [smem:$0x3F9F]  }
0x1a: {  	s8 =	sadd.s32 $0xFFFFE003, lr  }
0x1b: {  	s9 =	sadd.s32 $0xFFFFFEF7, lr;
	s5 =	simm.s32 $0xFFFFFFFF;
	p2 =	slt.u32 s8, $0xFFFFF086  }
0x1c: {  	p1 =	slt.u32 s9, $0xF7A;
	s5 =	simm.s32 @!p2 $0x0  }
0x1d: {  	s5 =	simm.s32 @p1 $0x1;
	p0 =	seq.s32 s7, s2  }
0x1e: {  	s7 =	smul.u32 @!p0 $0xF7A, s2;
	p2 =	seq.s32 @!p0 s5, $0x0  }
0x1f: {  	s9 =	smul.u32 $0xF7A, s1;
	s8 =	simm.s32 @!p0 $0x1BF5;
	p2 =	por !p2, p0  }
0x20: {  	[sflag:s8] =	ssyncset.s32 @!p0 $0xFFFFF086;
	s6 =	sadd.s32 @!p0 s3, s7;
	s7 =	simm.s32 @!p0 $0x108  }
0x21: {  	s3 =	sadd.s32 s3, s9;
	s6 =	sadd.s32 @!p0 $0x88, s6;
	s7 =	simm.s32 @p2 $0x1082  }
0x22: {  	[simem:s7], [sflag:s8] =	dma.local @!p0 [hbm:s6], $0xF7A  }
0x23: {  	s9 =	sor.u32 $0xD0000000, s2;
	s6 =	simm.s32 $0x108;
	_ =	swait.ge @!p0 [sflag:s8], $0x0  }
0x24: {  	s3 =	sadd.s32 $0x88, s3;
	s6 =	simm.s32 @!p1 $0x1082;
	[sflag:s4] =	ssyncset.s32 $0xFFFFF086  }
0x25: {  	[simem:s6], [sflag:s4] =	dma.local [hbm:s3], $0xF7A  }
0x26: {  	[smem:$0x3F9F] =	sst s1;
	(tag) =	ssettag s2;
	_ =	strace s9  }
0x27: {  	s1 =	sld [smem:$0x3FAF]  }
0x28: {  	s2 =	sld [smem:$0x3FB0]  }
0x29: {  	s4 =	sld [smem:$0x3FB2]  }
0x2a: {  	p0 =	seq.s32 s5, $0x0;
	s5 =	sld [smem:$0x3FB3]  }
0x2b: {  	s6 =	sld [smem:$0x3FB4]  }
0x2c: {  	s7 =	sld [smem:$0x3FB5]  }
0x2d: {  	s3 =	simm.s32 $0x108;
	s8 =	sld [smem:$0x3FB6]  }
0x2e: {  	s3 =	simm.s32 @!p0 $0x1082;
	s9 =	sld [smem:$0x3FB7]  }
0x2f: {  	lr =	sadd.s32 s0, s3;
	s0 =	sld [smem:$0x3FAE]  }
0x30: {  	s3 =	sld [smem:$0x3FB1]  }
0x31: {  	[smem:$0x3FBA] =	sst s10  }
0x32: {  	s10 =	sld [smem:$0x3FB8];
	_ =	sdelay $0x3  }
0x33: {  	p0 =	seq.s32 s10, $0x1;
	s10 =	sld [smem:$0x3FBA];
	_ =	sdelay $0x3  }
0x34: {  	[smem:$0x3FBA] =	sst s10  }
0x35: {  	s10 =	sld [smem:$0x3FB9];
	_ =	sdelay $0x3  }
0x36: {  	p1 =	seq.s32 s10, $0x1;
	s10 =	sld [smem:$0x3FBA];
	_ =	sdelay $0x3  }
0x37: {  	[smem:$0x3FBA] =	sst s10  }
0x38: {  	s10 =	sld [smem:$0x3FBB]  }
0x39: {  	_ = 	snop;
	(pc) =	sbr.ind lr, $3  }
0x3a: {  	_ = 	snop  }
0x3b: {  	_ = 	snop  }
0x3c: {  	p2 =	seq.s32 s10, $0x1;
	s10 =	sld [smem:$0x3FBA]  }
0x3d: {  	_ =	shalt  }
0x3e: {  	_ =	shalt  }
0x3f: {  	_ =	shalt  }
0x40: {  	_ =	shalt  }
0x41: {  	_ =	shalt  }
0x42: {  	_ =	shalt  }
0x43: {  	_ =	shalt  }
0x44: {  	_ =	shalt  }
0x45: {  	_ =	shalt  }
0x46: {  	_ =	shalt  }
0x47: {  	_ =	shalt  }
0x48: {  	_ =	shalt  }
0x49: {  	_ =	shalt  }
0x4a: {  	_ =	shalt  }
0x4b: {  	_ =	shalt  }
0x4c: {  	_ =	shalt  }
0x4d: {  	_ =	shalt  }
0x4e: {  	_ =	shalt  }
0x4f: {  	_ =	shalt  }
0x50: {  	_ =	shalt  }
0x51: {  	_ =	shalt  }
0x52: {  	_ =	shalt  }
0x53: {  	_ =	shalt  }
0x54: {  	_ =	shalt  }
0x55: {  	_ =	shalt  }
0x56: {  	_ =	shalt  }
0x57: {  	_ =	shalt  }
0x58: {  	_ =	shalt  }
0x59: {  	_ =	shalt  }
0x5a: {  	_ =	shalt  }
0x5b: {  	_ =	shalt  }
0x5c: {  	_ =	shalt  }
0x5d: {  	_ =	shalt  }
0x5e: {  	_ =	shalt  }
0x5f: {  	_ =	shalt  }
0x60: {  	_ =	shalt  }
0x61: {  	_ =	shalt  }
0x62: {  	_ =	shalt  }
0x63: {  	_ =	shalt  }
0x64: {  	_ =	shalt  }
0x65: {  	_ =	shalt  }
0x66: {  	_ =	shalt  }
0x67: {  	_ =	shalt  }
0x68: {  	_ =	shalt  }
0x69: {  	_ =	shalt  }
0x6a: {  	_ =	shalt  }
0x6b: {  	_ =	shalt  }
0x6c: {  	_ =	shalt  }
0x6d: {  	_ =	shalt  }
0x6e: {  	_ =	shalt  }
0x6f: {  	_ =	shalt  }
0x70: {  	_ =	shalt  }
0x71: {  	_ =	shalt  }
0x72: {  	_ =	shalt  }
0x73: {  	_ =	shalt  }
0x74: {  	_ =	shalt  }
0x75: {  	_ =	shalt  }
0x76: {  	_ =	shalt  }
0x77: {  	_ =	shalt  }
0x78: {  	_ =	shalt  }
0x79: {  	_ =	shalt  }
0x7a: {  	_ =	shalt  }
0x7b: {  	_ =	shalt  }
0x7c: {  	_ =	shalt  }
0x7d: {  	_ =	shalt  }
0x7e: {  	_ =	shalt  }
0x7f: {  	_ =	shalt  }
0x80: {  	_ =	shalt  }
0x81: {  	_ =	shalt  }
0x82: {  	_ =	shalt  }
0x83: {  	_ =	shalt  }
0x84: {  	_ =	shalt  }
0x85: {  	_ =	shalt  }
0x86: {  	_ =	shalt  }
0x87: {  	_ =	shalt  }
.Lfunc_end0:
.L_simem_size_0:
called_computation_lowered:
.L_overlay_start_0:
0x88: {  	s2 =	sld [smem:$0x3FD9]  }
0x89: {  	s3 =	sld [smem:$0x3FFE];
	_ =	sdelay $0x1  }
0x8a: {  	s1 =	srdreg.scid  }
0x8b: {  	s0 =	sand.u32 $0x1, s1  }
0x8c: {  	s16 =	sshll.u32 s0, $0xA;
	s2 =	sadd.s32 s3, s2  }
0x8d: {  	s2 =	sadd.s32 s2, s16  }
0x8e: {  	[smem:$0x3FC6] =	sst s2  }
0x8f: {  	_ = 	snop  }
0x90: {  	(tm) =	ssettm $0x1  }
0x91: {  	s17 =	sld [smem:$0x3FFB];
	_ =	sdelay $0x3  }
0x92: {  	_ =	strace s17  }
0x93: {  	s2 =	sld [smem:$0x3FFC];
	_ =	sdelay $0x3  }
0x94: {  	_ =	strace s2  }
0x95: {  	s2 =	sld [smem:$0x3FFD];
	_ =	sdelay $0x3  }
0x96: {  	_ =	strace s2  }
0x97: {  	_ =	strace $0x8FFFFFFF  }
0x98: {  	s18 =	sld [smem:$0x3FDB];
	_ =	sdelay $0x1  }
0x99: {  	s19 =	simm.s32 $_scs_section_size  }
0x9a: {  	s4 =	simm.s32 $_size__tile_overlayer_lowered;
	s5 =	simm.s32 $_tile_overlayer_lowered  }
0x9b: {  	s22 =	simm.s32 $0x1BFF;
	s21 =	sshll.u32 s5, $0x1;
	s2 =	sadd.s32 s19, s18  }
0x9c: {  	s6 =	simm.s32 $0x0;
	s20 =	sshll.u32 s4, $0x1;
	s4 =	sadd.s32 s21, s2  }
0x9d: {  	[timem:s6], [sflag:s22] =	dma.local [hbm:s4], s20  }
0x9e: {  	_ =	swait.ge [sflag:s22], s20  }
0x9f: {  	s3 =	ssub.s32 $0x0, s20;
	[sflag:s22] =	ssyncset.done $0x0  }
0xa0: {  	[sflag:s22] =	ssyncadd.s32 s3;
	_ =	sdelay $0x1  }
0xa1: {  	s23 =	simm.s32 $0x1B8B  }
0xa2: {  	_ =	swait.ge [sflag:s23], $0x1  }
0xa3: {  	[sflag:s23] =	ssyncset.done $0x0  }
0xa4: {  	s25 =	simm.s32 $0x1B8E;
	s24 =	sld [smem:$0x3FFE];
	[sflag:s23] =	ssyncadd.s32 $0xFFFFFFFF  }
0xa5: {  	s26 =	simm.s32 $execute0_lowered;
	[smem:$0x3FD2] =	sst s25  }
0xa6: {  	s4 =	sshll.u32 s26, $0x1;
	_ =	strace $0x80000046;
	[dreg:$0x1] =	wrdreg $0xFFFFFFFF  }
0xa7: {  	s28 =	simm.s32 $_size_execute0_lowered;
	s2 =	sadd.s32 s2, s4;
	[dreg:$0x0] =	wrdreg $0x0  }
0xa8: {  	s4 =	sshll.u32 s28, $0x1;
	[dreg:$0x2] =	wrdreg s2  }
0xa9: {  	[dreg:$0x3] =	wrdreg s4  }
0xaa: {  	[dreg:$0x4] =	wrdreg $0xC0  }
0xab: {  	_ =	task [dreg:s6], $0x5FFFF  }
0xac: {  	[dreg:$0x1] =	wrdreg $0xFFFFFFFF  }
0xad: {  	[dreg:$0x0] =	wrdreg $0x60  }
0xae: {  	[dreg:$0x2] =	wrdreg s24  }
0xaf: {  	[dreg:$0x3] =	wrdreg $0x9  }
0xb0: {  	_ =	task.clear_ibuf [dreg:s6], $0x4FFFF;
	_ =	strace $0x90000046  }
0xb1: {  	s29 =	simm.s32 $0x9;
	_ =	strace $0x80000048  }
0xb2: {  	_ =	swait.ge [sflag:s29], $0x1  }
0xb3: {  	[sflag:s29] =	ssyncadd.s32 $0xFFFFFFFF  }
0xb4: {  	_ =	strace $0x90000048  }
0xb5: {  	_ =	sfence  }
0xb6: {  	s30 =	sld [smem:$0x0];
	_ =	sdelay $0x2  }
0xb7: {  	s31 =	sshll.u32 s1, $0xD;
	s1 =	sshrl.u32 s1, $0x2  }
0xb8: {  	s3 =	sand.u32 $0x4000, s31;
	s1 =	sadd.s32 s1, s30  }
0xb9: {  	s0 =	sor.u32 s3, s0;
	s1 =	sshll.u32 s1, $0x11  }
0xba: {  	s0 =	sor.u32 s1, s0  }
0xbb: {  	s0 =	sadd.s32 $0x8F2B, s0  }
0xbc: {  	[sflag:s0] =	ssyncadd.remote.s32 $0x1  }
0xbd: {  	_ =	sfence.sel $0xFFFF  }
0xbe: {  	[dreg:$0x0] =	wrdreg $0xFFFFFFFF;
	(pc) =	sbr.abs _section_cstart, $3  }
0xbf: {  	[dreg:$0x1] =	wrdreg $0xFFFFFFFF  }
0xc0: {  	_ =	task.clear_ibuf [dreg:s6], $0x2FFFF;
	_ =	strace $0x9FFFFFFF  }
0xc1: {  	(tm) =	ssettm $0x7FFFFFFF  }
tec
execute0_lowered:
.L_overlay_start_1:
0x0: {  	(tag) =	ssettag $0x1  }
0x1: {  	s0 =	rddreg [dreg:$0x0];
	s1 =	srdreg.scid  }
0x2: {  	s3 =	stileid.u32;
	s10 =	simm.s32 $0x0;
	s21 =	simm.s32 $0x1  }
0x3: {  	s28 =	simm.s32 $0x0;
	s1 =	sand.u32 $0x1, s1;
	s2 =	sshll.u32 s3, $0x1  }
0x4: {  	s4 =	sshrl.u32 s3, $0x2;
	[smem:$0x7FF] =	sst s10;
	s3 =	sadd.s32 $0x20A00, s0  }
0x5: {  	s11 =	sadd.s32 $0xA00, s0;
	s2 =	sor.u32 s1, s2;
	s5 =	smul.u32 $0x2A000, s4  }
0x6: {  	_ =	strace $0x80000047;
	s1 =	ssub.s32 $0x2, s1;
	s22 =	smul.u32 $0x600000, s4  }
0x7: {  	s4 =	sshll.u32 s4, $0x4;
	[dreg:$0x4] =	wrdreg s11;
	s6 =	sshll.u32 s2, $0x7  }
0x8: {  	s7 =	sshll.u32 s2, $0x8;
	s8 =	sshrl.u32 s1, $0x1;
	s24 =	sshll.u32 s2, $0xF  }
0x9: {  	s4 =	sadd.s32 s11, s4;
	s6 =	sand.u32 $0x380, s6;
	[dreg:$0x3] =	wrdreg s22  }
0xa: {  	s7 =	sand.u32 $0x700, s7;
	s1 =	ssub.s32 s1, s8;
	[dreg:$0x6] =	wrdreg s4  }
0xb: {  	[dreg:$0xc] =	wrdreg s24;
	s29 =	sor.u32 $0x800, s24;
	s9 =	sshll.u32 s7, $0xA  }
0xc: {  	s6 =	sor.u32 s5, s6;
	[dreg:$0x8] =	wrdreg s29;
	s23 =	sor.u32 s22, s9  }
0xd: {  	s31 =	smax.u32 s1, $0x1;
	s6 =	sshrl.u32 s6, $0x3;
	s25 =	sshrl.u32 s23, $0x3  }
0xe: {  	[dreg:$0xb] =	wrdreg s31;
	s0 =	sadd.s32 s6, s0;
	s2 =	sadd.s32 s3, s25  }
0xf: {  	s8 =	simm.s32 $0x80;
	s30 =	sadd.s32 $0x320A00, s0;
	[dreg:$0x5] =	wrdreg s2  }
0x10: {  	s26 =	sshll.u32 s7, $0x6;
	s0 =	sadd.s32 $0x335A00, s0;
	[dreg:$0x9] =	wrdreg s30  }
0x11: {  	s24 =	simm.s32 $0x2;
	s2 =	sadd.s32 s26, s4;
	[dreg:$0xa] =	wrdreg s0  }
0x12: {  	v0 =	vimm.f32 $0.0e+00;
	v1 =	vimm.f32 $1.000000000e+00;
	s22 =	simm.s32 $0xC800;
	s23 =	simm.s32 $0x11C00;
	[dreg:$0x7] =	wrdreg s2  }
.LBB2_1:
0x13: {  	[dreg:$0x2] =	wrdreg s10;
	s0 =	simm.s32 $0x40;
	s1 =	simm.s32 $0x0  }
.LBB2_2:
0x14: {  	p0 =	sne.s32 s0, $0x14FC0;
	[tilespmem:s1+$0xC800] =	vst v0;
	s2 =	smov.u32 s0;
	s0 =	sadd.s32 $0x40, s0  }
.Ltmp0:
0x15: {  	[tilespmem:s1+$0x11C00] =	vst v0;
	(pc) =	sbr.rel @p0 .LBB2_2-.Ltmp0, $2  }
0x16: {  	_ =	sdelay $0x2  }
0x17: {  	s1 =	sshra.s32 s2, $0x2  }
0x18: {  	[tilespmem:s1+$0xC800] =	vst v0;
	s0 =	rddreg [dreg:$0x5]  }
0x19: {  	[tilespmem:s1+$0x11C00] =	vst v0;
	s25 =	simm.s32 $0x2000;
	s2 =	simm.s32 $0x200000;
	s26 =	rddreg [dreg:$0x7]  }
0x1a: {  	[tilespmem:s28], [sflag:$0x1] =	stream.strided.gather [hbm4b:s0+s25], $0x6000, s2, s25, $0x38;
	[tilespmem:$0x17000] =	vst v63  }
0x1b: {  	s30 =	simm.s32 $0x200;
	s31 =	simm.s32 $0xC000;
	s29 =	simm.s32 $0x0  }
0x1c: {  	[tilespmem:s31], [sflag:$0x1] =	stream.strided.gather [hbm4b:s26+s8], $0x400, s30, s8, $0x38;
	[tilespmem:$0x17000] =	vst v63  }
.LBB2_4:
0x1d: {  	s30 =	sshll.u32 s29, $0xB;
	s0 =	rddreg [dreg:$0xc]  }
0x1e: {  	s0 =	sor.u32 s30, s0  }
0x1f: {  	s0 =	sshrl.u32 s0, $0x7  }
0x20: {  	s0 =	sand.u32 $0x7F0, s0  }
0x21: {  	s0 =	sor.u32 $0x8, s0  }
0x22: {  	s2 =	rddreg [dreg:$0x3];
	s1 =	sshll.u32 s0, $0xA  }
0x23: {  	s14 =	simm.s32 $0x2000;
	s1 =	sor.u32 s2, s1  }
0x24: {  	s4 =	simm.s32 $0x200000;
	s5 =	simm.s32 $0x6000;
	s1 =	sshrl.u32 s1, $0x3  }
0x25: {  	s15 =	rddreg [dreg:$0x6];
	s0 =	sshll.u32 s0, $0x6;
	s1 =	sadd.s32 s3, s1  }
0x26: {  	[tilespmem:s5], [sflag:$0x2] =	stream.strided.gather [hbm4b:s1+s14], $0x6000, s4, s14, $0x38;
	[tilespmem:$0x17000] =	vst v63  }
0x27: {  	s16 =	simm.s32 $0x200;
	s17 =	simm.s32 $0xC400;
	s0 =	sadd.s32 s0, s15  }
0x28: {  	[tilespmem:s17], [sflag:$0x2] =	stream.strided.gather [hbm4b:s0+s8], $0x400, s16, s8, $0x38;
	[tilespmem:$0x17000] =	vst v63  }
0x29: {  	_ =	swait.ge [sflag:s21], $0x6000  }
0x2a: {  	[sflag:s21] =	ssyncset.done $0x0  }
0x2b: {  	[sflag:s21] =	ssyncadd.s32 $0xFFFFA000  }
0x2c: {  	s1 =	sand.u32 $0x60, s28;
	s4 =	sand.u32 $0x1C00, s28;
	_ =	swait.ge [sflag:s21], $0x400  }
0x2d: {  	s11 =	sor.u32 $0x4000, s4;
	s0 =	sor.u32 $0x10, s1;
	[sflag:s21] =	ssyncset.done $0x0  }
0x2e: {  	s12 =	sor.u32 $0x4080, s4;
	s18 =	sor.u32 s0, s11;
	[sflag:s21] =	ssyncadd.s32 $0xFFFFFC00  }
0x2f: {  	s9 =	sor.u32 $0x4100, s4;
	s19 =	sor.u32 s0, s12;
	v0 =	vld [tilespmem:s18+$0x0]  }
0x30: {  	s7 =	sor.u32 $0x4180, s4;
	s20 =	sor.u32 s0, s9;
	v2 =	vld [tilespmem:s19+$0x0]  }
0x31: {  	s25 =	sor.u32 s0, s7;
	v3 =	vld [tilespmem:s20+$0x0]  }
0x32: {  	s13 =	sor.u32 s0, s4;
	v4 =	vld [tilespmem:s25+$0x0]  }
0x33: {  	v5 =	vld [tilespmem:s13+$0x0]  }
0x34: {  	v6 =	vld [tilespmem:s13+$0x80]  }
0x35: {  	v7 =	vld [tilespmem:s13+$0x100]  }
0x36: {  	v8 =	vld [tilespmem:s13+$0x180]  }
0x37: {  	v9 =	vld [tilespmem:s13+$0x200]  }
0x38: {  	v10 =	vld [tilespmem:s13+$0x280]  }
0x39: {  	s17 =	sor.u32 $0x2180, s4;
	v11 =	vld [tilespmem:s13+$0x300]  }
0x3a: {  	s16 =	sor.u32 $0x2200, s4;
	s10 =	sor.u32 s0, s17;
	v12 =	vld [tilespmem:s13+$0x380]  }
0x3b: {  	s15 =	sor.u32 $0x2280, s4;
	v16 =	vld [tilespmem:s10+$0x0];
	s13 =	sor.u32 s0, s16  }
0x3c: {  	s20 =	sor.u32 $0x2000, s4;
	s25 =	sor.u32 s0, s15;
	v17 =	vld [tilespmem:s13+$0x0]  }
0x3d: {  	s19 =	sor.u32 $0x2080, s4;
	s26 =	sor.u32 s0, s20;
	v18 =	vld [tilespmem:s25+$0x0]  }
0x3e: {  	s18 =	sor.u32 $0x2100, s4;
	s5 =	sor.u32 s0, s19;
	v13 =	vld [tilespmem:s26+$0x0]  }
0x3f: {  	s14 =	sor.u32 $0x2300, s4;
	s6 =	sor.u32 s0, s18;
	v14 =	vld [tilespmem:s5+$0x0]  }
0x40: {  	v15 =	vld [tilespmem:s6+$0x0];
	s26 =	sor.u32 $0x2380, s4;
	s5 =	sor.u32 s0, s14  }
0x41: {  	v19 =	vld [tilespmem:s5+$0x0];
	s6 =	sor.u32 s0, s26  }
0x42: {  	v22 =	vld [tilespmem:s6+$0x0]  }
0x43: {  	s10 =	sor.u32 $0x4200, s4  }
0x44: {  	s25 =	sor.u32 s0, s10;
	v20 =	vmax.f32 v0, v2;
	v21 =	vmax.f32 v3, v4  }
0x45: {  	v23 =	vld [tilespmem:s25+$0x0];
	v24 =	vmax.f32 v5, v6;
	v25 =	vmax.f32 v7, v8;
	v26 =	vmax.f32 v9, v10  }
0x46: {  	v27 =	vmax.f32 v11, v12;
	v30 =	vmax.f32 v17, v18;
	v24 =	vmax.f32 v24, v25  }
0x47: {  	v28 =	vmax.f32 v13, v14;
	v29 =	vmax.f32 v15, v16;
	v31 =	vmax.f32 v19, v22  }
0x48: {  	v25 =	vmax.f32 v26, v27;
	v26 =	vmax.f32 v28, v29;
	v27 =	vmax.f32 v30, v31  }
0x49: {  	v20 =	vmax.f32 v20, v21;
	v21 =	vmax.f32 v24, v25;
	v24 =	vmax.f32 v26, v27  }
0x4a: {  	v20 =	vmax.f32 v20, v23;
	v21 =	vmax.f32 v21, v24  }
0x4b: {  	v24 =	vmax.f32 v21, v20  }
0x4c: {  	v0 =	vsub.f32 v0, v24  }
0x4d: {  	v2 =	vsub.f32 v2, v24  }
0x4e: {  	v3 =	vsub.f32 v3, v24;
	v0 =	vmul.f32 $1.442695020e+00, v0  }
0x4f: {  	v4 =	vsub.f32 v4, v24;
	v2 =	vmul.f32 $1.442695020e+00, v2  }
0x50: {  	v5 =	vsub.f32 v5, v24;
	v3 =	vmul.f32 $1.442695020e+00, v3;
	(erf) = vpow2.f32 v0  }
0x51: {  	v4 =	vmul.f32 $1.442695020e+00, v4;
	v0 =	vsub.f32 v6, v24;
	(erf) = vpow2.f32 v2  }
0x52: {  	v2 =	vmul.f32 $1.442695020e+00, v5;
	v5 =	vsub.f32 v7, v24;
	(erf) = vpow2.f32 v3  }
0x53: {  	v6 =	vsub.f32 v8, v24;
	v3 =	vmul.f32 $1.442695020e+00, v0;
	(erf) = vpow2.f32 v4  }
0x54: {  	v4 =	vmul.f32 $1.442695020e+00, v5;
	v5 =	vsub.f32 v9, v24;
	(erf) = vpow2.f32 v2  }
0x55: {  	v7 =	vsub.f32 v10, v24;
	v6 =	vmul.f32 $1.442695020e+00, v6;
	(erf) = vpow2.f32 v3  }
0x56: {  	v9 =	vsub.f32 v11, v24;
	v8 =	vmul.f32 $1.442695020e+00, v5;
	(erf) = vpow2.f32 v4  }
0x57: {  	s4 =	sor.u32 s1, s4;
	v4 =	vmul.f32 $1.442695020e+00, v7;
	v7 =	vsub.f32 v12, v24;
	(erf) = vpow2.f32 v6  }
0x58: {  	s20 =	sor.u32 s1, s20;
	v0 =	vld [tilespmem:s4+$0x0];
	v11 =	vsub.f32 v13, v24;
	v10 =	vmul.f32 $1.442695020e+00, v9;
	(erf) = vpow2.f32 v8  }
0x59: {  	s19 =	sor.u32 s1, s19;
	v2 =	vld [tilespmem:s20+$0x0];
	v7 =	vmul.f32 $1.442695020e+00, v7;
	v8 =	vsub.f32 v14, v24;
	(erf) = vpow2.f32 v4;
	v34 =	vpop (erf)  }
0x5a: {  	s18 =	sor.u32 s1, s18;
	v13 =	vsub.f32 v15, v24;
	v3 =	vld [tilespmem:s19+$0x0];
	v4 =	vmul.f32 $1.442695020e+00, v11;
	(erf) = vpow2.f32 v10;
	v33 =	vpop (erf)  }
0x5b: {  	s17 =	sor.u32 s1, s17;
	v5 =	vld [tilespmem:s18+$0x0];
	v8 =	vmul.f32 $1.442695020e+00, v8;
	v10 =	vsub.f32 v16, v24;
	(erf) = vpow2.f32 v7;
	v37 =	vpop (erf)  }
0x5c: {  	s16 =	sor.u32 s1, s16;
	v13 =	vmul.f32 $1.442695020e+00, v13;
	v6 =	vld [tilespmem:s17+$0x0];
	v14 =	vsub.f32 v17, v24;
	[tilespmem:$0x1FC80] =	vst v34;
	(erf) = vpow2.f32 v4;
	v38 =	vpop (erf)  }
0x5d: {  	s15 =	sor.u32 s1, s15;
	v9 =	vld [tilespmem:s16+$0x0];
	[tilespmem:$0x1FC90] =	vst v33;
	v4 =	vmul.f32 $1.442695020e+00, v10;
	v10 =	vsub.f32 v18, v24;
	v35 =	vpop (erf);
	(erf) = vpow2.f32 v8  }
0x5e: {  	s14 =	sor.u32 s1, s14;
	v15 =	vsub.f32 v19, v24;
	v14 =	vmul.f32 $1.442695020e+00, v14;
	v11 =	vld [tilespmem:s15+$0x0];
	[tilespmem:$0x1FCA0] =	vst v37;
	v20 =	vpop (erf);
	(erf) = vpow2.f32 v13  }
0x5f: {  	s13 =	sor.u32 s1, s26;
	v16 =	vsub.f32 v22, v24;
	v12 =	vld [tilespmem:s14+$0x0];
	[tilespmem:$0x1FCB0] =	vst v38;
	v10 =	vmul.f32 $1.442695020e+00, v10;
	v21 =	vpop (erf);
	(erf) = vpow2.f32 v4  }
0x60: {  	v7 =	vld [tilespmem:s13+$0x0];
	v4 =	vmul.f32 $1.442695020e+00, v15;
	v41 =	vpop (erf);
	(erf) = vpow2.f32 v14  }
0x61: {  	v8 =	vld [tilespmem:s4+$0x80];
	v14 =	vmul.f32 $1.442695020e+00, v16;
	v44 =	vpop (erf);
	(erf) = vpow2.f32 v10  }
0x62: {  	v13 =	vld [tilespmem:s4+$0x100];
	v43 =	vpop (erf);
	(erf) = vpow2.f32 v4  }
0x63: {  	v25 =	vld [tilespmem:s4+$0x180];
	[tilespmem:$0x1FC10] =	vst v41;
	v4 =	vmax.f32 v2, v3;
	v45 =	vpop (erf);
	(erf) = vpow2.f32 v14  }
0x64: {  	v33 =	vadd.f32 v33, v34;
	v15 =	vld [tilespmem:s4+$0x200];
	v14 =	vmax.f32 v5, v6;
	v47 =	vpop (erf)  }
0x65: {  	v38 =	vadd.f32 v38, v37;
	v16 =	vsub.f32 v23, v24;
	v10 =	vld [tilespmem:s4+$0x280];
	[tilespmem:$0x1FC20] =	vst v43;
	v36 =	vpop (erf)  }
0x66: {  	v40 =	vadd.f32 v20, v35;
	v26 =	vld [tilespmem:s4+$0x300];
	[tilespmem:$0x1FC30] =	vst v45;
	v22 =	vmax.f32 v4, v14;
	v4 =	vpop (erf)  }
0x67: {  	s11 =	sor.u32 s1, s11;
	v33 =	vadd.f32 v38, v33;
	v18 =	vmax.f32 v9, v11;
	v17 =	vmul.f32 $1.442695020e+00, v16;
	v27 =	vld [tilespmem:s4+$0x380];
	[tilespmem:$0x1FC40] =	vst v47;
	v14 =	vpop (erf)  }
0x68: {  	s12 =	sor.u32 s1, s12;
	v41 =	vadd.f32 v41, v21;
	v19 =	vmax.f32 v12, v7;
	v23 =	vmax.f32 v0, v8;
	v28 =	vld [tilespmem:s11+$0x0];
	[tilespmem:$0x1FC50] =	vst v36;
	v54 =	vpop (erf)  }
0x69: {  	s9 =	sor.u32 s1, s9;
	v24 =	vmax.f32 v13, v25;
	v43 =	vadd.f32 v43, v44;
	(erf) = vpow2.f32 v17;
	v29 =	vld [tilespmem:s12+$0x0];
	[tilespmem:$0x1FC60] =	vst v4;
	v53 =	vpop (erf)  }
0x6a: {  	s13 =	sor.u32 s1, s7;
	v42 =	vmax.f32 v18, v19;
	v23 =	vmax.f32 v23, v24;
	v45 =	vadd.f32 v47, v45;
	v30 =	vld [tilespmem:s9+$0x0];
	[tilespmem:$0x1FC70] =	vst v14;
	v52 =	vpop (erf)  }
0x6b: {  	v24 =	vadd.f32 v41, v40;
	v19 =	vmov v44;
	v63 =	vadd.f32 v4, v36;
	v31 =	vld [tilespmem:s13+$0x0];
	v44 =	vpop (erf)  }
0x6c: {  	s1 =	sor.u32 s1, s10;
	v45 =	vadd.f32 v45, v43;
	v48 =	vadd.f32 v54, v14;
	v37 =	vpop (erf)  }
0x6d: {  	v49 =	vld [tilespmem:s1+$0x0];
	v51 =	vadd.f32 v52, v53;
	v56 =	vadd.f32 v37, v44  }
0x6e: {  	v22 =	vmax.f32 v22, v42;
	v32 =	vmax.f32 v15, v10;
	v24 =	vadd.f32 v45, v24  }
0x6f: {  	v39 =	vmax.f32 v26, v27;
	v47 =	vadd.f32 v48, v63;
	v48 =	vadd.f32 v56, v51  }
0x70: {  	v32 =	vmax.f32 v32, v39;
	v46 =	vmax.f32 v28, v29;
	v50 =	vmax.f32 v30, v31  }
0x71: {  	v23 =	vmax.f32 v23, v32;
	v51 =	vmax.f32 v46, v50;
	v55 =	vadd.f32 v48, v47  }
0x72: {  	v23 =	vmax.f32 v23, v22;
	v36 =	vpop (erf);
	v56 =	vmax.f32 v51, v49  }
0x73: {  	v57 =	vmax.f32 v23, v56;
	v23 =	vadd.f32 v33, v36;
	v24 =	vadd.f32 v55, v24  }
0x74: {  	v0 =	vsub.f32 v0, v57;
	v8 =	vsub.f32 v8, v57  }
0x75: {  	v13 =	vsub.f32 v13, v57;
	v23 =	vadd.f32 v24, v23  }
0x76: {  	v15 =	vsub.f32 v15, v57;
	v0 =	vmul.f32 $1.442695020e+00, v0;
	v8 =	vmul.f32 $1.442695020e+00, v8  }
0x77: {  	v13 =	vmul.f32 $1.442695020e+00, v13;
	v24 =	vsub.f32 v25, v57;
	(erf) = vrcp.f32 v23  }
0x78: {  	v3 =	vsub.f32 v3, v57;
	v15 =	vmul.f32 $1.442695020e+00, v15;
	(erf) = vpow2.f32 v0  }
0x79: {  	v0 =	vsub.f32 v10, v57;
	v10 =	vmul.f32 $1.442695020e+00, v24;
	(erf) = vpow2.f32 v8  }
0x7a: {  	v3 =	vmul.f32 $1.442695020e+00, v3;
	v8 =	vsub.f32 v26, v57;
	(erf) = vpow2.f32 v13  }
0x7b: {  	v13 =	vsub.f32 v27, v57;
	v0 =	vmul.f32 $1.442695020e+00, v0;
	(erf) = vpow2.f32 v10  }
0x7c: {  	v2 =	vsub.f32 v2, v57;
	v8 =	vmul.f32 $1.442695020e+00, v8;
	(erf) = vpow2.f32 v15  }
0x7d: {  	v6 =	vsub.f32 v6, v57;
	v10 =	vmul.f32 $1.442695020e+00, v13;
	(erf) = vpow2.f32 v0  }
0x7e: {  	v0 =	vsub.f32 v5, v57;
	v5 =	vmul.f32 $1.442695020e+00, v2;
	(erf) = vpow2.f32 v8  }
0x7f: {  	v6 =	vmul.f32 $1.442695020e+00, v6;
	(erf) = vpow2.f32 v10  }
0x80: {  	v0 =	vmul.f32 $1.442695020e+00, v0;
	v18 =	vpop (erf);
	(erf) = vpow2.f32 v5;
	v5 =	vsub.f32 v11, v57  }
0x81: {  	s14 =	simm.s32 $0x100;
	s1 =	simm.s32 $0x20;
	v8 =	vsub.f32 v9, v57;
	v2 =	vpop (erf);
	(erf) = vpow2.f32 v3  }
0x82: {  	s11 =	sand.u32 $0x1C00, s14;
	s25 =	sand.u32 $0x60, s1;
	[tilespmem:$0x1FD60] =	vst v2;
	v4 =	vpop (erf);
	(erf) = vpow2.f32 v0;
	v5 =	vmul.f32 $1.442695020e+00, v5  }
0x83: {  	s31 =	sor.u32 $0x4000, s11;
	s18 =	sor.u32 $0x10, s25;
	v8 =	vmul.f32 $1.442695020e+00, v8;
	[tilespmem:$0x1FCC0] =	vst v4;
	v15 =	vpop (erf)  }
0x84: {  	s7 =	sor.u32 $0x4080, s11;
	s15 =	sor.u32 s18, s31;
	v3 =	vsub.f32 v12, v57;
	(erf) = vpow2.f32 v6;
	[tilespmem:$0x1FCD0] =	vst v15;
	v6 =	vpop (erf)  }
0x85: {  	s9 =	sor.u32 $0x4100, s11;
	s16 =	sor.u32 s18, s7;
	v0 =	vsub.f32 v7, v57;
	(erf) = vpow2.f32 v8;
	v16 =	vld [tilespmem:s15+$0x0];
	[tilespmem:$0x1FCE0] =	vst v6;
	v17 =	vpop (erf)  }
0x86: {  	s17 =	sor.u32 s18, s9;
	v7 =	vsub.f32 v28, v57;
	v3 =	vmul.f32 $1.442695020e+00, v3;
	(erf) = vpow2.f32 v5;
	v14 =	vld [tilespmem:s16+$0x0];
	[tilespmem:$0x1FCF0] =	vst v17;
	v5 =	vpop (erf)  }
0x87: {  	s19 =	sor.u32 s18, s11;
	v9 =	vsub.f32 v29, v57;
	v0 =	vmul.f32 $1.442695020e+00, v0;
	v8 =	vld [tilespmem:s17+$0x0];
	[tilespmem:$0x1FD00] =	vst v5;
	v22 =	vpop (erf)  }
0x88: {  	v10 =	vsub.f32 v30, v57;
	v7 =	vmul.f32 $1.442695020e+00, v7;
	(erf) = vpow2.f32 v3;
	v11 =	vld [tilespmem:s19+$0x0];
	[tilespmem:$0x1FD10] =	vst v22;
	v23 =	vpop (erf)  }
0x89: {  	v9 =	vmul.f32 $1.442695020e+00, v9;
	(erf) = vpow2.f32 v0;
	v12 =	vld [tilespmem:s19+$0x80];
	[tilespmem:$0x1FD20] =	vst v23;
	v24 =	vpop (erf)  }
0x8a: {  	v0 =	vmul.f32 $1.442695020e+00, v10;
	(erf) = vpow2.f32 v7;
	v10 =	vld [tilespmem:s19+$0x100];
	[tilespmem:$0x1FD30] =	vst v24;
	v25 =	vpop (erf)  }
0x8b: {  	v3 =	vsub.f32 v31, v57;
	(erf) = vpow2.f32 v9;
	v9 =	vld [tilespmem:s19+$0x180];
	[tilespmem:$0x1FD40] =	vst v25;
	v26 =	vpop (erf)  }
0x8c: {  	v13 =	vld [tilespmem:s19+$0x200];
	[tilespmem:$0x1FD50] =	vst v26  }
0x8d: {  	v3 =	vmul.f32 $1.442695020e+00, v3;
	v45 =	vld [tilespmem:s19+$0x280]  }
0x8e: {  	s26 =	sor.u32 $0x2000, s11;
	(erf) = vpow2.f32 v0;
	v48 =	vld [tilespmem:s19+$0x300]  }
0x8f: {  	s14 =	sor.u32 $0x2080, s11;
	s20 =	sor.u32 s18, s26;
	(erf) = vpow2.f32 v3;
	v51 =	vld [tilespmem:s19+$0x380]  }
0x90: {  	s2 =	sor.u32 $0x2100, s11;
	s5 =	sor.u32 s18, s14;
	v0 =	vsub.f32 v49, v57;
	v55 =	vpop (erf);
	v49 =	vld [tilespmem:s20+$0x0]  }
0x91: {  	s6 =	sor.u32 s18, s2;
	s15 =	sor.u32 $0x2180, s11;
	v43 =	vadd.f32 v5, v17;
	v38 =	vpop (erf);
	v56 =	vld [tilespmem:s5+$0x0]  }
0x92: {  	s16 =	sor.u32 $0x2200, s11;
	s10 =	sor.u32 s18, s15;
	v7 =	vadd.f32 v6, v15;
	v3 =	vadd.f32 v4, v2;
	v59 =	vld [tilespmem:s6+$0x0];
	v39 =	vpop (erf)  }
0x93: {  	s17 =	sor.u32 $0x2280, s11;
	s12 =	sor.u32 s18, s16;
	v46 =	vadd.f32 v23, v22;
	v58 =	vadd.f32 v25, v24;
	v62 =	vld [tilespmem:s10+$0x0];
	v40 =	vpop (erf)  }
0x94: {  	s13 =	sor.u32 s18, s17;
	v60 =	vadd.f32 v55, v26;
	s19 =	sor.u32 $0x2300, s11;
	v6 =	vld [tilespmem:s12+$0x0];
	v7 =	vadd.f32 v7, v3;
	v41 =	vpop (erf)  }
0x95: {  	s20 =	sor.u32 $0x2380, s11;
	v5 =	vld [tilespmem:s13+$0x0];
	s5 =	sor.u32 s18, s19;
	v63 =	vadd.f32 v39, v38;
	v34 =	vpop (erf);
	v15 =	vadd.f32 v41, v40  }
0x96: {  	v0 =	vmul.f32 $1.442695020e+00, v0;
	v3 =	vadd.f32 v46, v43;
	s6 =	sor.u32 s18, s20;
	v2 =	vadd.f32 v60, v58;
	v60 =	vld [tilespmem:s5+$0x0];
	v42 =	vpop (erf)  }
0x97: {  	v43 =	vpop (erf);
	v33 =	vadd.f32 v15, v63;
	v15 =	vld [tilespmem:s6+$0x0]  }
0x98: {  	s13 =	sor.u32 $0x4180, s11;
	(erf) = vpow2.f32 v0;
	v4 =	vadd.f32 v3, v7;
	v46 =	vpop (erf)  }
0x99: {  	s10 =	sor.u32 s18, s13;
	v57 =	vmax.f32 v13, v45;
	v47 =	vadd.f32 v42, v34;
	v0 =	vadd.f32 v46, v43  }
0x9a: {  	s12 =	sor.u32 $0x4200, s11;
	v58 =	vmax.f32 v48, v51;
	v61 =	vmax.f32 v49, v56;
	v3 =	vadd.f32 v33, v2;
	v2 =	vld [tilespmem:s10+$0x0]  }
0x9b: {  	s6 =	sor.u32 s18, s12;
	v63 =	vadd.f32 v0, v47;
	v47 =	vmax.f32 v57, v58;
	v58 =	vmax.f32 v59, v62  }
0x9c: {  	v32 =	vmax.f32 v6, v5;
	v17 =	vld [tilespmem:s6+$0x0];
	v50 =	vmax.f32 v61, v58;
	v61 =	vmax.f32 v60, v15  }
0x9d: {  	v58 =	vmax.f32 v32, v61  }
0x9e: {  	v7 =	vmax.f32 v10, v9;
	v0 =	vmax.f32 v11, v12;
	v50 =	vmax.f32 v50, v58  }
0x9f: {  	v33 =	vmax.f32 v16, v14;
	v0 =	vmax.f32 v0, v7;
	v57 =	vmax.f32 v8, v2  }
0xa0: {  	v0 =	vmax.f32 v0, v47;
	v57 =	vmax.f32 v33, v57  }
0xa1: {  	v0 =	vmax.f32 v0, v50;
	v58 =	vmax.f32 v57, v17;
	v50 =	vpop (erf)  }
0xa2: {  	v3 =	vadd.f32 v3, v4;
	v0 =	vmax.f32 v0, v58;
	v4 =	vadd.f32 v63, v50  }
0xa3: {  	v16 =	vsub.f32 v16, v0  }
0xa4: {  	v3 =	vadd.f32 v3, v4  }
0xa5: {  	v47 =	vmul.f32 $1.024000000e+03, v18;
	v4 =	vmul.f32 $1.442695020e+00, v16  }
0xa6: {  	(erf) = vrcp.f32 v3  }
0xa7: {  	(erf) = vpow2.f32 v4;
	v4 =	vmul.f32 v47, v35  }
0xa8: {  	v3 =	vsub.f32 v14, v0  }
0xa9: {  	v7 =	vmul.f32 v47, v20;
	[tilespmem:$0x1FD80] =	vst v4;
	v4 =	vsub.f32 v8, v0  }
0xaa: {  	v2 =	vsub.f32 v2, v0;
	v3 =	vmul.f32 $1.442695020e+00, v3  }
0xab: {  	[tilespmem:$0x1FD90] =	vst v7;
	v7 =	vmul.f32 v47, v21;
	v8 =	vsub.f32 v11, v0;
	v4 =	vmul.f32 $1.442695020e+00, v4  }
0xac: {  	v2 =	vmul.f32 $1.442695020e+00, v2;
	v11 =	vsub.f32 v12, v0;
	(erf) = vpow2.f32 v3  }
0xad: {  	v3 =	vmul.f32 $1.442695020e+00, v8;
	v8 =	vsub.f32 v10, v0;
	(erf) = vpow2.f32 v4  }
0xae: {  	v9 =	vsub.f32 v9, v0;
	v4 =	vmul.f32 $1.442695020e+00, v11;
	(erf) = vpow2.f32 v2  }
0xaf: {  	v2 =	vmul.f32 $1.442695020e+00, v8;
	v8 =	vsub.f32 v13, v0;
	(erf) = vpow2.f32 v3  }
0xb0: {  	v3 =	vmul.f32 $1.442695020e+00, v9;
	v9 =	vsub.f32 v45, v0;
	(erf) = vpow2.f32 v4  }
0xb1: {  	v4 =	vmul.f32 $1.442695020e+00, v8;
	v8 =	vsub.f32 v48, v0;
	(erf) = vpow2.f32 v2  }
0xb2: {  	v2 =	vmul.f32 $1.442695020e+00, v9;
	v9 =	vsub.f32 v51, v0;
	(erf) = vpow2.f32 v3  }
0xb3: {  	v3 =	vmul.f32 $1.442695020e+00, v8;
	v8 =	vsub.f32 v49, v0;
	(erf) = vpow2.f32 v4  }
0xb4: {  	v4 =	vmul.f32 $1.442695020e+00, v9;
	v9 =	vsub.f32 v56, v0;
	(erf) = vpow2.f32 v2  }
0xb5: {  	v11 =	vsub.f32 v59, v0;
	v2 =	vmul.f32 $1.442695020e+00, v8;
	(erf) = vpow2.f32 v3  }
0xb6: {  	v12 =	vsub.f32 v62, v0;
	v28 =	vpop (erf);
	v3 =	vmul.f32 $1.442695020e+00, v9;
	(erf) = vpow2.f32 v4  }
0xb7: {  	s2 =	sor.u32 s25, s2;
	v6 =	vsub.f32 v6, v0;
	[tilespmem:$0x1FDA0] =	vst v7;
	v33 =	vpop (erf);
	v4 =	vmul.f32 $1.442695020e+00, v11;
	(erf) = vpow2.f32 v2  }
0xb8: {  	s10 =	sor.u32 s25, s26;
	s26 =	sor.u32 s25, s15;
	v5 =	vsub.f32 v5, v0;
	v29 =	vld [tilespmem:s2+$0x0];
	v32 =	vpop (erf);
	v2 =	vmul.f32 $1.442695020e+00, v12;
	(erf) = vpow2.f32 v3  }
0xb9: {  	s6 =	sor.u32 s25, s19;
	v63 =	vld [tilespmem:s26+$0x0];
	v31 =	vpop (erf);
	v3 =	vmul.f32 $1.442695020e+00, v6;
	v6 =	vsub.f32 v60, v0;
	(erf) = vpow2.f32 v4  }
0xba: {  	v26 =	vld [tilespmem:s6+$0x0];
	v30 =	vpop (erf);
	v4 =	vmul.f32 $1.442695020e+00, v5;
	(erf) = vpow2.f32 v2  }
0xbb: {  	s4 =	sor.u32 s25, s16;
	v59 =	vpop (erf);
	v2 =	vmul.f32 $1.442695020e+00, v6;
	(erf) = vpow2.f32 v3;
	v3 =	vld [tilespmem:$0x1FC10]  }
0xbc: {  	v45 =	vld [tilespmem:s4+$0x0];
	v48 =	vpop (erf);
	(erf) = vpow2.f32 v4  }
0xbd: {  	v62 =	vpop (erf);
	(erf) = vpow2.f32 v2;
	v2 =	vld [tilespmem:$0x1FC20]  }
0xbe: {  	s5 =	sor.u32 s25, s17;
	v51 =	vld [tilespmem:s10+$0x0]  }
0xbf: {  	s10 =	sor.u32 s25, s20;
	v49 =	vld [tilespmem:s5+$0x0]  }
0xc0: {  	s14 =	sor.u32 s25, s14;
	v27 =	vld [tilespmem:s10+$0x0];
	v58 =	vmul.f32 v47, v3;
	v3 =	vmul.f32 v47, v19  }
0xc1: {  	v56 =	vld [tilespmem:s14+$0x0];
	s14 =	sor.u32 s25, s11  }
0xc2: {  	v60 =	vld [tilespmem:s14+$0x0];
	[tilespmem:$0x1FDB0] =	vst v3;
	v2 =	vmul.f32 v47, v2  }
0xc3: {  	v14 =	vld [tilespmem:s14+$0x80]  }
0xc4: {  	[tilespmem:$0x1FDC0] =	vst v2;
	v2 =	vld [tilespmem:$0x1FC30];
	_ =	sdelay $0x4  }
0xc5: {  	v2 =	vmul.f32 v47, v2;
	_ =	sdelay $0x1  }
0xc6: {  	[tilespmem:$0x1FDD0] =	vst v2;
	v2 =	vld [tilespmem:$0x1FC40];
	_ =	sdelay $0x4  }
0xc7: {  	v2 =	vmul.f32 v47, v2  }
0xc8: {  	v13 =	vld [tilespmem:s14+$0x100]  }
0xc9: {  	[tilespmem:$0x1FDE0] =	vst v2;
	v2 =	vld [tilespmem:$0x1FC50];
	_ =	sdelay $0x4  }
0xca: {  	v2 =	vmul.f32 v47, v2;
	_ =	sdelay $0x1  }
0xcb: {  	[tilespmem:$0x1FDF0] =	vst v2;
	v2 =	vld [tilespmem:$0x1FC60];
	_ =	sdelay $0x4  }
0xcc: {  	v2 =	vmul.f32 v47, v2  }
0xcd: {  	v16 =	vld [tilespmem:s14+$0x180]  }
0xce: {  	[tilespmem:$0x1FE00] =	vst v2;
	v2 =	vld [tilespmem:$0x1FC70];
	_ =	sdelay $0x4  }
0xcf: {  	v2 =	vmul.f32 v47, v2;
	_ =	sdelay $0x1  }
0xd0: {  	[tilespmem:$0x1FE10] =	vst v2;
	v2 =	vmul.f32 v47, v54;
	_ =	sdelay $0x1  }
0xd1: {  	v12 =	vld [tilespmem:s14+$0x200];
	[tilespmem:$0x1FE20] =	vst v2;
	v2 =	vmul.f32 v47, v53;
	_ =	sdelay $0x1  }
0xd2: {  	[tilespmem:$0x1FE30] =	vst v2;
	v2 =	vmul.f32 v47, v52;
	_ =	sdelay $0x1  }
0xd3: {  	v11 =	vld [tilespmem:s14+$0x280];
	[tilespmem:$0x1FE40] =	vst v2;
	v2 =	vmul.f32 v47, v44;
	_ =	sdelay $0x1  }
0xd4: {  	[tilespmem:$0x1FE50] =	vst v2;
	v2 =	vmul.f32 v47, v37  }
0xd5: {  	v10 =	vld [tilespmem:s14+$0x300]  }
0xd6: {  	[tilespmem:$0x1FE60] =	vst v2;
	v2 =	vld [tilespmem:$0x1FC80];
	_ =	sdelay $0x4  }
0xd7: {  	v2 =	vmul.f32 v47, v2;
	_ =	sdelay $0x1  }
0xd8: {  	[tilespmem:$0x1FE70] =	vst v2;
	v2 =	vld [tilespmem:$0x1FC90];
	_ =	sdelay $0x4  }
0xd9: {  	v2 =	vmul.f32 v47, v2  }
0xda: {  	v8 =	vld [tilespmem:s14+$0x380]  }
0xdb: {  	[tilespmem:$0x1FE80] =	vst v2;
	v2 =	vld [tilespmem:$0x1FCA0];
	_ =	sdelay $0x4  }
0xdc: {  	s15 =	sor.u32 s25, s31;
	v2 =	vmul.f32 v47, v2  }
0xdd: {  	v44 =	vld [tilespmem:s15+$0x0]  }
0xde: {  	[tilespmem:$0x1FE90] =	vst v2;
	v2 =	vld [tilespmem:$0x1FCB0];
	_ =	sdelay $0x3  }
0xdf: {  	v5 =	vsub.f32 v15, v0  }
0xe0: {  	v24 =	vpop (erf);
	v2 =	vmul.f32 v47, v2  }
0xe1: {  	v9 =	vmul.f32 $1.442695020e+00, v5;
	v52 =	vpop (erf)  }
0xe2: {  	v23 =	vpop (erf);
	[tilespmem:$0x1FEA0] =	vst v2;
	v2 =	vmul.f32 v47, v36  }
0xe3: {  	s16 =	sor.u32 s25, s7;
	(erf) = vpow2.f32 v9;
	v47 =	vpop (erf)  }
0xe4: {  	s17 =	sor.u32 s25, s9;
	v54 =	vld [tilespmem:s16+$0x0];
	v57 =	vpop (erf);
	[tilespmem:$0x1FEB0] =	vst v2  }
0xe5: {  	s19 =	sor.u32 s25, s13;
	v35 =	vpop (erf);
	v25 =	vld [tilespmem:s17+$0x0]  }
0xe6: {  	v53 =	vld [tilespmem:s19+$0x0];
	v22 =	vpop (erf)  }
0xe7: {  	v21 =	vpop (erf)  }
0xe8: {  	v61 =	vmax.f32 v45, v49;
	v0 =	vsub.f32 v17, v0;
	v20 =	vpop (erf)  }
0xe9: {  	v4 =	vmax.f32 v26, v27;
	v3 =	vmax.f32 v60, v14;
	v2 =	vmax.f32 v13, v16;
	v19 =	vpop (erf)  }
0xea: {  	v15 =	vmax.f32 v51, v56;
	v4 =	vmax.f32 v61, v4;
	v5 =	vmax.f32 v3, v2;
	v18 =	vpop (erf)  }
0xeb: {  	v3 =	vmul.f32 $1.442695020e+00, v0;
	v2 =	vmax.f32 v44, v54;
	v0 =	vmax.f32 v25, v53;
	v37 =	vpop (erf)  }
0xec: {  	v17 =	vmax.f32 v12, v11;
	v61 =	vmax.f32 v10, v8;
	v7 =	vmax.f32 v2, v0;
	v9 =	vpop (erf)  }
0xed: {  	v0 =	vmul.f32 $1.024000000e+03, v28;
	v28 =	vadd.f32 v18, v19;
	v2 =	vadd.f32 v9, v37  }
0xee: {  	v17 =	vmax.f32 v17, v61;
	v61 =	vadd.f32 v24, v62;
	v36 =	vmax.f32 v29, v63  }
0xef: {  	v15 =	vmax.f32 v15, v36;
	v36 =	vadd.f32 v48, v59;
	v28 =	vadd.f32 v2, v28;
	v2 =	vld [tilespmem:$0x1FCC0];
	_ =	sdelay $0x1  }
0xf0: {  	v6 =	vadd.f32 v61, v36  }
0xf1: {  	v5 =	vmax.f32 v5, v17;
	v17 =	vadd.f32 v22, v35;
	v61 =	vadd.f32 v20, v21;
	_ =	sdelay $0x1  }
0xf2: {  	v36 =	vadd.f32 v61, v17;
	v17 =	vmul.f32 v0, v2;
	v2 =	vld [tilespmem:$0x1FCD0];
	_ =	sdelay $0x4  }
0xf3: {  	v2 =	vmul.f32 v0, v2;
	_ =	sdelay $0x1  }
0xf4: {  	[tilespmem:$0x1FEC0] =	vst v2;
	v2 =	vld [tilespmem:$0x1FCE0];
	_ =	sdelay $0x1  }
0xf5: {  	v4 =	vmax.f32 v15, v4  }
0xf6: {  	v15 =	vadd.f32 v57, v47;
	(erf) = vpow2.f32 v3;
	v3 =	vadd.f32 v23, v52;
	_ =	sdelay $0x1  }
0xf7: {  	v3 =	vadd.f32 v15, v3;
	v15 =	vmul.f32 v0, v2;
	v2 =	vld [tilespmem:$0x1FCF0];
	_ =	sdelay $0x4  }
0xf8: {  	v2 =	vmul.f32 v0, v2;
	_ =	sdelay $0x1  }
0xf9: {  	[tilespmem:$0x1FED0] =	vst v2;
	v2 =	vld [tilespmem:$0x1FD00];
	_ =	sdelay $0x4  }
0xfa: {  	v2 =	vmul.f32 v0, v2  }
0xfb: {  	s20 =	sor.u32 s25, s12;
	v5 =	vmax.f32 v5, v4;
	v4 =	vadd.f32 v3, v6  }
0xfc: {  	v3 =	vadd.f32 v32, v33;
	v6 =	vld [tilespmem:s20+$0x0];
	[tilespmem:$0x1FEE0] =	vst v2;
	v2 =	vadd.f32 v30, v31;
	_ =	sdelay $0x1  }
0xfd: {  	v2 =	vadd.f32 v2, v3;
	v3 =	vld [tilespmem:$0x1FD30];
	_ =	sdelay $0x4  }
0xfe: {  	v3 =	vmul.f32 v0, v3;
	_ =	sdelay $0x1  }
0xff: {  	[tilespmem:$0x1FF10] =	vst v3;
	v3 =	vld [tilespmem:$0x1FD40];
	_ =	sdelay $0x4  }
0x100: {  	v28 =	vadd.f32 v28, v36;
	v3 =	vmul.f32 v0, v3;
	_ =	sdelay $0x1  }
0x101: {  	[tilespmem:$0x1FF20] =	vst v3;
	v3 =	vadd.f32 v28, v4;
	v4 =	vld [tilespmem:$0x1FD50];
	_ =	sdelay $0x4  }
0x102: {  	v7 =	vmax.f32 v7, v6;
	v4 =	vmul.f32 v0, v4  }
0x103: {  	v5 =	vmax.f32 v5, v7;
	v7 =	vmul.f32 v0, v39;
	_ =	sdelay $0x1  }
0x104: {  	[tilespmem:$0x1FF50] =	vst v7  }
0x105: {  	v61 =	vld [tilespmem:$0x1FD10];
	v7 =	vmul.f32 v0, v40;
	[tilespmem:$0x1FF30] =	vst v4;
	v4 =	vpop (erf)  }
0x106: {  	v2 =	vadd.f32 v2, v4  }
0x107: {  	[tilespmem:$0x1FF60] =	vst v7;
	v7 =	vmul.f32 v0, v46  }
0x108: {  	v2 =	vadd.f32 v3, v2;
	v3 =	vmul.f32 v0, v41  }
0x109: {  	[tilespmem:$0x1FFB0] =	vst v7;
	v7 =	vmul.f32 v0, v50  }
0x10a: {  	v36 =	vmul.f32 v0, v61;
	v61 =	vld [tilespmem:$0x1FD20];
	[tilespmem:$0x1FF70] =	vst v3;
	v3 =	vmul.f32 v0, v34  }
0x10b: {  	[tilespmem:$0x1FFC0] =	vst v7;
	v7 =	vsub.f32 v14, v5;
	v14 =	vld [tilespmem:$0x1FD60]  }
0x10c: {  	[tilespmem:$0x1FF80] =	vst v3;
	v3 =	vmul.f32 v0, v42;
	_ =	sdelay $0x1  }
0x10d: {  	[tilespmem:$0x1FF90] =	vst v3;
	v3 =	vmul.f32 v0, v43  }
0x10e: {  	[tilespmem:$0x1FEF0] =	vst v36;
	v36 =	vmul.f32 v0, v61;
	v61 =	vmul.f32 v0, v38  }
0x10f: {  	v28 =	vmul.f32 v0, v55;
	v0 =	vmul.f32 v0, v14;
	[tilespmem:$0x1FFA0] =	vst v3;
	v3 =	vsub.f32 v60, v5;
	_ =	sdelay $0x1  }
0x110: {  	[tilespmem:$0x1FFD0] =	vst v0;
	v0 =	vmul.f32 $1.442695020e+00, v3;
	v3 =	vsub.f32 v13, v5  }
0x111: {  	(erf) = vrcp.f32 v2;
	v2 =	vmul.f32 $1.442695020e+00, v7;
	v7 =	vsub.f32 v16, v5  }
0x112: {  	(erf) = vpow2.f32 v0;
	v0 =	vsub.f32 v12, v5;
	v3 =	vmul.f32 $1.442695020e+00, v3  }
0x113: {  	v7 =	vmul.f32 $1.442695020e+00, v7;
	(erf) = vpow2.f32 v2;
	v2 =	vsub.f32 v11, v5  }
0x114: {  	(erf) = vpow2.f32 v3;
	v3 =	vsub.f32 v10, v5;
	v0 =	vmul.f32 $1.442695020e+00, v0  }
0x115: {  	(erf) = vpow2.f32 v7;
	v7 =	vsub.f32 v8, v5;
	v2 =	vmul.f32 $1.442695020e+00, v2  }
0x116: {  	(erf) = vpow2.f32 v0;
	v0 =	vsub.f32 v51, v5;
	v3 =	vmul.f32 $1.442695020e+00, v3  }
0x117: {  	(erf) = vpow2.f32 v2;
	v2 =	vsub.f32 v56, v5;
	v7 =	vmul.f32 $1.442695020e+00, v7  }
0x118: {  	(erf) = vpow2.f32 v3;
	v3 =	vsub.f32 v29, v5;
	v0 =	vmul.f32 $1.442695020e+00, v0  }
0x119: {  	(erf) = vpow2.f32 v7;
	v7 =	vsub.f32 v63, v5;
	v2 =	vmul.f32 $1.442695020e+00, v2  }
0x11a: {  	(erf) = vpow2.f32 v0;
	v0 =	vsub.f32 v45, v5;
	v3 =	vmul.f32 $1.442695020e+00, v3  }
0x11b: {  	(erf) = vpow2.f32 v2;
	v2 =	vsub.f32 v49, v5;
	v7 =	vmul.f32 $1.442695020e+00, v7  }
0x11c: {  	(erf) = vpow2.f32 v3;
	v3 =	vsub.f32 v26, v5;
	v0 =	vmul.f32 $1.442695020e+00, v0  }
0x11d: {  	v8 =	vpop (erf);
	(erf) = vpow2.f32 v7;
	v2 =	vmul.f32 $1.442695020e+00, v2  }
0x11e: {  	v14 =	vpop (erf);
	(erf) = vpow2.f32 v0;
	v0 =	vsub.f32 v27, v5;
	v3 =	vmul.f32 $1.442695020e+00, v3  }
0x11f: {  	[tilespmem:$0x1FF40] =	vst v61;
	v61 =	vpop (erf);
	(erf) = vpow2.f32 v2;
	v2 =	vmul.f32 $1.024000000e+03, v8  }
0x120: {  	v13 =	vpop (erf);
	(erf) = vpow2.f32 v3;
	v7 =	vmul.f32 $1.442695020e+00, v0  }
0x121: {  	v38 =	vmul.f32 v2, v59;
	v39 =	vmul.f32 v2, v48  }
0x122: {  	v27 =	vmul.f32 v2, v62;
	v26 =	vmul.f32 v2, v24  }
0x123: {  	v55 =	vmul.f32 v2, v52;
	v59 =	vmul.f32 v2, v23  }
0x124: {  	v56 =	vmul.f32 v2, v47;
	v51 =	vmul.f32 v2, v57  }
0x125: {  	v57 =	vmul.f32 v2, v35;
	v45 =	vmul.f32 v2, v22  }
0x126: {  	[tilespmem:$0x1FF00] =	vst v36;
	v40 =	vmul.f32 v2, v21;
	v36 =	vmul.f32 v2, v20  }
0x127: {  	v16 =	vmul.f32 v2, v19;
	v47 =	vmul.f32 v2, v18  }
0x128: {  	v46 =	vmul.f32 v2, v37;
	v43 =	vmul.f32 v2, v9  }
0x129: {  	v8 =	vsub.f32 v44, v5;
	v42 =	vmul.f32 v2, v33;
	v41 =	vmul.f32 v2, v32  }
0x12a: {  	v10 =	vsub.f32 v54, v5;
	v3 =	vmul.f32 v2, v31;
	v22 =	vmul.f32 v2, v30  }
0x12b: {  	v62 =	vpop (erf);
	v0 =	vmul.f32 v2, v4;
	v2 =	vmul.f32 $1.442695020e+00, v8  }
0x12c: {  	v8 =	vmul.f32 $1.442695020e+00, v10;
	v63 =	vpop (erf);
	(erf) = vpow2.f32 v7  }
0x12d: {  	v23 =	vpop (erf);
	(erf) = vpow2.f32 v2  }
0x12e: {  	v4 =	vpop (erf);
	(erf) = vpow2.f32 v8;
	v8 =	vld [tilespmem:$0x1FD80];
	_ =	sdelay $0x1  }
0x12f: {  	v11 =	vsub.f32 v25, v5  }
0x130: {  	v12 =	vsub.f32 v53, v5  }
0x131: {  	v5 =	vsub.f32 v6, v5;
	v6 =	vadd.f32 v61, v14;
	v2 =	vmul.f32 $1.442695020e+00, v11  }
0x132: {  	v7 =	vadd.f32 v62, v13;
	v10 =	vadd.f32 v23, v63;
	v9 =	vpop (erf);
	v8 =	vmin.f32 v8, $1.023000000e+03  }
0x133: {  	[tilespmem:$0x1FD70] =	vst v14;
	(erf) = vpow2.f32 v2;
	v14 =	vadd.f32 v9, v4;
	v2 =	vtrunc.f32 v8;
	v8 =	vld [tilespmem:$0x1FD90]  }
0x134: {  	s25 =	sand.u32 $0x380, s28  }
0x135: {  	s0 =	sor.u32 s0, s25;
	v6 =	vadd.f32 v7, v6;
	v7 =	vadd.f32 v14, v10  }
0x136: {  	v44 =	vld [tilespmem:s0+$0xC000];
	v2 =	vcvt.f32.s32 v2  }
0x137: {  	v24 =	vadd.f32 v7, v6;
	v7 =	vld [tilespmem:$0x1FDA0]  }
0x138: {  	v8 =	vmin.f32 v8, $1.023000000e+03  }
0x139: {  	v6 =	vtrunc.f32 v8;
	v8 =	vmul.f32 $1.442695020e+00, v12  }
0x13a: {  	v10 =	vmin.f32 v58, $1.023000000e+03;
	v6 =	vcvt.f32.s32 v6  }
0x13b: {  	vm0 =	veq.s32 v44, $0x0;
	(erf) = vpow2.f32 v8;
	v8 =	vtrunc.f32 v10;
	v10 =	vld [tilespmem:$0x1FDB0]  }
0x13c: {  	v7 =	vmin.f32 v7, $1.023000000e+03;
	[tilespmem:v2+s22+$0x0] =	vst.idx.add.f32.msk $0xffff, v1  }
0x13d: {  	v7 =	vtrunc.f32 v7;
	v6 =	vadd.s32 $0x400, v6;
	v11 =	vld [tilespmem:$0x1FDC0]  }
0x13e: {  	vm1 =	veq.s32 v44, $0x1;
	v7 =	vcvt.f32.s32 v7;
	_ =	sdelay $0x1  }
0x13f: {  	v7 =	vadd.s32 $0x800, v7  }
0x140: {  	v8 =	vcvt.f32.s32 v8;
	[tilespmem:v2+s23+$0x0] =	vst.idx.add.f32.msk vm0, v1;
	v10 =	vmin.f32 v10, $1.023000000e+03  }
0x141: {  	v10 =	vtrunc.f32 v10;
	v11 =	vmin.f32 v11, $1.023000000e+03;
	[tilespmem:v6+s22+$0x0] =	vst.idx.add.f32.msk $0xffff, v1  }
0x142: {  	v2 =	vadd.s32 $0xC00, v8;
	v8 =	vcvt.f32.s32 v10;
	v10 =	vtrunc.f32 v11;
	v11 =	vld [tilespmem:$0x1FDD0]  }
0x143: {  	[tilespmem:v6+s23+$0x0] =	vst.idx.add.f32.msk vm1, v1  }
0x144: {  	vm2 =	veq.s32 v44, $0x2;
	[tilespmem:v7+s22+$0x0] =	vst.idx.add.f32.msk $0xffff, v1  }
0x145: {  	v14 =	vld [tilespmem:$0x1FDE0];
	_ =	sdelay $0x1  }
0x146: {  	vm3 =	veq.s32 v44, $0x3;
	_ =	sdelay $0x1  }
0x147: {  	vm4 =	veq.s32 v44, $0x4;
	v6 =	vadd.s32 $0x1000, v8  }
0x148: {  	v10 =	vcvt.f32.s32 v10;
	[tilespmem:v7+s23+$0x0] =	vst.idx.add.f32.msk vm2, v1;
	v18 =	vmin.f32 v14, $1.023000000e+03  }
0x149: {  	v7 =	vtrunc.f32 v18;
	v18 =	vld [tilespmem:$0x1FDF0]  }
0x14a: {  	vm0 =	veq.s32 v44, $0x5;
	v10 =	vadd.s32 $0x1400, v10;
	[tilespmem:v2+s22+$0x0] =	vst.idx.add.f32.msk $0xffff, v1  }
0x14b: {  	[tilespmem:v2+s23+$0x0] =	vst.idx.add.f32.msk vm3, v1  }
0x14c: {  	v7 =	vcvt.f32.s32 v7;
	[tilespmem:v6+s22+$0x0] =	vst.idx.add.f32.msk $0xffff, v1  }
0x14d: {  	v12 =	vmin.f32 v11, $1.023000000e+03;
	[tilespmem:v6+s23+$0x0] =	vst.idx.add.f32.msk vm4, v1  }
0x14e: {  	v8 =	vtrunc.f32 v12;
	v6 =	vadd.s32 $0x1C00, v7;
	v7 =	vld [tilespmem:$0x1FE00]  }
0x14f: {  	v8 =	vcvt.f32.s32 v8;
	[tilespmem:v10+s22+$0x0] =	vst.idx.add.f32.msk $0xffff, v1  }
0x150: {  	[tilespmem:v10+s23+$0x0] =	vst.idx.add.f32.msk vm0, v1  }
0x151: {  	vm1 =	veq.s32 v44, $0x6;
	v2 =	vadd.s32 $0x1800, v8;
	v10 =	vld [tilespmem:$0x1FE10];
	_ =	sdelay $0x2  }
0x152: {  	v7 =	vmin.f32 v7, $1.023000000e+03  }
0x153: {  	v7 =	vtrunc.f32 v7  }
0x154: {  	[tilespmem:v2+s22+$0x0] =	vst.idx.add.f32.msk $0xffff, v1;
	v7 =	vcvt.f32.s32 v7;
	v10 =	vmin.f32 v10, $1.023000000e+03  }
0x155: {  	vm2 =	veq.s32 v44, $0x7;
	[tilespmem:v2+s23+$0x0] =	vst.idx.add.f32.msk vm1, v1;
	v10 =	vtrunc.f32 v10  }
0x156: {  	v18 =	vmin.f32 v18, $1.023000000e+03;
	v2 =	vadd.s32 $0x2400, v7;
	v7 =	vcvt.f32.s32 v10;
	v10 =	vld [tilespmem:$0x1FE20]  }
0x157: {  	v11 =	vpop (erf);
	v8 =	vtrunc.f32 v18  }
0x158: {  	v12 =	vpop (erf);
	v8 =	vcvt.f32.s32 v8  }
0x159: {  	v14 =	vpop (erf)  }
0x15a: {  	vm3 =	veq.s32 v44, $0x8;
	v49 =	vpop (erf);
	v8 =	vadd.s32 $0x2000, v8  }
0x15b: {  	v5 =	vmul.f32 $1.442695020e+00, v5;
	v18 =	vpop (erf);
	[tilespmem:v6+s22+$0x0] =	vst.idx.add.f32.msk $0xffff, v1;
	v10 =	vmin.f32 v10, $1.023000000e+03  }
0x15c: {  	v19 =	vadd.f32 v12, v11;
	v20 =	vadd.f32 v49, v14;
	v50 =	vpop (erf);
	[tilespmem:v6+s23+$0x0] =	vst.idx.add.f32.msk vm2, v1;
	v10 =	vtrunc.f32 v10  }
0x15d: {  	v54 =	vpop (erf);
	v6 =	vadd.s32 $0x2800, v7;
	v7 =	vcvt.f32.s32 v10;
	v10 =	vld [tilespmem:$0x1FE30]  }
0x15e: {  	(erf) = vpow2.f32 v5;
	v5 =	vadd.f32 v20, v19;
	v52 =	vpop (erf)  }
0x15f: {  	v20 =	vadd.f32 v50, v18;
	v19 =	vadd.f32 v52, v54;
	[tilespmem:v8+s22+$0x0] =	vst.idx.add.f32.msk $0xffff, v1  }
0x160: {  	[tilespmem:v8+s23+$0x0] =	vst.idx.add.f32.msk vm3, v1  }
0x161: {  	vm0 =	veq.s32 v44, $0x9;
	v19 =	vadd.f32 v19, v20;
	v8 =	vld [tilespmem:$0x1FE40]  }
0x162: {  	[tilespmem:v2+s22+$0x0] =	vst.idx.add.f32.msk $0xffff, v1;
	v10 =	vmin.f32 v10, $1.023000000e+03  }
0x163: {  	v53 =	vadd.f32 v19, v5;
	v5 =	vtrunc.f32 v10;
	v10 =	vld [tilespmem:$0x1FE50];
	_ =	sdelay $0x3  }
0x164: {  	vm1 =	veq.s32 v44, $0xA;
	[tilespmem:v2+s23+$0x0] =	vst.idx.add.f32.msk vm0, v1;
	v5 =	vcvt.f32.s32 v5;
	v8 =	vmin.f32 v8, $1.023000000e+03  }
0x165: {  	v7 =	vadd.s32 $0x2C00, v7;
	[tilespmem:v6+s22+$0x0] =	vst.idx.add.f32.msk $0xffff, v1;
	v8 =	vtrunc.f32 v8;
	v10 =	vmin.f32 v10, $1.023000000e+03  }
0x166: {  	v2 =	vadd.s32 $0x3000, v5;
	v5 =	vcvt.f32.s32 v8;
	v8 =	vtrunc.f32 v10;
	v10 =	vld [tilespmem:$0x1FE60];
	_ =	sdelay $0x3  }
0x167: {  	[tilespmem:v6+s23+$0x0] =	vst.idx.add.f32.msk vm1, v1  }
0x168: {  	vm2 =	veq.s32 v44, $0xB;
	[tilespmem:v7+s22+$0x0] =	vst.idx.add.f32.msk $0xffff, v1;
	v10 =	vmin.f32 v10, $1.023000000e+03  }
0x169: {  	v6 =	vtrunc.f32 v10;
	v10 =	vld [tilespmem:$0x1FE70];
	_ =	sdelay $0x4  }
0x16a: {  	[tilespmem:v7+s23+$0x0] =	vst.idx.add.f32.msk vm2, v1;
	v10 =	vmin.f32 v10, $1.023000000e+03  }
0x16b: {  	vm4 =	veq.s32 v44, $0xC;
	v7 =	vtrunc.f32 v10;
	v10 =	vld [tilespmem:$0x1FE80];
	_ =	sdelay $0x4  }
0x16c: {  	[tilespmem:v2+s22+$0x0] =	vst.idx.add.f32.msk $0xffff, v1;
	v10 =	vmin.f32 v10, $1.023000000e+03  }
0x16d: {  	[tilespmem:v2+s23+$0x0] =	vst.idx.add.f32.msk vm4, v1;
	v10 =	vtrunc.f32 v10  }
0x16e: {  	vm5 =	veq.s32 v44, $0xD;
	v5 =	vadd.s32 $0x3400, v5;
	v2 =	vcvt.f32.s32 v10;
	v10 =	vld [tilespmem:$0x1FE90]  }
0x16f: {  	v8 =	vcvt.f32.s32 v8;
	_ =	sdelay $0x1  }
0x170: {  	v8 =	vadd.s32 $0x3800, v8  }
0x171: {  	vm0 =	veq.s32 v44, $0xE;
	v6 =	vcvt.f32.s32 v6;
	v7 =	vcvt.f32.s32 v7  }
0x172: {  	vm3 =	veq.s32 v44, $0xF;
	[tilespmem:v5+s22+$0x0] =	vst.idx.add.f32.msk $0xffff, v1;
	v10 =	vmin.f32 v10, $1.023000000e+03  }
0x173: {  	v6 =	vadd.s32 $0x3C00, v6;
	v25 =	vadd.s32 $0x4000, v7;
	[tilespmem:v5+s23+$0x0] =	vst.idx.add.f32.msk vm5, v1;
	v7 =	vtrunc.f32 v10  }
0x174: {  	v5 =	vcvt.f32.s32 v7;
	v7 =	vld [tilespmem:$0x1FEA0]  }
0x175: {  	[tilespmem:v8+s22+$0x0] =	vst.idx.add.f32.msk $0xffff, v1  }
0x176: {  	v10 =	vld [tilespmem:$0x1FEB0]  }
0x177: {  	v20 =	vpop (erf);
	[tilespmem:v8+s23+$0x0] =	vst.idx.add.f32.msk vm0, v1  }
0x178: {  	v21 =	vpop (erf);
	vm4 =	veq.s32 v44, $0x10;
	[tilespmem:v6+s22+$0x0] =	vst.idx.add.f32.msk $0xffff, v1  }
0x179: {  	v60 =	vpop (erf);
	[tilespmem:v6+s23+$0x0] =	vst.idx.add.f32.msk vm3, v1  }
0x17a: {  	v58 =	vpop (erf);
	[tilespmem:v25+s22+$0x0] =	vst.idx.add.f32.msk $0xffff, v1  }
0x17b: {  	v29 =	vadd.f32 v58, v60;
	v6 =	vld [tilespmem:$0x1FEC0]  }
0x17c: {  	vm1 =	veq.s32 v44, $0x11;
	v2 =	vadd.s32 $0x4400, v2;
	v10 =	vmin.f32 v10, $1.023000000e+03  }
0x17d: {  	s26 =	sand.u32 $0x380, s1;
	v7 =	vmin.f32 v7, $1.023000000e+03;
	v8 =	vtrunc.f32 v10;
	v10 =	vadd.f32 v21, v20  }
0x17e: {  	s0 =	sor.u32 s18, s26;
	vm2 =	veq.s32 v44, $0x12;
	[tilespmem:v25+s23+$0x0] =	vst.idx.add.f32.msk vm4, v1;
	v7 =	vtrunc.f32 v7  }
0x17f: {  	v5 =	vadd.s32 $0x4800, v5;
	v7 =	vcvt.f32.s32 v7;
	v48 =	vadd.f32 v29, v10;
	v29 =	vld [tilespmem:s0+$0xC000]  }
0x180: {  	vm5 =	veq.s32 v44, $0x13;
	v8 =	vcvt.f32.s32 v8;
	v10 =	vmin.f32 v6, $1.023000000e+03;
	v6 =	vld [tilespmem:$0x1FED0]  }
0x181: {  	v30 =	vadd.s32 $0x4C00, v7;
	v7 =	vmin.f32 v15, $1.023000000e+03;
	v15 =	vmin.f32 v38, $1.023000000e+03;
	[tilespmem:v2+s22+$0x0] =	vst.idx.add.f32.msk $0xffff, v1  }
0x182: {  	v31 =	vadd.s32 $0x5000, v8;
	v8 =	vmin.f32 v17, $1.023000000e+03;
	v17 =	vtrunc.f32 v15;
	v15 =	vld [tilespmem:$0x1FEE0]  }
0x183: {  	vm0 =	veq.s32 v44, $0x14;
	v25 =	vmin.f32 v39, $1.023000000e+03;
	[tilespmem:v2+s23+$0x0] =	vst.idx.add.f32.msk vm1, v1  }
0x184: {  	v25 =	vtrunc.f32 v25;
	v17 =	vcvt.f32.s32 v17;
	[tilespmem:v5+s22+$0x0] =	vst.idx.add.f32.msk $0xffff, v1  }
0x185: {  	v2 =	vcvt.f32.s32 v25;
	v25 =	vmin.f32 v27, $1.023000000e+03;
	[tilespmem:v5+s23+$0x0] =	vst.idx.add.f32.msk vm2, v1;
	vm4 =	veq.s32 v29, $0x0  }
0x186: {  	v26 =	vmin.f32 v26, $1.023000000e+03;
	v25 =	vtrunc.f32 v25;
	[tilespmem:v30+s22+$0x0] =	vst.idx.add.f32.msk $0xffff, v1  }
0x187: {  	v2 =	vadd.s32 $0x400, v2;
	v5 =	vcvt.f32.s32 v25;
	vm3 =	veq.s32 v29, $0x1;
	[tilespmem:v30+s23+$0x0] =	vst.idx.add.f32.msk vm5, v1  }
0x188: {  	v25 =	vtrunc.f32 v26;
	v26 =	vmin.f32 v55, $1.023000000e+03;
	[tilespmem:v31+s22+$0x0] =	vst.idx.add.f32.msk $0xffff, v1  }
0x189: {  	vm2 =	veq.s32 v29, $0x2;
	v25 =	vcvt.f32.s32 v25;
	v5 =	vadd.s32 $0x800, v5;
	[tilespmem:v31+s23+$0x0] =	vst.idx.add.f32.msk vm0, v1  }
0x18a: {  	v26 =	vtrunc.f32 v26;
	[tilespmem:v17+s22+$0x0] =	vst.idx.add.f32.msk $0xffff, v1  }
0x18b: {  	vm1 =	veq.s32 v29, $0x3;
	v26 =	vcvt.f32.s32 v26;
	v25 =	vadd.s32 $0xC00, v25;
	[tilespmem:v17+s23+$0x0] =	vst.idx.add.f32.msk vm4, v1  }
0x18c: {  	[tilespmem:v2+s22+$0x0] =	vst.idx.add.f32.msk $0xffff, v1  }
0x18d: {  	v26 =	vadd.s32 $0x1000, v26;
	[tilespmem:v2+s23+$0x0] =	vst.idx.add.f32.msk vm3, v1  }
0x18e: {  	[tilespmem:v5+s22+$0x0] =	vst.idx.add.f32.msk $0xffff, v1  }
0x18f: {  	[tilespmem:v5+s23+$0x0] =	vst.idx.add.f32.msk vm2, v1  }
0x190: {  	vm15 =	veq.s32 v29, $0x4;
	[tilespmem:v25+s22+$0x0] =	vst.idx.add.f32.msk $0xffff, v1  }
0x191: {  	vm7 =	veq.s32 v29, $0x13;
	v5 =	vimm.s32 $0x0;
	[tilespmem:v25+s23+$0x0] =	vst.idx.add.f32.msk vm1, v1  }
0x192: {  	v5 =	vsel vm7, $0xFFFFFFFF, v5;
	[tilespmem:v26+s22+$0x0] =	vst.idx.add.f32.msk $0xffff, v1  }
0x193: {  	vm7 =	veq.s32 v29, $0x14;
	[tilespmem:$0x1FFE0] =	vst v5;
	v5 =	vimm.s32 $0x0  }
0x194: {  	v5 =	vsel vm7, $0xFFFFFFFF, v5  }
0x195: {  	[tilespmem:$0x1FFF0] =	vst v5  }
0x196: {  	v27 =	vmin.f32 v59, $1.023000000e+03;
	[tilespmem:v26+s23+$0x0] =	vst.idx.add.f32.msk vm15, v1  }
0x197: {  	v27 =	vtrunc.f32 v27;
	v19 =	vld [tilespmem:$0x1FEF0]  }
0x198: {  	v27 =	vcvt.f32.s32 v27;
	_ =	sdelay $0x1  }
0x199: {  	v27 =	vadd.s32 $0x1400, v27;
	vm0 =	veq.s32 v29, $0x5;
	_ =	sdelay $0x1  }
0x19a: {  	vm14 =	veq.s32 v29, $0x6;
	v26 =	vmin.f32 v19, $1.023000000e+03;
	v19 =	vld [tilespmem:$0x1FF00]  }
0x19b: {  	vm13 =	veq.s32 v29, $0x7;
	vm12 =	veq.s32 v29, $0x8;
	vm11 =	veq.s32 v29, $0x9  }
0x19c: {  	vm10 =	veq.s32 v29, $0xA;
	vm9 =	veq.s32 v29, $0xB;
	vm8 =	veq.s32 v29, $0xC  }
0x19d: {  	vm6 =	veq.s32 v29, $0xD;
	v30 =	vmin.f32 v56, $1.023000000e+03;
	vm5 =	veq.s32 v29, $0xE;
	[tilespmem:v27+s22+$0x0] =	vst.idx.add.f32.msk $0xffff, v1  }
0x19e: {  	v30 =	vtrunc.f32 v30;
	vm4 =	veq.s32 v29, $0xF;
	vm3 =	veq.s32 v29, $0x10;
	[tilespmem:v27+s23+$0x0] =	vst.idx.add.f32.msk vm0, v1  }
0x19f: {  	vm2 =	veq.s32 v29, $0x11;
	vm1 =	veq.s32 v29, $0x12;
	v29 =	vmin.f32 v19, $1.023000000e+03;
	v19 =	vld [tilespmem:$0x1FF10]  }
0x1a0: {  	v17 =	vcvt.f32.s32 v30;
	v30 =	vmin.f32 v51, $1.023000000e+03  }
0x1a1: {  	v30 =	vtrunc.f32 v30  }
0x1a2: {  	v2 =	vadd.s32 $0x1800, v17;
	v17 =	vcvt.f32.s32 v30;
	v30 =	vmin.f32 v57, $1.023000000e+03  }
0x1a3: {  	v30 =	vtrunc.f32 v30  }
0x1a4: {  	v5 =	vadd.s32 $0x1C00, v17;
	v17 =	vcvt.f32.s32 v30;
	v30 =	vmin.f32 v19, $1.023000000e+03;
	v19 =	vld [tilespmem:$0x1FF20];
	_ =	sdelay $0x2  }
0x1a5: {  	[tilespmem:v2+s22+$0x0] =	vst.idx.add.f32.msk $0xffff, v1  }
0x1a6: {  	[tilespmem:v2+s23+$0x0] =	vst.idx.add.f32.msk vm14, v1  }
0x1a7: {  	v31 =	vmin.f32 v19, $1.023000000e+03;
	v19 =	vld [tilespmem:$0x1FF30];
	_ =	sdelay $0x2  }
0x1a8: {  	[tilespmem:v5+s22+$0x0] =	vst.idx.add.f32.msk $0xffff, v1  }
0x1a9: {  	[tilespmem:v5+s23+$0x0] =	vst.idx.add.f32.msk vm13, v1  }
0x1aa: {  	v33 =	vmin.f32 v19, $1.023000000e+03;
	v19 =	vld [tilespmem:$0x1FF40];
	_ =	sdelay $0x2  }
0x1ab: {  	v17 =	vadd.s32 $0x2000, v17;
	_ =	sdelay $0x1  }
0x1ac: {  	v37 =	vmin.f32 v19, $1.023000000e+03;
	v19 =	vld [tilespmem:$0x1FF50];
	_ =	sdelay $0x2  }
0x1ad: {  	[tilespmem:v17+s22+$0x0] =	vst.idx.add.f32.msk $0xffff, v1  }
0x1ae: {  	v25 =	vmin.f32 v45, $1.023000000e+03;
	[tilespmem:v17+s23+$0x0] =	vst.idx.add.f32.msk vm12, v1  }
0x1af: {  	v25 =	vtrunc.f32 v25;
	v38 =	vmin.f32 v19, $1.023000000e+03;
	v19 =	vld [tilespmem:$0x1FF60]  }
0x1b0: {  	v25 =	vcvt.f32.s32 v25;
	_ =	sdelay $0x1  }
0x1b1: {  	v2 =	vadd.s32 $0x2400, v25;
	_ =	sdelay $0x1  }
0x1b2: {  	v39 =	vmin.f32 v19, $1.023000000e+03;
	v19 =	vld [tilespmem:$0x1FF70];
	_ =	sdelay $0x2  }
0x1b3: {  	[tilespmem:v2+s22+$0x0] =	vst.idx.add.f32.msk $0xffff, v1  }
0x1b4: {  	v27 =	vmin.f32 v40, $1.023000000e+03;
	[tilespmem:v2+s23+$0x0] =	vst.idx.add.f32.msk vm11, v1  }
0x1b5: {  	v27 =	vtrunc.f32 v27;
	v40 =	vmin.f32 v19, $1.023000000e+03;
	v19 =	vld [tilespmem:$0x1FF80]  }
0x1b6: {  	v25 =	vcvt.f32.s32 v27;
	_ =	sdelay $0x1  }
0x1b7: {  	v5 =	vadd.s32 $0x2800, v25;
	_ =	sdelay $0x1  }
0x1b8: {  	v44 =	vmin.f32 v19, $1.023000000e+03;
	v19 =	vld [tilespmem:$0x1FF90];
	_ =	sdelay $0x1  }
0x1b9: {  	v27 =	vmin.f32 v36, $1.023000000e+03  }
0x1ba: {  	v27 =	vtrunc.f32 v27;
	[tilespmem:v5+s22+$0x0] =	vst.idx.add.f32.msk $0xffff, v1  }
0x1bb: {  	v16 =	vmin.f32 v16, $1.023000000e+03;
	v25 =	vcvt.f32.s32 v27;
	[tilespmem:v5+s23+$0x0] =	vst.idx.add.f32.msk vm10, v1  }
0x1bc: {  	v16 =	vtrunc.f32 v16;
	v45 =	vmin.f32 v19, $1.023000000e+03;
	v19 =	vld [tilespmem:$0x1FFB0]  }
0x1bd: {  	v16 =	vcvt.f32.s32 v16;
	v17 =	vadd.s32 $0x2C00, v25;
	v25 =	vmin.f32 v47, $1.023000000e+03  }
0x1be: {  	v25 =	vtrunc.f32 v25  }
0x1bf: {  	v2 =	vadd.s32 $0x3000, v16;
	v16 =	vcvt.f32.s32 v25;
	v25 =	vmin.f32 v46, $1.023000000e+03  }
0x1c0: {  	v25 =	vtrunc.f32 v25;
	v5 =	vld [tilespmem:$0x1FFA0]  }
0x1c1: {  	v16 =	vadd.s32 $0x3400, v16;
	v25 =	vcvt.f32.s32 v25;
	v46 =	vmin.f32 v19, $1.023000000e+03;
	v19 =	vld [tilespmem:$0x1FFC0]  }
0x1c2: {  	v27 =	vmin.f32 v43, $1.023000000e+03;
	[tilespmem:v17+s22+$0x0] =	vst.idx.add.f32.msk $0xffff, v1  }
0x1c3: {  	v25 =	vadd.s32 $0x3800, v25;
	[tilespmem:v17+s23+$0x0] =	vst.idx.add.f32.msk vm9, v1;
	v17 =	vtrunc.f32 v27  }
0x1c4: {  	v27 =	vmin.f32 v42, $1.023000000e+03;
	v17 =	vcvt.f32.s32 v17;
	[tilespmem:v2+s22+$0x0] =	vst.idx.add.f32.msk $0xffff, v1  }
0x1c5: {  	v36 =	vmin.f32 v28, $1.023000000e+03;
	v27 =	vtrunc.f32 v27;
	[tilespmem:v2+s23+$0x0] =	vst.idx.add.f32.msk vm8, v1  }
0x1c6: {  	v28 =	vmin.f32 v41, $1.023000000e+03;
	v2 =	vcvt.f32.s32 v27;
	v17 =	vadd.s32 $0x3C00, v17;
	[tilespmem:v16+s22+$0x0] =	vst.idx.add.f32.msk $0xffff, v1  }
0x1c7: {  	v3 =	vmin.f32 v3, $1.023000000e+03;
	v27 =	vtrunc.f32 v28;
	[tilespmem:v16+s23+$0x0] =	vst.idx.add.f32.msk vm6, v1  }
0x1c8: {  	v3 =	vtrunc.f32 v3;
	v27 =	vcvt.f32.s32 v27;
	v2 =	vadd.s32 $0x4000, v2;
	[tilespmem:v25+s22+$0x0] =	vst.idx.add.f32.msk $0xffff, v1  }
0x1c9: {  	v3 =	vcvt.f32.s32 v3;
	[tilespmem:v25+s23+$0x0] =	vst.idx.add.f32.msk vm5, v1  }
0x1ca: {  	v34 =	vtrunc.f32 v10;
	v16 =	vmin.f32 v22, $1.023000000e+03;
	v25 =	vadd.s32 $0x4400, v27;
	v10 =	vld [tilespmem:$0x1FFD0]  }
0x1cb: {  	v16 =	vtrunc.f32 v16;
	[tilespmem:v17+s22+$0x0] =	vst.idx.add.f32.msk $0xffff, v1  }
0x1cc: {  	v3 =	vadd.s32 $0x4800, v3;
	v16 =	vcvt.f32.s32 v16;
	[tilespmem:v17+s23+$0x0] =	vst.idx.add.f32.msk vm4, v1  }
0x1cd: {  	[tilespmem:v2+s22+$0x0] =	vst.idx.add.f32.msk $0xffff, v1  }
0x1ce: {  	v59 =	vadd.s32 $0x4C00, v16;
	[tilespmem:v2+s23+$0x0] =	vst.idx.add.f32.msk vm3, v1  }
0x1cf: {  	[tilespmem:v25+s22+$0x0] =	vst.idx.add.f32.msk $0xffff, v1  }
0x1d0: {  	[tilespmem:v25+s23+$0x0] =	vst.idx.add.f32.msk vm2, v1  }
0x1d1: {  	[tilespmem:v3+s22+$0x0] =	vst.idx.add.f32.msk $0xffff, v1  }
0x1d2: {  	[tilespmem:v3+s23+$0x0] =	vst.idx.add.f32.msk vm1, v1  }
0x1d3: {  	[tilespmem:v59+s22+$0x0] =	vst.idx.add.f32.msk $0xffff, v1  }
0x1d4: {  	v47 =	vmin.f32 v19, $1.023000000e+03;
	v19 =	vld [tilespmem:$0x1FFE0];
	_ =	sdelay $0x2  }
0x1d5: {  	v0 =	vmin.f32 v0, $1.023000000e+03  }
0x1d6: {  	v0 =	vtrunc.f32 v0  }
0x1d7: {  	v0 =	vcvt.f32.s32 v0;
	vm0 =	vnez.u8 v19;
	_ =	sdelay $0x1  }
0x1d8: {  	v28 =	vtrunc.f32 v29;
	v29 =	vadd.s32 $0x5000, v0;
	_ =	sdelay $0x3  }
0x1d9: {  	v8 =	vtrunc.f32 v8;
	v6 =	vmin.f32 v6, $1.023000000e+03;
	v56 =	vtrunc.f32 v7;
	[tilespmem:v59+s23+$0x0] =	vst.idx.add.f32.msk vm0, v1  }
0x1da: {  	v57 =	vtrunc.f32 v6;
	v51 =	vtrunc.f32 v26;
	[tilespmem:v29+s22+$0x0] =	vst.idx.add.f32.msk $0xffff, v1  }
0x1db: {  	v15 =	vmin.f32 v15, $1.023000000e+03;
	v35 =	vtrunc.f32 v30;
	v30 =	vcvt.f32.s32 v8;
	v19 =	vld [tilespmem:$0x1FFF0]  }
0x1dc: {  	s31 =	simm.s32 $0xC000;
	v8 =	vcvt.f32.s32 v56;
	v43 =	vtrunc.f32 v15  }
0x1dd: {  	v32 =	vtrunc.f32 v31;
	v31 =	vcvt.f32.s32 v57;
	v22 =	vadd.f32 v53, v24;
	v24 =	vld [tilespmem:s31+$0x0]  }
0x1de: {  	v57 =	vadd.s32 $0x400, v30;
	v30 =	vcvt.f32.s32 v51;
	v26 =	vtrunc.f32 v33  }
0x1df: {  	v33 =	vcvt.f32.s32 v34;
	v7 =	vtrunc.f32 v38  }
0x1e0: {  	v15 =	vtrunc.f32 v39;
	v5 =	vmin.f32 v5, $1.023000000e+03;
	vm7 =	vnez.u8 v19  }
0x1e1: {  	v6 =	vtrunc.f32 v5;
	v0 =	vtrunc.f32 v44  }
0x1e2: {  	v5 =	vtrunc.f32 v47;
	v16 =	vtrunc.f32 v37;
	vm6 =	veq.s32 v24, $0x0  }
0x1e3: {  	v17 =	vtrunc.f32 v36;
	vm5 =	veq.s32 v24, $0x1;
	vm4 =	veq.s32 v24, $0x2  }
0x1e4: {  	vm3 =	veq.s32 v24, $0x3;
	v2 =	vtrunc.f32 v45;
	v27 =	vmin.f32 v10, $1.023000000e+03  }
0x1e5: {  	v44 =	vmovc v61;
	v10 =	vtrunc.f32 v40;
	vm2 =	veq.s32 v24, $0x4;
	v3 =	vtrunc.f32 v46  }
0x1e6: {  	s1 =	simm.s32 $0x200;
	s18 =	simm.s32 $0x40;
	s0 =	simm.s32 $0x2;
	v25 =	vpop (erf);
	vm1 =	veq.s32 v24, $0x5;
	vm0 =	veq.s32 v24, $0x6;
	[tilespmem:v29+s23+$0x0] =	vst.idx.add.f32.msk vm7, v1;
	v29 =	vcvt.f32.s32 v43  }
.LBB2_5:
0x1e7: {  	v28 =	vcvt.f32.s32 v28  }
0x1e8: {  	v61 =	vcvt.f32.s32 v35;
	v51 =	vcvt.f32.s32 v32  }
0x1e9: {  	v36 =	vcvt.f32.s32 v26;
	v17 =	vcvt.f32.s32 v17;
	v34 =	vadd.f32 v48, v25  }
0x1ea: {  	v16 =	vcvt.f32.s32 v16;
	v37 =	vcvt.f32.s32 v7  }
0x1eb: {  	v15 =	vcvt.f32.s32 v15;
	v10 =	vcvt.f32.s32 v10;
	v22 =	vadd.f32 v22, v34  }
0x1ec: {  	s26 =	sand.u32 $0x60, s18;
	s2 =	sand.u32 $0x1C00, s1;
	v0 =	vcvt.f32.s32 v0;
	v6 =	vcvt.f32.s32 v6  }
0x1ed: {  	v56 =	vadd.s32 $0x800, v33;
	v26 =	vtrunc.f32 v27;
	s7 =	sor.u32 s26, s2;
	s4 =	sor.u32 $0x4000, s2;
	s25 =	sor.u32 $0x10, s26;
	(erf) = vrcp.f32 v22  }
0x1ee: {  	v27 =	vcvt.f32.s32 v5;
	vm7 =	veq.s32 v24, $0x7;
	vm8 =	veq.s32 v24, $0x8;
	s5 =	sor.u32 $0x4080, s2;
	v19 =	vld [tilespmem:s7+$0x0];
	s9 =	sor.u32 s26, s4;
	s4 =	sor.u32 s25, s4  }
0x1ef: {  	vm9 =	veq.s32 v24, $0x9;
	vm10 =	veq.s32 v24, $0xA;
	v46 =	vadd.s32 $0xC00, v8;
	s13 =	sor.u32 $0x4100, s2;
	s10 =	sor.u32 s25, s5;
	v8 =	vld [tilespmem:s4+$0x0]  }
0x1f0: {  	vm11 =	veq.s32 v24, $0xB;
	vm15 =	veq.s32 v24, $0xC;
	s15 =	sor.u32 s25, s13;
	v7 =	vld [tilespmem:s10+$0x0];
	v22 =	vcvt.f32.s32 v2  }
0x1f1: {  	vm14 =	veq.s32 v24, $0xD;
	vm13 =	veq.s32 v24, $0xE;
	s17 =	sor.u32 s25, s2;
	v0 =	vadd.s32 $0x4000, v0;
	v32 =	vld [tilespmem:s15+$0x0]  }
0x1f2: {  	v47 =	vadd.s32 $0x1400, v29;
	v29 =	vcvt.f32.s32 v3;
	v3 =	vld [tilespmem:s17+$0x0];
	[tilespmem:$0x1FA70] =	vst v0;
	v0 =	vadd.s32 $0x4400, v22  }
0x1f3: {  	vm12 =	veq.s32 v24, $0xF;
	v5 =	vadd.s32 $0x3800, v15;
	v45 =	vld [tilespmem:s17+$0x80];
	[tilespmem:$0x1FA90] =	vst v0;
	v0 =	vadd.s32 $0x4800, v6  }
0x1f4: {  	v55 =	vadd.s32 $0x1000, v31;
	v43 =	vadd.s32 $0x1800, v30;
	v15 =	vadd.s32 $0x5000, v27;
	v35 =	vld [tilespmem:s17+$0x100];
	[tilespmem:$0x1FA40] =	vst v5  }
0x1f5: {  	s14 =	sor.u32 $0x4180, s2;
	v26 =	vcvt.f32.s32 v26;
	v42 =	vadd.s32 $0x1C00, v28;
	v41 =	vadd.s32 $0x2000, v61;
	v48 =	vld [tilespmem:s17+$0x180];
	[tilespmem:$0x1FB30] =	vst v15  }
0x1f6: {  	s19 =	sor.u32 $0x2000, s2;
	s12 =	sor.u32 s26, s13;
	v40 =	vadd.s32 $0x2400, v51;
	v38 =	vadd.s32 $0x3000, v16;
	v5 =	vadd.s32 $0x3C00, v10;
	v59 =	vld [tilespmem:s17+$0x200];
	[tilespmem:$0x1FAB0] =	vst v0;
	v0 =	vpop (erf)  }
0x1f7: {  	s13 =	sor.u32 s26, s14;
	s16 =	sor.u32 s25, s14;
	s14 =	sor.u32 s26, s19;
	v16 =	vadd.s32 $0x4C00, v29;
	v10 =	vld [tilespmem:s17+$0x380];
	[tilespmem:$0x1FA50] =	vst v5;
	v51 =	vmul.f32 $1.024000000e+03, v0;
	v0 =	vimm.s32 $0x0  }
0x1f8: {  	v39 =	vadd.s32 $0x2800, v36;
	v61 =	vadd.s32 $0x3400, v37;
	v27 =	vld [tilespmem:s14+$0x0];
	[tilespmem:$0x1FAF0] =	vst v16;
	v0 =	vsel vm12, $0xFFFFFFFF, v0  }
0x1f9: {  	s4 =	sor.u32 s25, s19;
	v5 =	vld [tilespmem:s17+$0x280];
	vm12 =	veq.s32 v24, $0x10;
	[tilespmem:$0x1FA60] =	vst v0;
	v0 =	vimm.s32 $0x0;
	v13 =	vmul.f32 v51, v13  }
0x1fa: {  	v15 =	vld [tilespmem:s4+$0x0];
	[tilespmem:$0x1F9F0] =	vst v19;
	v37 =	vmul.f32 v51, v11;
	v11 =	vmul.f32 v51, v52;
	v0 =	vsel vm12, $0xFFFFFFFF, v0  }
0x1fb: {  	v34 =	vadd.s32 $0x2C00, v17;
	s15 =	sor.u32 $0x2080, s2;
	v2 =	vld [tilespmem:s16+$0x0];
	v22 =	vmul.f32 v51, v62;
	v53 =	vmul.f32 v51, v4;
	[tilespmem:$0x1FA80] =	vst v0  }
0x1fc: {  	s16 =	sor.u32 s26, s15;
	s15 =	sor.u32 s25, s15;
	v6 =	vld [tilespmem:s17+$0x300];
	s17 =	sor.u32 $0x2180, s2;
	vm12 =	veq.s32 v24, $0x11;
	v0 =	vimm.s32 $0x0;
	v4 =	vmin.f32 v13, $1.023000000e+03;
	[tilespmem:$0x1FA30] =	vst v11  }
0x1fd: {  	s20 =	sor.u32 $0x2100, s2;
	s19 =	sor.u32 $0x2200, s2;
	v16 =	vld [tilespmem:s15+$0x0];
	v19 =	vimm.s32 $0x0;
	s6 =	sor.u32 s25, s17;
	v33 =	vmul.f32 v51, v63;
	v0 =	vsel vm12, $0xFFFFFFFF, v0;
	[tilespmem:$0x1FB60] =	vst v4  }
0x1fe: {  	s11 =	sor.u32 s26, s5;
	s5 =	sor.u32 s25, s20;
	s10 =	sor.u32 s25, s19;
	v28 =	vld [tilespmem:s6+$0x0];
	vm12 =	veq.s32 v24, $0x12;
	v4 =	vmin.f32 v22, $1.023000000e+03;
	[tilespmem:$0x1FAA0] =	vst v0;
	v0 =	vimm.s32 $0x0  }
0x1ff: {  	s4 =	sor.u32 s26, s20;
	s20 =	sor.u32 $0x2280, s2;
	s15 =	sor.u32 s26, s17;
	v17 =	vmul.f32 v51, v44;
	v44 =	vld [tilespmem:s10+$0x0];
	v23 =	vmul.f32 v51, v23;
	[tilespmem:$0x1FB70] =	vst v4;
	v0 =	vsel vm12, $0xFFFFFFFF, v0  }
0x200: {  	s17 =	sor.u32 s26, s19;
	s6 =	sor.u32 $0x2300, s2;
	v36 =	vmul.f32 v51, v12;
	v63 =	vmul.f32 v51, v14;
	v4 =	vmin.f32 v33, $1.023000000e+03;
	[tilespmem:$0x1FAD0] =	vst v0;
	v0 =	vld [tilespmem:s5+$0x0];
	s5 =	sor.u32 s25, s20  }
0x201: {  	s19 =	sor.u32 s26, s20;
	s10 =	sor.u32 $0x2380, s2;
	v62 =	vmul.f32 v51, v49;
	v17 =	vmin.f32 v17, $1.023000000e+03;
	[tilespmem:$0x1FB80] =	vst v4;
	v4 =	vmul.f32 v51, v18;
	v29 =	vld [tilespmem:s5+$0x0];
	s5 =	sor.u32 s25, s6  }
0x202: {  	v12 =	vmax.f32 v3, v45;
	v52 =	vmax.f32 v15, v16;
	v13 =	vmax.f32 v35, v48;
	[tilespmem:$0x1FB50] =	vst v17;
	s20 =	sor.u32 s26, s6;
	s6 =	sor.u32 s26, s10;
	s10 =	sor.u32 s25, s10;
	v30 =	vld [tilespmem:s5+$0x0]  }
0x203: {  	v17 =	vmul.f32 v51, v9;
	vm12 =	veq.s32 v24, $0x13;
	[tilespmem:$0x1FA00] =	vst v4;
	v4 =	vmin.f32 v23, $1.023000000e+03;
	v31 =	vld [tilespmem:s10+$0x0]  }
0x204: {  	s14 =	sor.u32 $0x4200, s2;
	v49 =	vld [tilespmem:s15+$0x0];
	v9 =	vmax.f32 v32, v2;
	v19 =	vsel vm12, $0xFFFFFFFF, v19;
	[tilespmem:$0x1FB90] =	vst v4;
	v4 =	vmul.f32 v51, v50  }
0x205: {  	v22 =	vld [tilespmem:s16+$0x0];
	v33 =	vmax.f32 v6, v10;
	vm12 =	veq.s32 v24, $0x14;
	[tilespmem:$0x1FB20] =	vst v19;
	v19 =	vimm.s32 $0x0;
	s5 =	sor.u32 s25, s14  }
0x206: {  	v23 =	vmax.f32 v59, v5;
	v19 =	vsel vm12, $0xFFFFFFFF, v19;
	v11 =	vld [tilespmem:s5+$0x0];
	[tilespmem:$0x1FA10] =	vst v4;
	v4 =	vmul.f32 v51, v54  }
0x207: {  	v12 =	vmax.f32 v12, v13;
	v24 =	vld [tilespmem:s4+$0x0];
	v23 =	vmax.f32 v23, v33;
	[tilespmem:$0x1FB40] =	vst v19;
	v54 =	vmax.f32 v0, v28  }
0x208: {  	v14 =	vld [tilespmem:s19+$0x0];
	[tilespmem:$0x1FA20] =	vst v4;
	v4 =	vmax.f32 v8, v7;
	v18 =	vmax.f32 v44, v29;
	v19 =	vmax.f32 v30, v31  }
0x209: {  	v13 =	vld [tilespmem:s7+$0x180];
	v54 =	vmax.f32 v52, v54;
	v4 =	vmax.f32 v4, v9;
	v18 =	vmax.f32 v18, v19  }
0x20a: {  	v50 =	vld [tilespmem:s17+$0x0];
	v9 =	vmax.f32 v12, v23;
	v23 =	vmul.f32 v51, v20;
	v12 =	vmax.f32 v54, v18  }
0x20b: {  	v52 =	vld [tilespmem:s20+$0x0];
	v4 =	vmax.f32 v4, v11;
	v18 =	vmax.f32 v27, v22;
	v9 =	vmax.f32 v9, v12  }
0x20c: {  	v54 =	vld [tilespmem:s6+$0x0];
	v12 =	vmax.f32 v24, v49;
	v33 =	vmax.f32 v9, v4;
	v4 =	vmul.f32 v51, v21  }
0x20d: {  	v9 =	vld [tilespmem:s7+$0x80];
	v12 =	vmax.f32 v18, v12;
	v19 =	vsub.f32 v8, v33;
	v18 =	vsub.f32 v7, v33  }
0x20e: {  	v8 =	vld [tilespmem:s7+$0x100];
	v20 =	vsub.f32 v32, v33;
	v21 =	vsub.f32 v2, v33;
	v2 =	vmul.f32 v51, v25  }
0x20f: {  	v7 =	vld [tilespmem:s7+$0x200];
	v25 =	vsub.f32 v3, v33;
	[tilespmem:$0x1FAC0] =	vst v4;
	v4 =	vmul.f32 v51, v60;
	v19 =	vmul.f32 $1.442695020e+00, v19  }
0x210: {  	v3 =	vld [tilespmem:s7+$0x300];
	v18 =	vmul.f32 $1.442695020e+00, v18;
	[tilespmem:$0x1FB10] =	vst v2;
	v20 =	vmul.f32 $1.442695020e+00, v20  }
0x211: {  	v35 =	vsub.f32 v35, v33;
	v2 =	vld [tilespmem:s7+$0x280];
	v25 =	vmul.f32 $1.442695020e+00, v25;
	[tilespmem:$0x1FAE0] =	vst v4;
	v4 =	vmul.f32 v51, v58  }
0x212: {  	v48 =	vsub.f32 v48, v33;
	v58 =	vmul.f32 $1.442695020e+00, v21;
	v21 =	vld [tilespmem:s9+$0x0];
	(erf) = vpow2.f32 v19  }
0x213: {  	v32 =	vmul.f32 $1.442695020e+00, v35;
	v19 =	vsub.f32 v45, v33;
	v45 =	vld [tilespmem:s7+$0x380];
	(erf) = vpow2.f32 v18  }
0x214: {  	v5 =	vsub.f32 v5, v33;
	v48 =	vmul.f32 $1.442695020e+00, v48;
	v18 =	vld [tilespmem:s11+$0x0];
	(erf) = vpow2.f32 v20  }
0x215: {  	v60 =	vsub.f32 v59, v33;
	v20 =	vmul.f32 $1.442695020e+00, v19;
	v19 =	vld [tilespmem:s12+$0x0];
	(erf) = vpow2.f32 v58  }
0x216: {  	s2 =	sor.u32 s26, s14;
	v6 =	vsub.f32 v6, v33;
	v5 =	vmul.f32 $1.442695020e+00, v5;
	v58 =	vld [tilespmem:$0x1F9F0];
	(erf) = vpow2.f32 v25  }
0x217: {  	v10 =	vsub.f32 v10, v33;
	v35 =	vmul.f32 $1.442695020e+00, v60;
	v25 =	vld [tilespmem:s2+$0x0];
	(erf) = vpow2.f32 v20  }
0x218: {  	v0 =	vsub.f32 v0, v33;
	v6 =	vmul.f32 $1.442695020e+00, v6;
	[tilespmem:$0x1FB00] =	vst v4;
	v20 =	vld [tilespmem:s13+$0x0];
	(erf) = vpow2.f32 v32  }
0x219: {  	v30 =	vsub.f32 v30, v33;
	v10 =	vmul.f32 $1.442695020e+00, v10;
	[tilespmem:v26+s22+$0x0] =	vst.idx.add.f32.msk $0xffff, v1;
	(erf) = vpow2.f32 v48  }
0x21a: {  	v15 =	vsub.f32 v15, v33;
	v0 =	vmul.f32 $1.442695020e+00, v0;
	[tilespmem:v26+s23+$0x0] =	vst.idx.add.f32.msk vm6, v1;
	(erf) = vpow2.f32 v35  }
0x21b: {  	v16 =	vsub.f32 v16, v33;
	v30 =	vmul.f32 $1.442695020e+00, v30;
	[tilespmem:v57+s22+$0x0] =	vst.idx.add.f32.msk $0xffff, v1;
	(erf) = vpow2.f32 v5;
	v35 =	vpop (erf)  }
0x21c: {  	v59 =	vsub.f32 v28, v33;
	[tilespmem:v57+s23+$0x0] =	vst.idx.add.f32.msk vm5, v1;
	v5 =	vmul.f32 $1.442695020e+00, v15;
	(erf) = vpow2.f32 v6;
	v32 =	vpop (erf)  }
0x21d: {  	v44 =	vsub.f32 v44, v33;
	v15 =	vmul.f32 $1.442695020e+00, v16;
	[tilespmem:v56+s22+$0x0] =	vst.idx.add.f32.msk $0xffff, v1;
	(erf) = vpow2.f32 v10;
	v26 =	vpop (erf)  }
0x21e: {  	v29 =	vsub.f32 v29, v33;
	v16 =	vmul.f32 $1.442695020e+00, v59;
	[tilespmem:v56+s23+$0x0] =	vst.idx.add.f32.msk vm4, v1;
	(erf) = vpow2.f32 v5;
	v28 =	vpop (erf)  }
0x21f: {  	[tilespmem:v46+s22+$0x0] =	vst.idx.add.f32.msk $0xffff, v1;
	v6 =	vpop (erf);
	(erf) = vpow2.f32 v15;
	v15 =	vmul.f32 $1.442695020e+00, v44  }
0x220: {  	v4 =	vmax.f32 v50, v14;
	[tilespmem:v46+s23+$0x0] =	vst.idx.add.f32.msk vm3, v1;
	v5 =	vpop (erf);
	(erf) = vpow2.f32 v0;
	v0 =	vmul.f32 $1.442695020e+00, v29  }
0x221: {  	[tilespmem:v55+s22+$0x0] =	vst.idx.add.f32.msk $0xffff, v1;
	v29 =	vsub.f32 v31, v33;
	v31 =	vmax.f32 v7, v2;
	v10 =	vpop (erf);
	(erf) = vpow2.f32 v16  }
0x222: {  	[tilespmem:v55+s23+$0x0] =	vst.idx.add.f32.msk vm2, v1;
	v16 =	vmax.f32 v52, v54;
	v46 =	vpop (erf);
	(erf) = vpow2.f32 v15;
	v15 =	vmax.f32 v58, v9  }
0x223: {  	[tilespmem:v47+s22+$0x0] =	vst.idx.add.f32.msk $0xffff, v1;
	v29 =	vmul.f32 $1.442695020e+00, v29;
	v4 =	vmax.f32 v4, v16;
	v48 =	vpop (erf);
	(erf) = vpow2.f32 v0  }
0x224: {  	[tilespmem:v47+s23+$0x0] =	vst.idx.add.f32.msk vm1, v1;
	v0 =	vmax.f32 v8, v13;
	v44 =	vpop (erf);
	(erf) = vpow2.f32 v30;
	v30 =	vmax.f32 v3, v45  }
0x225: {  	[tilespmem:v43+s22+$0x0] =	vst.idx.add.f32.msk $0xffff, v1;
	v0 =	vmax.f32 v15, v0;
	v16 =	vpop (erf);
	(erf) = vpow2.f32 v29;
	v30 =	vmax.f32 v31, v30  }
0x226: {  	v4 =	vmax.f32 v12, v4;
	v12 =	vsub.f32 v11, v33;
	v15 =	vpop (erf);
	v30 =	vmax.f32 v0, v30;
	v0 =	vld [tilespmem:$0x1FD70]  }
0x227: {  	v36 =	vmin.f32 v36, $1.023000000e+03;
	v60 =	vmax.f32 v19, v20;
	[tilespmem:v43+s23+$0x0] =	vst.idx.add.f32.msk vm0, v1;
	v29 =	vmax.f32 v21, v18;
	v11 =	vpop (erf)  }
0x228: {  	v33 =	vmin.f32 v37, $1.023000000e+03;
	v12 =	vmul.f32 $1.442695020e+00, v12;
	[tilespmem:v42+s22+$0x0] =	vst.idx.add.f32.msk $0xffff, v1;
	v29 =	vmax.f32 v29, v60;
	v59 =	vpop (erf)  }
0x229: {  	[tilespmem:$0x1FBC0] =	vst v36;
	v31 =	vadd.f32 v46, v10;
	v29 =	vmax.f32 v29, v25;
	v4 =	vmax.f32 v30, v4;
	v56 =	vpop (erf)  }
0x22a: {  	[tilespmem:$0x1FBB0] =	vst v33;
	v33 =	vadd.f32 v44, v48;
	v30 =	vadd.f32 v28, v26;
	v4 =	vmax.f32 v4, v29;
	v55 =	vpop (erf)  }
0x22b: {  	[tilespmem:v42+s23+$0x0] =	vst.idx.add.f32.msk vm7, v1;
	v29 =	vmin.f32 v53, $1.023000000e+03;
	v0 =	vmul.f32 v51, v0;
	v51 =	vpop (erf);
	(erf) = vpow2.f32 v12  }
0x22c: {  	v37 =	vadd.f32 v15, v16;
	[tilespmem:$0x1FBA0] =	vst v29;
	v29 =	vadd.f32 v32, v35;
	v53 =	vpop (erf)  }
0x22d: {  	[tilespmem:v41+s22+$0x0] =	vst.idx.add.f32.msk $0xffff, v1;
	v36 =	vadd.f32 v59, v11;
	v12 =	vadd.f32 v5, v6;
	v47 =	vpop (erf)  }
0x22e: {  	v60 =	vmin.f32 v17, $1.023000000e+03;
	v42 =	vadd.f32 v55, v56;
	v29 =	vadd.f32 v30, v29;
	v30 =	vld [tilespmem:$0x1FA20];
	v17 =	vpop (erf)  }
0x22f: {  	[tilespmem:v41+s23+$0x0] =	vst.idx.add.f32.msk vm8, v1;
	v41 =	vadd.f32 v53, v51;
	v43 =	vadd.f32 v17, v47  }
0x230: {  	[tilespmem:v40+s22+$0x0] =	vst.idx.add.f32.msk $0xffff, v1;
	v12 =	vadd.f32 v31, v12;
	v31 =	vadd.f32 v37, v33  }
0x231: {  	v57 =	vmin.f32 v63, $1.023000000e+03;
	[tilespmem:v40+s23+$0x0] =	vst.idx.add.f32.msk vm9, v1;
	v40 =	vadd.f32 v42, v36;
	v41 =	vadd.f32 v43, v41  }
0x232: {  	[tilespmem:$0x1FBD0] =	vst v57  }
0x233: {  	[tilespmem:v39+s22+$0x0] =	vst.idx.add.f32.msk $0xffff, v1;
	v12 =	vadd.f32 v31, v12;
	v57 =	vmin.f32 v30, $1.023000000e+03;
	v30 =	vadd.f32 v41, v40  }
0x234: {  	[tilespmem:v39+s23+$0x0] =	vst.idx.add.f32.msk vm10, v1;
	v39 =	vpop (erf)  }
0x235: {  	v29 =	vadd.f32 v29, v39;
	v12 =	vadd.f32 v30, v12  }
0x236: {  	v37 =	vld [tilespmem:$0x1FA00]  }
0x237: {  	v12 =	vadd.f32 v12, v29;
	v29 =	vsub.f32 v22, v4;
	v22 =	vld [tilespmem:$0x1FA40]  }
0x238: {  	[tilespmem:v34+s22+$0x0] =	vst.idx.add.f32.msk $0xffff, v1  }
0x239: {  	[tilespmem:v34+s23+$0x0] =	vst.idx.add.f32.msk vm11, v1  }
0x23a: {  	[tilespmem:v38+s22+$0x0] =	vst.idx.add.f32.msk $0xffff, v1  }
0x23b: {  	[tilespmem:v38+s23+$0x0] =	vst.idx.add.f32.msk vm15, v1  }
0x23c: {  	v43 =	vsub.f32 v58, v4;
	[tilespmem:v61+s22+$0x0] =	vst.idx.add.f32.msk $0xffff, v1  }
0x23d: {  	v33 =	vmin.f32 v37, $1.023000000e+03;
	[tilespmem:v61+s23+$0x0] =	vst.idx.add.f32.msk vm14, v1  }
0x23e: {  	[tilespmem:$0x1FBF0] =	vst v33;
	v33 =	vmul.f32 $1.442695020e+00, v43;
	v43 =	vld [tilespmem:$0x1FA60]  }
0x23f: {  	[tilespmem:v22+s22+$0x0] =	vst.idx.add.f32.msk $0xffff, v1  }
0x240: {  	[tilespmem:v22+s23+$0x0] =	vst.idx.add.f32.msk vm13, v1  }
0x241: {  	v22 =	vld [tilespmem:$0x1FA50];
	_ =	sdelay $0x2  }
0x242: {  	vm0 =	vnez.u8 v43  }
0x243: {  	v34 =	vmin.f32 v23, $1.023000000e+03;
	v23 =	vsub.f32 v45, v4  }
0x244: {  	(erf) = vrcp.f32 v12;
	v12 =	vsub.f32 v24, v4  }
0x245: {  	v30 =	vsub.f32 v50, v4;
	v50 =	vmul.f32 $1.442695020e+00, v23  }
0x246: {  	v23 =	vsub.f32 v21, v4;
	v21 =	vmul.f32 $1.442695020e+00, v12;
	v12 =	vsub.f32 v18, v4;
	v18 =	vld [tilespmem:$0x1FA80]  }
0x247: {  	v27 =	vsub.f32 v27, v4;
	[tilespmem:v22+s22+$0x0] =	vst.idx.add.f32.msk $0xffff, v1  }
0x248: {  	[tilespmem:v22+s23+$0x0] =	vst.idx.add.f32.msk vm0, v1  }
0x249: {  	v22 =	vmul.f32 $1.442695020e+00, v27;
	v27 =	vld [tilespmem:$0x1FA70]  }
0x24a: {  	v9 =	vsub.f32 v9, v4  }
0x24b: {  	v14 =	vsub.f32 v14, v4  }
0x24c: {  	v9 =	vmul.f32 $1.442695020e+00, v9;
	vm0 =	vnez.u8 v18  }
0x24d: {  	v41 =	vmul.f32 $1.442695020e+00, v14;
	v14 =	vld [tilespmem:$0x1FAA0];
	(erf) = vpow2.f32 v33  }
0x24e: {  	(erf) = vpow2.f32 v9;
	v9 =	vld [tilespmem:$0x1FAC0]  }
0x24f: {  	v18 =	vsub.f32 v19, v4;
	v19 =	vld [tilespmem:$0x1FA90];
	_ =	sdelay $0x1  }
0x250: {  	[tilespmem:v27+s22+$0x0] =	vst.idx.add.f32.msk $0xffff, v1  }
0x251: {  	[tilespmem:v27+s23+$0x0] =	vst.idx.add.f32.msk vm0, v1;
	vm0 =	vnez.u8 v14  }
0x252: {  	v8 =	vsub.f32 v8, v4  }
0x253: {  	v13 =	vsub.f32 v13, v4;
	v58 =	vmul.f32 $1.442695020e+00, v29;
	v29 =	vmin.f32 v9, $1.023000000e+03;
	v9 =	vld [tilespmem:$0x1FAD0]  }
0x254: {  	v63 =	vmin.f32 v62, $1.023000000e+03;
	v7 =	vsub.f32 v7, v4;
	v2 =	vsub.f32 v2, v4  }
0x255: {  	[tilespmem:$0x1FBE0] =	vst v63;
	v3 =	vsub.f32 v3, v4;
	v62 =	vsub.f32 v52, v4  }
0x256: {  	v63 =	vsub.f32 v54, v4;
	v52 =	vsub.f32 v20, v4;
	[tilespmem:v19+s22+$0x0] =	vst.idx.add.f32.msk $0xffff, v1  }
0x257: {  	v24 =	vsub.f32 v49, v4;
	v49 =	vsub.f32 v25, v4;
	v4 =	vpop (erf);
	[tilespmem:v19+s23+$0x0] =	vst.idx.add.f32.msk vm0, v1  }
0x258: {  	vm0 =	vnez.u8 v9;
	v9 =	vmul.f32 $1.024000000e+03, v4;
	v4 =	vld [tilespmem:$0x1FAE0];
	_ =	sdelay $0x2  }
0x259: {  	v8 =	vmul.f32 $1.442695020e+00, v8;
	_ =	sdelay $0x1  }
0x25a: {  	(erf) = vpow2.f32 v8;
	v8 =	vmin.f32 v4, $1.023000000e+03;
	v4 =	vld [tilespmem:$0x1FB00]  }
0x25b: {  	v14 =	vld [tilespmem:$0x1FAB0];
	_ =	sdelay $0x3  }
0x25c: {  	v33 =	vmin.f32 v4, $1.023000000e+03;
	v4 =	vmul.f32 v9, v6;
	v6 =	vld [tilespmem:$0x1FB10];
	_ =	sdelay $0x3  }
0x25d: {  	[tilespmem:v14+s22+$0x0] =	vst.idx.add.f32.msk $0xffff, v1  }
0x25e: {  	v40 =	vmul.f32 $1.442695020e+00, v30;
	v30 =	vmin.f32 v6, $1.023000000e+03;
	v6 =	vld [tilespmem:$0x1FB20]  }
0x25f: {  	v13 =	vmul.f32 $1.442695020e+00, v13;
	[tilespmem:v14+s23+$0x0] =	vst.idx.add.f32.msk vm0, v1  }
0x260: {  	v7 =	vmul.f32 $1.442695020e+00, v7;
	v14 =	vld [tilespmem:$0x1FAF0]  }
0x261: {  	v2 =	vmul.f32 $1.442695020e+00, v2;
	(erf) = vpow2.f32 v13  }
0x262: {  	v3 =	vmul.f32 $1.442695020e+00, v3;
	(erf) = vpow2.f32 v7  }
0x263: {  	(erf) = vpow2.f32 v2;
	vm0 =	vnez.u8 v6  }
0x264: {  	(erf) = vpow2.f32 v3;
	v3 =	vld [tilespmem:$0x1FB40];
	_ =	sdelay $0x1  }
0x265: {  	v2 =	vld [tilespmem:$0x1FB30];
	_ =	sdelay $0x1  }
0x266: {  	[tilespmem:v14+s22+$0x0] =	vst.idx.add.f32.msk $0xffff, v1  }
0x267: {  	s26 =	sand.u32 $0x380, s18;
	[tilespmem:v14+s23+$0x0] =	vst.idx.add.f32.msk vm0, v1;
	vm0 =	vnez.u8 v3  }
0x268: {  	s2 =	sor.u32 s25, s26  }
0x269: {  	v54 =	vld [tilespmem:s2+$0xC000];
	_ =	sdelay $0x1  }
0x26a: {  	v27 =	vmin.f32 v0, $1.023000000e+03;
	v5 =	vmul.f32 v9, v5;
	v0 =	vmin.f32 v4, $1.023000000e+03  }
0x26b: {  	v0 =	vtrunc.f32 v0;
	v3 =	vmul.f32 v9, v10;
	[tilespmem:v2+s22+$0x0] =	vst.idx.add.f32.msk $0xffff, v1  }
0x26c: {  	v4 =	vmul.f32 v9, v46;
	v0 =	vcvt.f32.s32 v0;
	[tilespmem:v2+s23+$0x0] =	vst.idx.add.f32.msk vm0, v1;
	v2 =	vmin.f32 v5, $1.023000000e+03  }
0x26d: {  	vm2 =	veq.s32 v54, $0x0;
	v3 =	vmin.f32 v3, $1.023000000e+03;
	v2 =	vtrunc.f32 v2  }
0x26e: {  	v4 =	vmin.f32 v4, $1.023000000e+03;
	v3 =	vtrunc.f32 v3;
	v2 =	vcvt.f32.s32 v2  }
0x26f: {  	v4 =	vtrunc.f32 v4;
	v3 =	vcvt.f32.s32 v3  }
0x270: {  	vm0 =	veq.s32 v54, $0x1;
	v5 =	vmul.f32 v9, v48;
	v2 =	vadd.s32 $0x400, v2  }
0x271: {  	vm1 =	veq.s32 v54, $0x2;
	v43 =	vmul.f32 $1.442695020e+00, v12;
	v12 =	vcvt.f32.s32 v4  }
0x272: {  	v6 =	vmul.f32 v9, v44;
	[tilespmem:v0+s22+$0x0] =	vst.idx.add.f32.msk $0xffff, v1;
	v14 =	vpop (erf);
	v3 =	vadd.s32 $0x800, v3;
	v5 =	vmin.f32 v5, $1.023000000e+03  }
0x273: {  	vm3 =	veq.s32 v54, $0x3;
	[tilespmem:v0+s23+$0x0] =	vst.idx.add.f32.msk vm2, v1;
	v0 =	vadd.s32 $0xC00, v12;
	v10 =	vpop (erf);
	v5 =	vtrunc.f32 v5  }
0x274: {  	v42 =	vld [tilespmem:$0x1FA10];
	v6 =	vmin.f32 v6, $1.023000000e+03;
	v44 =	vmovc v10;
	v10 =	vmul.f32 v9, v16;
	v5 =	vcvt.f32.s32 v5  }
0x275: {  	vm2 =	veq.s32 v54, $0x4;
	v12 =	vmul.f32 v9, v15;
	v6 =	vtrunc.f32 v6;
	[tilespmem:v2+s22+$0x0] =	vst.idx.add.f32.msk $0xffff, v1  }
0x276: {  	[tilespmem:v2+s23+$0x0] =	vst.idx.add.f32.msk vm0, v1;
	v2 =	vadd.s32 $0x1000, v5;
	v5 =	vcvt.f32.s32 v6;
	v6 =	vmin.f32 v10, $1.023000000e+03  }
0x277: {  	vm0 =	veq.s32 v54, $0x5;
	v10 =	vmul.f32 v9, v11;
	[tilespmem:v3+s22+$0x0] =	vst.idx.add.f32.msk $0xffff, v1;
	v6 =	vtrunc.f32 v6  }
0x278: {  	[tilespmem:v3+s23+$0x0] =	vst.idx.add.f32.msk vm1, v1;
	v3 =	vadd.s32 $0x1400, v5;
	v5 =	vcvt.f32.s32 v6;
	v6 =	vmin.f32 v12, $1.023000000e+03  }
0x279: {  	v11 =	vmul.f32 v9, v59;
	vm1 =	veq.s32 v54, $0x6;
	[tilespmem:v0+s22+$0x0] =	vst.idx.add.f32.msk $0xffff, v1;
	v6 =	vtrunc.f32 v6  }
0x27a: {  	[tilespmem:v0+s23+$0x0] =	vst.idx.add.f32.msk vm3, v1;
	v0 =	vadd.s32 $0x1800, v5;
	v5 =	vcvt.f32.s32 v6;
	v6 =	vmin.f32 v10, $1.023000000e+03  }
0x27b: {  	vm3 =	veq.s32 v54, $0x7;
	v10 =	vmul.f32 v9, v56;
	[tilespmem:v2+s22+$0x0] =	vst.idx.add.f32.msk $0xffff, v1;
	v6 =	vtrunc.f32 v6  }
0x27c: {  	[tilespmem:v2+s23+$0x0] =	vst.idx.add.f32.msk vm2, v1;
	v2 =	vadd.s32 $0x1C00, v5;
	v5 =	vcvt.f32.s32 v6;
	v6 =	vmin.f32 v11, $1.023000000e+03  }
0x27d: {  	vm2 =	veq.s32 v54, $0x8;
	v11 =	vmul.f32 v9, v55;
	[tilespmem:v3+s22+$0x0] =	vst.idx.add.f32.msk $0xffff, v1;
	v6 =	vtrunc.f32 v6  }
0x27e: {  	[tilespmem:v3+s23+$0x0] =	vst.idx.add.f32.msk vm0, v1;
	v3 =	vadd.s32 $0x2000, v5;
	v5 =	vcvt.f32.s32 v6;
	v6 =	vmin.f32 v10, $1.023000000e+03  }
0x27f: {  	vm0 =	veq.s32 v54, $0x9;
	v10 =	vmul.f32 v9, v51;
	[tilespmem:v0+s22+$0x0] =	vst.idx.add.f32.msk $0xffff, v1;
	v6 =	vtrunc.f32 v6  }
0x280: {  	[tilespmem:v0+s23+$0x0] =	vst.idx.add.f32.msk vm1, v1;
	v0 =	vadd.s32 $0x2400, v5;
	v5 =	vcvt.f32.s32 v6;
	v6 =	vmin.f32 v11, $1.023000000e+03  }
0x281: {  	vm1 =	veq.s32 v54, $0xA;
	v11 =	vmul.f32 v9, v53;
	[tilespmem:v2+s22+$0x0] =	vst.idx.add.f32.msk $0xffff, v1;
	v6 =	vtrunc.f32 v6  }
0x282: {  	[tilespmem:v2+s23+$0x0] =	vst.idx.add.f32.msk vm3, v1;
	v2 =	vadd.s32 $0x2800, v5;
	v5 =	vcvt.f32.s32 v6;
	v6 =	vmin.f32 v10, $1.023000000e+03  }
0x283: {  	vm3 =	veq.s32 v54, $0xB;
	v10 =	vmul.f32 v9, v47;
	[tilespmem:v3+s22+$0x0] =	vst.idx.add.f32.msk $0xffff, v1;
	v6 =	vtrunc.f32 v6  }
0x284: {  	[tilespmem:v3+s23+$0x0] =	vst.idx.add.f32.msk vm2, v1;
	v3 =	vadd.s32 $0x2C00, v5;
	v5 =	vcvt.f32.s32 v6;
	v6 =	vmin.f32 v11, $1.023000000e+03  }
0x285: {  	vm2 =	veq.s32 v54, $0xC;
	v11 =	vmul.f32 v9, v17;
	[tilespmem:v0+s22+$0x0] =	vst.idx.add.f32.msk $0xffff, v1;
	v6 =	vtrunc.f32 v6  }
0x286: {  	[tilespmem:v0+s23+$0x0] =	vst.idx.add.f32.msk vm0, v1;
	v0 =	vadd.s32 $0x3000, v5;
	v5 =	vcvt.f32.s32 v6;
	v6 =	vmin.f32 v10, $1.023000000e+03  }
0x287: {  	vm0 =	veq.s32 v54, $0xD;
	v10 =	vmul.f32 v9, v35;
	[tilespmem:v2+s22+$0x0] =	vst.idx.add.f32.msk $0xffff, v1;
	v6 =	vtrunc.f32 v6  }
0x288: {  	[tilespmem:v2+s23+$0x0] =	vst.idx.add.f32.msk vm1, v1;
	v2 =	vadd.s32 $0x3400, v5;
	v5 =	vcvt.f32.s32 v6;
	v6 =	vmin.f32 v11, $1.023000000e+03  }
0x289: {  	vm1 =	veq.s32 v54, $0xE;
	v11 =	vmul.f32 v9, v32;
	[tilespmem:v3+s22+$0x0] =	vst.idx.add.f32.msk $0xffff, v1;
	v6 =	vtrunc.f32 v6  }
0x28a: {  	[tilespmem:v3+s23+$0x0] =	vst.idx.add.f32.msk vm3, v1;
	v3 =	vadd.s32 $0x3800, v5;
	v5 =	vcvt.f32.s32 v6;
	v6 =	vmin.f32 v10, $1.023000000e+03  }
0x28b: {  	vm3 =	veq.s32 v54, $0xF;
	v10 =	vmul.f32 v9, v26;
	[tilespmem:v0+s22+$0x0] =	vst.idx.add.f32.msk $0xffff, v1;
	v6 =	vtrunc.f32 v6  }
0x28c: {  	[tilespmem:v0+s23+$0x0] =	vst.idx.add.f32.msk vm2, v1;
	v0 =	vadd.s32 $0x3C00, v5;
	v5 =	vcvt.f32.s32 v6;
	v6 =	vmin.f32 v11, $1.023000000e+03  }
0x28d: {  	vm2 =	veq.s32 v54, $0x10;
	[tilespmem:v2+s22+$0x0] =	vst.idx.add.f32.msk $0xffff, v1;
	v6 =	vtrunc.f32 v6  }
0x28e: {  	[tilespmem:v2+s23+$0x0] =	vst.idx.add.f32.msk vm0, v1;
	v2 =	vadd.s32 $0x4000, v5;
	v5 =	vcvt.f32.s32 v6;
	v6 =	vmin.f32 v10, $1.023000000e+03  }
0x28f: {  	v11 =	vmul.f32 v9, v28;
	[tilespmem:v3+s22+$0x0] =	vst.idx.add.f32.msk $0xffff, v1;
	v6 =	vtrunc.f32 v6  }
0x290: {  	vm4 =	veq.s32 v54, $0x11;
	[tilespmem:v3+s23+$0x0] =	vst.idx.add.f32.msk vm1, v1;
	v3 =	vadd.s32 $0x4400, v5;
	v5 =	vcvt.f32.s32 v6  }
0x291: {  	v9 =	vmul.f32 v9, v39;
	v6 =	vmin.f32 v11, $1.023000000e+03;
	[tilespmem:v0+s22+$0x0] =	vst.idx.add.f32.msk $0xffff, v1  }
0x292: {  	vm0 =	veq.s32 v54, $0x12;
	v6 =	vtrunc.f32 v6;
	[tilespmem:v0+s23+$0x0] =	vst.idx.add.f32.msk vm3, v1;
	v0 =	vadd.s32 $0x4800, v5  }
0x293: {  	v5 =	vcvt.f32.s32 v6;
	v6 =	vmin.f32 v9, $1.023000000e+03;
	[tilespmem:v2+s22+$0x0] =	vst.idx.add.f32.msk $0xffff, v1  }
0x294: {  	v6 =	vtrunc.f32 v6;
	[tilespmem:v2+s23+$0x0] =	vst.idx.add.f32.msk vm2, v1  }
0x295: {  	vm1 =	veq.s32 v54, $0x13;
	v2 =	vadd.s32 $0x4C00, v5;
	v5 =	vcvt.f32.s32 v6;
	[tilespmem:v3+s22+$0x0] =	vst.idx.add.f32.msk $0xffff, v1  }
0x296: {  	[tilespmem:v3+s23+$0x0] =	vst.idx.add.f32.msk vm4, v1  }
0x297: {  	vm2 =	veq.s32 v54, $0x14;
	v3 =	vadd.s32 $0x5000, v5;
	[tilespmem:v0+s22+$0x0] =	vst.idx.add.f32.msk $0xffff, v1  }
0x298: {  	v37 =	vmin.f32 v42, $1.023000000e+03;
	v13 =	vpop (erf);
	[tilespmem:v0+s23+$0x0] =	vst.idx.add.f32.msk vm0, v1  }
0x299: {  	v38 =	vmul.f32 $1.442695020e+00, v62;
	[tilespmem:$0x1FC00] =	vst v37;
	v62 =	vpop (erf);
	v0 =	vld [tilespmem:$0x1FB50]  }
0x29a: {  	v36 =	vmul.f32 $1.442695020e+00, v63;
	v63 =	vpop (erf);
	[tilespmem:v2+s22+$0x0] =	vst.idx.add.f32.msk $0xffff, v1  }
0x29b: {  	v37 =	vmul.f32 $1.442695020e+00, v23;
	v23 =	vpop (erf);
	[tilespmem:v2+s23+$0x0] =	vst.idx.add.f32.msk vm1, v1  }
0x29c: {  	v4 =	vpop (erf);
	(erf) = vpow2.f32 v50;
	[tilespmem:v3+s22+$0x0] =	vst.idx.add.f32.msk $0xffff, v1  }
0x29d: {  	[tilespmem:v3+s23+$0x0] =	vst.idx.add.f32.msk vm2, v1  }
0x29e: {  	v3 =	vld [tilespmem:$0x1FBC0]  }
0x29f: {  	(erf) = vpow2.f32 v22;
	v19 =	vtrunc.f32 v0;
	v0 =	vld [tilespmem:$0x1FB60]  }
0x2a0: {  	v42 =	vmul.f32 $1.442695020e+00, v24;
	(erf) = vpow2.f32 v58  }
0x2a1: {  	(erf) = vpow2.f32 v21;
	v9 =	vadd.f32 v44, v14;
	v2 =	vld [tilespmem:$0x1FB80]  }
0x2a2: {  	(erf) = vpow2.f32 v42  }
0x2a3: {  	(erf) = vpow2.f32 v40;
	v10 =	vadd.f32 v62, v13;
	v32 =	vtrunc.f32 v3;
	v3 =	vld [tilespmem:$0x1FBD0]  }
0x2a4: {  	(erf) = vpow2.f32 v41;
	v22 =	vtrunc.f32 v0;
	v0 =	vld [tilespmem:$0x1FB70]  }
0x2a5: {  	v31 =	vld [tilespmem:$0x1FA30];
	v10 =	vadd.f32 v10, v9;
	v9 =	vpop (erf);
	(erf) = vpow2.f32 v38  }
0x2a6: {  	s31 =	sadd.s32 $0x20, s31;
	(erf) = vpow2.f32 v36;
	v36 =	vtrunc.f32 v2;
	v2 =	vld [tilespmem:$0x1FB90]  }
0x2a7: {  	v24 =	vld [tilespmem:s31+$0x0];
	v12 =	vadd.f32 v23, v63  }
0x2a8: {  	v7 =	vmul.f32 $1.442695020e+00, v18;
	v11 =	vpop (erf);
	(erf) = vpow2.f32 v37  }
0x2a9: {  	v26 =	vtrunc.f32 v3;
	v3 =	vld [tilespmem:$0x1FBE0];
	v38 =	vtrunc.f32 v0;
	v0 =	vadd.f32 v9, v4  }
0x2aa: {  	v31 =	vmin.f32 v31, $1.023000000e+03;
	v6 =	vmul.f32 $1.442695020e+00, v52;
	(erf) = vpow2.f32 v43  }
0x2ab: {  	v45 =	vtrunc.f32 v2;
	v2 =	vld [tilespmem:$0x1FBA0];
	v0 =	vadd.f32 v0, v12;
	v12 =	vpop (erf);
	(erf) = vpow2.f32 v7  }
0x2ac: {  	v15 =	vtrunc.f32 v57;
	[tilespmem:$0x1FD70] =	vst v14;
	vm6 =	veq.s32 v24, $0x0;
	v14 =	vpop (erf);
	(erf) = vpow2.f32 v6  }
0x2ad: {  	vm5 =	veq.s32 v24, $0x1;
	v5 =	vmul.f32 $1.442695020e+00, v49;
	v47 =	vadd.f32 v0, v10;
	v49 =	vpop (erf);
	v0 =	vld [tilespmem:$0x1FBB0]  }
0x2ae: {  	v28 =	vtrunc.f32 v60;
	vm3 =	veq.s32 v24, $0x3;
	v17 =	vtrunc.f32 v3;
	v3 =	vld [tilespmem:$0x1FBF0];
	v18 =	vpop (erf)  }
0x2af: {  	vm4 =	veq.s32 v24, $0x2;
	vm0 =	veq.s32 v24, $0x6;
	v19 =	vcvt.f32.s32 v19;
	v50 =	vpop (erf)  }
0x2b0: {  	v46 =	vtrunc.f32 v2;
	v2 =	vadd.f32 v12, v11;
	(erf) = vpow2.f32 v5;
	v54 =	vpop (erf)  }
0x2b1: {  	v6 =	vtrunc.f32 v8;
	v10 =	vtrunc.f32 v31;
	v5 =	vadd.f32 v50, v18;
	v52 =	vpop (erf)  }
0x2b2: {  	v35 =	vtrunc.f32 v0;
	v0 =	vadd.f32 v49, v14;
	v31 =	vadd.f32 v52, v54;
	v20 =	vpop (erf)  }
0x2b3: {  	s0 =	sadd.s32 $0x2, s0;
	vm1 =	veq.s32 v24, $0x5;
	v16 =	vtrunc.f32 v3;
	v3 =	vtrunc.f32 v33;
	v21 =	vpop (erf)  }
0x2b4: {  	p0 =	slt.u32 s0, $0x3E;
	v33 =	vcvt.f32.s32 v22;
	v25 =	vadd.f32 v0, v2;
	v0 =	vld [tilespmem:$0x1FC00];
	v8 =	vadd.f32 v31, v5;
	v60 =	vpop (erf)  }
.Ltmp1:
0x2b5: {  	v2 =	vtrunc.f32 v29;
	v55 =	vadd.f32 v21, v20;
	v5 =	vtrunc.f32 v30;
	v58 =	vpop (erf);
	(pc) =	sbr.rel @p0 .LBB2_5-.Ltmp1, $4  }
0x2b6: {  	v31 =	vcvt.f32.s32 v36;
	v22 =	vadd.f32 v58, v60;
	v30 =	vadd.f32 v8, v25  }
0x2b7: {  	vm2 =	veq.s32 v24, $0x4;
	v29 =	vcvt.f32.s32 v45;
	v8 =	vcvt.f32.s32 v38  }
0x2b8: {  	v48 =	vadd.f32 v22, v55;
	v22 =	vadd.f32 v30, v47;
	v30 =	vcvt.f32.s32 v46  }
0x2b9: {  	s1 =	sadd.s32 $0x100, s1;
	s18 =	sadd.s32 $0x20, s18;
	v57 =	vadd.s32 $0x400, v19;
	v25 =	vpop (erf);
	v7 =	vtrunc.f32 v0;
	v0 =	vtrunc.f32 v34  }
0x2ba: {  	v19 =	vtrunc.f32 v27  }
0x2bb: {  	v19 =	vcvt.f32.s32 v19;
	_ =	sdelay $0x4  }
0x2bc: {  	v27 =	vadd.s32 $0x800, v33  }
0x2bd: {  	[tilespmem:v19+s22+$0x0] =	vst.idx.add.f32.msk $0xffff, v1  }
0x2be: {  	v8 =	vadd.s32 $0xC00, v8;
	[tilespmem:v19+s23+$0x0] =	vst.idx.add.f32.msk vm6, v1  }
0x2bf: {  	[tilespmem:v57+s22+$0x0] =	vst.idx.add.f32.msk $0xffff, v1  }
0x2c0: {  	v19 =	vadd.s32 $0x1000, v31;
	[tilespmem:v57+s23+$0x0] =	vst.idx.add.f32.msk vm5, v1  }
0x2c1: {  	[tilespmem:v27+s22+$0x0] =	vst.idx.add.f32.msk $0xffff, v1  }
0x2c2: {  	v29 =	vadd.s32 $0x1400, v29;
	[tilespmem:v27+s23+$0x0] =	vst.idx.add.f32.msk vm4, v1  }
0x2c3: {  	[tilespmem:v8+s22+$0x0] =	vst.idx.add.f32.msk $0xffff, v1  }
0x2c4: {  	v27 =	vcvt.f32.s32 v28;
	v28 =	vadd.s32 $0x1800, v30;
	[tilespmem:v8+s23+$0x0] =	vst.idx.add.f32.msk vm3, v1  }
0x2c5: {  	[tilespmem:v19+s22+$0x0] =	vst.idx.add.f32.msk $0xffff, v1  }
0x2c6: {  	v8 =	vcvt.f32.s32 v35;
	v27 =	vadd.s32 $0x1C00, v27;
	vm3 =	veq.s32 v24, $0x7;
	[tilespmem:v19+s23+$0x0] =	vst.idx.add.f32.msk vm2, v1  }
0x2c7: {  	[tilespmem:v29+s22+$0x0] =	vst.idx.add.f32.msk $0xffff, v1  }
0x2c8: {  	v19 =	vcvt.f32.s32 v32;
	v8 =	vadd.s32 $0x2000, v8;
	vm2 =	veq.s32 v24, $0x8;
	[tilespmem:v29+s23+$0x0] =	vst.idx.add.f32.msk vm1, v1  }
0x2c9: {  	[tilespmem:v28+s22+$0x0] =	vst.idx.add.f32.msk $0xffff, v1  }
0x2ca: {  	v26 =	vcvt.f32.s32 v26;
	v19 =	vadd.s32 $0x2400, v19;
	vm1 =	veq.s32 v24, $0x9;
	[tilespmem:v28+s23+$0x0] =	vst.idx.add.f32.msk vm0, v1  }
0x2cb: {  	[tilespmem:v27+s22+$0x0] =	vst.idx.add.f32.msk $0xffff, v1  }
0x2cc: {  	v17 =	vcvt.f32.s32 v17;
	v26 =	vadd.s32 $0x2800, v26;
	vm0 =	veq.s32 v24, $0xA;
	[tilespmem:v27+s23+$0x0] =	vst.idx.add.f32.msk vm3, v1  }
0x2cd: {  	[tilespmem:v8+s22+$0x0] =	vst.idx.add.f32.msk $0xffff, v1  }
0x2ce: {  	v16 =	vcvt.f32.s32 v16;
	v17 =	vadd.s32 $0x2C00, v17;
	vm3 =	veq.s32 v24, $0xB;
	[tilespmem:v8+s23+$0x0] =	vst.idx.add.f32.msk vm2, v1  }
0x2cf: {  	v27 =	vadd.f32 v48, v25;
	[tilespmem:v19+s22+$0x0] =	vst.idx.add.f32.msk $0xffff, v1  }
0x2d0: {  	v7 =	vcvt.f32.s32 v7;
	v16 =	vadd.s32 $0x3000, v16;
	vm2 =	veq.s32 v24, $0xC;
	[tilespmem:v19+s23+$0x0] =	vst.idx.add.f32.msk vm1, v1  }
0x2d1: {  	v8 =	vadd.f32 v22, v27;
	[tilespmem:v26+s22+$0x0] =	vst.idx.add.f32.msk $0xffff, v1  }
0x2d2: {  	v15 =	vcvt.f32.s32 v15;
	v7 =	vadd.s32 $0x3400, v7;
	vm1 =	veq.s32 v24, $0xD;
	[tilespmem:v26+s23+$0x0] =	vst.idx.add.f32.msk vm0, v1  }
0x2d3: {  	(erf) = vrcp.f32 v8;
	[tilespmem:v17+s22+$0x0] =	vst.idx.add.f32.msk $0xffff, v1  }
0x2d4: {  	v8 =	vcvt.f32.s32 v10;
	v10 =	vadd.s32 $0x3800, v15;
	vm0 =	veq.s32 v24, $0xE;
	[tilespmem:v17+s23+$0x0] =	vst.idx.add.f32.msk vm3, v1  }
0x2d5: {  	[tilespmem:v16+s22+$0x0] =	vst.idx.add.f32.msk $0xffff, v1  }
0x2d6: {  	v0 =	vcvt.f32.s32 v0;
	v8 =	vadd.s32 $0x3C00, v8;
	vm3 =	veq.s32 v24, $0xF;
	[tilespmem:v16+s23+$0x0] =	vst.idx.add.f32.msk vm2, v1  }
0x2d7: {  	[tilespmem:v7+s22+$0x0] =	vst.idx.add.f32.msk $0xffff, v1  }
0x2d8: {  	v15 =	vadd.s32 $0x4000, v0;
	[tilespmem:v7+s23+$0x0] =	vst.idx.add.f32.msk vm1, v1  }
0x2d9: {  	[tilespmem:v10+s22+$0x0] =	vst.idx.add.f32.msk $0xffff, v1  }
0x2da: {  	[tilespmem:v10+s23+$0x0] =	vst.idx.add.f32.msk vm0, v1  }
0x2db: {  	[tilespmem:v8+s22+$0x0] =	vst.idx.add.f32.msk $0xffff, v1  }
0x2dc: {  	v0 =	vcvt.f32.s32 v2;
	v2 =	vcvt.f32.s32 v6;
	vm1 =	veq.s32 v24, $0x10;
	[tilespmem:v8+s23+$0x0] =	vst.idx.add.f32.msk vm3, v1  }
0x2dd: {  	[tilespmem:v15+s22+$0x0] =	vst.idx.add.f32.msk $0xffff, v1  }
0x2de: {  	v7 =	vadd.s32 $0x4800, v2;
	v2 =	vld [tilespmem:$0x1FD70]  }
0x2df: {  	v6 =	vadd.s32 $0x4400, v0;
	vm0 =	veq.s32 v24, $0x11  }
0x2e0: {  	v0 =	vpop (erf)  }
0x2e1: {  	v3 =	vcvt.f32.s32 v3;
	vm2 =	veq.s32 v24, $0x12;
	v0 =	vmul.f32 $1.024000000e+03, v0  }
0x2e2: {  	v5 =	vcvt.f32.s32 v5;
	s0 =	sadd.s32 $0x20, s31;
	[tilespmem:v15+s23+$0x0] =	vst.idx.add.f32.msk vm1, v1  }
0x2e3: {  	v3 =	vadd.s32 $0x4C00, v3;
	vm3 =	veq.s32 v24, $0x13;
	v8 =	vmul.f32 v0, v2;
	v2 =	vld [tilespmem:s0+$0x0]  }
0x2e4: {  	v5 =	vadd.s32 $0x5000, v5;
	v10 =	vmul.f32 v0, v44;
	v13 =	vmul.f32 v0, v13;
	[tilespmem:v6+s22+$0x0] =	vst.idx.add.f32.msk $0xffff, v1  }
0x2e5: {  	v4 =	vmul.f32 v0, v4;
	vm1 =	veq.s32 v24, $0x14;
	[tilespmem:v6+s23+$0x0] =	vst.idx.add.f32.msk vm0, v1;
	v8 =	vmin.f32 v8, $1.023000000e+03  }
0x2e6: {  	v15 =	vmul.f32 v0, v62;
	v10 =	vmin.f32 v10, $1.023000000e+03;
	[tilespmem:v7+s22+$0x0] =	vst.idx.add.f32.msk $0xffff, v1;
	v6 =	vtrunc.f32 v8  }
0x2e7: {  	v4 =	vmin.f32 v4, $1.023000000e+03;
	[tilespmem:v7+s23+$0x0] =	vst.idx.add.f32.msk vm2, v1;
	v8 =	vtrunc.f32 v10;
	v6 =	vcvt.f32.s32 v6  }
0x2e8: {  	[tilespmem:v3+s22+$0x0] =	vst.idx.add.f32.msk $0xffff, v1;
	v10 =	vmin.f32 v13, $1.023000000e+03;
	v7 =	vcvt.f32.s32 v8;
	vm0 =	veq.s32 v2, $0x0  }
0x2e9: {  	[tilespmem:v3+s23+$0x0] =	vst.idx.add.f32.msk vm3, v1;
	v13 =	vmin.f32 v15, $1.023000000e+03;
	v8 =	vmul.f32 v0, v63;
	v10 =	vtrunc.f32 v10  }
0x2ea: {  	[tilespmem:v5+s22+$0x0] =	vst.idx.add.f32.msk $0xffff, v1;
	vm2 =	veq.s32 v2, $0x1;
	v3 =	vcvt.f32.s32 v10;
	v7 =	vadd.s32 $0x400, v7  }
0x2eb: {  	[tilespmem:v5+s23+$0x0] =	vst.idx.add.f32.msk vm1, v1;
	v13 =	vtrunc.f32 v13;
	v10 =	vmul.f32 v0, v23;
	vm1 =	veq.s32 v2, $0x2  }
0x2ec: {  	v5 =	vcvt.f32.s32 v13;
	v8 =	vmin.f32 v8, $1.023000000e+03;
	v3 =	vadd.s32 $0x800, v3  }
0x2ed: {  	v4 =	vtrunc.f32 v4;
	vm3 =	veq.s32 v2, $0x3;
	v8 =	vtrunc.f32 v8;
	[tilespmem:v6+s22+$0x0] =	vst.idx.add.f32.msk $0xffff, v1  }
0x2ee: {  	v10 =	vmin.f32 v10, $1.023000000e+03;
	v5 =	vadd.s32 $0xC00, v5;
	v8 =	vcvt.f32.s32 v8;
	[tilespmem:v6+s23+$0x0] =	vst.idx.add.f32.msk vm0, v1  }
0x2ef: {  	v6 =	vmul.f32 v0, v9;
	v9 =	vtrunc.f32 v10;
	[tilespmem:v7+s22+$0x0] =	vst.idx.add.f32.msk $0xffff, v1  }
0x2f0: {  	v8 =	vadd.s32 $0x1000, v8;
	vm0 =	veq.s32 v2, $0x4;
	v9 =	vcvt.f32.s32 v9;
	[tilespmem:v7+s23+$0x0] =	vst.idx.add.f32.msk vm2, v1  }
0x2f1: {  	v4 =	vcvt.f32.s32 v4;
	v7 =	vmul.f32 v0, v11;
	[tilespmem:v3+s22+$0x0] =	vst.idx.add.f32.msk $0xffff, v1  }
0x2f2: {  	v6 =	vmin.f32 v6, $1.023000000e+03;
	vm2 =	veq.s32 v2, $0x5;
	v9 =	vadd.s32 $0x1400, v9;
	[tilespmem:v3+s23+$0x0] =	vst.idx.add.f32.msk vm1, v1  }
0x2f3: {  	v4 =	vadd.s32 $0x1800, v4;
	v6 =	vtrunc.f32 v6;
	v3 =	vmul.f32 v0, v12;
	[tilespmem:v5+s22+$0x0] =	vst.idx.add.f32.msk $0xffff, v1  }
0x2f4: {  	v7 =	vmin.f32 v7, $1.023000000e+03;
	vm1 =	veq.s32 v2, $0x6;
	v6 =	vcvt.f32.s32 v6;
	[tilespmem:v5+s23+$0x0] =	vst.idx.add.f32.msk vm3, v1  }
0x2f5: {  	v7 =	vtrunc.f32 v7;
	v5 =	vmul.f32 v0, v14;
	v3 =	vmin.f32 v3, $1.023000000e+03;
	[tilespmem:v8+s22+$0x0] =	vst.idx.add.f32.msk $0xffff, v1  }
0x2f6: {  	v7 =	vcvt.f32.s32 v7;
	v6 =	vadd.s32 $0x1C00, v6;
	vm3 =	veq.s32 v2, $0x7;
	[tilespmem:v8+s23+$0x0] =	vst.idx.add.f32.msk vm0, v1  }
0x2f7: {  	v3 =	vtrunc.f32 v3;
	v8 =	vmul.f32 v0, v49;
	v5 =	vmin.f32 v5, $1.023000000e+03;
	[tilespmem:v9+s22+$0x0] =	vst.idx.add.f32.msk $0xffff, v1  }
0x2f8: {  	v3 =	vcvt.f32.s32 v3;
	v7 =	vadd.s32 $0x2000, v7;
	vm0 =	veq.s32 v2, $0x8;
	[tilespmem:v9+s23+$0x0] =	vst.idx.add.f32.msk vm2, v1  }
0x2f9: {  	v5 =	vtrunc.f32 v5;
	v9 =	vmul.f32 v0, v18;
	v8 =	vmin.f32 v8, $1.023000000e+03;
	[tilespmem:v4+s22+$0x0] =	vst.idx.add.f32.msk $0xffff, v1  }
0x2fa: {  	v5 =	vcvt.f32.s32 v5;
	v3 =	vadd.s32 $0x2400, v3;
	vm2 =	veq.s32 v2, $0x9;
	[tilespmem:v4+s23+$0x0] =	vst.idx.add.f32.msk vm1, v1  }
0x2fb: {  	v8 =	vtrunc.f32 v8;
	v4 =	vmul.f32 v0, v50;
	v9 =	vmin.f32 v9, $1.023000000e+03;
	[tilespmem:v6+s22+$0x0] =	vst.idx.add.f32.msk $0xffff, v1  }
0x2fc: {  	v8 =	vcvt.f32.s32 v8;
	v5 =	vadd.s32 $0x2800, v5;
	vm1 =	veq.s32 v2, $0xA;
	[tilespmem:v6+s23+$0x0] =	vst.idx.add.f32.msk vm3, v1  }
0x2fd: {  	v9 =	vtrunc.f32 v9;
	v6 =	vmul.f32 v0, v54;
	v4 =	vmin.f32 v4, $1.023000000e+03;
	[tilespmem:v7+s22+$0x0] =	vst.idx.add.f32.msk $0xffff, v1  }
0x2fe: {  	v9 =	vcvt.f32.s32 v9;
	v8 =	vadd.s32 $0x2C00, v8;
	vm3 =	veq.s32 v2, $0xB;
	[tilespmem:v7+s23+$0x0] =	vst.idx.add.f32.msk vm0, v1  }
0x2ff: {  	v4 =	vtrunc.f32 v4;
	v7 =	vmul.f32 v0, v52;
	v6 =	vmin.f32 v6, $1.023000000e+03;
	[tilespmem:v3+s22+$0x0] =	vst.idx.add.f32.msk $0xffff, v1  }
0x300: {  	v4 =	vcvt.f32.s32 v4;
	v9 =	vadd.s32 $0x3000, v9;
	vm0 =	veq.s32 v2, $0xC;
	[tilespmem:v3+s23+$0x0] =	vst.idx.add.f32.msk vm2, v1  }
0x301: {  	v6 =	vtrunc.f32 v6;
	v3 =	vmul.f32 v0, v20;
	v7 =	vmin.f32 v7, $1.023000000e+03;
	[tilespmem:v5+s22+$0x0] =	vst.idx.add.f32.msk $0xffff, v1  }
0x302: {  	v6 =	vcvt.f32.s32 v6;
	v4 =	vadd.s32 $0x3400, v4;
	vm2 =	veq.s32 v2, $0xD;
	[tilespmem:v5+s23+$0x0] =	vst.idx.add.f32.msk vm1, v1  }
0x303: {  	v7 =	vtrunc.f32 v7;
	v5 =	vmul.f32 v0, v21;
	v3 =	vmin.f32 v3, $1.023000000e+03;
	[tilespmem:v8+s22+$0x0] =	vst.idx.add.f32.msk $0xffff, v1  }
0x304: {  	v7 =	vcvt.f32.s32 v7;
	v6 =	vadd.s32 $0x3800, v6;
	vm1 =	veq.s32 v2, $0xE;
	[tilespmem:v8+s23+$0x0] =	vst.idx.add.f32.msk vm3, v1  }
0x305: {  	v3 =	vtrunc.f32 v3;
	v5 =	vmin.f32 v5, $1.023000000e+03;
	[tilespmem:v9+s22+$0x0] =	vst.idx.add.f32.msk $0xffff, v1  }
0x306: {  	v3 =	vcvt.f32.s32 v3;
	v7 =	vadd.s32 $0x3C00, v7;
	vm3 =	veq.s32 v2, $0xF;
	[tilespmem:v9+s23+$0x0] =	vst.idx.add.f32.msk vm0, v1  }
0x307: {  	v8 =	vmul.f32 v0, v60;
	v5 =	vtrunc.f32 v5;
	[tilespmem:v4+s22+$0x0] =	vst.idx.add.f32.msk $0xffff, v1  }
0x308: {  	v5 =	vcvt.f32.s32 v5;
	v3 =	vadd.s32 $0x4000, v3;
	vm0 =	veq.s32 v2, $0x10;
	[tilespmem:v4+s23+$0x0] =	vst.idx.add.f32.msk vm2, v1  }
0x309: {  	v9 =	vmul.f32 v0, v58;
	v8 =	vmin.f32 v8, $1.023000000e+03;
	[tilespmem:v6+s22+$0x0] =	vst.idx.add.f32.msk $0xffff, v1  }
0x30a: {  	v0 =	vmul.f32 v0, v25;
	v8 =	vtrunc.f32 v8;
	v5 =	vadd.s32 $0x4400, v5;
	[tilespmem:v6+s23+$0x0] =	vst.idx.add.f32.msk vm1, v1  }
0x30b: {  	v4 =	vmin.f32 v9, $1.023000000e+03;
	v8 =	vcvt.f32.s32 v8;
	vm2 =	veq.s32 v2, $0x11;
	[tilespmem:v7+s22+$0x0] =	vst.idx.add.f32.msk $0xffff, v1  }
0x30c: {  	v0 =	vmin.f32 v0, $1.023000000e+03;
	v4 =	vtrunc.f32 v4;
	[tilespmem:v7+s23+$0x0] =	vst.idx.add.f32.msk vm3, v1  }
0x30d: {  	v4 =	vcvt.f32.s32 v4;
	v6 =	vadd.s32 $0x4800, v8;
	vm1 =	veq.s32 v2, $0x12;
	[tilespmem:v3+s22+$0x0] =	vst.idx.add.f32.msk $0xffff, v1  }
0x30e: {  	v0 =	vtrunc.f32 v0;
	[tilespmem:v3+s23+$0x0] =	vst.idx.add.f32.msk vm0, v1  }
0x30f: {  	v0 =	vcvt.f32.s32 v0;
	v4 =	vadd.s32 $0x4C00, v4;
	vm3 =	veq.s32 v2, $0x13;
	[tilespmem:v5+s22+$0x0] =	vst.idx.add.f32.msk $0xffff, v1  }
0x310: {  	p0 =	seq.s32 s29, $0xF;
	s0 =	rddreg [dreg:$0x8]  }
0x311: {  	v0 =	vadd.s32 $0x5000, v0;
	vm0 =	veq.s32 v2, $0x14;
	[tilespmem:v5+s23+$0x0] =	vst.idx.add.f32.msk vm2, v1;
	s0 =	sadd.s32 @!p0 s30, s0  }
0x312: {  	[tilespmem:v6+s22+$0x0] =	vst.idx.add.f32.msk $0xffff, v1;
	s1 =	sshrl.u32 @!p0 s0, $0x12;
	s2 =	sshrl.u32 @!p0 s0, $0x7  }
0x313: {  	[tilespmem:v6+s23+$0x0] =	vst.idx.add.f32.msk vm1, v1;
	s1 =	smul.u32 @!p0 $0x600000, s1;
	s2 =	sand.u32 @!p0 $0x7F0, s2  }
0x314: {  	[tilespmem:v4+s22+$0x0] =	vst.idx.add.f32.msk $0xffff, v1;
	s4 =	sshll.u32 @!p0 s2, $0xA  }
0x315: {  	[tilespmem:v4+s23+$0x0] =	vst.idx.add.f32.msk vm3, v1;
	s1 =	sor.u32 @!p0 s1, s4  }
0x316: {  	s5 =	simm.s32 @!p0 $0x200000;
	[tilespmem:v0+s22+$0x0] =	vst.idx.add.f32.msk $0xffff, v1;
	s1 =	sshrl.u32 @!p0 s1, $0x3  }
0x317: {  	s6 =	simm.s32 @!p0 $0x0;
	s4 =	simm.s32 @!p0 $0x2000;
	[tilespmem:v0+s23+$0x0] =	vst.idx.add.f32.msk vm0, v1;
	s1 =	sadd.s32 @!p0 s3, s1  }
0x318: {  	[tilespmem:s6], [sflag:$0x1] =	stream.strided.gather @!p0 [hbm4b:s1+s4], $0x6000, s5, s4, $0x38;
	[tilespmem:$0x17000] =	vst v63  }
0x319: {  	s2 =	sshll.u32 @!p0 s2, $0x9;
	s1 =	sand.u32 @!p0 $0x100000, s0;
	s0 =	sshrl.u32 @!p0 s0, $0xB  }
0x31a: {  	s1 =	sor.u32 @!p0 s1, s2;
	s0 =	sand.u32 @!p0 $0x180, s0  }
0x31b: {  	s0 =	sor.u32 @!p0 s0, s1  }
0x31c: {  	s4 =	simm.s32 @!p0 $0xC000;
	s1 =	rddreg [dreg:$0x4];
	s0 =	sshrl.u32 @!p0 s0, $0x3  }
0x31d: {  	s2 =	simm.s32 @!p0 $0x200;
	s0 =	sadd.s32 @!p0 s1, s0;
	s1 =	simm.s32 @!p0 $0x80  }
0x31e: {  	[tilespmem:s4], [sflag:$0x1] =	stream.strided.gather @!p0 [hbm4b:s0+s1], $0x400, s2, s1, $0x38;
	[tilespmem:$0x17000] =	vst v63  }
0x31f: {  	_ =	swait.ge [sflag:s24], $0x6000  }
0x320: {  	[sflag:s24] =	ssyncset.done $0x0  }
0x321: {  	s0 =	simm.s32 $0x0;
	[sflag:s24] =	ssyncadd.s32 $0xFFFFA000  }
0x322: {  	s7 =	sand.u32 $0x60, s0;
	s2 =	sand.u32 $0x1C00, s0;
	_ =	swait.ge [sflag:s24], $0x400  }
0x323: {  	s13 =	sor.u32 $0xA000, s2;
	s1 =	sor.u32 $0x10, s7;
	[sflag:s24] =	ssyncset.done $0x0  }
0x324: {  	s12 =	sor.u32 $0xA080, s2;
	s18 =	sor.u32 s1, s13;
	[sflag:s24] =	ssyncadd.s32 $0xFFFFFC00  }
0x325: {  	s11 =	sor.u32 $0xA100, s2;
	s19 =	sor.u32 s1, s12;
	v0 =	vld [tilespmem:s18+$0x0]  }
0x326: {  	s9 =	sor.u32 $0xA180, s2;
	s20 =	sor.u32 s1, s11;
	v2 =	vld [tilespmem:s19+$0x0]  }
0x327: {  	s4 =	sor.u32 $0x6000, s2;
	s25 =	sor.u32 s1, s9;
	v3 =	vld [tilespmem:s20+$0x0]  }
0x328: {  	s26 =	sor.u32 s1, s4;
	v4 =	vld [tilespmem:s25+$0x0]  }
0x329: {  	v5 =	vld [tilespmem:s26+$0x0]  }
0x32a: {  	v6 =	vld [tilespmem:s26+$0x80]  }
0x32b: {  	v7 =	vld [tilespmem:s26+$0x100]  }
0x32c: {  	v8 =	vld [tilespmem:s26+$0x180]  }
0x32d: {  	v9 =	vld [tilespmem:s26+$0x200]  }
0x32e: {  	v10 =	vld [tilespmem:s26+$0x280]  }
0x32f: {  	s17 =	sor.u32 $0x8200, s2;
	v11 =	vld [tilespmem:s26+$0x300]  }
0x330: {  	s25 =	sor.u32 $0x8000, s2;
	v12 =	vld [tilespmem:s26+$0x380];
	s26 =	sor.u32 s1, s17  }
0x331: {  	s20 =	sor.u32 $0x8080, s2;
	s6 =	sor.u32 s1, s25;
	v17 =	vld [tilespmem:s26+$0x0]  }
0x332: {  	s19 =	sor.u32 $0x8100, s2;
	s10 =	sor.u32 s1, s20;
	v13 =	vld [tilespmem:s6+$0x0]  }
0x333: {  	s18 =	sor.u32 $0x8180, s2;
	s14 =	sor.u32 s1, s19;
	v14 =	vld [tilespmem:s10+$0x0]  }
0x334: {  	s16 =	sor.u32 $0x8280, s2;
	s15 =	sor.u32 s1, s18;
	v15 =	vld [tilespmem:s14+$0x0]  }
0x335: {  	v16 =	vld [tilespmem:s15+$0x0];
	s15 =	sor.u32 $0x8300, s2;
	s6 =	sor.u32 s1, s16  }
0x336: {  	s14 =	sor.u32 $0x8380, s2;
	v18 =	vld [tilespmem:s6+$0x0];
	s10 =	sor.u32 s1, s15  }
0x337: {  	s26 =	sor.u32 s1, s14;
	v19 =	vld [tilespmem:s10+$0x0]  }
0x338: {  	v20 =	vld [tilespmem:s26+$0x0]  }
0x339: {  	s2 =	sor.u32 $0xA200, s2  }
0x33a: {  	s6 =	sor.u32 s1, s2;
	v21 =	vmax.f32 v0, v2;
	v22 =	vmax.f32 v3, v4  }
0x33b: {  	v23 =	vld [tilespmem:s6+$0x0];
	v24 =	vmax.f32 v5, v6;
	v25 =	vmax.f32 v7, v8;
	v26 =	vmax.f32 v9, v10  }
0x33c: {  	v27 =	vmax.f32 v11, v12;
	v24 =	vmax.f32 v24, v25;
	v28 =	vmax.f32 v13, v14  }
0x33d: {  	v29 =	vmax.f32 v15, v16;
	v30 =	vmax.f32 v17, v18;
	v31 =	vmax.f32 v19, v20  }
0x33e: {  	v25 =	vmax.f32 v26, v27;
	v26 =	vmax.f32 v28, v29;
	v27 =	vmax.f32 v30, v31  }
0x33f: {  	v21 =	vmax.f32 v21, v22;
	v22 =	vmax.f32 v24, v25;
	v24 =	vmax.f32 v26, v27  }
0x340: {  	v21 =	vmax.f32 v21, v23;
	v22 =	vmax.f32 v22, v24  }
0x341: {  	v21 =	vmax.f32 v22, v21  }
0x342: {  	v0 =	vsub.f32 v0, v21;
	v2 =	vsub.f32 v2, v21  }
0x343: {  	v3 =	vsub.f32 v3, v21;
	v4 =	vsub.f32 v4, v21  }
0x344: {  	v0 =	vmul.f32 $1.442695020e+00, v0;
	v2 =	vmul.f32 $1.442695020e+00, v2  }
0x345: {  	v5 =	vsub.f32 v5, v21;
	v3 =	vmul.f32 $1.442695020e+00, v3;
	v4 =	vmul.f32 $1.442695020e+00, v4  }
0x346: {  	(erf) = vpow2.f32 v0;
	v0 =	vsub.f32 v6, v21;
	v6 =	vsub.f32 v11, v21  }
0x347: {  	(erf) = vpow2.f32 v2;
	v2 =	vmul.f32 $1.442695020e+00, v5;
	v5 =	vsub.f32 v7, v21  }
0x348: {  	(erf) = vpow2.f32 v3;
	v0 =	vmul.f32 $1.442695020e+00, v0;
	v3 =	vsub.f32 v8, v21  }
0x349: {  	(erf) = vpow2.f32 v4;
	v4 =	vmul.f32 $1.442695020e+00, v5;
	v5 =	vsub.f32 v9, v21  }
0x34a: {  	(erf) = vpow2.f32 v2;
	v2 =	vmul.f32 $1.442695020e+00, v3;
	v3 =	vsub.f32 v10, v21  }
0x34b: {  	v7 =	vsub.f32 v18, v21;
	(erf) = vpow2.f32 v0;
	v5 =	vmul.f32 $1.442695020e+00, v5  }
0x34c: {  	(erf) = vpow2.f32 v4;
	v3 =	vmul.f32 $1.442695020e+00, v3;
	v4 =	vsub.f32 v12, v21  }
0x34d: {  	s4 =	sor.u32 s7, s4;
	(erf) = vpow2.f32 v2;
	v2 =	vmul.f32 $1.442695020e+00, v6;
	v6 =	vsub.f32 v13, v21  }
0x34e: {  	v11 =	vld [tilespmem:s4+$0x100];
	(erf) = vpow2.f32 v5;
	v4 =	vmul.f32 $1.442695020e+00, v4;
	v5 =	vsub.f32 v14, v21  }
0x34f: {  	v8 =	vld [tilespmem:s4+$0x80];
	(erf) = vpow2.f32 v3;
	v10 =	vpop (erf);
	v3 =	vmul.f32 $1.442695020e+00, v6;
	v6 =	vsub.f32 v15, v21  }
0x350: {  	v0 =	vld [tilespmem:s4+$0x0];
	(erf) = vpow2.f32 v2;
	v12 =	vpop (erf);
	v2 =	vmul.f32 $1.442695020e+00, v5;
	v5 =	vsub.f32 v16, v21  }
0x351: {  	v13 =	vld [tilespmem:s4+$0x180];
	[tilespmem:$0x1F670] =	vst v10;
	(erf) = vpow2.f32 v4;
	v27 =	vpop (erf);
	v4 =	vmul.f32 $1.442695020e+00, v6;
	v6 =	vsub.f32 v17, v21  }
0x352: {  	v14 =	vld [tilespmem:s4+$0x200];
	[tilespmem:$0x1F680] =	vst v12;
	(erf) = vpow2.f32 v3;
	v37 =	vpop (erf);
	v3 =	vmul.f32 $1.442695020e+00, v5  }
0x353: {  	v9 =	vsub.f32 v20, v21;
	v15 =	vld [tilespmem:s4+$0x280];
	[tilespmem:$0x1F690] =	vst v27;
	v16 =	vpop (erf);
	(erf) = vpow2.f32 v2;
	v2 =	vmul.f32 $1.442695020e+00, v6  }
0x354: {  	v24 =	vld [tilespmem:s4+$0x300];
	[tilespmem:$0x1F6A0] =	vst v37;
	v6 =	vsub.f32 v19, v21;
	v5 =	vpop (erf);
	(erf) = vpow2.f32 v4;
	v4 =	vmul.f32 $1.442695020e+00, v7  }
0x355: {  	s10 =	sor.u32 s7, s25;
	v17 =	vld [tilespmem:s4+$0x380];
	v7 =	vpop (erf);
	(erf) = vpow2.f32 v3  }
0x356: {  	s20 =	sor.u32 s7, s20;
	v18 =	vld [tilespmem:s10+$0x0];
	[tilespmem:$0x1F5F0] =	vst v5;
	v3 =	vmul.f32 $1.442695020e+00, v6;
	v42 =	vpop (erf);
	(erf) = vpow2.f32 v2  }
0x357: {  	s25 =	sor.u32 s7, s19;
	v25 =	vld [tilespmem:s20+$0x0];
	[tilespmem:$0x1F600] =	vst v7;
	v2 =	vmul.f32 $1.442695020e+00, v9;
	v9 =	vpop (erf);
	(erf) = vpow2.f32 v4  }
0x358: {  	s26 =	sor.u32 s7, s18;
	v20 =	vld [tilespmem:s25+$0x0];
	[tilespmem:$0x1F610] =	vst v42;
	v4 =	vpop (erf);
	(erf) = vpow2.f32 v3  }
0x359: {  	s6 =	sor.u32 s7, s17;
	v26 =	vld [tilespmem:s26+$0x0];
	v45 =	vpop (erf);
	(erf) = vpow2.f32 v2;
	v2 =	vmax.f32 v0, v8  }
0x35a: {  	s10 =	sor.u32 s7, s16;
	v28 =	vld [tilespmem:s6+$0x0];
	[tilespmem:$0x1F620] =	vst v4;
	v61 =	vpop (erf)  }
0x35b: {  	s16 =	sor.u32 s7, s15;
	v6 =	vsub.f32 v23, v21;
	v3 =	vmax.f32 v11, v13;
	v29 =	vld [tilespmem:s10+$0x0];
	[tilespmem:$0x1F630] =	vst v45;
	v46 =	vpop (erf)  }
0x35c: {  	s17 =	sor.u32 s7, s14;
	v36 =	vadd.f32 v12, v10;
	v37 =	vadd.f32 v37, v27;
	v21 =	vmax.f32 v2, v3;
	v30 =	vld [tilespmem:s16+$0x0];
	[tilespmem:$0x1F640] =	vst v61;
	v2 =	vpop (erf)  }
0x35d: {  	s18 =	sor.u32 s7, s13;
	v41 =	vadd.f32 v5, v16;
	v6 =	vmul.f32 $1.442695020e+00, v6;
	v31 =	vld [tilespmem:s17+$0x0];
	[tilespmem:$0x1F650] =	vst v46;
	v52 =	vpop (erf)  }
0x35e: {  	s19 =	sor.u32 s7, s12;
	v36 =	vadd.f32 v37, v36;
	v42 =	vadd.f32 v42, v7;
	v23 =	vld [tilespmem:s18+$0x0];
	[tilespmem:$0x1F660] =	vst v2;
	v49 =	vpop (erf)  }
0x35f: {  	s20 =	sor.u32 s7, s11;
	v19 =	vmax.f32 v14, v15;
	v43 =	vadd.f32 v4, v9;
	(erf) = vpow2.f32 v6;
	v32 =	vld [tilespmem:s19+$0x0];
	v10 =	vpop (erf)  }
0x360: {  	s25 =	sor.u32 s7, s9;
	v22 =	vmax.f32 v24, v17;
	v58 =	vadd.f32 v42, v41;
	v44 =	vadd.f32 v61, v45;
	v38 =	vld [tilespmem:s20+$0x0];
	v7 =	vpop (erf)  }
0x361: {  	v22 =	vmax.f32 v19, v22;
	v62 =	vmax.f32 v18, v25;
	v46 =	vadd.f32 v2, v46;
	v39 =	vld [tilespmem:s25+$0x0];
	v6 =	vpop (erf)  }
0x362: {  	s2 =	sor.u32 s7, s2;
	v21 =	vmax.f32 v21, v22;
	v59 =	vadd.f32 v44, v43;
	v47 =	vadd.f32 v49, v52;
	v51 =	vpop (erf)  }
0x363: {  	v34 =	vmax.f32 v20, v26;
	v55 =	vld [tilespmem:s2+$0x0];
	v56 =	vadd.f32 v7, v10;
	v57 =	vadd.f32 v51, v6  }
0x364: {  	v33 =	vmax.f32 v62, v34;
	v63 =	vmax.f32 v28, v29;
	v62 =	vadd.f32 v59, v58  }
0x365: {  	v40 =	vmax.f32 v30, v31;
	v61 =	vadd.f32 v47, v46;
	v34 =	vadd.f32 v57, v56  }
0x366: {  	v35 =	vmax.f32 v63, v40;
	v54 =	vmax.f32 v23, v32;
	v60 =	vmax.f32 v38, v39  }
0x367: {  	v33 =	vmax.f32 v33, v35;
	v22 =	vmax.f32 v54, v60;
	v34 =	vadd.f32 v34, v61  }
0x368: {  	v21 =	vmax.f32 v21, v33;
	v5 =	vpop (erf);
	v63 =	vmax.f32 v22, v55  }
0x369: {  	v36 =	vadd.f32 v36, v5;
	v21 =	vmax.f32 v21, v63;
	v34 =	vadd.f32 v34, v62  }
0x36a: {  	v0 =	vsub.f32 v0, v21;
	v8 =	vsub.f32 v8, v21  }
0x36b: {  	v11 =	vsub.f32 v11, v21;
	v33 =	vadd.f32 v34, v36  }
0x36c: {  	v13 =	vsub.f32 v13, v21;
	v0 =	vmul.f32 $1.442695020e+00, v0;
	v8 =	vmul.f32 $1.442695020e+00, v8  }
0x36d: {  	v14 =	vsub.f32 v14, v21;
	v11 =	vmul.f32 $1.442695020e+00, v11;
	(erf) = vrcp.f32 v33  }
0x36e: {  	v13 =	vmul.f32 $1.442695020e+00, v13;
	(erf) = vpow2.f32 v0  }
0x36f: {  	v14 =	vmul.f32 $1.442695020e+00, v14;
	v0 =	vsub.f32 v15, v21;
	(erf) = vpow2.f32 v8  }
0x370: {  	v8 =	vsub.f32 v24, v21;
	(erf) = vpow2.f32 v11;
	v11 =	vsub.f32 v17, v21  }
0x371: {  	v0 =	vmul.f32 $1.442695020e+00, v0;
	(erf) = vpow2.f32 v13;
	v13 =	vsub.f32 v18, v21  }
0x372: {  	v8 =	vmul.f32 $1.442695020e+00, v8;
	(erf) = vpow2.f32 v14;
	v14 =	vsub.f32 v25, v21  }
0x373: {  	v11 =	vmul.f32 $1.442695020e+00, v11;
	(erf) = vpow2.f32 v0;
	v0 =	vsub.f32 v20, v21  }
0x374: {  	v13 =	vmul.f32 $1.442695020e+00, v13;
	(erf) = vpow2.f32 v8  }
0x375: {  	v14 =	vmul.f32 $1.442695020e+00, v14;
	(erf) = vpow2.f32 v11  }
0x376: {  	v15 =	vmul.f32 $1.442695020e+00, v0;
	v4 =	vpop (erf);
	(erf) = vpow2.f32 v13  }
0x377: {  	s26 =	simm.s32 $0x100;
	s18 =	simm.s32 $0x20;
	v8 =	vsub.f32 v26, v21;
	v0 =	vpop (erf);
	(erf) = vpow2.f32 v14  }
0x378: {  	s11 =	sand.u32 $0x1C00, s26;
	s25 =	sand.u32 $0x60, s18;
	v11 =	vsub.f32 v28, v21;
	[tilespmem:$0x1F750] =	vst v0;
	v2 =	vpop (erf);
	(erf) = vpow2.f32 v15  }
0x379: {  	s31 =	sor.u32 $0xA000, s11;
	s30 =	sor.u32 $0x10, s25;
	v13 =	vsub.f32 v29, v21;
	v8 =	vmul.f32 $1.442695020e+00, v8;
	[tilespmem:$0x1F6B0] =	vst v2;
	v3 =	vpop (erf)  }
0x37a: {  	v19 =	vmov v9;
	s7 =	sor.u32 $0xA080, s11;
	s4 =	sor.u32 s30, s31;
	v14 =	vsub.f32 v30, v21;
	v11 =	vmul.f32 $1.442695020e+00, v11;
	[tilespmem:$0x1F6C0] =	vst v3;
	v9 =	vpop (erf)  }
0x37b: {  	s9 =	sor.u32 $0xA100, s11;
	s5 =	sor.u32 s30, s7;
	v15 =	vsub.f32 v31, v21;
	v13 =	vmul.f32 $1.442695020e+00, v13;
	(erf) = vpow2.f32 v8;
	v8 =	vld [tilespmem:s4+$0x0];
	[tilespmem:$0x1F6D0] =	vst v9;
	v12 =	vpop (erf)  }
0x37c: {  	s15 =	sor.u32 $0x6000, s11;
	s6 =	sor.u32 s30, s9;
	v17 =	vsub.f32 v23, v21;
	v14 =	vmul.f32 $1.442695020e+00, v14;
	(erf) = vpow2.f32 v11;
	v11 =	vld [tilespmem:s5+$0x0];
	[tilespmem:$0x1F6E0] =	vst v12;
	v22 =	vpop (erf)  }
0x37d: {  	s10 =	sor.u32 s30, s15;
	v18 =	vsub.f32 v32, v21;
	v15 =	vmul.f32 $1.442695020e+00, v15;
	(erf) = vpow2.f32 v13;
	v20 =	vld [tilespmem:s6+$0x0];
	[tilespmem:$0x1F6F0] =	vst v22;
	v26 =	vpop (erf)  }
0x37e: {  	v17 =	vmul.f32 $1.442695020e+00, v17;
	v13 =	vsub.f32 v38, v21;
	(erf) = vpow2.f32 v14;
	v14 =	vld [tilespmem:s10+$0x0];
	[tilespmem:$0x1F700] =	vst v26;
	v27 =	vpop (erf)  }
0x37f: {  	v23 =	vsub.f32 v39, v21;
	v18 =	vmul.f32 $1.442695020e+00, v18;
	(erf) = vpow2.f32 v15;
	v15 =	vld [tilespmem:s10+$0x80];
	[tilespmem:$0x1F710] =	vst v27;
	v28 =	vpop (erf)  }
0x380: {  	v13 =	vmul.f32 $1.442695020e+00, v13;
	(erf) = vpow2.f32 v17;
	v17 =	vld [tilespmem:s10+$0x100];
	[tilespmem:$0x1F720] =	vst v28;
	v29 =	vpop (erf)  }
0x381: {  	v23 =	vmul.f32 $1.442695020e+00, v23;
	(erf) = vpow2.f32 v18;
	v24 =	vld [tilespmem:s10+$0x180];
	[tilespmem:$0x1F730] =	vst v29;
	v30 =	vpop (erf)  }
0x382: {  	(erf) = vpow2.f32 v13;
	v25 =	vld [tilespmem:s10+$0x200];
	[tilespmem:$0x1F740] =	vst v30  }
0x383: {  	(erf) = vpow2.f32 v23;
	v23 =	vld [tilespmem:s10+$0x280]  }
0x384: {  	s2 =	sor.u32 $0x8000, s11;
	v35 =	vld [tilespmem:s10+$0x300]  }
0x385: {  	s13 =	sor.u32 $0x8080, s11;
	s12 =	sor.u32 s30, s2;
	v45 =	vld [tilespmem:s10+$0x380]  }
0x386: {  	s26 =	sor.u32 $0x8100, s11;
	s14 =	sor.u32 s30, s13;
	v13 =	vsub.f32 v55, v21;
	v21 =	vld [tilespmem:s12+$0x0]  }
0x387: {  	s19 =	sor.u32 $0x8180, s11;
	s16 =	sor.u32 s30, s26;
	v50 =	vld [tilespmem:s14+$0x0]  }
0x388: {  	s20 =	sor.u32 $0x8200, s11;
	s17 =	sor.u32 s30, s19;
	v63 =	vpop (erf);
	v55 =	vld [tilespmem:s16+$0x0]  }
0x389: {  	v37 =	vadd.f32 v9, v3;
	s5 =	sor.u32 s30, s20;
	v18 =	vadd.f32 v2, v0;
	v61 =	vpop (erf);
	s14 =	sor.u32 $0x8280, s11;
	v59 =	vld [tilespmem:s17+$0x0]  }
0x38a: {  	v38 =	vadd.f32 v22, v12;
	v32 =	vadd.f32 v27, v26;
	s17 =	sor.u32 $0x8300, s11;
	v60 =	vld [tilespmem:s5+$0x0];
	v48 =	vpop (erf);
	s6 =	sor.u32 s30, s14  }
0x38b: {  	v33 =	vadd.f32 v29, v28;
	v18 =	vadd.f32 v37, v18;
	v13 =	vmul.f32 $1.442695020e+00, v13;
	s16 =	sor.u32 $0x8380, s11;
	s10 =	sor.u32 s30, s17;
	v41 =	vpop (erf);
	v3 =	vld [tilespmem:s6+$0x0]  }
0x38c: {  	v37 =	vadd.f32 v32, v38;
	v56 =	vadd.f32 v63, v30;
	s5 =	sor.u32 s30, s16;
	v2 =	vld [tilespmem:s10+$0x0];
	v42 =	vpop (erf)  }
0x38d: {  	s12 =	sor.u32 $0xA180, s11;
	(erf) = vpow2.f32 v13;
	v34 =	vadd.f32 v48, v61;
	v13 =	vld [tilespmem:s5+$0x0];
	v36 =	vadd.f32 v42, v41  }
0x38e: {  	v18 =	vadd.f32 v37, v18;
	v54 =	vadd.f32 v56, v33;
	s6 =	sor.u32 s30, s12;
	v33 =	vmax.f32 v14, v15;
	v43 =	vpop (erf)  }
0x38f: {  	s11 =	sor.u32 $0xA200, s11;
	v32 =	vld [tilespmem:s6+$0x0];
	v40 =	vpop (erf);
	v0 =	vmax.f32 v25, v23;
	v12 =	vmax.f32 v35, v45;
	v38 =	vadd.f32 v36, v34  }
0x390: {  	s10 =	sor.u32 s30, s11;
	v39 =	vadd.f32 v40, v43;
	v34 =	vmax.f32 v17, v24;
	v0 =	vmax.f32 v0, v12  }
0x391: {  	v44 =	vld [tilespmem:s10+$0x0];
	v46 =	vpop (erf);
	v12 =	vmax.f32 v21, v50;
	v36 =	vmax.f32 v55, v59;
	v57 =	vmax.f32 v33, v34  }
0x392: {  	v47 =	vpop (erf);
	v12 =	vmax.f32 v12, v36;
	v37 =	vmax.f32 v60, v3;
	v53 =	vmax.f32 v2, v13  }
0x393: {  	v62 =	vadd.f32 v47, v46;
	v54 =	vadd.f32 v38, v54;
	v53 =	vmax.f32 v37, v53  }
0x394: {  	v38 =	vmax.f32 v8, v11;
	v9 =	vmax.f32 v20, v32;
	v0 =	vmax.f32 v57, v0  }
0x395: {  	v9 =	vmax.f32 v38, v9;
	v12 =	vmax.f32 v12, v53;
	v58 =	vadd.f32 v62, v39  }
0x396: {  	v0 =	vmax.f32 v0, v12;
	v9 =	vmax.f32 v9, v44;
	v57 =	vpop (erf)  }
0x397: {  	v12 =	vadd.f32 v54, v18;
	v18 =	vmax.f32 v0, v9;
	v0 =	vadd.f32 v58, v57;
	_ =	sdelay $0x1  }
0x398: {  	v0 =	vadd.f32 v12, v0  }
0x399: {  	v8 =	vsub.f32 v8, v18  }
0x39a: {  	(erf) = vrcp.f32 v0;
	v0 =	vmul.f32 $1.024000000e+03, v4  }
0x39b: {  	v9 =	vsub.f32 v11, v18;
	v8 =	vmul.f32 $1.442695020e+00, v8  }
0x39c: {  	v4 =	vsub.f32 v20, v18;
	v11 =	vmul.f32 v0, v16  }
0x39d: {  	(erf) = vpow2.f32 v8;
	v8 =	vmul.f32 $1.442695020e+00, v9;
	v9 =	vsub.f32 v32, v18  }
0x39e: {  	v4 =	vmul.f32 $1.442695020e+00, v4;
	[tilespmem:$0x1F770] =	vst v11;
	v11 =	vsub.f32 v14, v18  }
0x39f: {  	v12 =	vsub.f32 v15, v18;
	v9 =	vmul.f32 $1.442695020e+00, v9;
	(erf) = vpow2.f32 v8  }
0x3a0: {  	(erf) = vpow2.f32 v4;
	v8 =	vmul.f32 $1.442695020e+00, v11;
	v11 =	vsub.f32 v17, v18  }
0x3a1: {  	v4 =	vmul.f32 $1.442695020e+00, v12;
	v12 =	vsub.f32 v24, v18;
	(erf) = vpow2.f32 v9  }
0x3a2: {  	v9 =	vmul.f32 $1.442695020e+00, v11;
	v11 =	vsub.f32 v25, v18;
	(erf) = vpow2.f32 v8  }
0x3a3: {  	v8 =	vmul.f32 $1.442695020e+00, v12;
	v12 =	vsub.f32 v23, v18;
	(erf) = vpow2.f32 v4  }
0x3a4: {  	v4 =	vmul.f32 $1.442695020e+00, v11;
	v11 =	vsub.f32 v35, v18;
	(erf) = vpow2.f32 v9  }
0x3a5: {  	v9 =	vmul.f32 $1.442695020e+00, v12;
	v12 =	vsub.f32 v45, v18;
	(erf) = vpow2.f32 v8  }
0x3a6: {  	v8 =	vmul.f32 $1.442695020e+00, v11;
	v11 =	vsub.f32 v21, v18;
	(erf) = vpow2.f32 v4  }
0x3a7: {  	v4 =	vmul.f32 $1.442695020e+00, v12;
	v12 =	vsub.f32 v50, v18;
	(erf) = vpow2.f32 v9  }
0x3a8: {  	v62 =	vpop (erf);
	v9 =	vmul.f32 $1.442695020e+00, v11;
	v11 =	vsub.f32 v55, v18;
	(erf) = vpow2.f32 v8  }
0x3a9: {  	v39 =	vpop (erf);
	v8 =	vmul.f32 $1.442695020e+00, v12;
	v12 =	vsub.f32 v59, v18;
	(erf) = vpow2.f32 v4  }
0x3aa: {  	v45 =	vpop (erf);
	v4 =	vmul.f32 $1.442695020e+00, v11;
	v11 =	vsub.f32 v60, v18;
	(erf) = vpow2.f32 v9  }
0x3ab: {  	v3 =	vsub.f32 v3, v18;
	v38 =	vpop (erf);
	v9 =	vmul.f32 $1.442695020e+00, v12;
	(erf) = vpow2.f32 v8  }
0x3ac: {  	s15 =	sor.u32 s25, s15;
	v2 =	vsub.f32 v2, v18;
	v37 =	vpop (erf);
	v8 =	vmul.f32 $1.442695020e+00, v11;
	(erf) = vpow2.f32 v4  }
0x3ad: {  	v3 =	vmul.f32 $1.442695020e+00, v3;
	v54 =	vld [tilespmem:s15+$0x0];
	v59 =	vpop (erf);
	(erf) = vpow2.f32 v9  }
0x3ae: {  	v2 =	vmul.f32 $1.442695020e+00, v2;
	v58 =	vld [tilespmem:s15+$0x80];
	v60 =	vpop (erf);
	(erf) = vpow2.f32 v8  }
0x3af: {  	v33 =	vld [tilespmem:s15+$0x200];
	v36 =	vpop (erf);
	(erf) = vpow2.f32 v3  }
0x3b0: {  	(erf) = vpow2.f32 v2;
	v2 =	vld [tilespmem:$0x1F610]  }
0x3b1: {  	v30 =	vld [tilespmem:s15+$0x280]  }
0x3b2: {  	v28 =	vld [tilespmem:s15+$0x300]  }
0x3b3: {  	s2 =	sor.u32 s25, s2;
	v27 =	vld [tilespmem:s15+$0x380]  }
0x3b4: {  	s4 =	sor.u32 s25, s13;
	v26 =	vld [tilespmem:s2+$0x0]  }
0x3b5: {  	v25 =	vld [tilespmem:s4+$0x0];
	v2 =	vmul.f32 v0, v2  }
0x3b6: {  	v35 =	vld [tilespmem:s15+$0x180]  }
0x3b7: {  	v50 =	vld [tilespmem:s15+$0x100];
	[tilespmem:$0x1F780] =	vst v2;
	v2 =	vmul.f32 v0, v19;
	_ =	sdelay $0x1  }
0x3b8: {  	[tilespmem:$0x1F790] =	vst v2;
	v2 =	vld [tilespmem:$0x1F620];
	_ =	sdelay $0x4  }
0x3b9: {  	v2 =	vmul.f32 v0, v2;
	_ =	sdelay $0x1  }
0x3ba: {  	[tilespmem:$0x1F7A0] =	vst v2;
	v2 =	vld [tilespmem:$0x1F630];
	_ =	sdelay $0x4  }
0x3bb: {  	v2 =	vmul.f32 v0, v2;
	_ =	sdelay $0x1  }
0x3bc: {  	[tilespmem:$0x1F7B0] =	vst v2;
	v2 =	vld [tilespmem:$0x1F640];
	_ =	sdelay $0x4  }
0x3bd: {  	s5 =	sor.u32 s25, s26;
	v2 =	vmul.f32 v0, v2  }
0x3be: {  	v24 =	vld [tilespmem:s5+$0x0]  }
0x3bf: {  	[tilespmem:$0x1F7C0] =	vst v2;
	v2 =	vld [tilespmem:$0x1F650];
	_ =	sdelay $0x4  }
0x3c0: {  	v2 =	vmul.f32 v0, v2;
	_ =	sdelay $0x1  }
0x3c1: {  	[tilespmem:$0x1F7D0] =	vst v2;
	v2 =	vld [tilespmem:$0x1F660];
	_ =	sdelay $0x4  }
0x3c2: {  	v2 =	vmul.f32 v0, v2  }
0x3c3: {  	s6 =	sor.u32 s25, s19  }
0x3c4: {  	v23 =	vld [tilespmem:s6+$0x0];
	[tilespmem:$0x1F7E0] =	vst v2;
	v2 =	vmul.f32 v0, v52;
	_ =	sdelay $0x1  }
0x3c5: {  	[tilespmem:$0x1F7F0] =	vst v2;
	v2 =	vmul.f32 v0, v49  }
0x3c6: {  	s10 =	sor.u32 s25, s20  }
0x3c7: {  	v22 =	vld [tilespmem:s10+$0x0];
	[tilespmem:$0x1F800] =	vst v2;
	v2 =	vmul.f32 v0, v10  }
0x3c8: {  	v3 =	vld [tilespmem:$0x1F600]  }
0x3c9: {  	[tilespmem:$0x1F810] =	vst v2;
	v2 =	vmul.f32 v0, v7  }
0x3ca: {  	s13 =	sor.u32 s25, s14  }
0x3cb: {  	v21 =	vld [tilespmem:s13+$0x0];
	[tilespmem:$0x1F820] =	vst v2;
	v2 =	vmul.f32 v0, v6;
	_ =	sdelay $0x1  }
0x3cc: {  	s14 =	sor.u32 s25, s17;
	v56 =	vmul.f32 v0, v3;
	v3 =	vmul.f32 v0, v51;
	[tilespmem:$0x1F830] =	vst v2  }
0x3cd: {  	v17 =	vld [tilespmem:s14+$0x0]  }
0x3ce: {  	[tilespmem:$0x1F840] =	vst v3;
	v3 =	vld [tilespmem:$0x1F670];
	_ =	sdelay $0x4  }
0x3cf: {  	v3 =	vmul.f32 v0, v3;
	_ =	sdelay $0x1  }
0x3d0: {  	[tilespmem:$0x1F850] =	vst v3;
	v3 =	vld [tilespmem:$0x1F680];
	_ =	sdelay $0x4  }
0x3d1: {  	s15 =	sor.u32 s25, s16;
	v3 =	vmul.f32 v0, v3  }
0x3d2: {  	v51 =	vld [tilespmem:s15+$0x0]  }
0x3d3: {  	[tilespmem:$0x1F860] =	vst v3;
	v3 =	vld [tilespmem:$0x1F690];
	_ =	sdelay $0x4  }
0x3d4: {  	s16 =	sor.u32 s25, s31;
	v3 =	vmul.f32 v0, v3  }
0x3d5: {  	v53 =	vld [tilespmem:s16+$0x0]  }
0x3d6: {  	[tilespmem:$0x1F870] =	vst v3;
	v3 =	vld [tilespmem:$0x1F6A0]  }
0x3d7: {  	v4 =	vld [tilespmem:$0x1F5F0];
	_ =	sdelay $0x1  }
0x3d8: {  	v2 =	vsub.f32 v13, v18  }
0x3d9: {  	v29 =	vpop (erf)  }
0x3da: {  	v52 =	vpop (erf);
	v2 =	vmul.f32 $1.442695020e+00, v2;
	v3 =	vmul.f32 v0, v3  }
0x3db: {  	v55 =	vmul.f32 v0, v4;
	v49 =	vpop (erf);
	v0 =	vmul.f32 v0, v5  }
0x3dc: {  	s17 =	sor.u32 s25, s7;
	v20 =	vpop (erf);
	(erf) = vpow2.f32 v2;
	[tilespmem:$0x1F880] =	vst v3  }
0x3dd: {  	v19 =	vpop (erf);
	v2 =	vmax.f32 v26, v25;
	v32 =	vld [tilespmem:s17+$0x0];
	[tilespmem:$0x1F890] =	vst v0;
	v0 =	vmax.f32 v24, v23  }
0x3de: {  	s19 =	sor.u32 s25, s9;
	v16 =	vpop (erf);
	v9 =	vmax.f32 v2, v0;
	v0 =	vsub.f32 v44, v18;
	v18 =	vmax.f32 v17, v51  }
0x3df: {  	s20 =	sor.u32 s25, s12;
	v15 =	vpop (erf);
	v6 =	vmax.f32 v54, v58;
	v5 =	vmax.f32 v50, v35;
	v31 =	vld [tilespmem:s19+$0x0]  }
0x3e0: {  	v8 =	vmax.f32 v6, v5;
	v6 =	vmax.f32 v22, v21;
	v34 =	vld [tilespmem:s20+$0x0];
	v44 =	vpop (erf)  }
0x3e1: {  	v4 =	vmax.f32 v33, v30;
	v3 =	vmax.f32 v28, v27;
	v6 =	vmax.f32 v6, v18;
	v18 =	vpop (erf)  }
0x3e2: {  	v5 =	vadd.f32 v60, v59;
	v7 =	vmax.f32 v4, v3;
	v3 =	vadd.f32 v29, v36;
	v14 =	vpop (erf)  }
0x3e3: {  	v7 =	vmax.f32 v8, v7;
	v4 =	vmul.f32 $1.442695020e+00, v0;
	v13 =	vpop (erf)  }
0x3e4: {  	v8 =	vadd.f32 v3, v5;
	v5 =	vadd.f32 v49, v52;
	v2 =	vmax.f32 v53, v32;
	v12 =	vpop (erf)  }
0x3e5: {  	(erf) = vpow2.f32 v4;
	v4 =	vadd.f32 v19, v20;
	v0 =	vmax.f32 v31, v34;
	v11 =	vpop (erf)  }
0x3e6: {  	v10 =	vmax.f32 v2, v0;
	v2 =	vadd.f32 v13, v14;
	v0 =	vadd.f32 v11, v12;
	_ =	sdelay $0x1  }
0x3e7: {  	v4 =	vadd.f32 v4, v5;
	v5 =	vadd.f32 v0, v2;
	v2 =	vld [tilespmem:$0x1F6C0];
	_ =	sdelay $0x2  }
0x3e8: {  	v62 =	vmul.f32 $1.024000000e+03, v62;
	_ =	sdelay $0x1  }
0x3e9: {  	v2 =	vmul.f32 v62, v2;
	_ =	sdelay $0x1  }
0x3ea: {  	[tilespmem:$0x1F8A0] =	vst v2;
	v2 =	vld [tilespmem:$0x1F6D0];
	_ =	sdelay $0x3  }
0x3eb: {  	v6 =	vmax.f32 v9, v6  }
0x3ec: {  	v9 =	vadd.f32 v15, v16;
	v3 =	vadd.f32 v18, v44;
	v2 =	vmul.f32 v62, v2;
	_ =	sdelay $0x1  }
0x3ed: {  	v3 =	vadd.f32 v3, v9;
	[tilespmem:$0x1F8B0] =	vst v2;
	v2 =	vld [tilespmem:$0x1F6E0];
	_ =	sdelay $0x1  }
0x3ee: {  	v3 =	vadd.f32 v5, v3;
	v5 =	vld [tilespmem:$0x1F700];
	_ =	sdelay $0x2  }
0x3ef: {  	v2 =	vmul.f32 v62, v2;
	_ =	sdelay $0x1  }
0x3f0: {  	s25 =	sor.u32 s25, s11;
	v5 =	vmul.f32 v62, v5;
	[tilespmem:$0x1F8C0] =	vst v2  }
0x3f1: {  	v6 =	vmax.f32 v7, v6;
	v7 =	vld [tilespmem:s25+$0x0]  }
0x3f2: {  	[tilespmem:$0x1F8D0] =	vst v5;
	v5 =	vld [tilespmem:$0x1F710];
	_ =	sdelay $0x1  }
0x3f3: {  	v4 =	vadd.f32 v4, v8;
	_ =	sdelay $0x1  }
0x3f4: {  	v3 =	vadd.f32 v3, v4;
	v4 =	vld [tilespmem:$0x1F740]  }
0x3f5: {  	v9 =	vadd.f32 v37, v38;
	v8 =	vadd.f32 v45, v39;
	v5 =	vmul.f32 v62, v5;
	_ =	sdelay $0x1  }
0x3f6: {  	[tilespmem:$0x1F8E0] =	vst v5;
	v5 =	vadd.f32 v9, v8;
	v8 =	vld [tilespmem:$0x1F720];
	_ =	sdelay $0x1  }
0x3f7: {  	v4 =	vmul.f32 v62, v4;
	_ =	sdelay $0x1  }
0x3f8: {  	[tilespmem:$0x1F910] =	vst v4;
	v4 =	vmul.f32 v62, v63  }
0x3f9: {  	v8 =	vmul.f32 v62, v8  }
0x3fa: {  	[tilespmem:$0x1F920] =	vst v4;
	v4 =	vmul.f32 v62, v61  }
0x3fb: {  	[tilespmem:$0x1F8F0] =	vst v8;
	v8 =	vld [tilespmem:$0x1F730]  }
0x3fc: {  	[tilespmem:$0x1F930] =	vst v4;
	v4 =	vmax.f32 v10, v7  }
0x3fd: {  	v6 =	vmax.f32 v6, v4;
	v4 =	vmul.f32 v62, v48;
	_ =	sdelay $0x1  }
0x3fe: {  	[tilespmem:$0x1F940] =	vst v4;
	v4 =	vmul.f32 v62, v41  }
0x3ff: {  	v8 =	vmul.f32 v62, v8  }
0x400: {  	[tilespmem:$0x1F950] =	vst v4;
	v4 =	vmul.f32 v62, v42;
	_ =	sdelay $0x1  }
0x401: {  	[tilespmem:$0x1F960] =	vst v4  }
0x402: {  	v4 =	vmul.f32 v62, v43;
	[tilespmem:$0x1F900] =	vst v8;
	v8 =	vpop (erf)  }
0x403: {  	v9 =	vld [tilespmem:$0x1F750];
	v5 =	vadd.f32 v5, v8  }
0x404: {  	v0 =	vld [tilespmem:$0x1F6B0];
	[tilespmem:$0x1F970] =	vst v4;
	v4 =	vmul.f32 v62, v40  }
0x405: {  	v2 =	vld [tilespmem:$0x1F6F0];
	v3 =	vadd.f32 v3, v5;
	v5 =	vmul.f32 v62, v47  }
0x406: {  	[tilespmem:$0x1F980] =	vst v4;
	v4 =	vmul.f32 v62, v46  }
0x407: {  	[tilespmem:$0x1F9A0] =	vst v5;
	v5 =	vmul.f32 v62, v57  }
0x408: {  	v9 =	vmul.f32 v62, v9;
	[tilespmem:$0x1F990] =	vst v4;
	v4 =	vsub.f32 v54, v6  }
0x409: {  	v0 =	vmul.f32 v62, v0;
	[tilespmem:$0x1F9B0] =	vst v5;
	v5 =	vsub.f32 v58, v6  }
0x40a: {  	v2 =	vmul.f32 v62, v2;
	[tilespmem:$0x1F9C0] =	vst v9;
	v9 =	vsub.f32 v50, v6;
	v4 =	vmul.f32 $1.442695020e+00, v4  }
0x40b: {  	(erf) = vrcp.f32 v3;
	v3 =	vmul.f32 $1.442695020e+00, v5;
	v5 =	vsub.f32 v35, v6  }
0x40c: {  	v9 =	vmul.f32 $1.442695020e+00, v9;
	(erf) = vpow2.f32 v4;
	v4 =	vsub.f32 v33, v6  }
0x40d: {  	(erf) = vpow2.f32 v3;
	v3 =	vsub.f32 v30, v6;
	v5 =	vmul.f32 $1.442695020e+00, v5  }
0x40e: {  	v4 =	vmul.f32 $1.442695020e+00, v4;
	(erf) = vpow2.f32 v9;
	v9 =	vsub.f32 v28, v6  }
0x40f: {  	(erf) = vpow2.f32 v5;
	v5 =	vsub.f32 v27, v6;
	v3 =	vmul.f32 $1.442695020e+00, v3  }
0x410: {  	(erf) = vpow2.f32 v4;
	v4 =	vsub.f32 v26, v6;
	v9 =	vmul.f32 $1.442695020e+00, v9  }
0x411: {  	(erf) = vpow2.f32 v3;
	v3 =	vsub.f32 v25, v6;
	v5 =	vmul.f32 $1.442695020e+00, v5  }
0x412: {  	(erf) = vpow2.f32 v9;
	v9 =	vsub.f32 v24, v6;
	v4 =	vmul.f32 $1.442695020e+00, v4  }
0x413: {  	(erf) = vpow2.f32 v5;
	v5 =	vsub.f32 v23, v6;
	v3 =	vmul.f32 $1.442695020e+00, v3  }
0x414: {  	(erf) = vpow2.f32 v4;
	v4 =	vsub.f32 v22, v6;
	v9 =	vmul.f32 $1.442695020e+00, v9  }
0x415: {  	(erf) = vpow2.f32 v3;
	v3 =	vsub.f32 v21, v6;
	v5 =	vmul.f32 $1.442695020e+00, v5  }
0x416: {  	(erf) = vpow2.f32 v9;
	v9 =	vsub.f32 v17, v6;
	v4 =	vmul.f32 $1.442695020e+00, v4  }
0x417: {  	v10 =	vpop (erf);
	(erf) = vpow2.f32 v5;
	v3 =	vmul.f32 $1.442695020e+00, v3  }
0x418: {  	v21 =	vpop (erf);
	(erf) = vpow2.f32 v4;
	v4 =	vsub.f32 v51, v6;
	v5 =	vmul.f32 $1.442695020e+00, v9  }
0x419: {  	v17 =	vpop (erf);
	v9 =	vmul.f32 $1.024000000e+03, v10;
	(erf) = vpow2.f32 v3  }
0x41a: {  	v62 =	vpop (erf);
	(erf) = vpow2.f32 v5;
	v10 =	vmul.f32 $1.442695020e+00, v4  }
0x41b: {  	v26 =	vmul.f32 v9, v59;
	v50 =	vmul.f32 v9, v60  }
0x41c: {  	v4 =	vmul.f32 v9, v36;
	v35 =	vmul.f32 v9, v29  }
0x41d: {  	v28 =	vmul.f32 v9, v52;
	v60 =	vmul.f32 v9, v49  }
0x41e: {  	v3 =	vmul.f32 v9, v16;
	v49 =	vmul.f32 v9, v15;
	v16 =	vsub.f32 v53, v6  }
0x41f: {  	v23 =	vmul.f32 v9, v14;
	v47 =	vmul.f32 v9, v13;
	v14 =	vsub.f32 v32, v6  }
0x420: {  	v46 =	vmul.f32 v9, v12;
	v43 =	vmul.f32 v9, v11;
	v11 =	vsub.f32 v31, v6  }
0x421: {  	v15 =	vpop (erf);
	v12 =	vsub.f32 v34, v6;
	v6 =	vsub.f32 v7, v6;
	v7 =	vmul.f32 $1.442695020e+00, v16  }
0x422: {  	v13 =	vpop (erf);
	(erf) = vpow2.f32 v10;
	v10 =	vmul.f32 $1.442695020e+00, v14  }
0x423: {  	v29 =	vmul.f32 v9, v20;
	v22 =	vpop (erf);
	(erf) = vpow2.f32 v7  }
0x424: {  	v25 =	vmul.f32 v9, v19;
	v57 =	vpop (erf);
	(erf) = vpow2.f32 v10;
	v10 =	vld [tilespmem:$0x1F770]  }
0x425: {  	v59 =	vmul.f32 v9, v44;
	v24 =	vmul.f32 v9, v18  }
0x426: {  	v42 =	vmul.f32 v9, v39;
	v41 =	vmul.f32 v9, v45  }
0x427: {  	v40 =	vmul.f32 v9, v38;
	v45 =	vmul.f32 v9, v37  }
0x428: {  	v5 =	vmul.f32 v9, v8;
	v8 =	vadd.f32 v17, v21;
	v7 =	vmul.f32 $1.442695020e+00, v11  }
0x429: {  	v9 =	vadd.f32 v15, v62;
	v14 =	vadd.f32 v22, v13;
	v54 =	vpop (erf);
	v10 =	vmin.f32 v10, $1.023000000e+03  }
0x42a: {  	s0 =	sand.u32 $0x380, s0;
	v11 =	vld [tilespmem:$0x1F780];
	v16 =	vadd.f32 v54, v57;
	(erf) = vpow2.f32 v7;
	v7 =	vtrunc.f32 v10  }
0x42b: {  	s0 =	sor.u32 s1, s0;
	[tilespmem:$0x1F760] =	vst v21;
	v7 =	vcvt.f32.s32 v7  }
0x42c: {  	v39 =	vld [tilespmem:s0+$0xC400];
	v8 =	vadd.f32 v9, v8;
	v9 =	vadd.f32 v16, v14  }
0x42d: {  	v10 =	vmin.f32 v55, $1.023000000e+03  }
0x42e: {  	v27 =	vadd.f32 v9, v8;
	v8 =	vtrunc.f32 v10;
	v10 =	vmul.f32 $1.442695020e+00, v12  }
0x42f: {  	v11 =	vmin.f32 v11, $1.023000000e+03  }
0x430: {  	(erf) = vpow2.f32 v10;
	v10 =	vtrunc.f32 v11;
	v11 =	vld [tilespmem:$0x1F790]  }
0x431: {  	vm0 =	veq.s32 v39, $0x0;
	v8 =	vcvt.f32.s32 v8;
	[tilespmem:v7+s22+$0x0] =	vst.idx.add.f32.msk $0xffff, v1  }
0x432: {  	v12 =	vld [tilespmem:$0x1F7A0]  }
0x433: {  	v8 =	vadd.s32 $0x400, v8;
	_ =	sdelay $0x1  }
0x434: {  	vm1 =	veq.s32 v39, $0x1;
	v9 =	vmin.f32 v56, $1.023000000e+03  }
0x435: {  	v9 =	vtrunc.f32 v9;
	v10 =	vcvt.f32.s32 v10;
	v11 =	vmin.f32 v11, $1.023000000e+03  }
0x436: {  	v9 =	vcvt.f32.s32 v9;
	[tilespmem:v7+s23+$0x0] =	vst.idx.add.f32.msk vm0, v1;
	v11 =	vtrunc.f32 v11;
	v12 =	vmin.f32 v12, $1.023000000e+03  }
0x437: {  	v7 =	vadd.s32 $0xC00, v10;
	[tilespmem:v8+s22+$0x0] =	vst.idx.add.f32.msk $0xffff, v1;
	v10 =	vcvt.f32.s32 v11;
	v11 =	vtrunc.f32 v12  }
0x438: {  	v14 =	vcvt.f32.s32 v11;
	v11 =	vld [tilespmem:$0x1F7B0]  }
0x439: {  	v9 =	vadd.s32 $0x800, v9;
	_ =	sdelay $0x3  }
0x43a: {  	[tilespmem:v8+s23+$0x0] =	vst.idx.add.f32.msk vm1, v1;
	v12 =	vmin.f32 v11, $1.023000000e+03  }
0x43b: {  	vm2 =	veq.s32 v39, $0x2;
	v8 =	vadd.s32 $0x1000, v10;
	[tilespmem:v9+s22+$0x0] =	vst.idx.add.f32.msk $0xffff, v1;
	v10 =	vtrunc.f32 v12  }
0x43c: {  	v18 =	vcvt.f32.s32 v10;
	v10 =	vld [tilespmem:$0x1F7C0];
	_ =	sdelay $0x1  }
0x43d: {  	vm3 =	veq.s32 v39, $0x3;
	_ =	sdelay $0x1  }
0x43e: {  	vm4 =	veq.s32 v39, $0x4  }
0x43f: {  	[tilespmem:v9+s23+$0x0] =	vst.idx.add.f32.msk vm2, v1;
	v10 =	vmin.f32 v10, $1.023000000e+03  }
0x440: {  	v9 =	vtrunc.f32 v10;
	v10 =	vld [tilespmem:$0x1F7D0]  }
0x441: {  	vm0 =	veq.s32 v39, $0x5;
	v14 =	vadd.s32 $0x1400, v14;
	[tilespmem:v7+s22+$0x0] =	vst.idx.add.f32.msk $0xffff, v1  }
0x442: {  	[tilespmem:v7+s23+$0x0] =	vst.idx.add.f32.msk vm3, v1  }
0x443: {  	v9 =	vcvt.f32.s32 v9;
	[tilespmem:v8+s22+$0x0] =	vst.idx.add.f32.msk $0xffff, v1  }
0x444: {  	[tilespmem:v8+s23+$0x0] =	vst.idx.add.f32.msk vm4, v1  }
0x445: {  	v8 =	vadd.s32 $0x1C00, v9;
	v9 =	vld [tilespmem:$0x1F7E0]  }
0x446: {  	[tilespmem:v14+s22+$0x0] =	vst.idx.add.f32.msk $0xffff, v1  }
0x447: {  	[tilespmem:v14+s23+$0x0] =	vst.idx.add.f32.msk vm0, v1  }
0x448: {  	vm1 =	veq.s32 v39, $0x6;
	v7 =	vadd.s32 $0x1800, v18;
	v14 =	vld [tilespmem:$0x1F7F0];
	_ =	sdelay $0x2  }
0x449: {  	v9 =	vmin.f32 v9, $1.023000000e+03  }
0x44a: {  	v9 =	vtrunc.f32 v9  }
0x44b: {  	[tilespmem:v7+s22+$0x0] =	vst.idx.add.f32.msk $0xffff, v1;
	v9 =	vcvt.f32.s32 v9;
	v14 =	vmin.f32 v14, $1.023000000e+03  }
0x44c: {  	vm2 =	veq.s32 v39, $0x7;
	v19 =	vmin.f32 v10, $1.023000000e+03;
	[tilespmem:v7+s23+$0x0] =	vst.idx.add.f32.msk vm1, v1;
	v14 =	vtrunc.f32 v14  }
0x44d: {  	v11 =	vpop (erf);
	v18 =	vtrunc.f32 v19;
	v7 =	vadd.s32 $0x2400, v9;
	v9 =	vcvt.f32.s32 v14;
	v14 =	vld [tilespmem:$0x1F800]  }
0x44e: {  	v12 =	vpop (erf);
	v18 =	vcvt.f32.s32 v18  }
0x44f: {  	v16 =	vpop (erf)  }
0x450: {  	vm3 =	veq.s32 v39, $0x8;
	v10 =	vpop (erf);
	v18 =	vadd.s32 $0x2000, v18  }
0x451: {  	v6 =	vmul.f32 $1.442695020e+00, v6;
	v53 =	vpop (erf)  }
0x452: {  	v20 =	vadd.f32 v12, v11;
	v21 =	vadd.f32 v10, v16;
	v61 =	vpop (erf);
	[tilespmem:v8+s22+$0x0] =	vst.idx.add.f32.msk $0xffff, v1;
	v14 =	vmin.f32 v14, $1.023000000e+03  }
0x453: {  	(erf) = vpow2.f32 v6;
	v63 =	vpop (erf);
	[tilespmem:v8+s23+$0x0] =	vst.idx.add.f32.msk vm2, v1;
	v14 =	vtrunc.f32 v14  }
0x454: {  	v6 =	vadd.f32 v21, v20;
	v58 =	vpop (erf);
	v8 =	vadd.s32 $0x2800, v9;
	v9 =	vcvt.f32.s32 v14;
	v14 =	vld [tilespmem:$0x1F810]  }
0x455: {  	v19 =	vadd.f32 v61, v53;
	v20 =	vadd.f32 v58, v63;
	[tilespmem:v18+s22+$0x0] =	vst.idx.add.f32.msk $0xffff, v1  }
0x456: {  	[tilespmem:v18+s23+$0x0] =	vst.idx.add.f32.msk vm3, v1  }
0x457: {  	vm0 =	veq.s32 v39, $0x9;
	v19 =	vadd.f32 v20, v19;
	v18 =	vld [tilespmem:$0x1F820]  }
0x458: {  	[tilespmem:v7+s22+$0x0] =	vst.idx.add.f32.msk $0xffff, v1  }
0x459: {  	v6 =	vadd.f32 v19, v6;
	v19 =	vld [tilespmem:$0x1F830];
	_ =	sdelay $0x1  }
0x45a: {  	v14 =	vmin.f32 v14, $1.023000000e+03  }
0x45b: {  	v14 =	vtrunc.f32 v14  }
0x45c: {  	vm1 =	veq.s32 v39, $0xA;
	[tilespmem:v7+s23+$0x0] =	vst.idx.add.f32.msk vm0, v1;
	v14 =	vcvt.f32.s32 v14;
	v18 =	vmin.f32 v18, $1.023000000e+03  }
0x45d: {  	v9 =	vadd.s32 $0x2C00, v9;
	[tilespmem:v8+s22+$0x0] =	vst.idx.add.f32.msk $0xffff, v1;
	v18 =	vtrunc.f32 v18;
	v19 =	vmin.f32 v19, $1.023000000e+03  }
0x45e: {  	v7 =	vadd.s32 $0x3000, v14;
	v14 =	vcvt.f32.s32 v18;
	v18 =	vtrunc.f32 v19;
	v19 =	vld [tilespmem:$0x1F840];
	_ =	sdelay $0x3  }
0x45f: {  	[tilespmem:v8+s23+$0x0] =	vst.idx.add.f32.msk vm1, v1  }
0x460: {  	vm2 =	veq.s32 v39, $0xB;
	[tilespmem:v9+s22+$0x0] =	vst.idx.add.f32.msk $0xffff, v1;
	v19 =	vmin.f32 v19, $1.023000000e+03  }
0x461: {  	v8 =	vadd.s32 $0x3400, v14;
	v14 =	vtrunc.f32 v19;
	v19 =	vld [tilespmem:$0x1F850];
	_ =	sdelay $0x4  }
0x462: {  	[tilespmem:v9+s23+$0x0] =	vst.idx.add.f32.msk vm2, v1;
	v19 =	vmin.f32 v19, $1.023000000e+03  }
0x463: {  	vm4 =	veq.s32 v39, $0xC;
	v9 =	vtrunc.f32 v19;
	v19 =	vld [tilespmem:$0x1F860];
	_ =	sdelay $0x2  }
0x464: {  	vm5 =	veq.s32 v39, $0xD;
	_ =	sdelay $0x1  }
0x465: {  	[tilespmem:v7+s22+$0x0] =	vst.idx.add.f32.msk $0xffff, v1;
	v19 =	vmin.f32 v19, $1.023000000e+03  }
0x466: {  	[tilespmem:v7+s23+$0x0] =	vst.idx.add.f32.msk vm4, v1;
	v19 =	vtrunc.f32 v19  }
0x467: {  	v7 =	vcvt.f32.s32 v19;
	v19 =	vld [tilespmem:$0x1F870]  }
0x468: {  	v18 =	vcvt.f32.s32 v18;
	[tilespmem:v8+s22+$0x0] =	vst.idx.add.f32.msk $0xffff, v1  }
0x469: {  	[tilespmem:v8+s23+$0x0] =	vst.idx.add.f32.msk vm5, v1  }
0x46a: {  	v18 =	vadd.s32 $0x3800, v18;
	v8 =	vld [tilespmem:$0x1F880]  }
0x46b: {  	vm0 =	veq.s32 v39, $0xE;
	v14 =	vcvt.f32.s32 v14;
	_ =	sdelay $0x1  }
0x46c: {  	vm3 =	veq.s32 v39, $0xF;
	v14 =	vadd.s32 $0x3C00, v14;
	v9 =	vcvt.f32.s32 v9  }
0x46d: {  	v19 =	vmin.f32 v19, $1.023000000e+03  }
0x46e: {  	v30 =	vadd.s32 $0x4000, v9;
	[tilespmem:v18+s22+$0x0] =	vst.idx.add.f32.msk $0xffff, v1;
	v9 =	vtrunc.f32 v19;
	v8 =	vmin.f32 v8, $1.023000000e+03  }
0x46f: {  	v31 =	vadd.s32 $0x4400, v7;
	v7 =	vcvt.f32.s32 v9;
	v9 =	vtrunc.f32 v8;
	v8 =	vld [tilespmem:$0x1F890]  }
0x470: {  	[tilespmem:v18+s23+$0x0] =	vst.idx.add.f32.msk vm0, v1  }
0x471: {  	[tilespmem:v14+s22+$0x0] =	vst.idx.add.f32.msk $0xffff, v1  }
0x472: {  	v9 =	vcvt.f32.s32 v9;
	[tilespmem:v14+s23+$0x0] =	vst.idx.add.f32.msk vm3, v1  }
0x473: {  	[tilespmem:v30+s22+$0x0] =	vst.idx.add.f32.msk $0xffff, v1  }
0x474: {  	v14 =	vadd.s32 $0x4C00, v9;
	v9 =	vmin.f32 v0, $1.023000000e+03;
	v0 =	vld [tilespmem:$0x1F8A0]  }
0x475: {  	s26 =	sand.u32 $0x380, s18;
	v36 =	vmin.f32 v8, $1.023000000e+03  }
0x476: {  	s0 =	sor.u32 s30, s26;
	vm4 =	veq.s32 v39, $0x10;
	v18 =	vtrunc.f32 v36  }
0x477: {  	v44 =	vld [tilespmem:s0+$0xC400];
	v18 =	vcvt.f32.s32 v18  }
0x478: {  	v26 =	vmin.f32 v26, $1.023000000e+03  }
0x479: {  	v26 =	vtrunc.f32 v26;
	v52 =	vadd.s32 $0x5000, v18;
	v18 =	vmin.f32 v0, $1.023000000e+03;
	v0 =	vld [tilespmem:$0x1F8B0]  }
0x47a: {  	v26 =	vcvt.f32.s32 v26  }
0x47b: {  	vm1 =	veq.s32 v39, $0x11  }
0x47c: {  	vm2 =	veq.s32 v39, $0x12;
	[tilespmem:v30+s23+$0x0] =	vst.idx.add.f32.msk vm4, v1;
	vm4 =	veq.s32 v44, $0x0  }
0x47d: {  	vm5 =	veq.s32 v39, $0x13;
	vm0 =	veq.s32 v39, $0x14;
	v30 =	vmin.f32 v50, $1.023000000e+03  }
0x47e: {  	v39 =	vadd.s32 $0x4800, v7;
	v30 =	vtrunc.f32 v30;
	v7 =	vmin.f32 v0, $1.023000000e+03;
	v0 =	vld [tilespmem:$0x1F8C0]  }
0x47f: {  	v30 =	vcvt.f32.s32 v30;
	[tilespmem:v31+s22+$0x0] =	vst.idx.add.f32.msk $0xffff, v1  }
0x480: {  	[tilespmem:v26+s22+$0x0] =	vst.idx.add.f32.msk $0xffff, v1  }
0x481: {  	v4 =	vmin.f32 v4, $1.023000000e+03;
	v30 =	vadd.s32 $0x400, v30;
	[tilespmem:v31+s23+$0x0] =	vst.idx.add.f32.msk vm1, v1  }
0x482: {  	v4 =	vtrunc.f32 v4;
	vm3 =	veq.s32 v44, $0x1;
	[tilespmem:v26+s23+$0x0] =	vst.idx.add.f32.msk vm4, v1  }
0x483: {  	v4 =	vcvt.f32.s32 v4;
	[tilespmem:v39+s22+$0x0] =	vst.idx.add.f32.msk $0xffff, v1  }
0x484: {  	v31 =	vmin.f32 v35, $1.023000000e+03;
	[tilespmem:v39+s23+$0x0] =	vst.idx.add.f32.msk vm2, v1  }
0x485: {  	v4 =	vadd.s32 $0x800, v4;
	v31 =	vtrunc.f32 v31;
	[tilespmem:v14+s22+$0x0] =	vst.idx.add.f32.msk $0xffff, v1  }
0x486: {  	v28 =	vmin.f32 v28, $1.023000000e+03;
	vm2 =	veq.s32 v44, $0x2;
	v31 =	vcvt.f32.s32 v31;
	[tilespmem:v30+s22+$0x0] =	vst.idx.add.f32.msk $0xffff, v1  }
0x487: {  	[tilespmem:v14+s23+$0x0] =	vst.idx.add.f32.msk vm5, v1;
	v14 =	vtrunc.f32 v28  }
0x488: {  	vm1 =	veq.s32 v44, $0x3;
	v28 =	vadd.s32 $0xC00, v31;
	[tilespmem:v30+s23+$0x0] =	vst.idx.add.f32.msk vm3, v1;
	v14 =	vcvt.f32.s32 v14  }
0x489: {  	[tilespmem:v52+s22+$0x0] =	vst.idx.add.f32.msk $0xffff, v1  }
0x48a: {  	[tilespmem:v4+s22+$0x0] =	vst.idx.add.f32.msk $0xffff, v1;
	v14 =	vadd.s32 $0x1000, v14  }
0x48b: {  	[tilespmem:v52+s23+$0x0] =	vst.idx.add.f32.msk vm0, v1  }
0x48c: {  	[tilespmem:v4+s23+$0x0] =	vst.idx.add.f32.msk vm2, v1  }
0x48d: {  	vm15 =	veq.s32 v44, $0x4;
	[tilespmem:v28+s22+$0x0] =	vst.idx.add.f32.msk $0xffff, v1  }
0x48e: {  	vm7 =	veq.s32 v44, $0x13;
	v4 =	vimm.s32 $0x0;
	[tilespmem:v28+s23+$0x0] =	vst.idx.add.f32.msk vm1, v1  }
0x48f: {  	v4 =	vsel vm7, $0xFFFFFFFF, v4;
	[tilespmem:v14+s22+$0x0] =	vst.idx.add.f32.msk $0xffff, v1  }
0x490: {  	vm7 =	veq.s32 v44, $0x14;
	[tilespmem:$0x1F9D0] =	vst v4;
	v4 =	vimm.s32 $0x0  }
0x491: {  	v4 =	vsel vm7, $0xFFFFFFFF, v4  }
0x492: {  	[tilespmem:$0x1F9E0] =	vst v4  }
0x493: {  	v31 =	vmin.f32 v60, $1.023000000e+03;
	[tilespmem:v14+s23+$0x0] =	vst.idx.add.f32.msk vm15, v1  }
0x494: {  	v31 =	vtrunc.f32 v31;
	v8 =	vld [tilespmem:$0x1F8D0]  }
0x495: {  	v29 =	vmin.f32 v29, $1.023000000e+03;
	v31 =	vcvt.f32.s32 v31  }
0x496: {  	v29 =	vtrunc.f32 v29  }
0x497: {  	v26 =	vcvt.f32.s32 v29;
	vm0 =	veq.s32 v44, $0x5;
	v29 =	vadd.s32 $0x1400, v31;
	_ =	sdelay $0x1  }
0x498: {  	v28 =	vmin.f32 v8, $1.023000000e+03;
	v8 =	vld [tilespmem:$0x1F8E0];
	_ =	sdelay $0x2  }
0x499: {  	[tilespmem:v29+s22+$0x0] =	vst.idx.add.f32.msk $0xffff, v1  }
0x49a: {  	[tilespmem:v29+s23+$0x0] =	vst.idx.add.f32.msk vm0, v1  }
0x49b: {  	v30 =	vmin.f32 v8, $1.023000000e+03;
	v8 =	vld [tilespmem:$0x1F8F0];
	_ =	sdelay $0x2  }
0x49c: {  	vm14 =	veq.s32 v44, $0x6;
	v26 =	vadd.s32 $0x1800, v26;
	_ =	sdelay $0x1  }
0x49d: {  	v29 =	vmin.f32 v8, $1.023000000e+03;
	v8 =	vld [tilespmem:$0x1F900];
	_ =	sdelay $0x2  }
0x49e: {  	[tilespmem:v26+s22+$0x0] =	vst.idx.add.f32.msk $0xffff, v1  }
0x49f: {  	v25 =	vmin.f32 v25, $1.023000000e+03;
	[tilespmem:v26+s23+$0x0] =	vst.idx.add.f32.msk vm14, v1  }
0x4a0: {  	v25 =	vtrunc.f32 v25;
	v31 =	vmin.f32 v8, $1.023000000e+03;
	v8 =	vld [tilespmem:$0x1F910]  }
0x4a1: {  	v25 =	vcvt.f32.s32 v25;
	_ =	sdelay $0x1  }
0x4a2: {  	vm13 =	veq.s32 v44, $0x7;
	v4 =	vadd.s32 $0x1C00, v25;
	_ =	sdelay $0x1  }
0x4a3: {  	v32 =	vmin.f32 v8, $1.023000000e+03;
	v8 =	vld [tilespmem:$0x1F920];
	_ =	sdelay $0x2  }
0x4a4: {  	[tilespmem:v4+s22+$0x0] =	vst.idx.add.f32.msk $0xffff, v1  }
0x4a5: {  	v3 =	vmin.f32 v3, $1.023000000e+03;
	[tilespmem:v4+s23+$0x0] =	vst.idx.add.f32.msk vm13, v1  }
0x4a6: {  	v3 =	vtrunc.f32 v3;
	v34 =	vmin.f32 v8, $1.023000000e+03;
	v8 =	vld [tilespmem:$0x1F930]  }
0x4a7: {  	v3 =	vcvt.f32.s32 v3;
	_ =	sdelay $0x1  }
0x4a8: {  	vm12 =	veq.s32 v44, $0x8;
	v3 =	vadd.s32 $0x2000, v3  }
0x4a9: {  	v20 =	vpop (erf)  }
0x4aa: {  	v21 =	vpop (erf);
	v36 =	vmin.f32 v8, $1.023000000e+03;
	v8 =	vld [tilespmem:$0x1F940]  }
0x4ab: {  	v19 =	vpop (erf)  }
0x4ac: {  	v51 =	vpop (erf)  }
0x4ad: {  	v37 =	vadd.f32 v21, v20;
	v38 =	vadd.f32 v51, v19;
	[tilespmem:v3+s22+$0x0] =	vst.idx.add.f32.msk $0xffff, v1  }
0x4ae: {  	v14 =	vmin.f32 v49, $1.023000000e+03;
	[tilespmem:v3+s23+$0x0] =	vst.idx.add.f32.msk vm12, v1  }
0x4af: {  	v48 =	vadd.f32 v38, v37;
	v14 =	vtrunc.f32 v14;
	v37 =	vmin.f32 v8, $1.023000000e+03;
	v8 =	vld [tilespmem:$0x1F950]  }
0x4b0: {  	v14 =	vcvt.f32.s32 v14;
	_ =	sdelay $0x1  }
0x4b1: {  	vm11 =	veq.s32 v44, $0x9;
	v14 =	vadd.s32 $0x2400, v14;
	_ =	sdelay $0x1  }
0x4b2: {  	v38 =	vmin.f32 v8, $1.023000000e+03;
	v8 =	vld [tilespmem:$0x1F960];
	_ =	sdelay $0x2  }
0x4b3: {  	[tilespmem:v14+s22+$0x0] =	vst.idx.add.f32.msk $0xffff, v1  }
0x4b4: {  	v25 =	vmin.f32 v59, $1.023000000e+03;
	[tilespmem:v14+s23+$0x0] =	vst.idx.add.f32.msk vm11, v1  }
0x4b5: {  	v25 =	vtrunc.f32 v25;
	v39 =	vmin.f32 v8, $1.023000000e+03;
	v8 =	vld [tilespmem:$0x1F970]  }
0x4b6: {  	v24 =	vmin.f32 v24, $1.023000000e+03;
	v23 =	vmin.f32 v23, $1.023000000e+03;
	v25 =	vcvt.f32.s32 v25  }
0x4b7: {  	v24 =	vtrunc.f32 v24;
	vm10 =	veq.s32 v44, $0xA;
	vm9 =	veq.s32 v44, $0xB  }
0x4b8: {  	vm8 =	veq.s32 v44, $0xC;
	vm6 =	veq.s32 v44, $0xD;
	v4 =	vadd.s32 $0x2800, v25  }
0x4b9: {  	vm4 =	veq.s32 v44, $0xF;
	vm5 =	veq.s32 v44, $0xE;
	vm3 =	veq.s32 v44, $0x10  }
0x4ba: {  	vm2 =	veq.s32 v44, $0x11;
	vm1 =	veq.s32 v44, $0x12;
	v44 =	vmin.f32 v8, $1.023000000e+03;
	v8 =	vld [tilespmem:$0x1F980]  }
0x4bb: {  	v23 =	vtrunc.f32 v23;
	v24 =	vcvt.f32.s32 v24  }
0x4bc: {  	v23 =	vcvt.f32.s32 v23  }
0x4bd: {  	v3 =	vadd.s32 $0x2C00, v24;
	v24 =	vmin.f32 v47, $1.023000000e+03;
	[tilespmem:v4+s22+$0x0] =	vst.idx.add.f32.msk $0xffff, v1  }
0x4be: {  	v24 =	vtrunc.f32 v24;
	v14 =	vadd.s32 $0x3000, v23;
	[tilespmem:v4+s23+$0x0] =	vst.idx.add.f32.msk vm10, v1  }
0x4bf: {  	v23 =	vcvt.f32.s32 v24;
	v24 =	vmin.f32 v46, $1.023000000e+03;
	v46 =	vmin.f32 v8, $1.023000000e+03;
	v8 =	vld [tilespmem:$0x1F9A0];
	_ =	sdelay $0x3  }
0x4c0: {  	v24 =	vtrunc.f32 v24;
	v4 =	vld [tilespmem:$0x1F990]  }
0x4c1: {  	v23 =	vadd.s32 $0x3400, v23;
	v24 =	vcvt.f32.s32 v24;
	v47 =	vmin.f32 v8, $1.023000000e+03;
	v8 =	vld [tilespmem:$0x1F9B0]  }
0x4c2: {  	v25 =	vmin.f32 v43, $1.023000000e+03;
	[tilespmem:v3+s22+$0x0] =	vst.idx.add.f32.msk $0xffff, v1  }
0x4c3: {  	v24 =	vadd.s32 $0x3800, v24;
	[tilespmem:v3+s23+$0x0] =	vst.idx.add.f32.msk vm9, v1;
	v3 =	vtrunc.f32 v25;
	v25 =	vmin.f32 v42, $1.023000000e+03  }
0x4c4: {  	v3 =	vcvt.f32.s32 v3;
	[tilespmem:v14+s22+$0x0] =	vst.idx.add.f32.msk $0xffff, v1;
	v25 =	vtrunc.f32 v25  }
0x4c5: {  	v26 =	vmin.f32 v41, $1.023000000e+03;
	[tilespmem:v14+s23+$0x0] =	vst.idx.add.f32.msk vm8, v1;
	v14 =	vcvt.f32.s32 v25  }
0x4c6: {  	v25 =	vtrunc.f32 v26;
	v26 =	vmin.f32 v40, $1.023000000e+03;
	v3 =	vadd.s32 $0x3C00, v3;
	[tilespmem:v23+s22+$0x0] =	vst.idx.add.f32.msk $0xffff, v1  }
0x4c7: {  	v55 =	vcvt.f32.s32 v25;
	v25 =	vtrunc.f32 v26;
	[tilespmem:v23+s23+$0x0] =	vst.idx.add.f32.msk vm6, v1  }
0x4c8: {  	v23 =	vcvt.f32.s32 v25;
	v25 =	vmin.f32 v45, $1.023000000e+03;
	v14 =	vadd.s32 $0x4000, v14;
	[tilespmem:v24+s22+$0x0] =	vst.idx.add.f32.msk $0xffff, v1  }
0x4c9: {  	v49 =	vmin.f32 v8, $1.023000000e+03;
	v25 =	vtrunc.f32 v25;
	[tilespmem:v24+s23+$0x0] =	vst.idx.add.f32.msk vm5, v1  }
0x4ca: {  	v26 =	vcvt.f32.s32 v25;
	v25 =	vadd.f32 v6, v27;
	v6 =	vadd.s32 $0x4400, v55;
	v8 =	vld [tilespmem:$0x1F9C0]  }
0x4cb: {  	[tilespmem:v3+s22+$0x0] =	vst.idx.add.f32.msk $0xffff, v1  }
0x4cc: {  	[tilespmem:v3+s23+$0x0] =	vst.idx.add.f32.msk vm4, v1;
	v3 =	vadd.s32 $0x4800, v23  }
0x4cd: {  	[tilespmem:v14+s22+$0x0] =	vst.idx.add.f32.msk $0xffff, v1  }
0x4ce: {  	v59 =	vadd.s32 $0x4C00, v26;
	[tilespmem:v14+s23+$0x0] =	vst.idx.add.f32.msk vm3, v1  }
0x4cf: {  	[tilespmem:v6+s22+$0x0] =	vst.idx.add.f32.msk $0xffff, v1  }
0x4d0: {  	[tilespmem:v6+s23+$0x0] =	vst.idx.add.f32.msk vm2, v1  }
0x4d1: {  	[tilespmem:v3+s22+$0x0] =	vst.idx.add.f32.msk $0xffff, v1  }
0x4d2: {  	[tilespmem:v3+s23+$0x0] =	vst.idx.add.f32.msk vm1, v1  }
0x4d3: {  	[tilespmem:v59+s22+$0x0] =	vst.idx.add.f32.msk $0xffff, v1  }
0x4d4: {  	v60 =	vmin.f32 v8, $1.023000000e+03;
	v8 =	vld [tilespmem:$0x1F9D0];
	_ =	sdelay $0x2  }
0x4d5: {  	v5 =	vmin.f32 v5, $1.023000000e+03  }
0x4d6: {  	v5 =	vtrunc.f32 v5  }
0x4d7: {  	v5 =	vcvt.f32.s32 v5;
	vm0 =	vnez.u8 v8;
	_ =	sdelay $0x1  }
0x4d8: {  	v35 =	vtrunc.f32 v29;
	v29 =	vadd.s32 $0x5000, v5;
	_ =	sdelay $0x2  }
0x4d9: {  	v0 =	vmin.f32 v0, $1.023000000e+03  }
0x4da: {  	v2 =	vmin.f32 v2, $1.023000000e+03;
	v9 =	vtrunc.f32 v9;
	v56 =	vtrunc.f32 v0;
	[tilespmem:v59+s23+$0x0] =	vst.idx.add.f32.msk vm0, v1  }
0x4db: {  	v52 =	vtrunc.f32 v2;
	v41 =	vtrunc.f32 v7;
	[tilespmem:v29+s22+$0x0] =	vst.idx.add.f32.msk $0xffff, v1  }
0x4dc: {  	v33 =	vtrunc.f32 v31;
	v31 =	vcvt.f32.s32 v56;
	v8 =	vld [tilespmem:$0x1F9E0]  }
0x4dd: {  	v2 =	vtrunc.f32 v36;
	v7 =	vtrunc.f32 v39;
	v4 =	vmin.f32 v4, $1.023000000e+03  }
0x4de: {  	s30 =	simm.s32 $0xC400;
	v0 =	vtrunc.f32 v44;
	v5 =	vtrunc.f32 v4  }
0x4df: {  	v4 =	vtrunc.f32 v47;
	v40 =	vtrunc.f32 v18;
	v24 =	vld [tilespmem:s30+$0x0]  }
0x4e0: {  	v18 =	vtrunc.f32 v38;
	v55 =	vtrunc.f32 v28  }
0x4e1: {  	v26 =	vtrunc.f32 v30;
	v30 =	vcvt.f32.s32 v9;
	vm7 =	vnez.u8 v8  }
0x4e2: {  	v28 =	vtrunc.f32 v32;
	v32 =	vcvt.f32.s32 v41  }
0x4e3: {  	v23 =	vtrunc.f32 v34;
	v34 =	vcvt.f32.s32 v40;
	v50 =	vadd.s32 $0x400, v30  }
0x4e4: {  	v30 =	vcvt.f32.s32 v52;
	vm6 =	veq.s32 v24, $0x0;
	vm5 =	veq.s32 v24, $0x1  }
0x4e5: {  	v14 =	vtrunc.f32 v37;
	vm4 =	veq.s32 v24, $0x2;
	vm3 =	veq.s32 v24, $0x3  }
0x4e6: {  	v6 =	vtrunc.f32 v46;
	vm2 =	veq.s32 v24, $0x4;
	v3 =	vtrunc.f32 v49  }
0x4e7: {  	s1 =	simm.s32 $0x40;
	s31 =	simm.s32 $0x2;
	s0 =	simm.s32 $0x200;
	vm1 =	veq.s32 v24, $0x5;
	vm0 =	veq.s32 v24, $0x6;
	v59 =	vpop (erf);
	[tilespmem:v29+s23+$0x0] =	vst.idx.add.f32.msk vm7, v1;
	v29 =	vcvt.f32.s32 v55  }
.LBB2_7:
0x4e8: {  	v49 =	vadd.f32 v48, v59;
	_ =	sdelay $0x1  }
0x4e9: {  	v52 =	vcvt.f32.s32 v23;
	v23 =	vadd.f32 v25, v49;
	_ =	sdelay $0x1  }
0x4ea: {  	(erf) = vrcp.f32 v23;
	_ =	sdelay $0x1  }
0x4eb: {  	v0 =	vcvt.f32.s32 v0  }
0x4ec: {  	v25 =	vcvt.f32.s32 v6  }
0x4ed: {  	v5 =	vcvt.f32.s32 v5;
	v0 =	vadd.s32 $0x4000, v0  }
0x4ee: {  	v26 =	vcvt.f32.s32 v26;
	v33 =	vcvt.f32.s32 v33;
	[tilespmem:$0x1F460] =	vst v0;
	v0 =	vadd.s32 $0x4400, v25  }
0x4ef: {  	v36 =	vcvt.f32.s32 v28;
	v37 =	vcvt.f32.s32 v2;
	[tilespmem:$0x1F480] =	vst v0;
	v0 =	vadd.s32 $0x4800, v5  }
0x4f0: {  	s12 =	sand.u32 $0x60, s1;
	s2 =	sand.u32 $0x1C00, s0;
	v14 =	vcvt.f32.s32 v14;
	v18 =	vcvt.f32.s32 v18  }
0x4f1: {  	v7 =	vcvt.f32.s32 v7;
	vm7 =	veq.s32 v24, $0x7;
	vm8 =	veq.s32 v24, $0x8;
	s4 =	sor.u32 $0xA000, s2;
	s18 =	sor.u32 $0x10, s12  }
0x4f2: {  	vm9 =	veq.s32 v24, $0x9;
	vm10 =	veq.s32 v24, $0xA;
	vm12 =	veq.s32 v24, $0xF;
	s5 =	sor.u32 $0xA080, s2;
	s7 =	sor.u32 s12, s4;
	s4 =	sor.u32 s18, s4;
	[tilespmem:$0x1F4B0] =	vst v0;
	v0 =	vpop (erf)  }
0x4f3: {  	s6 =	sor.u32 $0xA100, s2;
	v56 =	vadd.s32 $0x1000, v31;
	s13 =	sor.u32 s18, s5;
	v2 =	vld [tilespmem:s4+$0x0];
	v48 =	vmul.f32 $1.024000000e+03, v0;
	v0 =	vimm.s32 $0x0  }
0x4f4: {  	s14 =	sor.u32 $0xA180, s2;
	s15 =	sor.u32 s18, s6;
	v41 =	vadd.s32 $0x1C00, v26;
	v26 =	vcvt.f32.s32 v3;
	v28 =	vld [tilespmem:s13+$0x0];
	v0 =	vsel vm12, $0xFFFFFFFF, v0  }
0x4f5: {  	s16 =	sor.u32 $0x6000, s2;
	s17 =	sor.u32 s18, s14;
	v42 =	vld [tilespmem:s15+$0x0];
	v49 =	vadd.s32 $0x1800, v29;
	vm12 =	veq.s32 v24, $0x10;
	[tilespmem:$0x1F450] =	vst v0;
	v0 =	vimm.s32 $0x0  }
0x4f6: {  	s19 =	sor.u32 s18, s16;
	v44 =	vld [tilespmem:s17+$0x0];
	v29 =	vcvt.f32.s32 v4;
	v4 =	vtrunc.f32 v60;
	v0 =	vsel vm12, $0xFFFFFFFF, v0  }
0x4f7: {  	v45 =	vld [tilespmem:s19+$0x0];
	v8 =	vadd.s32 $0x5000, v26;
	vm12 =	veq.s32 v24, $0x11;
	[tilespmem:$0x1F470] =	vst v0;
	v0 =	vimm.s32 $0x0  }
0x4f8: {  	v6 =	vld [tilespmem:s19+$0x80];
	v23 =	vcvt.f32.s32 v4;
	v4 =	vadd.s32 $0x3400, v14;
	[tilespmem:$0x1F520] =	vst v8;
	v0 =	vsel vm12, $0xFFFFFFFF, v0  }
0x4f9: {  	v47 =	vld [tilespmem:s19+$0x100];
	v8 =	vimm.s32 $0x0;
	vm12 =	veq.s32 v24, $0x12;
	[tilespmem:$0x1F490] =	vst v0;
	v0 =	vimm.s32 $0x0  }
0x4fa: {  	s20 =	sor.u32 $0x8000, s2;
	v3 =	vld [tilespmem:s19+$0x180];
	[tilespmem:$0x1F420] =	vst v4;
	v4 =	vadd.s32 $0x3800, v18;
	v0 =	vsel vm12, $0xFFFFFFFF, v0;
	vm12 =	veq.s32 v24, $0x13  }
0x4fb: {  	v31 =	vadd.s32 $0x2400, v33;
	v33 =	vld [tilespmem:s19+$0x380];
	s4 =	sor.u32 s18, s20;
	[tilespmem:$0x1F430] =	vst v4;
	v4 =	vadd.s32 $0x3C00, v7;
	v8 =	vsel vm12, $0xFFFFFFFF, v8  }
0x4fc: {  	s26 =	sor.u32 $0x8080, s2;
	s10 =	sor.u32 $0x8100, s2;
	v26 =	vld [tilespmem:s4+$0x0];
	v17 =	vmul.f32 v48, v17;
	vm12 =	veq.s32 v24, $0x14;
	[tilespmem:$0x1F510] =	vst v8;
	v8 =	vimm.s32 $0x0  }
0x4fd: {  	vm11 =	veq.s32 v24, $0xB;
	s25 =	sor.u32 s12, s6;
	s11 =	sor.u32 s12, s14;
	s14 =	sor.u32 s12, s20;
	v5 =	vld [tilespmem:s19+$0x280];
	[tilespmem:$0x1F440] =	vst v4;
	v18 =	vmul.f32 v48, v62;
	v8 =	vsel vm12, $0xFFFFFFFF, v8  }
0x4fe: {  	vm15 =	veq.s32 v24, $0xC;
	s13 =	sor.u32 s12, s16;
	s15 =	sor.u32 s12, s26;
	s17 =	sor.u32 s18, s26;
	v7 =	vld [tilespmem:s19+$0x300];
	v15 =	vmul.f32 v48, v15;
	[tilespmem:$0x1F530] =	vst v8;
	v8 =	vmin.f32 v17, $1.023000000e+03  }
0x4ff: {  	vm14 =	veq.s32 v24, $0xD;
	s16 =	sor.u32 s12, s10;
	s20 =	sor.u32 s18, s10;
	v4 =	vld [tilespmem:s19+$0x200];
	s19 =	sor.u32 $0x8180, s2;
	v13 =	vmul.f32 v48, v13;
	[tilespmem:$0x1F540] =	vst v8;
	v8 =	vmin.f32 v18, $1.023000000e+03  }
0x500: {  	v55 =	vadd.s32 $0x800, v34;
	v34 =	vcvt.f32.s32 v35;
	s26 =	sor.u32 $0x8200, s2;
	s10 =	sor.u32 $0x8280, s2;
	v35 =	vld [tilespmem:s17+$0x0];
	s6 =	sor.u32 s18, s19;
	[tilespmem:$0x1F550] =	vst v8;
	v8 =	vmin.f32 v15, $1.023000000e+03  }
0x501: {  	vm13 =	veq.s32 v24, $0xE;
	v46 =	vadd.s32 $0xC00, v32;
	s17 =	sor.u32 s12, s19;
	s19 =	sor.u32 s12, s26;
	s26 =	sor.u32 s18, s26;
	v14 =	vld [tilespmem:s6+$0x0];
	[tilespmem:$0x1F560] =	vst v8;
	v8 =	vmin.f32 v13, $1.023000000e+03  }
0x502: {  	v27 =	vadd.s32 $0x1400, v30;
	s9 =	sor.u32 s12, s5;
	s5 =	sor.u32 $0x8300, s2;
	v43 =	vld [tilespmem:s26+$0x0];
	s6 =	sor.u32 s18, s10;
	v22 =	vmul.f32 v48, v22;
	[tilespmem:$0x1F570] =	vst v8;
	v8 =	vmul.f32 v48, v53  }
0x503: {  	v39 =	vadd.s32 $0x2C00, v52;
	v40 =	vadd.s32 $0x2000, v34;
	v9 =	vadd.s32 $0x4C00, v29;
	s26 =	sor.u32 s12, s5;
	v29 =	vld [tilespmem:s6+$0x0];
	[tilespmem:$0x1F4D0] =	vst v0  }
0x504: {  	v34 =	vadd.s32 $0x2800, v36;
	s5 =	sor.u32 s18, s5;
	v52 =	vmul.f32 v48, v57;
	v0 =	vld [tilespmem:s20+$0x0];
	s20 =	sor.u32 s12, s10;
	s10 =	sor.u32 $0x8380, s2;
	[tilespmem:$0x1F3E0] =	vst v8;
	v8 =	vmin.f32 v22, $1.023000000e+03  }
0x505: {  	v60 =	vadd.s32 $0x3000, v37;
	v30 =	vld [tilespmem:s5+$0x0];
	v37 =	vmul.f32 v48, v12;
	s6 =	sor.u32 s18, s10;
	[tilespmem:$0x1F580] =	vst v8;
	v8 =	vmul.f32 v48, v61  }
0x506: {  	v36 =	vmax.f32 v7, v33;
	v38 =	vmul.f32 v48, v16;
	v62 =	vmul.f32 v48, v10;
	v32 =	vld [tilespmem:s6+$0x0]  }
0x507: {  	v25 =	vld [tilespmem:s13+$0x0];
	v12 =	vmax.f32 v45, v6;
	v16 =	vmax.f32 v47, v3;
	s4 =	sor.u32 s12, s10;
	s10 =	sor.u32 $0xA200, s2;
	[tilespmem:$0x1F3F0] =	vst v8;
	v8 =	vmul.f32 v48, v63  }
0x508: {  	v10 =	vmax.f32 v2, v28;
	v57 =	vmax.f32 v26, v35;
	v12 =	vmax.f32 v12, v16;
	s5 =	sor.u32 s18, s10;
	v17 =	vld [tilespmem:s13+$0x80]  }
0x509: {  	v24 =	vmul.f32 v48, v11;
	v11 =	vmax.f32 v42, v44;
	v63 =	vld [tilespmem:s5+$0x0];
	[tilespmem:$0x1F400] =	vst v8;
	v8 =	vmul.f32 v48, v58  }
0x50a: {  	v10 =	vmax.f32 v10, v11;
	v18 =	vmul.f32 v48, v54;
	v54 =	vld [tilespmem:s13+$0x100];
	v22 =	vmax.f32 v4, v5  }
0x50b: {  	v15 =	vld [tilespmem:s13+$0x180];
	v61 =	vmax.f32 v43, v29;
	v58 =	vmax.f32 v0, v14;
	[tilespmem:$0x1F410] =	vst v8;
	v8 =	vmax.f32 v30, v32  }
0x50c: {  	v53 =	vld [tilespmem:s13+$0x200];
	v16 =	vmax.f32 v22, v36;
	v22 =	vmax.f32 v57, v58;
	v8 =	vmax.f32 v61, v8  }
0x50d: {  	v11 =	vmax.f32 v12, v16;
	v16 =	vmul.f32 v48, v20;
	v20 =	vld [tilespmem:s16+$0x0];
	v8 =	vmax.f32 v22, v8  }
0x50e: {  	v24 =	vmin.f32 v24, $1.023000000e+03;
	v57 =	vld [tilespmem:s13+$0x280];
	v10 =	vmax.f32 v10, v63;
	v8 =	vmax.f32 v11, v8  }
0x50f: {  	v13 =	vmul.f32 v48, v59;
	v58 =	vld [tilespmem:s13+$0x300];
	v36 =	vmax.f32 v8, v10;
	v8 =	vmul.f32 v48, v21  }
0x510: {  	[tilespmem:$0x1F500] =	vst v9;
	v18 =	vmin.f32 v18, $1.023000000e+03;
	v12 =	vmax.f32 v25, v17;
	v61 =	vld [tilespmem:s13+$0x380];
	v10 =	vsub.f32 v2, v36  }
0x511: {  	v22 =	vld [tilespmem:s14+$0x0];
	v2 =	vmul.f32 v48, v19;
	v11 =	vsub.f32 v42, v36;
	[tilespmem:$0x1F4A0] =	vst v8;
	v8 =	vmax.f32 v54, v15  }
0x512: {  	[tilespmem:$0x1F4F0] =	vst v13;
	v21 =	vld [tilespmem:s17+$0x0];
	v13 =	vsub.f32 v45, v36;
	v9 =	vmax.f32 v12, v8;
	v8 =	vsub.f32 v28, v36  }
0x513: {  	v19 =	vld [tilespmem:s15+$0x0];
	v6 =	vsub.f32 v6, v36;
	v10 =	vmul.f32 $1.442695020e+00, v10;
	v12 =	vsub.f32 v44, v36  }
0x514: {  	v42 =	vld [tilespmem:s19+$0x0];
	v3 =	vsub.f32 v3, v36;
	v11 =	vmul.f32 $1.442695020e+00, v11;
	v8 =	vmul.f32 $1.442695020e+00, v8  }
0x515: {  	v45 =	vld [tilespmem:s26+$0x0];
	v4 =	vsub.f32 v4, v36;
	(erf) = vpow2.f32 v10;
	v10 =	vmul.f32 $1.442695020e+00, v12  }
0x516: {  	v44 =	vld [tilespmem:s20+$0x0];
	v12 =	vmul.f32 $1.442695020e+00, v13;
	v13 =	vsub.f32 v47, v36;
	(erf) = vpow2.f32 v8  }
0x517: {  	v5 =	vsub.f32 v5, v36;
	v6 =	vmul.f32 $1.442695020e+00, v6;
	v8 =	vld [tilespmem:s4+$0x0];
	(erf) = vpow2.f32 v11  }
0x518: {  	v0 =	vsub.f32 v0, v36;
	v28 =	vmul.f32 $1.442695020e+00, v13;
	v13 =	vld [tilespmem:s9+$0x0];
	(erf) = vpow2.f32 v10  }
0x519: {  	v43 =	vsub.f32 v43, v36;
	[tilespmem:$0x1F4C0] =	vst v2;
	v2 =	vmul.f32 v48, v51;
	v11 =	vld [tilespmem:s25+$0x0];
	(erf) = vpow2.f32 v12  }
0x51a: {  	[tilespmem:$0x1F5B0] =	vst v24;
	v59 =	vsub.f32 v30, v36;
	v3 =	vmul.f32 $1.442695020e+00, v3;
	v10 =	vld [tilespmem:s7+$0x0];
	(erf) = vpow2.f32 v6  }
0x51b: {  	s2 =	sor.u32 s12, s10;
	[tilespmem:$0x1F5A0] =	vst v18;
	v4 =	vmul.f32 $1.442695020e+00, v4;
	v12 =	vld [tilespmem:s11+$0x0];
	v6 =	vsub.f32 v7, v36;
	(erf) = vpow2.f32 v28  }
0x51c: {  	v5 =	vmul.f32 $1.442695020e+00, v5;
	[tilespmem:$0x1F4E0] =	vst v2;
	v7 =	vld [tilespmem:s2+$0x0];
	v28 =	vsub.f32 v33, v36;
	(erf) = vpow2.f32 v3  }
0x51d: {  	[tilespmem:v23+s22+$0x0] =	vst.idx.add.f32.msk $0xffff, v1;
	v3 =	vmul.f32 $1.442695020e+00, v6;
	v6 =	vsub.f32 v26, v36;
	(erf) = vpow2.f32 v4  }
0x51e: {  	v47 =	vsub.f32 v35, v36;
	[tilespmem:v23+s23+$0x0] =	vst.idx.add.f32.msk vm6, v1;
	v4 =	vmul.f32 $1.442695020e+00, v28;
	v35 =	vpop (erf);
	(erf) = vpow2.f32 v5  }
0x51f: {  	v30 =	vmax.f32 v58, v61;
	[tilespmem:v50+s22+$0x0] =	vst.idx.add.f32.msk $0xffff, v1;
	v5 =	vmul.f32 $1.442695020e+00, v6;
	(erf) = vpow2.f32 v3;
	v33 =	vpop (erf)  }
0x520: {  	v23 =	vsub.f32 v14, v36;
	[tilespmem:v50+s23+$0x0] =	vst.idx.add.f32.msk vm5, v1;
	v6 =	vmul.f32 $1.442695020e+00, v47;
	(erf) = vpow2.f32 v4;
	v26 =	vpop (erf)  }
0x521: {  	v51 =	vmul.f32 $1.442695020e+00, v0;
	v2 =	vmax.f32 v53, v57;
	[tilespmem:v55+s22+$0x0] =	vst.idx.add.f32.msk $0xffff, v1;
	(erf) = vpow2.f32 v5;
	v28 =	vpop (erf)  }
0x522: {  	v14 =	vsub.f32 v29, v36;
	[tilespmem:v55+s23+$0x0] =	vst.idx.add.f32.msk vm4, v1;
	v5 =	vmul.f32 $1.442695020e+00, v23;
	v3 =	vpop (erf);
	(erf) = vpow2.f32 v6  }
0x523: {  	v2 =	vmax.f32 v2, v30;
	[tilespmem:v46+s22+$0x0] =	vst.idx.add.f32.msk $0xffff, v1;
	v23 =	vmul.f32 $1.442695020e+00, v43;
	v0 =	vpop (erf);
	(erf) = vpow2.f32 v51  }
0x524: {  	v29 =	vsub.f32 v32, v36;
	v14 =	vmul.f32 $1.442695020e+00, v14;
	[tilespmem:v46+s23+$0x0] =	vst.idx.add.f32.msk vm3, v1;
	v4 =	vpop (erf);
	(erf) = vpow2.f32 v5  }
0x525: {  	v2 =	vmax.f32 v9, v2;
	v50 =	vmul.f32 $1.442695020e+00, v59;
	[tilespmem:v56+s22+$0x0] =	vst.idx.add.f32.msk $0xffff, v1;
	v6 =	vpop (erf);
	(erf) = vpow2.f32 v23  }
0x526: {  	v29 =	vmul.f32 $1.442695020e+00, v29;
	[tilespmem:v56+s23+$0x0] =	vst.idx.add.f32.msk vm2, v1;
	v23 =	vmax.f32 v22, v19;
	v5 =	vpop (erf);
	(erf) = vpow2.f32 v14  }
0x527: {  	v9 =	vsub.f32 v63, v36;
	v55 =	vmax.f32 v45, v8;
	[tilespmem:v27+s22+$0x0] =	vst.idx.add.f32.msk $0xffff, v1;
	v47 =	vpop (erf);
	(erf) = vpow2.f32 v50  }
0x528: {  	v56 =	vmax.f32 v11, v12;
	[tilespmem:v27+s23+$0x0] =	vst.idx.add.f32.msk vm1, v1;
	v14 =	vmax.f32 v20, v21;
	v43 =	vpop (erf);
	(erf) = vpow2.f32 v29  }
0x529: {  	v51 =	vmax.f32 v42, v44;
	[tilespmem:v49+s22+$0x0] =	vst.idx.add.f32.msk $0xffff, v1;
	v14 =	vmax.f32 v23, v14;
	v23 =	vpop (erf)  }
0x52a: {  	v30 =	vmax.f32 v51, v55;
	v27 =	vmin.f32 v52, $1.023000000e+03;
	[tilespmem:v49+s23+$0x0] =	vst.idx.add.f32.msk vm0, v1;
	v29 =	vmax.f32 v10, v13;
	v63 =	vpop (erf)  }
0x52b: {  	[tilespmem:$0x1F590] =	vst v27;
	v27 =	vmin.f32 v37, $1.023000000e+03;
	v30 =	vmax.f32 v14, v30;
	v14 =	vld [tilespmem:$0x1F760];
	v29 =	vmax.f32 v29, v56;
	v56 =	vpop (erf)  }
0x52c: {  	v9 =	vmul.f32 $1.442695020e+00, v9;
	v18 =	vadd.f32 v6, v4;
	[tilespmem:$0x1F5C0] =	vst v27;
	v55 =	vpop (erf)  }
0x52d: {  	[tilespmem:v41+s22+$0x0] =	vst.idx.add.f32.msk $0xffff, v1;
	v24 =	vadd.f32 v47, v5;
	v2 =	vmax.f32 v2, v30;
	v51 =	vpop (erf)  }
0x52e: {  	v30 =	vadd.f32 v28, v26;
	[tilespmem:v41+s23+$0x0] =	vst.idx.add.f32.msk vm7, v1;
	v29 =	vmax.f32 v29, v7;
	v52 =	vpop (erf);
	(erf) = vpow2.f32 v9  }
0x52f: {  	v41 =	vmin.f32 v38, $1.023000000e+03;
	v59 =	vadd.f32 v23, v43;
	[tilespmem:v40+s22+$0x0] =	vst.idx.add.f32.msk $0xffff, v1;
	v2 =	vmax.f32 v2, v29;
	v49 =	vpop (erf)  }
0x530: {  	[tilespmem:$0x1F5D0] =	vst v41;
	v29 =	vadd.f32 v33, v35;
	v27 =	vadd.f32 v56, v63;
	v14 =	vmul.f32 v48, v14;
	v48 =	vpop (erf)  }
0x531: {  	[tilespmem:v40+s23+$0x0] =	vst.idx.add.f32.msk vm8, v1;
	v9 =	vadd.f32 v0, v3;
	v36 =	vadd.f32 v51, v55;
	v46 =	vpop (erf)  }
0x532: {  	[tilespmem:v31+s22+$0x0] =	vst.idx.add.f32.msk $0xffff, v1;
	v38 =	vadd.f32 v49, v52;
	v50 =	vadd.f32 v46, v48  }
0x533: {  	v24 =	vadd.f32 v59, v24;
	[tilespmem:v31+s23+$0x0] =	vst.idx.add.f32.msk vm9, v1;
	v9 =	vadd.f32 v18, v9  }
0x534: {  	[tilespmem:v34+s22+$0x0] =	vst.idx.add.f32.msk $0xffff, v1;
	v27 =	vadd.f32 v36, v27;
	v41 =	vadd.f32 v50, v38  }
0x535: {  	v29 =	vadd.f32 v30, v29;
	[tilespmem:v34+s23+$0x0] =	vst.idx.add.f32.msk vm10, v1  }
0x536: {  	[tilespmem:v39+s22+$0x0] =	vst.idx.add.f32.msk $0xffff, v1;
	v9 =	vadd.f32 v24, v9;
	v24 =	vadd.f32 v41, v27  }
0x537: {  	[tilespmem:v39+s23+$0x0] =	vst.idx.add.f32.msk vm11, v1;
	v40 =	vpop (erf)  }
0x538: {  	[tilespmem:v60+s22+$0x0] =	vst.idx.add.f32.msk $0xffff, v1;
	v29 =	vadd.f32 v29, v40;
	v9 =	vadd.f32 v24, v9  }
0x539: {  	[tilespmem:v60+s23+$0x0] =	vst.idx.add.f32.msk vm15, v1  }
0x53a: {  	v60 =	vld [tilespmem:$0x1F420];
	v9 =	vadd.f32 v9, v29;
	_ =	sdelay $0x1  }
0x53b: {  	(erf) = vrcp.f32 v9;
	v9 =	vsub.f32 v20, v2;
	v20 =	vld [tilespmem:$0x1F430];
	_ =	sdelay $0x2  }
0x53c: {  	v22 =	vsub.f32 v22, v2  }
0x53d: {  	v30 =	vsub.f32 v54, v2  }
0x53e: {  	v54 =	vsub.f32 v61, v2;
	v61 =	vsub.f32 v21, v2;
	v21 =	vmul.f32 $1.442695020e+00, v22;
	v22 =	vld [tilespmem:$0x1F450]  }
0x53f: {  	[tilespmem:v60+s22+$0x0] =	vst.idx.add.f32.msk $0xffff, v1  }
0x540: {  	[tilespmem:v60+s23+$0x0] =	vst.idx.add.f32.msk vm14, v1  }
0x541: {  	[tilespmem:v20+s22+$0x0] =	vst.idx.add.f32.msk $0xffff, v1  }
0x542: {  	[tilespmem:v20+s23+$0x0] =	vst.idx.add.f32.msk vm13, v1  }
0x543: {  	v20 =	vld [tilespmem:$0x1F440];
	_ =	sdelay $0x2  }
0x544: {  	vm0 =	vnez.u8 v22  }
0x545: {  	v17 =	vsub.f32 v17, v2;
	v22 =	vld [tilespmem:$0x1F470];
	v29 =	vsub.f32 v58, v2  }
0x546: {  	v62 =	vmin.f32 v62, $1.023000000e+03;
	v15 =	vsub.f32 v15, v2;
	v19 =	vsub.f32 v19, v2  }
0x547: {  	v58 =	vmul.f32 $1.442695020e+00, v29;
	v29 =	vsub.f32 v45, v2;
	v45 =	vmul.f32 $1.442695020e+00, v9;
	v9 =	vld [tilespmem:$0x1F460]  }
0x548: {  	[tilespmem:$0x1F5E0] =	vst v62;
	v62 =	vsub.f32 v44, v2;
	v8 =	vsub.f32 v8, v2;
	v27 =	vld [tilespmem:$0x1F410]  }
0x549: {  	v10 =	vsub.f32 v10, v2;
	v13 =	vsub.f32 v13, v2;
	[tilespmem:v20+s22+$0x0] =	vst.idx.add.f32.msk $0xffff, v1  }
0x54a: {  	v11 =	vsub.f32 v11, v2;
	v34 =	vmin.f32 v16, $1.023000000e+03;
	[tilespmem:v20+s23+$0x0] =	vst.idx.add.f32.msk vm0, v1;
	vm0 =	vnez.u8 v22  }
0x54b: {  	v16 =	vmul.f32 $1.442695020e+00, v17;
	v24 =	vmul.f32 $1.442695020e+00, v30;
	v30 =	vsub.f32 v57, v2  }
0x54c: {  	v17 =	vsub.f32 v53, v2;
	v53 =	vmul.f32 $1.442695020e+00, v54;
	v50 =	vsub.f32 v25, v2  }
0x54d: {  	v54 =	vsub.f32 v12, v2;
	v57 =	vmul.f32 $1.442695020e+00, v30;
	v30 =	vsub.f32 v42, v2  }
0x54e: {  	v31 =	vmin.f32 v27, $1.023000000e+03;
	v27 =	vmul.f32 $1.442695020e+00, v50;
	v50 =	vsub.f32 v7, v2;
	v2 =	vld [tilespmem:$0x1F490]  }
0x54f: {  	[tilespmem:v9+s22+$0x0] =	vst.idx.add.f32.msk $0xffff, v1  }
0x550: {  	[tilespmem:v9+s23+$0x0] =	vst.idx.add.f32.msk vm0, v1  }
0x551: {  	v9 =	vld [tilespmem:$0x1F480];
	_ =	sdelay $0x2  }
0x552: {  	vm0 =	vnez.u8 v2;
	_ =	sdelay $0x4  }
0x553: {  	[tilespmem:v9+s22+$0x0] =	vst.idx.add.f32.msk $0xffff, v1  }
0x554: {  	v2 =	vpop (erf);
	[tilespmem:v9+s23+$0x0] =	vst.idx.add.f32.msk vm0, v1  }
0x555: {  	v9 =	vmul.f32 $1.024000000e+03, v2;
	v2 =	vld [tilespmem:$0x1F4C0];
	_ =	sdelay $0x1  }
0x556: {  	v7 =	vld [tilespmem:$0x1F4A0];
	_ =	sdelay $0x2  }
0x557: {  	v41 =	vmul.f32 $1.442695020e+00, v30;
	v30 =	vmin.f32 v2, $1.023000000e+03;
	v2 =	vld [tilespmem:$0x1F4D0];
	_ =	sdelay $0x1  }
0x558: {  	v39 =	vmul.f32 $1.442695020e+00, v29;
	v29 =	vmin.f32 v7, $1.023000000e+03;
	v7 =	vld [tilespmem:$0x1F4B0];
	_ =	sdelay $0x2  }
0x559: {  	vm0 =	vnez.u8 v2;
	_ =	sdelay $0x4  }
0x55a: {  	[tilespmem:v7+s22+$0x0] =	vst.idx.add.f32.msk $0xffff, v1  }
0x55b: {  	[tilespmem:v7+s23+$0x0] =	vst.idx.add.f32.msk vm0, v1  }
0x55c: {  	v7 =	vld [tilespmem:$0x1F4E0];
	_ =	sdelay $0x4  }
0x55d: {  	v36 =	vmin.f32 v7, $1.023000000e+03;
	v7 =	vld [tilespmem:$0x1F4F0];
	_ =	sdelay $0x4  }
0x55e: {  	v32 =	vmin.f32 v7, $1.023000000e+03;
	v7 =	vmul.f32 v9, v0;
	v0 =	vld [tilespmem:$0x1F510];
	_ =	sdelay $0x1  }
0x55f: {  	v37 =	vmul.f32 $1.442695020e+00, v8;
	v8 =	vld [tilespmem:$0x1F500];
	_ =	sdelay $0x2  }
0x560: {  	vm0 =	vnez.u8 v0;
	_ =	sdelay $0x3  }
0x561: {  	v38 =	vmul.f32 $1.442695020e+00, v10;
	v10 =	vld [tilespmem:$0x1F530]  }
0x562: {  	[tilespmem:v8+s22+$0x0] =	vst.idx.add.f32.msk $0xffff, v1  }
0x563: {  	[tilespmem:v8+s23+$0x0] =	vst.idx.add.f32.msk vm0, v1  }
0x564: {  	s26 =	sand.u32 $0x380, s1;
	v8 =	vld [tilespmem:$0x1F520]  }
0x565: {  	s2 =	sor.u32 s18, s26  }
0x566: {  	v3 =	vmul.f32 v9, v3;
	v2 =	vld [tilespmem:s2+$0xC400]  }
0x567: {  	vm0 =	vnez.u8 v10  }
0x568: {  	v4 =	vmul.f32 v9, v4;
	v6 =	vmul.f32 v9, v6;
	v3 =	vmin.f32 v3, $1.023000000e+03  }
0x569: {  	v5 =	vmul.f32 v9, v5;
	v3 =	vtrunc.f32 v3;
	v7 =	vmin.f32 v7, $1.023000000e+03  }
0x56a: {  	v4 =	vmin.f32 v4, $1.023000000e+03;
	v3 =	vcvt.f32.s32 v3;
	v7 =	vtrunc.f32 v7  }
0x56b: {  	v6 =	vmin.f32 v6, $1.023000000e+03;
	vm2 =	veq.s32 v2, $0x0;
	v7 =	vcvt.f32.s32 v7  }
0x56c: {  	v5 =	vmin.f32 v5, $1.023000000e+03;
	v4 =	vtrunc.f32 v4;
	v6 =	vtrunc.f32 v6;
	[tilespmem:v8+s22+$0x0] =	vst.idx.add.f32.msk $0xffff, v1  }
0x56d: {  	v4 =	vcvt.f32.s32 v4;
	v7 =	vadd.s32 $0x400, v7;
	[tilespmem:v8+s23+$0x0] =	vst.idx.add.f32.msk vm0, v1;
	vm0 =	veq.s32 v2, $0x1  }
0x56e: {  	v5 =	vtrunc.f32 v5;
	v6 =	vcvt.f32.s32 v6  }
0x56f: {  	v4 =	vadd.s32 $0x800, v4;
	vm1 =	veq.s32 v2, $0x2;
	v8 =	vmul.f32 v9, v47  }
0x570: {  	v15 =	vmul.f32 $1.442695020e+00, v15;
	v5 =	vcvt.f32.s32 v5;
	[tilespmem:v3+s22+$0x0] =	vst.idx.add.f32.msk $0xffff, v1;
	vm3 =	veq.s32 v2, $0x3  }
0x571: {  	[tilespmem:v3+s23+$0x0] =	vst.idx.add.f32.msk vm2, v1;
	v3 =	vadd.s32 $0xC00, v6;
	v10 =	vmul.f32 v9, v43;
	v6 =	vmin.f32 v8, $1.023000000e+03  }
0x572: {  	v5 =	vadd.s32 $0x1000, v5;
	vm2 =	veq.s32 v2, $0x4;
	[tilespmem:v7+s22+$0x0] =	vst.idx.add.f32.msk $0xffff, v1;
	v6 =	vtrunc.f32 v6  }
0x573: {  	v8 =	vmul.f32 v9, v23;
	v6 =	vcvt.f32.s32 v6;
	[tilespmem:v7+s23+$0x0] =	vst.idx.add.f32.msk vm0, v1;
	v7 =	vmin.f32 v10, $1.023000000e+03  }
0x574: {  	vm0 =	veq.s32 v2, $0x5;
	v10 =	vmul.f32 v9, v63;
	[tilespmem:v4+s22+$0x0] =	vst.idx.add.f32.msk $0xffff, v1;
	v7 =	vtrunc.f32 v7  }
0x575: {  	[tilespmem:v4+s23+$0x0] =	vst.idx.add.f32.msk vm1, v1;
	v4 =	vadd.s32 $0x1400, v6;
	v6 =	vcvt.f32.s32 v7;
	v7 =	vmin.f32 v8, $1.023000000e+03  }
0x576: {  	vm1 =	veq.s32 v2, $0x6;
	v8 =	vmul.f32 v9, v56;
	[tilespmem:v3+s22+$0x0] =	vst.idx.add.f32.msk $0xffff, v1;
	v7 =	vtrunc.f32 v7  }
0x577: {  	[tilespmem:v3+s23+$0x0] =	vst.idx.add.f32.msk vm3, v1;
	v3 =	vadd.s32 $0x1800, v6;
	v6 =	vcvt.f32.s32 v7;
	v7 =	vmin.f32 v10, $1.023000000e+03  }
0x578: {  	vm3 =	veq.s32 v2, $0x7;
	v10 =	vmul.f32 v9, v55;
	[tilespmem:v5+s22+$0x0] =	vst.idx.add.f32.msk $0xffff, v1;
	v7 =	vtrunc.f32 v7  }
0x579: {  	[tilespmem:v5+s23+$0x0] =	vst.idx.add.f32.msk vm2, v1;
	v5 =	vadd.s32 $0x1C00, v6;
	v6 =	vcvt.f32.s32 v7;
	v7 =	vmin.f32 v8, $1.023000000e+03  }
0x57a: {  	vm2 =	veq.s32 v2, $0x8;
	v8 =	vmul.f32 v9, v51;
	[tilespmem:v4+s22+$0x0] =	vst.idx.add.f32.msk $0xffff, v1;
	v7 =	vtrunc.f32 v7  }
0x57b: {  	[tilespmem:v4+s23+$0x0] =	vst.idx.add.f32.msk vm0, v1;
	v4 =	vadd.s32 $0x2000, v6;
	v6 =	vcvt.f32.s32 v7;
	v7 =	vmin.f32 v10, $1.023000000e+03  }
0x57c: {  	vm0 =	veq.s32 v2, $0x9;
	v10 =	vmul.f32 v9, v52;
	[tilespmem:v3+s22+$0x0] =	vst.idx.add.f32.msk $0xffff, v1;
	v7 =	vtrunc.f32 v7  }
0x57d: {  	[tilespmem:v3+s23+$0x0] =	vst.idx.add.f32.msk vm1, v1;
	v3 =	vadd.s32 $0x2400, v6;
	v6 =	vcvt.f32.s32 v7;
	v7 =	vmin.f32 v8, $1.023000000e+03  }
0x57e: {  	vm1 =	veq.s32 v2, $0xA;
	v8 =	vmul.f32 v9, v49;
	[tilespmem:v5+s22+$0x0] =	vst.idx.add.f32.msk $0xffff, v1;
	v7 =	vtrunc.f32 v7  }
0x57f: {  	[tilespmem:v5+s23+$0x0] =	vst.idx.add.f32.msk vm3, v1;
	v5 =	vadd.s32 $0x2800, v6;
	v6 =	vcvt.f32.s32 v7;
	v7 =	vmin.f32 v10, $1.023000000e+03  }
0x580: {  	vm3 =	veq.s32 v2, $0xB;
	v10 =	vmul.f32 v9, v48;
	[tilespmem:v4+s22+$0x0] =	vst.idx.add.f32.msk $0xffff, v1;
	v7 =	vtrunc.f32 v7  }
0x581: {  	[tilespmem:v4+s23+$0x0] =	vst.idx.add.f32.msk vm2, v1;
	v4 =	vadd.s32 $0x2C00, v6;
	v6 =	vcvt.f32.s32 v7;
	v7 =	vmin.f32 v8, $1.023000000e+03  }
0x582: {  	vm2 =	veq.s32 v2, $0xC;
	v8 =	vmul.f32 v9, v46;
	[tilespmem:v3+s22+$0x0] =	vst.idx.add.f32.msk $0xffff, v1;
	v7 =	vtrunc.f32 v7  }
0x583: {  	[tilespmem:v3+s23+$0x0] =	vst.idx.add.f32.msk vm0, v1;
	v3 =	vadd.s32 $0x3000, v6;
	v6 =	vcvt.f32.s32 v7;
	v7 =	vmin.f32 v10, $1.023000000e+03  }
0x584: {  	vm0 =	veq.s32 v2, $0xD;
	v10 =	vmul.f32 v9, v35;
	[tilespmem:v5+s22+$0x0] =	vst.idx.add.f32.msk $0xffff, v1;
	v7 =	vtrunc.f32 v7  }
0x585: {  	[tilespmem:v5+s23+$0x0] =	vst.idx.add.f32.msk vm1, v1;
	v5 =	vadd.s32 $0x3400, v6;
	v6 =	vcvt.f32.s32 v7;
	v7 =	vmin.f32 v8, $1.023000000e+03  }
0x586: {  	vm1 =	veq.s32 v2, $0xE;
	v8 =	vmul.f32 v9, v33;
	[tilespmem:v4+s22+$0x0] =	vst.idx.add.f32.msk $0xffff, v1;
	v7 =	vtrunc.f32 v7  }
0x587: {  	[tilespmem:v4+s23+$0x0] =	vst.idx.add.f32.msk vm3, v1;
	v4 =	vadd.s32 $0x3800, v6;
	v6 =	vcvt.f32.s32 v7;
	v7 =	vmin.f32 v10, $1.023000000e+03  }
0x588: {  	vm3 =	veq.s32 v2, $0xF;
	v10 =	vmul.f32 v9, v26;
	[tilespmem:v3+s22+$0x0] =	vst.idx.add.f32.msk $0xffff, v1;
	v7 =	vtrunc.f32 v7  }
0x589: {  	[tilespmem:v3+s23+$0x0] =	vst.idx.add.f32.msk vm2, v1;
	v3 =	vadd.s32 $0x3C00, v6;
	v6 =	vcvt.f32.s32 v7;
	v7 =	vmin.f32 v8, $1.023000000e+03  }
0x58a: {  	(erf) = vpow2.f32 v27;
	vm2 =	veq.s32 v2, $0x10;
	[tilespmem:v5+s22+$0x0] =	vst.idx.add.f32.msk $0xffff, v1;
	v7 =	vtrunc.f32 v7  }
0x58b: {  	[tilespmem:v5+s23+$0x0] =	vst.idx.add.f32.msk vm0, v1;
	v5 =	vadd.s32 $0x4000, v6;
	v6 =	vcvt.f32.s32 v7;
	v7 =	vmin.f32 v10, $1.023000000e+03  }
0x58c: {  	(erf) = vpow2.f32 v16;
	[tilespmem:v4+s22+$0x0] =	vst.idx.add.f32.msk $0xffff, v1;
	v7 =	vtrunc.f32 v7  }
0x58d: {  	vm4 =	veq.s32 v2, $0x11;
	[tilespmem:v4+s23+$0x0] =	vst.idx.add.f32.msk vm1, v1;
	v4 =	vadd.s32 $0x4400, v6;
	v6 =	vcvt.f32.s32 v7  }
0x58e: {  	v17 =	vmul.f32 $1.442695020e+00, v17;
	(erf) = vpow2.f32 v24;
	[tilespmem:v3+s22+$0x0] =	vst.idx.add.f32.msk $0xffff, v1  }
0x58f: {  	(erf) = vpow2.f32 v15;
	vm0 =	veq.s32 v2, $0x12;
	[tilespmem:v3+s23+$0x0] =	vst.idx.add.f32.msk vm3, v1;
	v3 =	vadd.s32 $0x4800, v6  }
0x590: {  	(erf) = vpow2.f32 v17;
	[tilespmem:v5+s22+$0x0] =	vst.idx.add.f32.msk $0xffff, v1  }
0x591: {  	(erf) = vpow2.f32 v57;
	[tilespmem:v5+s23+$0x0] =	vst.idx.add.f32.msk vm2, v1  }
0x592: {  	(erf) = vpow2.f32 v58;
	v8 =	vmul.f32 v9, v28;
	[tilespmem:v4+s22+$0x0] =	vst.idx.add.f32.msk $0xffff, v1  }
0x593: {  	[tilespmem:v4+s23+$0x0] =	vst.idx.add.f32.msk vm4, v1  }
0x594: {  	v9 =	vmul.f32 v9, v40;
	v7 =	vmin.f32 v8, $1.023000000e+03;
	[tilespmem:v3+s22+$0x0] =	vst.idx.add.f32.msk $0xffff, v1  }
0x595: {  	v0 =	vmul.f32 $1.442695020e+00, v11;
	v11 =	vpop (erf);
	v7 =	vtrunc.f32 v7;
	[tilespmem:v3+s23+$0x0] =	vst.idx.add.f32.msk vm0, v1  }
0x596: {  	v17 =	vpop (erf);
	v6 =	vcvt.f32.s32 v7;
	v7 =	vmin.f32 v9, $1.023000000e+03;
	v3 =	vld [tilespmem:$0x1F540]  }
0x597: {  	v42 =	vmul.f32 $1.442695020e+00, v62;
	v62 =	vpop (erf);
	v7 =	vtrunc.f32 v7  }
0x598: {  	v15 =	vpop (erf);
	vm1 =	veq.s32 v2, $0x13;
	v5 =	vadd.s32 $0x4C00, v6;
	v6 =	vcvt.f32.s32 v7  }
0x599: {  	v44 =	vmul.f32 $1.442695020e+00, v13;
	v13 =	vpop (erf);
	v8 =	vadd.f32 v17, v11;
	v9 =	vadd.f32 v15, v62  }
0x59a: {  	v22 =	vpop (erf);
	vm2 =	veq.s32 v2, $0x14;
	v2 =	vadd.s32 $0x5000, v6  }
0x59b: {  	v57 =	vpop (erf);
	(erf) = vpow2.f32 v53;
	v8 =	vadd.f32 v9, v8;
	v9 =	vtrunc.f32 v3;
	v3 =	vld [tilespmem:$0x1F550];
	_ =	sdelay $0x1  }
0x59c: {  	v20 =	vmul.f32 $1.442695020e+00, v19;
	[tilespmem:v5+s22+$0x0] =	vst.idx.add.f32.msk $0xffff, v1  }
0x59d: {  	(erf) = vpow2.f32 v21;
	[tilespmem:v5+s23+$0x0] =	vst.idx.add.f32.msk vm1, v1  }
0x59e: {  	v19 =	vmul.f32 $1.442695020e+00, v61;
	(erf) = vpow2.f32 v20;
	[tilespmem:v2+s22+$0x0] =	vst.idx.add.f32.msk $0xffff, v1  }
0x59f: {  	(erf) = vpow2.f32 v45;
	v40 =	vtrunc.f32 v3;
	v3 =	vld [tilespmem:$0x1F560]  }
0x5a0: {  	(erf) = vpow2.f32 v19;
	[tilespmem:v2+s23+$0x0] =	vst.idx.add.f32.msk vm2, v1  }
0x5a1: {  	(erf) = vpow2.f32 v41;
	v2 =	vld [tilespmem:$0x1F580]  }
0x5a2: {  	v18 =	vld [tilespmem:$0x1F3E0];
	(erf) = vpow2.f32 v42  }
0x5a3: {  	v7 =	vmul.f32 $1.442695020e+00, v54;
	v54 =	vpop (erf);
	(erf) = vpow2.f32 v39  }
0x5a4: {  	v6 =	vadd.f32 v22, v13;
	v39 =	vtrunc.f32 v3;
	v3 =	vadd.f32 v54, v57;
	_ =	sdelay $0x1  }
0x5a5: {  	v25 =	vld [tilespmem:$0x1F400];
	v45 =	vtrunc.f32 v2;
	v2 =	vadd.f32 v3, v6  }
0x5a6: {  	v59 =	vmin.f32 v18, $1.023000000e+03;
	v18 =	vld [tilespmem:$0x1F3F0]  }
0x5a7: {  	v8 =	vadd.f32 v2, v8;
	v2 =	vld [tilespmem:$0x1F5B0]  }
0x5a8: {  	(erf) = vpow2.f32 v37  }
0x5a9: {  	s30 =	sadd.s32 $0x20, s30;
	[tilespmem:$0x1F760] =	vst v11;
	v11 =	vpop (erf);
	(erf) = vpow2.f32 v38  }
0x5aa: {  	v24 =	vld [tilespmem:s30+$0x0];
	(erf) = vpow2.f32 v44  }
0x5ab: {  	v12 =	vpop (erf);
	(erf) = vpow2.f32 v0;
	v0 =	vld [tilespmem:$0x1F5A0]  }
0x5ac: {  	v25 =	vmin.f32 v25, $1.023000000e+03;
	v18 =	vmin.f32 v18, $1.023000000e+03;
	v35 =	vtrunc.f32 v2;
	v2 =	vld [tilespmem:$0x1F5C0]  }
0x5ad: {  	v60 =	vmin.f32 v14, $1.023000000e+03;
	v14 =	vtrunc.f32 v18;
	v18 =	vtrunc.f32 v25;
	v16 =	vpop (erf);
	v3 =	vld [tilespmem:$0x1F590]  }
0x5ae: {  	v4 =	vmul.f32 $1.442695020e+00, v50;
	v10 =	vpop (erf);
	(erf) = vpow2.f32 v7  }
0x5af: {  	vm6 =	veq.s32 v24, $0x0;
	vm5 =	veq.s32 v24, $0x1;
	vm3 =	veq.s32 v24, $0x3;
	v53 =	vpop (erf);
	v5 =	vld [tilespmem:$0x1F570]  }
0x5b0: {  	vm4 =	veq.s32 v24, $0x2;
	v7 =	vtrunc.f32 v31;
	(erf) = vpow2.f32 v4;
	v61 =	vpop (erf)  }
0x5b1: {  	v19 =	vadd.f32 v61, v53;
	v26 =	vtrunc.f32 v0;
	v33 =	vtrunc.f32 v2;
	v2 =	vld [tilespmem:$0x1F5D0]  }
0x5b2: {  	v0 =	vadd.f32 v12, v11;
	v63 =	vpop (erf);
	v46 =	vtrunc.f32 v3;
	v3 =	vadd.f32 v10, v16  }
0x5b3: {  	vm0 =	veq.s32 v24, $0x6;
	v4 =	vtrunc.f32 v36;
	v58 =	vpop (erf);
	v9 =	vcvt.f32.s32 v9  }
0x5b4: {  	v37 =	vtrunc.f32 v5;
	v20 =	vpop (erf);
	v47 =	vadd.f32 v3, v0;
	v3 =	vadd.f32 v58, v63  }
0x5b5: {  	s31 =	sadd.s32 $0x2, s31;
	vm1 =	veq.s32 v24, $0x5;
	v5 =	vtrunc.f32 v30;
	v21 =	vpop (erf);
	v31 =	vcvt.f32.s32 v37  }
0x5b6: {  	p0 =	slt.u32 s31, $0x3E;
	v6 =	vtrunc.f32 v29;
	v29 =	vadd.f32 v3, v19;
	v19 =	vpop (erf);
	v28 =	vtrunc.f32 v2;
	v2 =	vld [tilespmem:$0x1F5E0]  }
.Ltmp2:
0x5b7: {  	v25 =	vadd.f32 v21, v20;
	v30 =	vcvt.f32.s32 v45;
	v0 =	vtrunc.f32 v34;
	v51 =	vpop (erf);
	(pc) =	sbr.rel @p0 .LBB2_7-.Ltmp2, $4  }
0x5b8: {  	v34 =	vcvt.f32.s32 v40;
	v55 =	vadd.f32 v51, v19;
	v29 =	vadd.f32 v29, v47  }
0x5b9: {  	vm2 =	veq.s32 v24, $0x4;
	v3 =	vtrunc.f32 v32;
	v32 =	vcvt.f32.s32 v39  }
0x5ba: {  	v48 =	vadd.f32 v55, v25;
	v25 =	vadd.f32 v29, v8;
	v29 =	vcvt.f32.s32 v46  }
0x5bb: {  	s0 =	sadd.s32 $0x100, s0;
	s1 =	sadd.s32 $0x20, s1;
	v50 =	vadd.s32 $0x400, v9;
	v23 =	vtrunc.f32 v2;
	v2 =	vtrunc.f32 v59;
	v59 =	vpop (erf)  }
0x5bc: {  	v8 =	vtrunc.f32 v60  }
0x5bd: {  	v8 =	vcvt.f32.s32 v8;
	_ =	sdelay $0x4  }
0x5be: {  	v9 =	vadd.s32 $0x800, v34  }
0x5bf: {  	[tilespmem:v8+s22+$0x0] =	vst.idx.add.f32.msk $0xffff, v1  }
0x5c0: {  	v47 =	vadd.s32 $0xC00, v32;
	[tilespmem:v8+s23+$0x0] =	vst.idx.add.f32.msk vm6, v1  }
0x5c1: {  	[tilespmem:v50+s22+$0x0] =	vst.idx.add.f32.msk $0xffff, v1  }
0x5c2: {  	v27 =	vadd.s32 $0x1000, v31;
	[tilespmem:v50+s23+$0x0] =	vst.idx.add.f32.msk vm5, v1  }
0x5c3: {  	[tilespmem:v9+s22+$0x0] =	vst.idx.add.f32.msk $0xffff, v1  }
0x5c4: {  	v49 =	vadd.s32 $0x1400, v30;
	[tilespmem:v9+s23+$0x0] =	vst.idx.add.f32.msk vm4, v1  }
0x5c5: {  	[tilespmem:v47+s22+$0x0] =	vst.idx.add.f32.msk $0xffff, v1  }
0x5c6: {  	v52 =	vadd.s32 $0x1800, v29;
	v50 =	vcvt.f32.s32 v26;
	[tilespmem:v47+s23+$0x0] =	vst.idx.add.f32.msk vm3, v1  }
0x5c7: {  	[tilespmem:v27+s22+$0x0] =	vst.idx.add.f32.msk $0xffff, v1  }
0x5c8: {  	v55 =	vcvt.f32.s32 v35;
	vm5 =	veq.s32 v24, $0x7;
	v8 =	vadd.s32 $0x1C00, v50;
	[tilespmem:v27+s23+$0x0] =	vst.idx.add.f32.msk vm2, v1  }
0x5c9: {  	[tilespmem:v49+s22+$0x0] =	vst.idx.add.f32.msk $0xffff, v1  }
0x5ca: {  	v56 =	vcvt.f32.s32 v33;
	v29 =	vadd.s32 $0x2000, v55;
	vm6 =	veq.s32 v24, $0x8;
	[tilespmem:v49+s23+$0x0] =	vst.idx.add.f32.msk vm1, v1  }
0x5cb: {  	[tilespmem:v52+s22+$0x0] =	vst.idx.add.f32.msk $0xffff, v1  }
0x5cc: {  	v60 =	vcvt.f32.s32 v28;
	vm7 =	veq.s32 v24, $0x9;
	v27 =	vadd.s32 $0x2400, v56;
	[tilespmem:v52+s23+$0x0] =	vst.idx.add.f32.msk vm0, v1  }
0x5cd: {  	[tilespmem:v8+s22+$0x0] =	vst.idx.add.f32.msk $0xffff, v1  }
0x5ce: {  	v23 =	vcvt.f32.s32 v23;
	vm8 =	veq.s32 v24, $0xA;
	v9 =	vadd.s32 $0x2800, v60;
	[tilespmem:v8+s23+$0x0] =	vst.idx.add.f32.msk vm5, v1  }
0x5cf: {  	[tilespmem:v29+s22+$0x0] =	vst.idx.add.f32.msk $0xffff, v1  }
0x5d0: {  	v2 =	vcvt.f32.s32 v2;
	vm9 =	veq.s32 v24, $0xB;
	v23 =	vadd.s32 $0x2C00, v23;
	[tilespmem:v29+s23+$0x0] =	vst.idx.add.f32.msk vm6, v1  }
0x5d1: {  	[tilespmem:v27+s22+$0x0] =	vst.idx.add.f32.msk $0xffff, v1  }
0x5d2: {  	v14 =	vcvt.f32.s32 v14;
	vm10 =	veq.s32 v24, $0xC;
	v2 =	vadd.s32 $0x3000, v2;
	[tilespmem:v27+s23+$0x0] =	vst.idx.add.f32.msk vm7, v1  }
0x5d3: {  	v18 =	vcvt.f32.s32 v18;
	[tilespmem:v9+s22+$0x0] =	vst.idx.add.f32.msk $0xffff, v1  }
0x5d4: {  	vm11 =	veq.s32 v24, $0xD;
	v28 =	vadd.s32 $0x3400, v14;
	v26 =	vadd.f32 v48, v59;
	[tilespmem:v9+s23+$0x0] =	vst.idx.add.f32.msk vm8, v1  }
0x5d5: {  	v7 =	vcvt.f32.s32 v7;
	[tilespmem:v23+s22+$0x0] =	vst.idx.add.f32.msk $0xffff, v1  }
0x5d6: {  	vm12 =	veq.s32 v24, $0xE;
	v8 =	vadd.f32 v25, v26;
	v29 =	vadd.s32 $0x3800, v18;
	[tilespmem:v23+s23+$0x0] =	vst.idx.add.f32.msk vm9, v1  }
0x5d7: {  	v0 =	vcvt.f32.s32 v0;
	[tilespmem:v2+s22+$0x0] =	vst.idx.add.f32.msk $0xffff, v1  }
0x5d8: {  	vm13 =	veq.s32 v24, $0xF;
	v7 =	vadd.s32 $0x3C00, v7;
	(erf) = vrcp.f32 v8;
	[tilespmem:v2+s23+$0x0] =	vst.idx.add.f32.msk vm10, v1  }
0x5d9: {  	[tilespmem:v28+s22+$0x0] =	vst.idx.add.f32.msk $0xffff, v1  }
0x5da: {  	v30 =	vadd.s32 $0x4000, v0;
	[tilespmem:v28+s23+$0x0] =	vst.idx.add.f32.msk vm11, v1  }
0x5db: {  	[tilespmem:v29+s22+$0x0] =	vst.idx.add.f32.msk $0xffff, v1  }
0x5dc: {  	[tilespmem:v29+s23+$0x0] =	vst.idx.add.f32.msk vm12, v1  }
0x5dd: {  	v0 =	vcvt.f32.s32 v6;
	[tilespmem:v7+s22+$0x0] =	vst.idx.add.f32.msk $0xffff, v1  }
0x5de: {  	v2 =	vcvt.f32.s32 v5;
	[tilespmem:v7+s23+$0x0] =	vst.idx.add.f32.msk vm13, v1  }
0x5df: {  	[tilespmem:v30+s22+$0x0] =	vst.idx.add.f32.msk $0xffff, v1  }
0x5e0: {  	vm14 =	veq.s32 v24, $0x10;
	v32 =	vadd.s32 $0x4800, v2;
	v2 =	vld [tilespmem:$0x1F760]  }
0x5e1: {  	v4 =	vcvt.f32.s32 v4;
	v31 =	vadd.s32 $0x4400, v0;
	v0 =	vpop (erf)  }
0x5e2: {  	vm15 =	veq.s32 v24, $0x11;
	v3 =	vcvt.f32.s32 v3;
	v0 =	vmul.f32 $1.024000000e+03, v0  }
0x5e3: {  	v4 =	vadd.s32 $0x4C00, v4  }
0x5e4: {  	s0 =	sadd.s32 $0x20, s30;
	v3 =	vadd.s32 $0x5000, v3;
	vm4 =	veq.s32 v24, $0x12;
	v34 =	vmul.f32 v0, v17  }
0x5e5: {  	vm5 =	veq.s32 v24, $0x13;
	v35 =	vmul.f32 v0, v62;
	v33 =	vmul.f32 v0, v2;
	v2 =	vld [tilespmem:s0+$0x0]  }
0x5e6: {  	vm6 =	veq.s32 v24, $0x14;
	v36 =	vmul.f32 v0, v15;
	v39 =	vmul.f32 v0, v13;
	[tilespmem:v30+s23+$0x0] =	vst.idx.add.f32.msk vm14, v1  }
0x5e7: {  	v42 =	vmul.f32 v0, v22;
	v43 =	vmul.f32 v0, v57;
	[tilespmem:v31+s22+$0x0] =	vst.idx.add.f32.msk $0xffff, v1;
	v7 =	vmin.f32 v33, $1.023000000e+03  }
0x5e8: {  	v44 =	vmul.f32 v0, v54;
	v37 =	vmin.f32 v34, $1.023000000e+03;
	[tilespmem:v31+s23+$0x0] =	vst.idx.add.f32.msk vm15, v1;
	v7 =	vtrunc.f32 v7  }
0x5e9: {  	v5 =	vtrunc.f32 v37;
	[tilespmem:v32+s22+$0x0] =	vst.idx.add.f32.msk $0xffff, v1;
	v7 =	vcvt.f32.s32 v7  }
0x5ea: {  	v38 =	vmin.f32 v35, $1.023000000e+03;
	v5 =	vcvt.f32.s32 v5;
	[tilespmem:v32+s23+$0x0] =	vst.idx.add.f32.msk vm4, v1;
	vm7 =	veq.s32 v2, $0x0  }
0x5eb: {  	v40 =	vmin.f32 v36, $1.023000000e+03;
	v6 =	vmin.f32 v39, $1.023000000e+03;
	v8 =	vtrunc.f32 v38;
	[tilespmem:v4+s22+$0x0] =	vst.idx.add.f32.msk $0xffff, v1  }
0x5ec: {  	v41 =	vcvt.f32.s32 v8;
	v5 =	vadd.s32 $0x400, v5;
	[tilespmem:v4+s23+$0x0] =	vst.idx.add.f32.msk vm5, v1;
	vm8 =	veq.s32 v2, $0x1  }
0x5ed: {  	v9 =	vtrunc.f32 v40;
	v6 =	vtrunc.f32 v6;
	[tilespmem:v3+s22+$0x0] =	vst.idx.add.f32.msk $0xffff, v1  }
0x5ee: {  	v4 =	vadd.s32 $0x800, v41;
	[tilespmem:v3+s23+$0x0] =	vst.idx.add.f32.msk vm6, v1;
	v3 =	vcvt.f32.s32 v9;
	vm9 =	veq.s32 v2, $0x2  }
0x5ef: {  	v46 =	vmul.f32 v0, v11;
	v8 =	vmin.f32 v42, $1.023000000e+03;
	v6 =	vcvt.f32.s32 v6;
	[tilespmem:v7+s22+$0x0] =	vst.idx.add.f32.msk $0xffff, v1  }
0x5f0: {  	v8 =	vtrunc.f32 v8;
	vm10 =	veq.s32 v2, $0x3;
	v3 =	vadd.s32 $0xC00, v3;
	[tilespmem:v7+s23+$0x0] =	vst.idx.add.f32.msk vm7, v1  }
0x5f1: {  	v48 =	vmul.f32 v0, v12;
	v45 =	vcvt.f32.s32 v8;
	[tilespmem:v5+s22+$0x0] =	vst.idx.add.f32.msk $0xffff, v1  }
0x5f2: {  	v6 =	vadd.s32 $0x1000, v6;
	v9 =	vmin.f32 v43, $1.023000000e+03;
	vm11 =	veq.s32 v2, $0x4;
	[tilespmem:v5+s23+$0x0] =	vst.idx.add.f32.msk vm8, v1  }
0x5f3: {  	v8 =	vmin.f32 v46, $1.023000000e+03;
	v9 =	vtrunc.f32 v9;
	vm12 =	veq.s32 v2, $0x5;
	[tilespmem:v4+s22+$0x0] =	vst.idx.add.f32.msk $0xffff, v1  }
0x5f4: {  	v47 =	vcvt.f32.s32 v9;
	v7 =	vmin.f32 v44, $1.023000000e+03;
	v5 =	vadd.s32 $0x1400, v45;
	[tilespmem:v4+s23+$0x0] =	vst.idx.add.f32.msk vm9, v1  }
0x5f5: {  	v8 =	vtrunc.f32 v8;
	v7 =	vtrunc.f32 v7;
	[tilespmem:v3+s22+$0x0] =	vst.idx.add.f32.msk $0xffff, v1  }
0x5f6: {  	vm13 =	veq.s32 v2, $0x6;
	v4 =	vadd.s32 $0x1800, v47;
	[tilespmem:v3+s23+$0x0] =	vst.idx.add.f32.msk vm10, v1;
	v3 =	vcvt.f32.s32 v7  }
0x5f7: {  	v49 =	vmul.f32 v0, v16;
	v8 =	vcvt.f32.s32 v8;
	[tilespmem:v6+s22+$0x0] =	vst.idx.add.f32.msk $0xffff, v1  }
0x5f8: {  	v9 =	vmin.f32 v48, $1.023000000e+03;
	vm14 =	veq.s32 v2, $0x7;
	v3 =	vadd.s32 $0x1C00, v3;
	[tilespmem:v6+s23+$0x0] =	vst.idx.add.f32.msk vm11, v1  }
0x5f9: {  	v50 =	vmul.f32 v0, v10;
	v8 =	vadd.s32 $0x2000, v8;
	v9 =	vtrunc.f32 v9;
	[tilespmem:v5+s22+$0x0] =	vst.idx.add.f32.msk $0xffff, v1  }
0x5fa: {  	vm15 =	veq.s32 v2, $0x8;
	v9 =	vcvt.f32.s32 v9;
	v7 =	vmin.f32 v49, $1.023000000e+03;
	[tilespmem:v5+s23+$0x0] =	vst.idx.add.f32.msk vm12, v1  }
0x5fb: {  	v52 =	vmul.f32 v0, v53;
	vm4 =	veq.s32 v2, $0x9;
	v7 =	vtrunc.f32 v7;
	[tilespmem:v4+s22+$0x0] =	vst.idx.add.f32.msk $0xffff, v1  }
0x5fc: {  	v9 =	vadd.s32 $0x2400, v9;
	v6 =	vmin.f32 v50, $1.023000000e+03;
	v7 =	vcvt.f32.s32 v7;
	[tilespmem:v4+s23+$0x0] =	vst.idx.add.f32.msk vm13, v1  }
0x5fd: {  	v53 =	vmul.f32 v0, v61;
	vm5 =	veq.s32 v2, $0xA;
	v6 =	vtrunc.f32 v6;
	[tilespmem:v3+s22+$0x0] =	vst.idx.add.f32.msk $0xffff, v1  }
0x5fe: {  	v5 =	vmin.f32 v52, $1.023000000e+03;
	v6 =	vcvt.f32.s32 v6;
	v7 =	vadd.s32 $0x2800, v7;
	[tilespmem:v3+s23+$0x0] =	vst.idx.add.f32.msk vm14, v1  }
0x5ff: {  	vm6 =	veq.s32 v2, $0xB;
	v5 =	vtrunc.f32 v5;
	v4 =	vmin.f32 v53, $1.023000000e+03;
	[tilespmem:v8+s22+$0x0] =	vst.idx.add.f32.msk $0xffff, v1  }
0x600: {  	v5 =	vcvt.f32.s32 v5;
	v6 =	vadd.s32 $0x2C00, v6;
	v3 =	vmul.f32 v0, v63;
	[tilespmem:v8+s23+$0x0] =	vst.idx.add.f32.msk vm15, v1  }
0x601: {  	v54 =	vmul.f32 v0, v58;
	vm7 =	veq.s32 v2, $0xC;
	v4 =	vtrunc.f32 v4;
	[tilespmem:v9+s22+$0x0] =	vst.idx.add.f32.msk $0xffff, v1  }
0x602: {  	v4 =	vcvt.f32.s32 v4;
	v5 =	vadd.s32 $0x3000, v5;
	v3 =	vmin.f32 v3, $1.023000000e+03;
	[tilespmem:v9+s23+$0x0] =	vst.idx.add.f32.msk vm4, v1  }
0x603: {  	v55 =	vmul.f32 v0, v20;
	vm8 =	veq.s32 v2, $0xD;
	v3 =	vtrunc.f32 v3;
	[tilespmem:v7+s22+$0x0] =	vst.idx.add.f32.msk $0xffff, v1  }
0x604: {  	v8 =	vmin.f32 v54, $1.023000000e+03;
	v4 =	vadd.s32 $0x3400, v4;
	v3 =	vcvt.f32.s32 v3;
	[tilespmem:v7+s23+$0x0] =	vst.idx.add.f32.msk vm5, v1  }
0x605: {  	v56 =	vmul.f32 v0, v21;
	vm9 =	veq.s32 v2, $0xE;
	v8 =	vtrunc.f32 v8;
	[tilespmem:v6+s22+$0x0] =	vst.idx.add.f32.msk $0xffff, v1  }
0x606: {  	v9 =	vmin.f32 v55, $1.023000000e+03;
	v8 =	vcvt.f32.s32 v8;
	v3 =	vadd.s32 $0x3800, v3;
	[tilespmem:v6+s23+$0x0] =	vst.idx.add.f32.msk vm6, v1  }
0x607: {  	v57 =	vmul.f32 v0, v19;
	vm10 =	veq.s32 v2, $0xF;
	v9 =	vtrunc.f32 v9;
	[tilespmem:v5+s22+$0x0] =	vst.idx.add.f32.msk $0xffff, v1  }
0x608: {  	v7 =	vmin.f32 v56, $1.023000000e+03;
	v9 =	vcvt.f32.s32 v9;
	v8 =	vadd.s32 $0x3C00, v8;
	[tilespmem:v5+s23+$0x0] =	vst.idx.add.f32.msk vm7, v1  }
0x609: {  	v58 =	vmul.f32 v0, v51;
	vm11 =	veq.s32 v2, $0x10;
	v7 =	vtrunc.f32 v7;
	[tilespmem:v4+s22+$0x0] =	vst.idx.add.f32.msk $0xffff, v1  }
0x60a: {  	v6 =	vmin.f32 v57, $1.023000000e+03;
	v7 =	vcvt.f32.s32 v7;
	v9 =	vadd.s32 $0x4000, v9;
	[tilespmem:v4+s23+$0x0] =	vst.idx.add.f32.msk vm8, v1  }
0x60b: {  	v60 =	vmin.f32 v58, $1.023000000e+03;
	vm12 =	veq.s32 v2, $0x11;
	v61 =	vtrunc.f32 v6;
	[tilespmem:v3+s22+$0x0] =	vst.idx.add.f32.msk $0xffff, v1  }
0x60c: {  	v0 =	vmul.f32 v0, v59;
	v5 =	vcvt.f32.s32 v61;
	v62 =	vadd.s32 $0x4400, v7;
	[tilespmem:v3+s23+$0x0] =	vst.idx.add.f32.msk vm9, v1  }
0x60d: {  	vm13 =	veq.s32 v2, $0x12;
	v3 =	vtrunc.f32 v60;
	[tilespmem:v8+s22+$0x0] =	vst.idx.add.f32.msk $0xffff, v1  }
0x60e: {  	v0 =	vmin.f32 v0, $1.023000000e+03;
	v63 =	vadd.s32 $0x4800, v5;
	v3 =	vcvt.f32.s32 v3;
	[tilespmem:v8+s23+$0x0] =	vst.idx.add.f32.msk vm10, v1  }
0x60f: {  	v0 =	vtrunc.f32 v0;
	[tilespmem:v9+s22+$0x0] =	vst.idx.add.f32.msk $0xffff, v1  }
0x610: {  	vm14 =	veq.s32 v2, $0x13;
	v0 =	vcvt.f32.s32 v0;
	v3 =	vadd.s32 $0x4C00, v3;
	[tilespmem:v9+s23+$0x0] =	vst.idx.add.f32.msk vm11, v1  }
0x611: {  	[tilespmem:v62+s22+$0x0] =	vst.idx.add.f32.msk $0xffff, v1  }
0x612: {  	s29 =	sadd.s32 $0x1, s29;
	vm15 =	veq.s32 v2, $0x14;
	v0 =	vadd.s32 $0x5000, v0;
	[tilespmem:v62+s23+$0x0] =	vst.idx.add.f32.msk vm12, v1  }
0x613: {  	p0 =	sne.s32 s29, $0x10;
	[tilespmem:v63+s22+$0x0] =	vst.idx.add.f32.msk $0xffff, v1  }
.Ltmp3:
0x614: {  	[tilespmem:v63+s23+$0x0] =	vst.idx.add.f32.msk vm13, v1;
	(pc) =	sbr.rel @p0 .LBB2_4-.Ltmp3, $4  }
0x615: {  	[tilespmem:v3+s22+$0x0] =	vst.idx.add.f32.msk $0xffff, v1  }
0x616: {  	[tilespmem:v3+s23+$0x0] =	vst.idx.add.f32.msk vm14, v1  }
0x617: {  	[tilespmem:v0+s22+$0x0] =	vst.idx.add.f32.msk $0xffff, v1  }
0x618: {  	[tilespmem:v0+s23+$0x0] =	vst.idx.add.f32.msk vm15, v1  }
0x619: {  	s0 =	rddreg [dreg:$0x9]  }
0x61a: {  	s1 =	simm.s32 $0x80;
	s2 =	simm.s32 $0x400;
	s4 =	simm.s32 $0x3  }
0x61b: {  	[hbm4b:s0+s1] =	stream.strided.scatter [tilespmem:s22], [sflag:$0x3], $0x5400, s2, s1, $0x38;
	[tilespmem:$0x17000] =	vst v63  }
0x61c: {  	_ =	swait.ge [sflag:s4], $0x5400  }
0x61d: {  	[sflag:s4] =	ssyncset.done $0x0  }
0x61e: {  	s30 =	rddreg [dreg:$0xa];
	[sflag:s4] =	ssyncadd.s32 $0xFFFFAC00  }
0x61f: {  	[hbm4b:s30+s1] =	stream.strided.scatter [tilespmem:s23], [sflag:$0x3], $0x5400, s2, s1, $0x38;
	[tilespmem:$0x17000] =	vst v63  }
0x620: {  	_ =	swait.ge [sflag:s4], $0x5400  }
0x621: {  	s10 =	rddreg [dreg:$0x2]  }
0x622: {  	s31 =	rddreg [dreg:$0xb];
	s10 =	sadd.s32 $0x1, s10  }
0x623: {  	p0 =	sne.s32 s10, s31  }
.Ltmp4:
0x624: {  	_ = 	snop;
	(pc) =	sbr.rel @p0 .LBB2_1-.Ltmp4, $3  }
0x625: {  	_ =	sdelay $0x1  }
0x626: {  	[sflag:s4] =	ssyncset.done $0x0  }
0x627: {  	s8 =	simm.s32 $0x80;
	v0 =	vimm.f32 $0.0e+00;
	[sflag:s4] =	ssyncadd.s32 $0xFFFFAC00  }
0x628: {  	_ =	sfence.sel $0x180000  }
0x629: {  	[bflag:$0x0] =	sbarrier.arrive $0xFFFF  }
0x62a: {  	_ =	strace $0x90000047  }
0x62b: {  	s0 =	stileid.u32;
	[bflag:$0x2] =	sbarrier.arrive $0xFFFF  }
0x62c: {  	p0 =	sne.s32 s0, $0x0;
	s0 =	rddreg [dreg:$0x1]  }
0x62d: {  	s0 =	sadd.s32 @!p0 $0x100000, s0  }
0x62e: {  	[sflag:s0] =	ssyncadd.tile.s32 @!p0 $0x1;
	_ =	shalt  }
.Lfunc_end2:
_tile_overlayer_lowered:
.L_overlay_start_2:
0x62f: {  	(tag) =	ssettag $0x2  }
0x630: {  	s0 =	rddreg [dreg:$0x0];
	s2 =	stileid.u32  }
0x631: {  	s1 =	rddreg [dreg:$0x1];
	p0 =	sne.s32 s2, $0x0  }
0x632: {  	s3 =	rddreg [dreg:$0x2];
	[bflag:$0x3] =	sbarrier.arrive $0xFFFF;
	s2 =	simm.s32 @!p0 $0x1C03  }
0x633: {  	[timem:s3], [sflag:s2] =	dma.local @!p0 [hbm:s0], s1  }
0x634: {  	s0 =	simm.s32 @!p0 $0x3  }
0x635: {  	_ =	swait.ge @!p0 [sflag:s0], s1  }
0x636: {  	s1 =	ssub.s32 @!p0 $0x0, s1;
	[sflag:s0] =	ssyncset.done @!p0 $0x0  }
0x637: {  	[sflag:s0] =	ssyncadd.s32 @!p0 s1  }
0x638: {  	[bflag:$0x3] =	sbarrier.arrive $0xFFFF  }
0x639: {  	_ =	shalt  }

</sc_bundles>
